<compile_context>
chip_gen: v7x
topology: tpu7x:2x2x1
jax: 0.10.2.dev20260603
libtpu: 0.0.44.dev20260713+nightly
codegen_flags: <defaults>
</compile_context>

<pallas_src>
import functools
import math

import jax
import jax.numpy as jnp
from jax import lax
from jax.experimental import pallas as pl
from jax.experimental.pallas import tpu as pltpu
from jax.experimental.pallas import tpu_sc as plsc


def _tc_kqv_kw_body(nt_ref, x_ref, wcat_ref, rcat_ref, kqv_ref, kw_ref, *, NT, HD):
    xw = jnp.dot(x_ref[...], wcat_ref[...], preferred_element_type=jnp.float32)
    nt = nt_ref[...]
    kqv = xw[:, 0:HD]
    for t in range(1, NT):
        kqv = jnp.where(nt == t, xw[:, t * HD:(t + 1) * HD], kqv)
    kqv_ref[...] = kqv
    kw_ref[...] = jnp.dot(kqv, rcat_ref[...], preferred_element_type=jnp.float32)


def _tc_out_body(nt_ref, a0_ref, a1_ref, den_ref, wa_ref, y_ref, *, NT, H, D, HD):
    num = a0_ref[...] + a1_ref[...]
    dpair = den_ref[...]
    den = dpair[0] + dpair[1]
    inv = jnp.where(den != 0.0, 1.0 / den, 0.0)
    parts = [num[:, h * D:(h + 1) * D] * inv[:, h:h + 1] for h in range(H)]
    hn = jnp.concatenate(parts, axis=1)
    yw = jnp.dot(hn, wa_ref[...], preferred_element_type=jnp.float32)
    nt = nt_ref[...]
    y = yw[:, 0:HD]
    for t in range(1, NT):
        y = jnp.where(nt == t, yw[:, t * HD:(t + 1) * HD], y)
    y_ref[...] = jnp.maximum(y, 0.0)


def _sc_edge_body(kw_hbm, kqv_hbm, src_hbm, dst_hbm, et_hbm, pri_hbm,
                  num_hbm, den_hbm,
                  shared, dtab, m_b, q_b, std_b, dstf, etf, gidxf,
                  gidx_c, dst_c, dgi_c, pri_b, sem_m, sem_q,
                  *, N, ET, H, D, HD, NC, NS, EW, EWP, C, G, NCH, DT_R):
    RPT = (N // NS) // 8 * 8
    TAIL = N - NS * RPT
    DROWS = DT_R // NS
    cc = lax.axis_index("c")
    ss = lax.axis_index("s")
    wid = ss * NC + cc
    iota = lax.iota(jnp.int32, 16)
    zero16 = jnp.zeros((16,), jnp.float32)
    izero16 = jnp.zeros((16,), jnp.int32)
    inv_sqrt_d = 1.0 / math.sqrt(D)

    pltpu.sync_copy(pri_hbm, pri_b.at[pl.ds(0, H * ET)])

    def _zm(r, _):
        for j in range(HD // 16):
            m_b[r, pl.ds(j * 16, 16)] = zero16
            std_b[r, pl.ds(j * 16, 16)] = zero16
        return 0
    lax.fori_loop(0, C, _zm, 0)

    row0 = ss * RPT
    for j in range(RPT // C):
        pltpu.sync_copy(m_b, shared.at[pl.ds(row0 + j * C, C)])
    if TAIL:
        @pl.when(ss == 0)
        def _():
            pltpu.sync_copy(m_b.at[pl.ds(0, TAIL)],
                            shared.at[pl.ds(NS * RPT, TAIL)])
    drow0 = ss * DROWS
    pltpu.sync_copy(m_b, dtab.at[pl.ds(drow0, C)])
    pltpu.sync_copy(m_b.at[pl.ds(0, DROWS - C)],
                    dtab.at[pl.ds(drow0 + C, DROWS - C)])

    zb = (EW // 16) * 16
    for j in range((EWP - zb) // 16):
        dstf[pl.ds(zb + j * 16, 16)] = izero16
        etf[pl.ds(zb + j * 16, 16)] = izero16
        gidxf[pl.ds(zb + j * 16, 16)] = izero16
    eb0 = wid * EW
    pltpu.sync_copy(dst_hbm.at[pl.ds(eb0, EW)], dstf.at[pl.ds(0, EW)])
    pltpu.sync_copy(et_hbm.at[pl.ds(eb0, EW)], etf.at[pl.ds(0, EW)])
    pltpu.sync_copy(src_hbm.at[pl.ds(eb0, EW)], gidxf.at[pl.ds(0, EW)])

    def _gi(g, _):
        l = g * 16
        gidxf[pl.ds(l, 16)] = gidxf[pl.ds(l, 16)] * ET + etf[pl.ds(l, 16)]
        return 0
    lax.fori_loop(0, EWP // 16, _gi, 0)
    plsc.subcore_barrier()

    def chunk(c, _):
        el = c * C
        for g in range(G):
            dv = dstf[pl.ds(el + g * 16, 16)]
            gidx_c[pl.ds(g * 16, 16)] = gidxf[pl.ds(el + g * 16, 16)]
            dst_c[pl.ds(g * 16, 16)] = dv
            dgi_c[pl.ds(g * 16, 16)] = lax.shift_right_logical(dv, 3)
        cp_m = pltpu.async_copy(kw_hbm.at[gidx_c], m_b, sem_m)
        cp_q = pltpu.async_copy(kqv_hbm.at[dst_c], q_b, sem_q)
        cp_m.wait()
        cp_q.wait()

        def grp(g, _):
            l = g * 16
            lrow = l + iota
            valid = (el + l + iota) < EW
            et_g = etf[pl.ds(el + l, 16)]
            dst_g = dstf[pl.ds(el + l, 16)]
            dcol = (dst_g & 7) * 16
            for h in range(H):
                mvs = []
                acc = zero16
                for d in range(D):
                    fv = jnp.full((16,), h * D + d, jnp.int32)
                    mv = plsc.load_gather(m_b, [lrow, fv])
                    qv = plsc.load_gather(q_b, [lrow, fv])
                    mvs.append(mv)
                    acc = acc + mv * qv
                pv = plsc.load_gather(pri_b, [et_g + h * ET])
                a = acc * inv_sqrt_d * pv
                a = jnp.minimum(jnp.maximum(a, -80.0), 80.0)
                ae = jnp.exp(a)
                for d in range(D):
                    fv = jnp.full((16,), h * D + d, jnp.int32)
                    plsc.store_scatter(m_b, [lrow, fv], mvs[d] * ae)
                plsc.store_scatter(std_b, [lrow, dcol + h], ae, mask=valid)
            return 0
        lax.fori_loop(0, G, grp, 0)

        if EW % C:
            @pl.when(c == NCH - 1)
            def _():
                def _zt(r, _):
                    for j in range(HD // 16):
                        m_b[r, pl.ds(j * 16, 16)] = zero16
                    return 0
                lax.fori_loop(EW - (NCH - 1) * C, C, _zt, 0)

        pltpu.sync_copy(m_b, shared.at[dst_c], add=True)
        pltpu.sync_copy(std_b, dtab.at[dgi_c], add=True)

        def grp2(g, _):
            l = g * 16
            lrow = l + iota
            dcol = (dstf[pl.ds(el + l, 16)] & 7) * 16
            for h in range(H):
                plsc.store_scatter(std_b, [lrow, dcol + h], zero16)
            return 0
        lax.fori_loop(0, G, grp2, 0)
        return 0

    lax.fori_loop(0, NCH, chunk, 0)
    plsc.subcore_barrier()

    pltpu.sync_copy(shared.at[pl.ds(row0, RPT)],
                    num_hbm.at[pl.ds(cc * N + row0, RPT)])
    if TAIL:
        @pl.when(ss == 0)
        def _():
            pltpu.sync_copy(shared.at[pl.ds(NS * RPT, TAIL)],
                            num_hbm.at[pl.ds(cc * N + NS * RPT, TAIL)])
    pltpu.sync_copy(dtab.at[pl.ds(drow0, DROWS)],
                    den_hbm.at[pl.ds(cc * DT_R + drow0, DROWS)])


def kernel(x, edge_index, ntype, etype, W_kqv, W_a, relation_pri, relation_att):
    N, IN = x.shape
    E = edge_index.shape[1]
    NT, _, HD = W_kqv.shape
    H, ET, D, _ = relation_att.shape

    wcat = jnp.transpose(W_kqv, (1, 0, 2)).reshape(IN, NT * HD)
    eye = jnp.eye(H, dtype=jnp.float32)
    tmp = relation_att[:, :, :, None, :] * eye[:, None, None, :, None]
    rcat = jnp.transpose(tmp, (0, 2, 1, 3, 4)).reshape(HD, ET * HD)
    wacat = jnp.transpose(W_a, (1, 0, 2)).reshape(HD, NT * HD)
    pri_flat = relation_pri.reshape(H * ET)
    nt2 = ntype.reshape(N, 1)
    src = edge_index[0]
    dst = edge_index[1]

    B = 1000
    kqv, kw = pl.pallas_call(
        functools.partial(_tc_kqv_kw_body, NT=NT, HD=HD),
        grid=(N // B,),
        in_specs=[
            pl.BlockSpec((B, 1), lambda i: (i, 0)),
            pl.BlockSpec((B, IN), lambda i: (i, 0)),
            pl.BlockSpec((IN, NT * HD), lambda i: (0, 0)),
            pl.BlockSpec((HD, ET * HD), lambda i: (0, 0)),
        ],
        out_specs=[
            pl.BlockSpec((B, HD), lambda i: (i, 0)),
            pl.BlockSpec((B, ET * HD), lambda i: (i, 0)),
        ],
        out_shape=[
            jax.ShapeDtypeStruct((N, HD), jnp.float32),
            jax.ShapeDtypeStruct((N, ET * HD), jnp.float32),
        ],
    )(nt2, x, wcat, rcat)
    kw_tab = kw.reshape(N * ET, HD)

    info = plsc.get_sparse_core_info()
    NC, NS = info.num_cores, info.num_subcores
    NW = NC * NS
    EW = E // NW
    C = 48
    G = C // 16
    NCH = (EW + C - 1) // C
    EWP = ((EW + 63) // 64) * 64
    DT_R = ((N // 8 + NS - 1) // NS + 1) // 2 * 2 * NS

    sc_fn = functools.partial(
        pl.kernel,
        mesh=plsc.VectorSubcoreMesh(core_axis_name="c", subcore_axis_name="s"),
        compiler_params=pltpu.CompilerParams(needs_layout_passes=False),
        out_type=(
            jax.ShapeDtypeStruct((2 * N, HD), jnp.float32),
            jax.ShapeDtypeStruct((2 * DT_R, HD), jnp.float32),
        ),
        scratch_types=[
            pltpu.VMEM_SHARED((N, HD), jnp.float32),
            pltpu.VMEM_SHARED((DT_R, HD), jnp.float32),
            pltpu.VMEM((C, HD), jnp.float32),
            pltpu.VMEM((C, HD), jnp.float32),
            pltpu.VMEM((C, HD), jnp.float32),
            pltpu.VMEM((EWP,), jnp.int32),
            pltpu.VMEM((EWP,), jnp.int32),
            pltpu.VMEM((EWP,), jnp.int32),
            pltpu.VMEM((C,), jnp.int32),
            pltpu.VMEM((C,), jnp.int32),
            pltpu.VMEM((C,), jnp.int32),
            pltpu.VMEM((H * ET + 16,), jnp.float32),
            pltpu.SemaphoreType.DMA,
            pltpu.SemaphoreType.DMA,
        ],
    )(functools.partial(_sc_edge_body, N=N, ET=ET, H=H, D=D, HD=HD,
                        NC=NC, NS=NS, EW=EW, EWP=EWP, C=C, G=G, NCH=NCH,
                        DT_R=DT_R))
    acc_num, acc_den = sc_fn(kw_tab, kqv, src, dst, etype, pri_flat)
    den3 = acc_den.reshape(2, DT_R, 8, 16)[:, :, :, :H]
    den3 = den3.reshape(2, DT_R * 8, H)[:, :N, :]

    y = pl.pallas_call(
        functools.partial(_tc_out_body, NT=NT, H=H, D=D, HD=HD),
        grid=(N // B,),
        in_specs=[
            pl.BlockSpec((B, 1), lambda i: (i, 0)),
            pl.BlockSpec((B, HD), lambda i: (i, 0)),
            pl.BlockSpec((B, HD), lambda i: (i + N // B, 0)),
            pl.BlockSpec((2, B, H), lambda i: (0, i, 0)),
            pl.BlockSpec((HD, NT * HD), lambda i: (0, 0)),
        ],
        out_specs=pl.BlockSpec((B, HD), lambda i: (i, 0)),
        out_shape=jax.ShapeDtypeStruct((N, HD), jnp.float32),
    )(nt2, acc_num, acc_num, den3, wacat)
    return y

# --- scband reference (transcript-rebuilt; emitter-appended) ---
"""Pipeline reference for scband-hgtconv-s-13975823582060 (READ-ONLY COPY).

The authoritative reference and input builder live on the scoring server;
editing this copy changes nothing except your own understanding.
"""

import jax, jax.numpy as jnp
import numpy as np

N = 10000
E = 160000
IN = 128
H = 4
D = 32
NT = 4
ET = 8


def setup_inputs(seed: int = 0) -> dict:
    key = jax.random.key(seed)
    ks = jax.random.split(key, 8)
    x = jax.random.normal(ks[0], (N, IN), dtype=jnp.float32)
    edge_index = jax.random.randint(ks[1], (2, E), 0, N, dtype=jnp.int32)
    ntype = jax.random.randint(ks[2], (N,), 0, NT, dtype=jnp.int32)
    etype = jax.random.randint(ks[3], (E,), 0, ET, dtype=jnp.int32)
    W_kqv = jax.random.normal(ks[4], (NT, IN, H * D), dtype=jnp.float32) / np.sqrt(IN)
    W_a = jax.random.normal(ks[5], (NT, H * D, H * D), dtype=jnp.float32) / np.sqrt(H * D)
    relation_pri = jnp.ones((H, ET), dtype=jnp.float32)
    relation_att = jax.random.normal(ks[6], (H, ET, D, D), dtype=jnp.float32) / np.sqrt(D)
    return {"x": x, "edge_index": edge_index, "ntype": ntype, "etype": etype,
            "W_kqv": W_kqv, "W_a": W_a, "relation_pri": relation_pri,
            "relation_att": relation_att}


def reference(x, edge_index, ntype, etype, W_kqv, W_a, relation_pri, relation_att):
    sqrt_d = float(np.sqrt(D))
    # linear_k == linear_q == linear_v (shared TypedLinear in the original module)
    kqv = jnp.einsum('ni,nio->no', x, jnp.take(W_kqv, ntype, axis=0)).reshape(-1, H, D)
    k = kqv
    q = kqv
    v = kqv
    src = edge_index[0]
    dst = edge_index[1]
    k_e = jnp.take(k, src, axis=0)  # [E, H, D]
    q_e = jnp.take(q, dst, axis=0)  # [E, H, D]
    v_e = jnp.take(v, src, axis=0)  # [E, H, D]
    a_list = []
    m_list = []
    for i in range(H):
        We = jnp.take(relation_att[i], etype, axis=0)  # [E, D, D] (relation_msg shares weights)
        kw = jnp.einsum('ed,edo->eo', k_e[:, i], We)
        a_i = (kw * q_e[:, i]).sum(-1) * jnp.take(relation_pri[i], etype, axis=0) / sqrt_d
        m_i = jnp.einsum('ed,edo->eo', v_e[:, i], We)
        a_list.append(a_i)
        m_list.append(m_i)
    a = jnp.stack(a_list, axis=1)  # [E, H]
    m = jnp.stack(m_list, axis=1)  # [E, H, D]
    # edge_softmax over incoming edges of each dst node
    amax = jax.ops.segment_max(a, dst, num_segments=N)
    amax = jnp.where(jnp.isfinite(amax), amax, 0.0)
    ae = jnp.exp(a - jnp.take(amax, dst, axis=0))
    denom = jax.ops.segment_sum(ae, dst, num_segments=N)
    att = ae / jnp.take(denom, dst, axis=0)
    m = m * att[:, :, None]
    h = jax.ops.segment_sum(m, dst, num_segments=N).reshape(N, H * D)
    h = jnp.einsum('ni,nio->no', h, jnp.take(W_a, ntype, axis=0))
    h = jax.nn.relu(h)
    # dropout p=0.0 -> identity; use_norm=False; residue=False
    return h

if __name__ == "__main__":
    import jax
    _d = setup_inputs()
    print(jax.jit(kernel)(*tuple(_d.values())))

</pallas_src>

<mosaic_0001>
#map = affine_map<(d0, d1) -> (0, 0)>
#map1 = affine_map<(d0, d1) -> (0)>
module attributes {stable_mosaic.version = 14 : i64} {
  func.func @_sc_edge_body(%arg0: i32, %arg1: i32, %arg2: memref<80000x128xf32, #tpu.memory_space<hbm>>, %arg3: memref<10000x128xf32, #tpu.memory_space<hbm>>, %arg4: memref<160000xi32, #tpu.memory_space<hbm>>, %arg5: memref<160000xi32, #tpu.memory_space<hbm>>, %arg6: memref<160000xi32, #tpu.memory_space<hbm>>, %arg7: memref<32xf32, #tpu.memory_space<hbm>>, %arg8: memref<20000x128xf32, #tpu.memory_space<hbm>>, %arg9: memref<2560x128xf32, #tpu.memory_space<hbm>>, %arg10: memref<10000x128xf32, #tpu.memory_space<vmem_shared>>, %arg11: memref<1280x128xf32, #tpu.memory_space<vmem_shared>>, %arg12: memref<48x128xf32, #tpu.memory_space<vmem>>, %arg13: memref<48x128xf32, #tpu.memory_space<vmem>>, %arg14: memref<48x128xf32, #tpu.memory_space<vmem>>, %arg15: memref<5056xi32, #tpu.memory_space<vmem>>, %arg16: memref<5056xi32, #tpu.memory_space<vmem>>, %arg17: memref<5056xi32, #tpu.memory_space<vmem>>, %arg18: memref<48xi32, #tpu.memory_space<vmem>>, %arg19: memref<48xi32, #tpu.memory_space<vmem>>, %arg20: memref<48xi32, #tpu.memory_space<vmem>>, %arg21: memref<48xf32, #tpu.memory_space<vmem>>, %arg22: memref<!tpu.dma_semaphore, #tpu.memory_space<semaphore_mem>>, %arg23: memref<!tpu.dma_semaphore, #tpu.memory_space<semaphore_mem>>) attributes {dimension_semantics = [#tpu.dimension_semantics<core_parallel>, #tpu.dimension_semantics<subcore_parallel>], iteration_bounds = array<i64: 2, 16>, scalar_prefetch = 0 : i64, scratch_operands = 14 : i64, tpu.core_type = #tpu.core_type<sc_vector_subcore>, window_params = [{transform_indices = #map}, {transform_indices = #map}, {transform_indices = #map1}, {transform_indices = #map1}, {transform_indices = #map1}, {transform_indices = #map1}, {transform_indices = #map}, {transform_indices = #map}]} {
    %mul3A = arith.constant 2 : i32
    %mul3A_0 = arith.muli %arg1, %mul3A : i32
    %add3A = arith.addi %mul3A_0, %arg0 : i32
    %iota3A = tpu.iota {dimensions = array<i32: 0>} : vector<16xi32>
    %broadcast_in_dim3A = arith.constant 0.000000e+00 : f32
    %broadcast_in_dim3A_1 = vector.broadcast %broadcast_in_dim3A : f32 to vector<16xf32>
    %broadcast_in_dim3A_2 = arith.constant 0 : i32
    %broadcast_in_dim3A_3 = vector.broadcast %broadcast_in_dim3A_2 : i32 to vector<16xi32>
    "tpu.region"() ({
      %run_scoped3A = tpu.sem_alloc : memref<!tpu.dma_semaphore, #tpu.memory_space<semaphore_mem>>
      %dma_start3A = arith.constant 0 : i32
      %dma_start3A_95 = tpu.memref_slice %arg21[%dma_start3A] : memref<48xf32, #tpu.memory_space<vmem>> -> memref<32xf32, #tpu.memory_space<vmem>>
      %dma_start3A_96 = arith.constant 0 : i32
      %dma_start3A_97 = tpu.memref_slice %arg21[%dma_start3A_96] : memref<48xf32, #tpu.memory_space<vmem>> -> memref<32xf32, #tpu.memory_space<vmem>>
      tpu.enqueue_dma source(%arg7 : memref<32xf32, #tpu.memory_space<hbm>>) target(%dma_start3A_97 : memref<32xf32, #tpu.memory_space<vmem>>) target_semaphore(%run_scoped3A : memref<!tpu.dma_semaphore, #tpu.memory_space<semaphore_mem>>)
      %dma_wait3A = arith.constant 0 : i32
      %dma_wait3A_98 = tpu.memref_slice %arg21[%dma_wait3A] : memref<48xf32, #tpu.memory_space<vmem>> -> memref<32xf32, #tpu.memory_space<vmem>>
      %dma_wait3A_99 = arith.constant 0 : i32
      %dma_wait3A_100 = tpu.memref_slice %arg21[%dma_wait3A_99] : memref<48xf32, #tpu.memory_space<vmem>> -> memref<32xf32, #tpu.memory_space<vmem>>
      tpu.wait_dma2 semaphore(%run_scoped3A : memref<!tpu.dma_semaphore, #tpu.memory_space<semaphore_mem>>) src(%arg7 : memref<32xf32, #tpu.memory_space<hbm>>) dst(%dma_wait3A_100 : memref<32xf32, #tpu.memory_space<vmem>>)
      tpu.yield
    }) : () -> ()
    %scan3A = arith.constant 0 : i32
    %scan3A_4 = arith.constant 0 : i32
    %scan3A_5 = arith.constant 48 : i32
    %scan3A_6 = arith.addi %scan3A_4, %scan3A_5 : i32
    %scan3A_7 = arith.constant 1 : i32
    %scan3A_8 = scf.for %scan3A_95 = %scan3A_4 to %scan3A_6 step %scan3A_7 iter_args(%scan3A_96 = %scan3A) -> (i32)  : i32 {
      %swap3A_97 = arith.index_cast %scan3A_95 : i32 to index
      %swap3A_98 = arith.constant 0 : index
      %swap3A_99 = tpu.vector_load %arg12[%swap3A_97, %swap3A_98] {strides = array<i32>} : memref<48x128xf32, #tpu.memory_space<vmem>>, vector<16xf32>,
      tpu.vector_store %arg12[%swap3A_97, %swap3A_98], %broadcast_in_dim3A_1 {strides = array<i32>} : memref<48x128xf32, #tpu.memory_space<vmem>>, vector<16xf32>,
      %swap3A_100 = arith.index_cast %scan3A_95 : i32 to index
      %swap3A_101 = arith.constant 0 : index
      %swap3A_102 = tpu.vector_load %arg14[%swap3A_100, %swap3A_101] {strides = array<i32>} : memref<48x128xf32, #tpu.memory_space<vmem>>, vector<16xf32>,
      tpu.vector_store %arg14[%swap3A_100, %swap3A_101], %broadcast_in_dim3A_1 {strides = array<i32>} : memref<48x128xf32, #tpu.memory_space<vmem>>, vector<16xf32>,
      %swap3A_103 = arith.index_cast %scan3A_95 : i32 to index
      %swap3A_104 = arith.constant 16 : index
      %swap3A_105 = tpu.vector_load %arg12[%swap3A_103, %swap3A_104] {strides = array<i32>} : memref<48x128xf32, #tpu.memory_space<vmem>>, vector<16xf32>,
      tpu.vector_store %arg12[%swap3A_103, %swap3A_104], %broadcast_in_dim3A_1 {strides = array<i32>} : memref<48x128xf32, #tpu.memory_space<vmem>>, vector<16xf32>,
      %swap3A_106 = arith.index_cast %scan3A_95 : i32 to index
      %swap3A_107 = arith.constant 16 : index
      %swap3A_108 = tpu.vector_load %arg14[%swap3A_106, %swap3A_107] {strides = array<i32>} : memref<48x128xf32, #tpu.memory_space<vmem>>, vector<16xf32>,
      tpu.vector_store %arg14[%swap3A_106, %swap3A_107], %broadcast_in_dim3A_1 {strides = array<i32>} : memref<48x128xf32, #tpu.memory_space<vmem>>, vector<16xf32>,
      %swap3A_109 = arith.index_cast %scan3A_95 : i32 to index
      %swap3A_110 = arith.constant 32 : index
      %swap3A_111 = tpu.vector_load %arg12[%swap3A_109, %swap3A_110] {strides = array<i32>} : memref<48x128xf32, #tpu.memory_space<vmem>>, vector<16xf32>,
      tpu.vector_store %arg12[%swap3A_109, %swap3A_110], %broadcast_in_dim3A_1 {strides = array<i32>} : memref<48x128xf32, #tpu.memory_space<vmem>>, vector<16xf32>,
      %swap3A_112 = arith.index_cast %scan3A_95 : i32 to index
      %swap3A_113 = arith.constant 32 : index
      %swap3A_114 = tpu.vector_load %arg14[%swap3A_112, %swap3A_113] {strides = array<i32>} : memref<48x128xf32, #tpu.memory_space<vmem>>, vector<16xf32>,
      tpu.vector_store %arg14[%swap3A_112, %swap3A_113], %broadcast_in_dim3A_1 {strides = array<i32>} : memref<48x128xf32, #tpu.memory_space<vmem>>, vector<16xf32>,
      %swap3A_115 = arith.index_cast %scan3A_95 : i32 to index
      %swap3A_116 = arith.constant 48 : index
      %swap3A_117 = tpu.vector_load %arg12[%swap3A_115, %swap3A_116] {strides = array<i32>} : memref<48x128xf32, #tpu.memory_space<vmem>>, vector<16xf32>,
      tpu.vector_store %arg12[%swap3A_115, %swap3A_116], %broadcast_in_dim3A_1 {strides = array<i32>} : memref<48x128xf32, #tpu.memory_space<vmem>>, vector<16xf32>,
      %swap3A_118 = arith.index_cast %scan3A_95 : i32 to index
      %swap3A_119 = arith.constant 48 : index
      %swap3A_120 = tpu.vector_load %arg14[%swap3A_118, %swap3A_119] {strides = array<i32>} : memref<48x128xf32, #tpu.memory_space<vmem>>, vector<16xf32>,
      tpu.vector_store %arg14[%swap3A_118, %swap3A_119], %broadcast_in_dim3A_1 {strides = array<i32>} : memref<48x128xf32, #tpu.memory_space<vmem>>, vector<16xf32>,
      %swap3A_121 = arith.index_cast %scan3A_95 : i32 to index
      %swap3A_122 = arith.constant 64 : index
      %swap3A_123 = tpu.vector_load %arg12[%swap3A_121, %swap3A_122] {strides = array<i32>} : memref<48x128xf32, #tpu.memory_space<vmem>>, vector<16xf32>,
      tpu.vector_store %arg12[%swap3A_121, %swap3A_122], %broadcast_in_dim3A_1 {strides = array<i32>} : memref<48x128xf32, #tpu.memory_space<vmem>>, vector<16xf32>,
      %swap3A_124 = arith.index_cast %scan3A_95 : i32 to index
      %swap3A_125 = arith.constant 64 : index
      %swap3A_126 = tpu.vector_load %arg14[%swap3A_124, %swap3A_125] {strides = array<i32>} : memref<48x128xf32, #tpu.memory_space<vmem>>, vector<16xf32>,
      tpu.vector_store %arg14[%swap3A_124, %swap3A_125], %broadcast_in_dim3A_1 {strides = array<i32>} : memref<48x128xf32, #tpu.memory_space<vmem>>, vector<16xf32>,
      %swap3A_127 = arith.index_cast %scan3A_95 : i32 to index
      %swap3A_128 = arith.constant 80 : index
      %swap3A_129 = tpu.vector_load %arg12[%swap3A_127, %swap3A_128] {strides = array<i32>} : memref<48x128xf32, #tpu.memory_space<vmem>>, vector<16xf32>,
      tpu.vector_store %arg12[%swap3A_127, %swap3A_128], %broadcast_in_dim3A_1 {strides = array<i32>} : memref<48x128xf32, #tpu.memory_space<vmem>>, vector<16xf32>,
      %swap3A_130 = arith.index_cast %scan3A_95 : i32 to index
      %swap3A_131 = arith.constant 80 : index
      %swap3A_132 = tpu.vector_load %arg14[%swap3A_130, %swap3A_131] {strides = array<i32>} : memref<48x128xf32, #tpu.memory_space<vmem>>, vector<16xf32>,
      tpu.vector_store %arg14[%swap3A_130, %swap3A_131], %broadcast_in_dim3A_1 {strides = array<i32>} : memref<48x128xf32, #tpu.memory_space<vmem>>, vector<16xf32>,
      %swap3A_133 = arith.index_cast %scan3A_95 : i32 to index
      %swap3A_134 = arith.constant 96 : index
      %swap3A_135 = tpu.vector_load %arg12[%swap3A_133, %swap3A_134] {strides = array<i32>} : memref<48x128xf32, #tpu.memory_space<vmem>>, vector<16xf32>,
      tpu.vector_store %arg12[%swap3A_133, %swap3A_134], %broadcast_in_dim3A_1 {strides = array<i32>} : memref<48x128xf32, #tpu.memory_space<vmem>>, vector<16xf32>,
      %swap3A_136 = arith.index_cast %scan3A_95 : i32 to index
      %swap3A_137 = arith.constant 96 : index
      %swap3A_138 = tpu.vector_load %arg14[%swap3A_136, %swap3A_137] {strides = array<i32>} : memref<48x128xf32, #tpu.memory_space<vmem>>, vector<16xf32>,
      tpu.vector_store %arg14[%swap3A_136, %swap3A_137], %broadcast_in_dim3A_1 {strides = array<i32>} : memref<48x128xf32, #tpu.memory_space<vmem>>, vector<16xf32>,
      %swap3A_139 = arith.index_cast %scan3A_95 : i32 to index
      %swap3A_140 = arith.constant 112 : index
      %swap3A_141 = tpu.vector_load %arg12[%swap3A_139, %swap3A_140] {strides = array<i32>} : memref<48x128xf32, #tpu.memory_space<vmem>>, vector<16xf32>,
      tpu.vector_store %arg12[%swap3A_139, %swap3A_140], %broadcast_in_dim3A_1 {strides = array<i32>} : memref<48x128xf32, #tpu.memory_space<vmem>>, vector<16xf32>,
      %swap3A_142 = arith.index_cast %scan3A_95 : i32 to index
      %swap3A_143 = arith.constant 112 : index
      %swap3A_144 = tpu.vector_load %arg14[%swap3A_142, %swap3A_143] {strides = array<i32>} : memref<48x128xf32, #tpu.memory_space<vmem>>, vector<16xf32>,
      tpu.vector_store %arg14[%swap3A_142, %swap3A_143], %broadcast_in_dim3A_1 {strides = array<i32>} : memref<48x128xf32, #tpu.memory_space<vmem>>, vector<16xf32>,
      %scan3A_145 = arith.constant 0 : i32
      scf.yield %scan3A_145 : i32
    }
    %scan3A_9 = arith.constant 48 : i32
    %mul3A_10 = arith.constant 624 : i32
    %mul3A_11 = arith.muli %arg1, %mul3A_10 : i32
    %add3A_12 = arith.constant 0 : i32
    %add3A_13 = arith.addi %mul3A_11, %add3A_12 : i32
    "tpu.region"() ({
      %run_scoped3A = tpu.sem_alloc : memref<!tpu.dma_semaphore, #tpu.memory_space<semaphore_mem>>
      %dma_start3A = arith.constant 0 : i32
      %dma_start3A_95 = tpu.memref_slice %arg10[%add3A_13, %dma_start3A] : memref<10000x128xf32, #tpu.memory_space<vmem_shared>> -> memref<48x128xf32, #tpu.memory_space<vmem_shared>>
      %dma_start3A_96 = arith.constant 0 : i32
      %dma_start3A_97 = tpu.memref_slice %arg10[%add3A_13, %dma_start3A_96] : memref<10000x128xf32, #tpu.memory_space<vmem_shared>> -> memref<48x128xf32, #tpu.memory_space<vmem_shared>>
      tpu.enqueue_dma source(%arg12 : memref<48x128xf32, #tpu.memory_space<vmem>>) target(%dma_start3A_97 : memref<48x128xf32, #tpu.memory_space<vmem_shared>>) target_semaphore(%run_scoped3A : memref<!tpu.dma_semaphore, #tpu.memory_space<semaphore_mem>>)
      %dma_wait3A = arith.constant 0 : i32
      %dma_wait3A_98 = tpu.memref_slice %arg10[%add3A_13, %dma_wait3A] : memref<10000x128xf32, #tpu.memory_space<vmem_shared>> -> memref<48x128xf32, #tpu.memory_space<vmem_shared>>
      %dma_wait3A_99 = arith.constant 0 : i32
      %dma_wait3A_100 = tpu.memref_slice %arg10[%add3A_13, %dma_wait3A_99] : memref<10000x128xf32, #tpu.memory_space<vmem_shared>> -> memref<48x128xf32, #tpu.memory_space<vmem_shared>>
      tpu.wait_dma2 semaphore(%run_scoped3A : memref<!tpu.dma_semaphore, #tpu.memory_space<semaphore_mem>>) src(%arg12 : memref<48x128xf32, #tpu.memory_space<vmem>>) dst(%dma_wait3A_100 : memref<48x128xf32, #tpu.memory_space<vmem_shared>>)
      tpu.yield
    }) : () -> ()
    %add3A_14 = arith.constant 48 : i32
    %add3A_15 = arith.addi %mul3A_11, %add3A_14 : i32
    "tpu.region"() ({
      %run_scoped3A = tpu.sem_alloc : memref<!tpu.dma_semaphore, #tpu.memory_space<semaphore_mem>>
      %dma_start3A = arith.constant 0 : i32
      %dma_start3A_95 = tpu.memref_slice %arg10[%add3A_15, %dma_start3A] : memref<10000x128xf32, #tpu.memory_space<vmem_shared>> -> memref<48x128xf32, #tpu.memory_space<vmem_shared>>
      %dma_start3A_96 = arith.constant 0 : i32
      %dma_start3A_97 = tpu.memref_slice %arg10[%add3A_15, %dma_start3A_96] : memref<10000x128xf32, #tpu.memory_space<vmem_shared>> -> memref<48x128xf32, #tpu.memory_space<vmem_shared>>
      tpu.enqueue_dma source(%arg12 : memref<48x128xf32, #tpu.memory_space<vmem>>) target(%dma_start3A_97 : memref<48x128xf32, #tpu.memory_space<vmem_shared>>) target_semaphore(%run_scoped3A : memref<!tpu.dma_semaphore, #tpu.memory_space<semaphore_mem>>)
      %dma_wait3A = arith.constant 0 : i32
      %dma_wait3A_98 = tpu.memref_slice %arg10[%add3A_15, %dma_wait3A] : memref<10000x128xf32, #tpu.memory_space<vmem_shared>> -> memref<48x128xf32, #tpu.memory_space<vmem_shared>>
      %dma_wait3A_99 = arith.constant 0 : i32
      %dma_wait3A_100 = tpu.memref_slice %arg10[%add3A_15, %dma_wait3A_99] : memref<10000x128xf32, #tpu.memory_space<vmem_shared>> -> memref<48x128xf32, #tpu.memory_space<vmem_shared>>
      tpu.wait_dma2 semaphore(%run_scoped3A : memref<!tpu.dma_semaphore, #tpu.memory_space<semaphore_mem>>) src(%arg12 : memref<48x128xf32, #tpu.memory_space<vmem>>) dst(%dma_wait3A_100 : memref<48x128xf32, #tpu.memory_space<vmem_shared>>)
      tpu.yield
    }) : () -> ()
    %add3A_16 = arith.constant 96 : i32
    %add3A_17 = arith.addi %mul3A_11, %add3A_16 : i32
    "tpu.region"() ({
      %run_scoped3A = tpu.sem_alloc : memref<!tpu.dma_semaphore, #tpu.memory_space<semaphore_mem>>
      %dma_start3A = arith.constant 0 : i32
      %dma_start3A_95 = tpu.memref_slice %arg10[%add3A_17, %dma_start3A] : memref<10000x128xf32, #tpu.memory_space<vmem_shared>> -> memref<48x128xf32, #tpu.memory_space<vmem_shared>>
      %dma_start3A_96 = arith.constant 0 : i32
      %dma_start3A_97 = tpu.memref_slice %arg10[%add3A_17, %dma_start3A_96] : memref<10000x128xf32, #tpu.memory_space<vmem_shared>> -> memref<48x128xf32, #tpu.memory_space<vmem_shared>>
      tpu.enqueue_dma source(%arg12 : memref<48x128xf32, #tpu.memory_space<vmem>>) target(%dma_start3A_97 : memref<48x128xf32, #tpu.memory_space<vmem_shared>>) target_semaphore(%run_scoped3A : memref<!tpu.dma_semaphore, #tpu.memory_space<semaphore_mem>>)
      %dma_wait3A = arith.constant 0 : i32
      %dma_wait3A_98 = tpu.memref_slice %arg10[%add3A_17, %dma_wait3A] : memref<10000x128xf32, #tpu.memory_space<vmem_shared>> -> memref<48x128xf32, #tpu.memory_space<vmem_shared>>
      %dma_wait3A_99 = arith.constant 0 : i32
      %dma_wait3A_100 = tpu.memref_slice %arg10[%add3A_17, %dma_wait3A_99] : memref<10000x128xf32, #tpu.memory_space<vmem_shared>> -> memref<48x128xf32, #tpu.memory_space<vmem_shared>>
      tpu.wait_dma2 semaphore(%run_scoped3A : memref<!tpu.dma_semaphore, #tpu.memory_space<semaphore_mem>>) src(%arg12 : memref<48x128xf32, #tpu.memory_space<vmem>>) dst(%dma_wait3A_100 : memref<48x128xf32, #tpu.memory_space<vmem_shared>>)
      tpu.yield
    }) : () -> ()
    %add3A_18 = arith.constant 144 : i32
    %add3A_19 = arith.addi %mul3A_11, %add3A_18 : i32
    "tpu.region"() ({
      %run_scoped3A = tpu.sem_alloc : memref<!tpu.dma_semaphore, #tpu.memory_space<semaphore_mem>>
      %dma_start3A = arith.constant 0 : i32
      %dma_start3A_95 = tpu.memref_slice %arg10[%add3A_19, %dma_start3A] : memref<10000x128xf32, #tpu.memory_space<vmem_shared>> -> memref<48x128xf32, #tpu.memory_space<vmem_shared>>
      %dma_start3A_96 = arith.constant 0 : i32
      %dma_start3A_97 = tpu.memref_slice %arg10[%add3A_19, %dma_start3A_96] : memref<10000x128xf32, #tpu.memory_space<vmem_shared>> -> memref<48x128xf32, #tpu.memory_space<vmem_shared>>
      tpu.enqueue_dma source(%arg12 : memref<48x128xf32, #tpu.memory_space<vmem>>) target(%dma_start3A_97 : memref<48x128xf32, #tpu.memory_space<vmem_shared>>) target_semaphore(%run_scoped3A : memref<!tpu.dma_semaphore, #tpu.memory_space<semaphore_mem>>)
      %dma_wait3A = arith.constant 0 : i32
      %dma_wait3A_98 = tpu.memref_slice %arg10[%add3A_19, %dma_wait3A] : memref<10000x128xf32, #tpu.memory_space<vmem_shared>> -> memref<48x128xf32, #tpu.memory_space<vmem_shared>>
      %dma_wait3A_99 = arith.constant 0 : i32
      %dma_wait3A_100 = tpu.memref_slice %arg10[%add3A_19, %dma_wait3A_99] : memref<10000x128xf32, #tpu.memory_space<vmem_shared>> -> memref<48x128xf32, #tpu.memory_space<vmem_shared>>
      tpu.wait_dma2 semaphore(%run_scoped3A : memref<!tpu.dma_semaphore, #tpu.memory_space<semaphore_mem>>) src(%arg12 : memref<48x128xf32, #tpu.memory_space<vmem>>) dst(%dma_wait3A_100 : memref<48x128xf32, #tpu.memory_space<vmem_shared>>)
      tpu.yield
    }) : () -> ()
    %add3A_20 = arith.constant 192 : i32
    %add3A_21 = arith.addi %mul3A_11, %add3A_20 : i32
    "tpu.region"() ({
      %run_scoped3A = tpu.sem_alloc : memref<!tpu.dma_semaphore, #tpu.memory_space<semaphore_mem>>
      %dma_start3A = arith.constant 0 : i32
      %dma_start3A_95 = tpu.memref_slice %arg10[%add3A_21, %dma_start3A] : memref<10000x128xf32, #tpu.memory_space<vmem_shared>> -> memref<48x128xf32, #tpu.memory_space<vmem_shared>>
      %dma_start3A_96 = arith.constant 0 : i32
      %dma_start3A_97 = tpu.memref_slice %arg10[%add3A_21, %dma_start3A_96] : memref<10000x128xf32, #tpu.memory_space<vmem_shared>> -> memref<48x128xf32, #tpu.memory_space<vmem_shared>>
      tpu.enqueue_dma source(%arg12 : memref<48x128xf32, #tpu.memory_space<vmem>>) target(%dma_start3A_97 : memref<48x128xf32, #tpu.memory_space<vmem_shared>>) target_semaphore(%run_scoped3A : memref<!tpu.dma_semaphore, #tpu.memory_space<semaphore_mem>>)
      %dma_wait3A = arith.constant 0 : i32
      %dma_wait3A_98 = tpu.memref_slice %arg10[%add3A_21, %dma_wait3A] : memref<10000x128xf32, #tpu.memory_space<vmem_shared>> -> memref<48x128xf32, #tpu.memory_space<vmem_shared>>
      %dma_wait3A_99 = arith.constant 0 : i32
      %dma_wait3A_100 = tpu.memref_slice %arg10[%add3A_21, %dma_wait3A_99] : memref<10000x128xf32, #tpu.memory_space<vmem_shared>> -> memref<48x128xf32, #tpu.memory_space<vmem_shared>>
      tpu.wait_dma2 semaphore(%run_scoped3A : memref<!tpu.dma_semaphore, #tpu.memory_space<semaphore_mem>>) src(%arg12 : memref<48x128xf32, #tpu.memory_space<vmem>>) dst(%dma_wait3A_100 : memref<48x128xf32, #tpu.memory_space<vmem_shared>>)
      tpu.yield
    }) : () -> ()
    %add3A_22 = arith.constant 240 : i32
    %add3A_23 = arith.addi %mul3A_11, %add3A_22 : i32
    "tpu.region"() ({
      %run_scoped3A = tpu.sem_alloc : memref<!tpu.dma_semaphore, #tpu.memory_space<semaphore_mem>>
      %dma_start3A = arith.constant 0 : i32
      %dma_start3A_95 = tpu.memref_slice %arg10[%add3A_23, %dma_start3A] : memref<10000x128xf32, #tpu.memory_space<vmem_shared>> -> memref<48x128xf32, #tpu.memory_space<vmem_shared>>
      %dma_start3A_96 = arith.constant 0 : i32
      %dma_start3A_97 = tpu.memref_slice %arg10[%add3A_23, %dma_start3A_96] : memref<10000x128xf32, #tpu.memory_space<vmem_shared>> -> memref<48x128xf32, #tpu.memory_space<vmem_shared>>
      tpu.enqueue_dma source(%arg12 : memref<48x128xf32, #tpu.memory_space<vmem>>) target(%dma_start3A_97 : memref<48x128xf32, #tpu.memory_space<vmem_shared>>) target_semaphore(%run_scoped3A : memref<!tpu.dma_semaphore, #tpu.memory_space<semaphore_mem>>)
      %dma_wait3A = arith.constant 0 : i32
      %dma_wait3A_98 = tpu.memref_slice %arg10[%add3A_23, %dma_wait3A] : memref<10000x128xf32, #tpu.memory_space<vmem_shared>> -> memref<48x128xf32, #tpu.memory_space<vmem_shared>>
      %dma_wait3A_99 = arith.constant 0 : i32
      %dma_wait3A_100 = tpu.memref_slice %arg10[%add3A_23, %dma_wait3A_99] : memref<10000x128xf32, #tpu.memory_space<vmem_shared>> -> memref<48x128xf32, #tpu.memory_space<vmem_shared>>
      tpu.wait_dma2 semaphore(%run_scoped3A : memref<!tpu.dma_semaphore, #tpu.memory_space<semaphore_mem>>) src(%arg12 : memref<48x128xf32, #tpu.memory_space<vmem>>) dst(%dma_wait3A_100 : memref<48x128xf32, #tpu.memory_space<vmem_shared>>)
      tpu.yield
    }) : () -> ()
    %add3A_24 = arith.constant 288 : i32
    %add3A_25 = arith.addi %mul3A_11, %add3A_24 : i32
    "tpu.region"() ({
      %run_scoped3A = tpu.sem_alloc : memref<!tpu.dma_semaphore, #tpu.memory_space<semaphore_mem>>
      %dma_start3A = arith.constant 0 : i32
      %dma_start3A_95 = tpu.memref_slice %arg10[%add3A_25, %dma_start3A] : memref<10000x128xf32, #tpu.memory_space<vmem_shared>> -> memref<48x128xf32, #tpu.memory_space<vmem_shared>>
      %dma_start3A_96 = arith.constant 0 : i32
      %dma_start3A_97 = tpu.memref_slice %arg10[%add3A_25, %dma_start3A_96] : memref<10000x128xf32, #tpu.memory_space<vmem_shared>> -> memref<48x128xf32, #tpu.memory_space<vmem_shared>>
      tpu.enqueue_dma source(%arg12 : memref<48x128xf32, #tpu.memory_space<vmem>>) target(%dma_start3A_97 : memref<48x128xf32, #tpu.memory_space<vmem_shared>>) target_semaphore(%run_scoped3A : memref<!tpu.dma_semaphore, #tpu.memory_space<semaphore_mem>>)
      %dma_wait3A = arith.constant 0 : i32
      %dma_wait3A_98 = tpu.memref_slice %arg10[%add3A_25, %dma_wait3A] : memref<10000x128xf32, #tpu.memory_space<vmem_shared>> -> memref<48x128xf32, #tpu.memory_space<vmem_shared>>
      %dma_wait3A_99 = arith.constant 0 : i32
      %dma_wait3A_100 = tpu.memref_slice %arg10[%add3A_25, %dma_wait3A_99] : memref<10000x128xf32, #tpu.memory_space<vmem_shared>> -> memref<48x128xf32, #tpu.memory_space<vmem_shared>>
      tpu.wait_dma2 semaphore(%run_scoped3A : memref<!tpu.dma_semaphore, #tpu.memory_space<semaphore_mem>>) src(%arg12 : memref<48x128xf32, #tpu.memory_space<vmem>>) dst(%dma_wait3A_100 : memref<48x128xf32, #tpu.memory_space<vmem_shared>>)
      tpu.yield
    }) : () -> ()
    %add3A_26 = arith.constant 336 : i32
    %add3A_27 = arith.addi %mul3A_11, %add3A_26 : i32
    "tpu.region"() ({
      %run_scoped3A = tpu.sem_alloc : memref<!tpu.dma_semaphore, #tpu.memory_space<semaphore_mem>>
      %dma_start3A = arith.constant 0 : i32
      %dma_start3A_95 = tpu.memref_slice %arg10[%add3A_27, %dma_start3A] : memref<10000x128xf32, #tpu.memory_space<vmem_shared>> -> memref<48x128xf32, #tpu.memory_space<vmem_shared>>
      %dma_start3A_96 = arith.constant 0 : i32
      %dma_start3A_97 = tpu.memref_slice %arg10[%add3A_27, %dma_start3A_96] : memref<10000x128xf32, #tpu.memory_space<vmem_shared>> -> memref<48x128xf32, #tpu.memory_space<vmem_shared>>
      tpu.enqueue_dma source(%arg12 : memref<48x128xf32, #tpu.memory_space<vmem>>) target(%dma_start3A_97 : memref<48x128xf32, #tpu.memory_space<vmem_shared>>) target_semaphore(%run_scoped3A : memref<!tpu.dma_semaphore, #tpu.memory_space<semaphore_mem>>)
      %dma_wait3A = arith.constant 0 : i32
      %dma_wait3A_98 = tpu.memref_slice %arg10[%add3A_27, %dma_wait3A] : memref<10000x128xf32, #tpu.memory_space<vmem_shared>> -> memref<48x128xf32, #tpu.memory_space<vmem_shared>>
      %dma_wait3A_99 = arith.constant 0 : i32
      %dma_wait3A_100 = tpu.memref_slice %arg10[%add3A_27, %dma_wait3A_99] : memref<10000x128xf32, #tpu.memory_space<vmem_shared>> -> memref<48x128xf32, #tpu.memory_space<vmem_shared>>
      tpu.wait_dma2 semaphore(%run_scoped3A : memref<!tpu.dma_semaphore, #tpu.memory_space<semaphore_mem>>) src(%arg12 : memref<48x128xf32, #tpu.memory_space<vmem>>) dst(%dma_wait3A_100 : memref<48x128xf32, #tpu.memory_space<vmem_shared>>)
      tpu.yield
    }) : () -> ()
    %add3A_28 = arith.constant 384 : i32
    %add3A_29 = arith.addi %mul3A_11, %add3A_28 : i32
    "tpu.region"() ({
      %run_scoped3A = tpu.sem_alloc : memref<!tpu.dma_semaphore, #tpu.memory_space<semaphore_mem>>
      %dma_start3A = arith.constant 0 : i32
      %dma_start3A_95 = tpu.memref_slice %arg10[%add3A_29, %dma_start3A] : memref<10000x128xf32, #tpu.memory_space<vmem_shared>> -> memref<48x128xf32, #tpu.memory_space<vmem_shared>>
      %dma_start3A_96 = arith.constant 0 : i32
      %dma_start3A_97 = tpu.memref_slice %arg10[%add3A_29, %dma_start3A_96] : memref<10000x128xf32, #tpu.memory_space<vmem_shared>> -> memref<48x128xf32, #tpu.memory_space<vmem_shared>>
      tpu.enqueue_dma source(%arg12 : memref<48x128xf32, #tpu.memory_space<vmem>>) target(%dma_start3A_97 : memref<48x128xf32, #tpu.memory_space<vmem_shared>>) target_semaphore(%run_scoped3A : memref<!tpu.dma_semaphore, #tpu.memory_space<semaphore_mem>>)
      %dma_wait3A = arith.constant 0 : i32
      %dma_wait3A_98 = tpu.memref_slice %arg10[%add3A_29, %dma_wait3A] : memref<10000x128xf32, #tpu.memory_space<vmem_shared>> -> memref<48x128xf32, #tpu.memory_space<vmem_shared>>
      %dma_wait3A_99 = arith.constant 0 : i32
      %dma_wait3A_100 = tpu.memref_slice %arg10[%add3A_29, %dma_wait3A_99] : memref<10000x128xf32, #tpu.memory_space<vmem_shared>> -> memref<48x128xf32, #tpu.memory_space<vmem_shared>>
      tpu.wait_dma2 semaphore(%run_scoped3A : memref<!tpu.dma_semaphore, #tpu.memory_space<semaphore_mem>>) src(%arg12 : memref<48x128xf32, #tpu.memory_space<vmem>>) dst(%dma_wait3A_100 : memref<48x128xf32, #tpu.memory_space<vmem_shared>>)
      tpu.yield
    }) : () -> ()
    %add3A_30 = arith.constant 432 : i32
    %add3A_31 = arith.addi %mul3A_11, %add3A_30 : i32
    "tpu.region"() ({
      %run_scoped3A = tpu.sem_alloc : memref<!tpu.dma_semaphore, #tpu.memory_space<semaphore_mem>>
      %dma_start3A = arith.constant 0 : i32
      %dma_start3A_95 = tpu.memref_slice %arg10[%add3A_31, %dma_start3A] : memref<10000x128xf32, #tpu.memory_space<vmem_shared>> -> memref<48x128xf32, #tpu.memory_space<vmem_shared>>
      %dma_start3A_96 = arith.constant 0 : i32
      %dma_start3A_97 = tpu.memref_slice %arg10[%add3A_31, %dma_start3A_96] : memref<10000x128xf32, #tpu.memory_space<vmem_shared>> -> memref<48x128xf32, #tpu.memory_space<vmem_shared>>
      tpu.enqueue_dma source(%arg12 : memref<48x128xf32, #tpu.memory_space<vmem>>) target(%dma_start3A_97 : memref<48x128xf32, #tpu.memory_space<vmem_shared>>) target_semaphore(%run_scoped3A : memref<!tpu.dma_semaphore, #tpu.memory_space<semaphore_mem>>)
      %dma_wait3A = arith.constant 0 : i32
      %dma_wait3A_98 = tpu.memref_slice %arg10[%add3A_31, %dma_wait3A] : memref<10000x128xf32, #tpu.memory_space<vmem_shared>> -> memref<48x128xf32, #tpu.memory_space<vmem_shared>>
      %dma_wait3A_99 = arith.constant 0 : i32
      %dma_wait3A_100 = tpu.memref_slice %arg10[%add3A_31, %dma_wait3A_99] : memref<10000x128xf32, #tpu.memory_space<vmem_shared>> -> memref<48x128xf32, #tpu.memory_space<vmem_shared>>
      tpu.wait_dma2 semaphore(%run_scoped3A : memref<!tpu.dma_semaphore, #tpu.memory_space<semaphore_mem>>) src(%arg12 : memref<48x128xf32, #tpu.memory_space<vmem>>) dst(%dma_wait3A_100 : memref<48x128xf32, #tpu.memory_space<vmem_shared>>)
      tpu.yield
    }) : () -> ()
    %add3A_32 = arith.constant 480 : i32
    %add3A_33 = arith.addi %mul3A_11, %add3A_32 : i32
    "tpu.region"() ({
      %run_scoped3A = tpu.sem_alloc : memref<!tpu.dma_semaphore, #tpu.memory_space<semaphore_mem>>
      %dma_start3A = arith.constant 0 : i32
      %dma_start3A_95 = tpu.memref_slice %arg10[%add3A_33, %dma_start3A] : memref<10000x128xf32, #tpu.memory_space<vmem_shared>> -> memref<48x128xf32, #tpu.memory_space<vmem_shared>>
      %dma_start3A_96 = arith.constant 0 : i32
      %dma_start3A_97 = tpu.memref_slice %arg10[%add3A_33, %dma_start3A_96] : memref<10000x128xf32, #tpu.memory_space<vmem_shared>> -> memref<48x128xf32, #tpu.memory_space<vmem_shared>>
      tpu.enqueue_dma source(%arg12 : memref<48x128xf32, #tpu.memory_space<vmem>>) target(%dma_start3A_97 : memref<48x128xf32, #tpu.memory_space<vmem_shared>>) target_semaphore(%run_scoped3A : memref<!tpu.dma_semaphore, #tpu.memory_space<semaphore_mem>>)
      %dma_wait3A = arith.constant 0 : i32
      %dma_wait3A_98 = tpu.memref_slice %arg10[%add3A_33, %dma_wait3A] : memref<10000x128xf32, #tpu.memory_space<vmem_shared>> -> memref<48x128xf32, #tpu.memory_space<vmem_shared>>
      %dma_wait3A_99 = arith.constant 0 : i32
      %dma_wait3A_100 = tpu.memref_slice %arg10[%add3A_33, %dma_wait3A_99] : memref<10000x128xf32, #tpu.memory_space<vmem_shared>> -> memref<48x128xf32, #tpu.memory_space<vmem_shared>>
      tpu.wait_dma2 semaphore(%run_scoped3A : memref<!tpu.dma_semaphore, #tpu.memory_space<semaphore_mem>>) src(%arg12 : memref<48x128xf32, #tpu.memory_space<vmem>>) dst(%dma_wait3A_100 : memref<48x128xf32, #tpu.memory_space<vmem_shared>>)
      tpu.yield
    }) : () -> ()
    %add3A_34 = arith.constant 528 : i32
    %add3A_35 = arith.addi %mul3A_11, %add3A_34 : i32
    "tpu.region"() ({
      %run_scoped3A = tpu.sem_alloc : memref<!tpu.dma_semaphore, #tpu.memory_space<semaphore_mem>>
      %dma_start3A = arith.constant 0 : i32
      %dma_start3A_95 = tpu.memref_slice %arg10[%add3A_35, %dma_start3A] : memref<10000x128xf32, #tpu.memory_space<vmem_shared>> -> memref<48x128xf32, #tpu.memory_space<vmem_shared>>
      %dma_start3A_96 = arith.constant 0 : i32
      %dma_start3A_97 = tpu.memref_slice %arg10[%add3A_35, %dma_start3A_96] : memref<10000x128xf32, #tpu.memory_space<vmem_shared>> -> memref<48x128xf32, #tpu.memory_space<vmem_shared>>
      tpu.enqueue_dma source(%arg12 : memref<48x128xf32, #tpu.memory_space<vmem>>) target(%dma_start3A_97 : memref<48x128xf32, #tpu.memory_space<vmem_shared>>) target_semaphore(%run_scoped3A : memref<!tpu.dma_semaphore, #tpu.memory_space<semaphore_mem>>)
      %dma_wait3A = arith.constant 0 : i32
      %dma_wait3A_98 = tpu.memref_slice %arg10[%add3A_35, %dma_wait3A] : memref<10000x128xf32, #tpu.memory_space<vmem_shared>> -> memref<48x128xf32, #tpu.memory_space<vmem_shared>>
      %dma_wait3A_99 = arith.constant 0 : i32
      %dma_wait3A_100 = tpu.memref_slice %arg10[%add3A_35, %dma_wait3A_99] : memref<10000x128xf32, #tpu.memory_space<vmem_shared>> -> memref<48x128xf32, #tpu.memory_space<vmem_shared>>
      tpu.wait_dma2 semaphore(%run_scoped3A : memref<!tpu.dma_semaphore, #tpu.memory_space<semaphore_mem>>) src(%arg12 : memref<48x128xf32, #tpu.memory_space<vmem>>) dst(%dma_wait3A_100 : memref<48x128xf32, #tpu.memory_space<vmem_shared>>)
      tpu.yield
    }) : () -> ()
    %add3A_36 = arith.constant 576 : i32
    %add3A_37 = arith.addi %mul3A_11, %add3A_36 : i32
    "tpu.region"() ({
      %run_scoped3A = tpu.sem_alloc : memref<!tpu.dma_semaphore, #tpu.memory_space<semaphore_mem>>
      %dma_start3A = arith.constant 0 : i32
      %dma_start3A_95 = tpu.memref_slice %arg10[%add3A_37, %dma_start3A] : memref<10000x128xf32, #tpu.memory_space<vmem_shared>> -> memref<48x128xf32, #tpu.memory_space<vmem_shared>>
      %dma_start3A_96 = arith.constant 0 : i32
      %dma_start3A_97 = tpu.memref_slice %arg10[%add3A_37, %dma_start3A_96] : memref<10000x128xf32, #tpu.memory_space<vmem_shared>> -> memref<48x128xf32, #tpu.memory_space<vmem_shared>>
      tpu.enqueue_dma source(%arg12 : memref<48x128xf32, #tpu.memory_space<vmem>>) target(%dma_start3A_97 : memref<48x128xf32, #tpu.memory_space<vmem_shared>>) target_semaphore(%run_scoped3A : memref<!tpu.dma_semaphore, #tpu.memory_space<semaphore_mem>>)
      %dma_wait3A = arith.constant 0 : i32
      %dma_wait3A_98 = tpu.memref_slice %arg10[%add3A_37, %dma_wait3A] : memref<10000x128xf32, #tpu.memory_space<vmem_shared>> -> memref<48x128xf32, #tpu.memory_space<vmem_shared>>
      %dma_wait3A_99 = arith.constant 0 : i32
      %dma_wait3A_100 = tpu.memref_slice %arg10[%add3A_37, %dma_wait3A_99] : memref<10000x128xf32, #tpu.memory_space<vmem_shared>> -> memref<48x128xf32, #tpu.memory_space<vmem_shared>>
      tpu.wait_dma2 semaphore(%run_scoped3A : memref<!tpu.dma_semaphore, #tpu.memory_space<semaphore_mem>>) src(%arg12 : memref<48x128xf32, #tpu.memory_space<vmem>>) dst(%dma_wait3A_100 : memref<48x128xf32, #tpu.memory_space<vmem_shared>>)
      tpu.yield
    }) : () -> ()
    %eq3A = arith.constant 0 : i32
    %eq3A_38 = arith.cmpi eq, %arg1, %eq3A : i32
    %convert_element_type3A = arith.extui %eq3A_38 : i1 to i32
    %cond3A = arith.constant 0 : i32
    %cond3A_39 = arith.cmpi ne, %convert_element_type3A, %cond3A : i32
    scf.if %cond3A_39 {
      "tpu.region"() ({
        %run_scoped3A = tpu.sem_alloc : memref<!tpu.dma_semaphore, #tpu.memory_space<semaphore_mem>>
        %dma_start3A = arith.constant 0 : i32
        %dma_start3A_95 = arith.constant 0 : i32
        %dma_start3A_96 = tpu.memref_slice %arg12[%dma_start3A, %dma_start3A_95] : memref<48x128xf32, #tpu.memory_space<vmem>> -> memref<16x128xf32, #tpu.memory_space<vmem>>
        %dma_start3A_97 = arith.constant 9984 : i32
        %dma_start3A_98 = arith.constant 0 : i32
        %dma_start3A_99 = tpu.memref_slice %arg10[%dma_start3A_97, %dma_start3A_98] : memref<10000x128xf32, #tpu.memory_space<vmem_shared>> -> memref<16x128xf32, #tpu.memory_space<vmem_shared>>
        %dma_start3A_100 = arith.constant 9984 : i32
        %dma_start3A_101 = arith.constant 0 : i32
        %dma_start3A_102 = tpu.memref_slice %arg10[%dma_start3A_100, %dma_start3A_101] : memref<10000x128xf32, #tpu.memory_space<vmem_shared>> -> memref<16x128xf32, #tpu.memory_space<vmem_shared>>
        %dma_start3A_103 = arith.constant 0 : i32
        %dma_start3A_104 = arith.constant 0 : i32
        %dma_start3A_105 = tpu.memref_slice %arg12[%dma_start3A_103, %dma_start3A_104] : memref<48x128xf32, #tpu.memory_space<vmem>> -> memref<16x128xf32, #tpu.memory_space<vmem>>
        tpu.enqueue_dma source(%dma_start3A_105 : memref<16x128xf32, #tpu.memory_space<vmem>>) target(%dma_start3A_102 : memref<16x128xf32, #tpu.memory_space<vmem_shared>>) target_semaphore(%run_scoped3A : memref<!tpu.dma_semaphore, #tpu.memory_space<semaphore_mem>>)
        %dma_wait3A = arith.constant 0 : i32
        %dma_wait3A_106 = arith.constant 0 : i32
        %dma_wait3A_107 = tpu.memref_slice %arg12[%dma_wait3A, %dma_wait3A_106] : memref<48x128xf32, #tpu.memory_space<vmem>> -> memref<16x128xf32, #tpu.memory_space<vmem>>
        %dma_wait3A_108 = arith.constant 9984 : i32
        %dma_wait3A_109 = arith.constant 0 : i32
        %dma_wait3A_110 = tpu.memref_slice %arg10[%dma_wait3A_108, %dma_wait3A_109] : memref<10000x128xf32, #tpu.memory_space<vmem_shared>> -> memref<16x128xf32, #tpu.memory_space<vmem_shared>>
        %dma_wait3A_111 = arith.constant 9984 : i32
        %dma_wait3A_112 = arith.constant 0 : i32
        %dma_wait3A_113 = tpu.memref_slice %arg10[%dma_wait3A_111, %dma_wait3A_112] : memref<10000x128xf32, #tpu.memory_space<vmem_shared>> -> memref<16x128xf32, #tpu.memory_space<vmem_shared>>
        %dma_wait3A_114 = arith.constant 0 : i32
        %dma_wait3A_115 = arith.constant 0 : i32
        %dma_wait3A_116 = tpu.memref_slice %arg12[%dma_wait3A_114, %dma_wait3A_115] : memref<48x128xf32, #tpu.memory_space<vmem>> -> memref<16x128xf32, #tpu.memory_space<vmem>>
        tpu.wait_dma2 semaphore(%run_scoped3A : memref<!tpu.dma_semaphore, #tpu.memory_space<semaphore_mem>>) src(%dma_wait3A_116 : memref<16x128xf32, #tpu.memory_space<vmem>>) dst(%dma_wait3A_113 : memref<16x128xf32, #tpu.memory_space<vmem_shared>>)
        tpu.yield
      }) : () -> ()
    } else {
    }
    %mul3A_40 = arith.constant 80 : i32
    %mul3A_41 = arith.muli %arg1, %mul3A_40 : i32
    "tpu.region"() ({
      %run_scoped3A = tpu.sem_alloc : memref<!tpu.dma_semaphore, #tpu.memory_space<semaphore_mem>>
      %dma_start3A = arith.constant 0 : i32
      %dma_start3A_95 = tpu.memref_slice %arg11[%mul3A_41, %dma_start3A] : memref<1280x128xf32, #tpu.memory_space<vmem_shared>> -> memref<48x128xf32, #tpu.memory_space<vmem_shared>>
      %dma_start3A_96 = arith.constant 0 : i32
      %dma_start3A_97 = tpu.memref_slice %arg11[%mul3A_41, %dma_start3A_96] : memref<1280x128xf32, #tpu.memory_space<vmem_shared>> -> memref<48x128xf32, #tpu.memory_space<vmem_shared>>
      tpu.enqueue_dma source(%arg12 : memref<48x128xf32, #tpu.memory_space<vmem>>) target(%dma_start3A_97 : memref<48x128xf32, #tpu.memory_space<vmem_shared>>) target_semaphore(%run_scoped3A : memref<!tpu.dma_semaphore, #tpu.memory_space<semaphore_mem>>)
      %dma_wait3A = arith.constant 0 : i32
      %dma_wait3A_98 = tpu.memref_slice %arg11[%mul3A_41, %dma_wait3A] : memref<1280x128xf32, #tpu.memory_space<vmem_shared>> -> memref<48x128xf32, #tpu.memory_space<vmem_shared>>
      %dma_wait3A_99 = arith.constant 0 : i32
      %dma_wait3A_100 = tpu.memref_slice %arg11[%mul3A_41, %dma_wait3A_99] : memref<1280x128xf32, #tpu.memory_space<vmem_shared>> -> memref<48x128xf32, #tpu.memory_space<vmem_shared>>
      tpu.wait_dma2 semaphore(%run_scoped3A : memref<!tpu.dma_semaphore, #tpu.memory_space<semaphore_mem>>) src(%arg12 : memref<48x128xf32, #tpu.memory_space<vmem>>) dst(%dma_wait3A_100 : memref<48x128xf32, #tpu.memory_space<vmem_shared>>)
      tpu.yield
    }) : () -> ()
    %add3A_42 = arith.constant 48 : i32
    %add3A_43 = arith.addi %mul3A_41, %add3A_42 : i32
    "tpu.region"() ({
      %run_scoped3A = tpu.sem_alloc : memref<!tpu.dma_semaphore, #tpu.memory_space<semaphore_mem>>
      %dma_start3A = arith.constant 0 : i32
      %dma_start3A_95 = arith.constant 0 : i32
      %dma_start3A_96 = tpu.memref_slice %arg12[%dma_start3A, %dma_start3A_95] : memref<48x128xf32, #tpu.memory_space<vmem>> -> memref<32x128xf32, #tpu.memory_space<vmem>>
      %dma_start3A_97 = arith.constant 0 : i32
      %dma_start3A_98 = tpu.memref_slice %arg11[%add3A_43, %dma_start3A_97] : memref<1280x128xf32, #tpu.memory_space<vmem_shared>> -> memref<32x128xf32, #tpu.memory_space<vmem_shared>>
      %dma_start3A_99 = arith.constant 0 : i32
      %dma_start3A_100 = tpu.memref_slice %arg11[%add3A_43, %dma_start3A_99] : memref<1280x128xf32, #tpu.memory_space<vmem_shared>> -> memref<32x128xf32, #tpu.memory_space<vmem_shared>>
      %dma_start3A_101 = arith.constant 0 : i32
      %dma_start3A_102 = arith.constant 0 : i32
      %dma_start3A_103 = tpu.memref_slice %arg12[%dma_start3A_101, %dma_start3A_102] : memref<48x128xf32, #tpu.memory_space<vmem>> -> memref<32x128xf32, #tpu.memory_space<vmem>>
      tpu.enqueue_dma source(%dma_start3A_103 : memref<32x128xf32, #tpu.memory_space<vmem>>) target(%dma_start3A_100 : memref<32x128xf32, #tpu.memory_space<vmem_shared>>) target_semaphore(%run_scoped3A : memref<!tpu.dma_semaphore, #tpu.memory_space<semaphore_mem>>)
      %dma_wait3A = arith.constant 0 : i32
      %dma_wait3A_104 = arith.constant 0 : i32
      %dma_wait3A_105 = tpu.memref_slice %arg12[%dma_wait3A, %dma_wait3A_104] : memref<48x128xf32, #tpu.memory_space<vmem>> -> memref<32x128xf32, #tpu.memory_space<vmem>>
      %dma_wait3A_106 = arith.constant 0 : i32
      %dma_wait3A_107 = tpu.memref_slice %arg11[%add3A_43, %dma_wait3A_106] : memref<1280x128xf32, #tpu.memory_space<vmem_shared>> -> memref<32x128xf32, #tpu.memory_space<vmem_shared>>
      %dma_wait3A_108 = arith.constant 0 : i32
      %dma_wait3A_109 = tpu.memref_slice %arg11[%add3A_43, %dma_wait3A_108] : memref<1280x128xf32, #tpu.memory_space<vmem_shared>> -> memref<32x128xf32, #tpu.memory_space<vmem_shared>>
      %dma_wait3A_110 = arith.constant 0 : i32
      %dma_wait3A_111 = arith.constant 0 : i32
      %dma_wait3A_112 = tpu.memref_slice %arg12[%dma_wait3A_110, %dma_wait3A_111] : memref<48x128xf32, #tpu.memory_space<vmem>> -> memref<32x128xf32, #tpu.memory_space<vmem>>
      tpu.wait_dma2 semaphore(%run_scoped3A : memref<!tpu.dma_semaphore, #tpu.memory_space<semaphore_mem>>) src(%dma_wait3A_112 : memref<32x128xf32, #tpu.memory_space<vmem>>) dst(%dma_wait3A_109 : memref<32x128xf32, #tpu.memory_space<vmem_shared>>)
      tpu.yield
    }) : () -> ()
    %swap3A = arith.constant 4992 : index
    %swap3A_44 = tpu.vector_load %arg15[%swap3A] {strides = array<i32>} : memref<5056xi32, #tpu.memory_space<vmem>>, vector<16xi32>,
    tpu.vector_store %arg15[%swap3A], %broadcast_in_dim3A_3 {strides = array<i32>} : memref<5056xi32, #tpu.memory_space<vmem>>, vector<16xi32>,
    %swap3A_45 = arith.constant 4992 : index
    %swap3A_46 = tpu.vector_load %arg16[%swap3A_45] {strides = array<i32>} : memref<5056xi32, #tpu.memory_space<vmem>>, vector<16xi32>,
    tpu.vector_store %arg16[%swap3A_45], %broadcast_in_dim3A_3 {strides = array<i32>} : memref<5056xi32, #tpu.memory_space<vmem>>, vector<16xi32>,
    %swap3A_47 = arith.constant 4992 : index
    %swap3A_48 = tpu.vector_load %arg17[%swap3A_47] {strides = array<i32>} : memref<5056xi32, #tpu.memory_space<vmem>>, vector<16xi32>,
    tpu.vector_store %arg17[%swap3A_47], %broadcast_in_dim3A_3 {strides = array<i32>} : memref<5056xi32, #tpu.memory_space<vmem>>, vector<16xi32>,
    %swap3A_49 = arith.constant 5008 : index
    %swap3A_50 = tpu.vector_load %arg15[%swap3A_49] {strides = array<i32>} : memref<5056xi32, #tpu.memory_space<vmem>>, vector<16xi32>,
    tpu.vector_store %arg15[%swap3A_49], %broadcast_in_dim3A_3 {strides = array<i32>} : memref<5056xi32, #tpu.memory_space<vmem>>, vector<16xi32>,
    %swap3A_51 = arith.constant 5008 : index
    %swap3A_52 = tpu.vector_load %arg16[%swap3A_51] {strides = array<i32>} : memref<5056xi32, #tpu.memory_space<vmem>>, vector<16xi32>,
    tpu.vector_store %arg16[%swap3A_51], %broadcast_in_dim3A_3 {strides = array<i32>} : memref<5056xi32, #tpu.memory_space<vmem>>, vector<16xi32>,
    %swap3A_53 = arith.constant 5008 : index
    %swap3A_54 = tpu.vector_load %arg17[%swap3A_53] {strides = array<i32>} : memref<5056xi32, #tpu.memory_space<vmem>>, vector<16xi32>,
    tpu.vector_store %arg17[%swap3A_53], %broadcast_in_dim3A_3 {strides = array<i32>} : memref<5056xi32, #tpu.memory_space<vmem>>, vector<16xi32>,
    %swap3A_55 = arith.constant 5024 : index
    %swap3A_56 = tpu.vector_load %arg15[%swap3A_55] {strides = array<i32>} : memref<5056xi32, #tpu.memory_space<vmem>>, vector<16xi32>,
    tpu.vector_store %arg15[%swap3A_55], %broadcast_in_dim3A_3 {strides = array<i32>} : memref<5056xi32, #tpu.memory_space<vmem>>, vector<16xi32>,
    %swap3A_57 = arith.constant 5024 : index
    %swap3A_58 = tpu.vector_load %arg16[%swap3A_57] {strides = array<i32>} : memref<5056xi32, #tpu.memory_space<vmem>>, vector<16xi32>,
    tpu.vector_store %arg16[%swap3A_57], %broadcast_in_dim3A_3 {strides = array<i32>} : memref<5056xi32, #tpu.memory_space<vmem>>, vector<16xi32>,
    %swap3A_59 = arith.constant 5024 : index
    %swap3A_60 = tpu.vector_load %arg17[%swap3A_59] {strides = array<i32>} : memref<5056xi32, #tpu.memory_space<vmem>>, vector<16xi32>,
    tpu.vector_store %arg17[%swap3A_59], %broadcast_in_dim3A_3 {strides = array<i32>} : memref<5056xi32, #tpu.memory_space<vmem>>, vector<16xi32>,
    %swap3A_61 = arith.constant 5040 : index
    %swap3A_62 = tpu.vector_load %arg15[%swap3A_61] {strides = array<i32>} : memref<5056xi32, #tpu.memory_space<vmem>>, vector<16xi32>,
    tpu.vector_store %arg15[%swap3A_61], %broadcast_in_dim3A_3 {strides = array<i32>} : memref<5056xi32, #tpu.memory_space<vmem>>, vector<16xi32>,
    %swap3A_63 = arith.constant 5040 : index
    %swap3A_64 = tpu.vector_load %arg16[%swap3A_63] {strides = array<i32>} : memref<5056xi32, #tpu.memory_space<vmem>>, vector<16xi32>,
    tpu.vector_store %arg16[%swap3A_63], %broadcast_in_dim3A_3 {strides = array<i32>} : memref<5056xi32, #tpu.memory_space<vmem>>, vector<16xi32>,
    %swap3A_65 = arith.constant 5040 : index
    %swap3A_66 = tpu.vector_load %arg17[%swap3A_65] {strides = array<i32>} : memref<5056xi32, #tpu.memory_space<vmem>>, vector<16xi32>,
    tpu.vector_store %arg17[%swap3A_65], %broadcast_in_dim3A_3 {strides = array<i32>} : memref<5056xi32, #tpu.memory_space<vmem>>, vector<16xi32>,
    %mul3A_67 = arith.constant 5000 : i32
    %mul3A_68 = arith.muli %add3A, %mul3A_67 : i32
    "tpu.region"() ({
      %run_scoped3A = tpu.sem_alloc : memref<!tpu.dma_semaphore, #tpu.memory_space<semaphore_mem>>
      %dma_start3A = arith.constant 0 : i32
      %dma_start3A_95 = tpu.memref_slice %arg15[%dma_start3A] : memref<5056xi32, #tpu.memory_space<vmem>> -> memref<5000xi32, #tpu.memory_space<vmem>>
      %dma_start3A_96 = tpu.memref_slice %arg5[%mul3A_68] : memref<160000xi32, #tpu.memory_space<hbm>> -> memref<5000xi32, #tpu.memory_space<hbm>>
      %dma_start3A_97 = arith.constant 0 : i32
      %dma_start3A_98 = tpu.memref_slice %arg15[%dma_start3A_97] : memref<5056xi32, #tpu.memory_space<vmem>> -> memref<5000xi32, #tpu.memory_space<vmem>>
      %dma_start3A_99 = tpu.memref_slice %arg5[%mul3A_68] : memref<160000xi32, #tpu.memory_space<hbm>> -> memref<5000xi32, #tpu.memory_space<hbm>>
      tpu.enqueue_dma source(%dma_start3A_99 : memref<5000xi32, #tpu.memory_space<hbm>>) target(%dma_start3A_98 : memref<5000xi32, #tpu.memory_space<vmem>>) target_semaphore(%run_scoped3A : memref<!tpu.dma_semaphore, #tpu.memory_space<semaphore_mem>>)
      %dma_wait3A = arith.constant 0 : i32
      %dma_wait3A_100 = tpu.memref_slice %arg15[%dma_wait3A] : memref<5056xi32, #tpu.memory_space<vmem>> -> memref<5000xi32, #tpu.memory_space<vmem>>
      %dma_wait3A_101 = tpu.memref_slice %arg5[%mul3A_68] : memref<160000xi32, #tpu.memory_space<hbm>> -> memref<5000xi32, #tpu.memory_space<hbm>>
      %dma_wait3A_102 = arith.constant 0 : i32
      %dma_wait3A_103 = tpu.memref_slice %arg15[%dma_wait3A_102] : memref<5056xi32, #tpu.memory_space<vmem>> -> memref<5000xi32, #tpu.memory_space<vmem>>
      %dma_wait3A_104 = tpu.memref_slice %arg5[%mul3A_68] : memref<160000xi32, #tpu.memory_space<hbm>> -> memref<5000xi32, #tpu.memory_space<hbm>>
      tpu.wait_dma2 semaphore(%run_scoped3A : memref<!tpu.dma_semaphore, #tpu.memory_space<semaphore_mem>>) src(%dma_wait3A_104 : memref<5000xi32, #tpu.memory_space<hbm>>) dst(%dma_wait3A_103 : memref<5000xi32, #tpu.memory_space<vmem>>)
      tpu.yield
    }) : () -> ()
    "tpu.region"() ({
      %run_scoped3A = tpu.sem_alloc : memref<!tpu.dma_semaphore, #tpu.memory_space<semaphore_mem>>
      %dma_start3A = arith.constant 0 : i32
      %dma_start3A_95 = tpu.memref_slice %arg16[%dma_start3A] : memref<5056xi32, #tpu.memory_space<vmem>> -> memref<5000xi32, #tpu.memory_space<vmem>>
      %dma_start3A_96 = tpu.memref_slice %arg6[%mul3A_68] : memref<160000xi32, #tpu.memory_space<hbm>> -> memref<5000xi32, #tpu.memory_space<hbm>>
      %dma_start3A_97 = arith.constant 0 : i32
      %dma_start3A_98 = tpu.memref_slice %arg16[%dma_start3A_97] : memref<5056xi32, #tpu.memory_space<vmem>> -> memref<5000xi32, #tpu.memory_space<vmem>>
      %dma_start3A_99 = tpu.memref_slice %arg6[%mul3A_68] : memref<160000xi32, #tpu.memory_space<hbm>> -> memref<5000xi32, #tpu.memory_space<hbm>>
      tpu.enqueue_dma source(%dma_start3A_99 : memref<5000xi32, #tpu.memory_space<hbm>>) target(%dma_start3A_98 : memref<5000xi32, #tpu.memory_space<vmem>>) target_semaphore(%run_scoped3A : memref<!tpu.dma_semaphore, #tpu.memory_space<semaphore_mem>>)
      %dma_wait3A = arith.constant 0 : i32
      %dma_wait3A_100 = tpu.memref_slice %arg16[%dma_wait3A] : memref<5056xi32, #tpu.memory_space<vmem>> -> memref<5000xi32, #tpu.memory_space<vmem>>
      %dma_wait3A_101 = tpu.memref_slice %arg6[%mul3A_68] : memref<160000xi32, #tpu.memory_space<hbm>> -> memref<5000xi32, #tpu.memory_space<hbm>>
      %dma_wait3A_102 = arith.constant 0 : i32
      %dma_wait3A_103 = tpu.memref_slice %arg16[%dma_wait3A_102] : memref<5056xi32, #tpu.memory_space<vmem>> -> memref<5000xi32, #tpu.memory_space<vmem>>
      %dma_wait3A_104 = tpu.memref_slice %arg6[%mul3A_68] : memref<160000xi32, #tpu.memory_space<hbm>> -> memref<5000xi32, #tpu.memory_space<hbm>>
      tpu.wait_dma2 semaphore(%run_scoped3A : memref<!tpu.dma_semaphore, #tpu.memory_space<semaphore_mem>>) src(%dma_wait3A_104 : memref<5000xi32, #tpu.memory_space<hbm>>) dst(%dma_wait3A_103 : memref<5000xi32, #tpu.memory_space<vmem>>)
      tpu.yield
    }) : () -> ()
    "tpu.region"() ({
      %run_scoped3A = tpu.sem_alloc : memref<!tpu.dma_semaphore, #tpu.memory_space<semaphore_mem>>
      %dma_start3A = arith.constant 0 : i32
      %dma_start3A_95 = tpu.memref_slice %arg17[%dma_start3A] : memref<5056xi32, #tpu.memory_space<vmem>> -> memref<5000xi32, #tpu.memory_space<vmem>>
      %dma_start3A_96 = tpu.memref_slice %arg4[%mul3A_68] : memref<160000xi32, #tpu.memory_space<hbm>> -> memref<5000xi32, #tpu.memory_space<hbm>>
      %dma_start3A_97 = arith.constant 0 : i32
      %dma_start3A_98 = tpu.memref_slice %arg17[%dma_start3A_97] : memref<5056xi32, #tpu.memory_space<vmem>> -> memref<5000xi32, #tpu.memory_space<vmem>>
      %dma_start3A_99 = tpu.memref_slice %arg4[%mul3A_68] : memref<160000xi32, #tpu.memory_space<hbm>> -> memref<5000xi32, #tpu.memory_space<hbm>>
      tpu.enqueue_dma source(%dma_start3A_99 : memref<5000xi32, #tpu.memory_space<hbm>>) target(%dma_start3A_98 : memref<5000xi32, #tpu.memory_space<vmem>>) target_semaphore(%run_scoped3A : memref<!tpu.dma_semaphore, #tpu.memory_space<semaphore_mem>>)
      %dma_wait3A = arith.constant 0 : i32
      %dma_wait3A_100 = tpu.memref_slice %arg17[%dma_wait3A] : memref<5056xi32, #tpu.memory_space<vmem>> -> memref<5000xi32, #tpu.memory_space<vmem>>
      %dma_wait3A_101 = tpu.memref_slice %arg4[%mul3A_68] : memref<160000xi32, #tpu.memory_space<hbm>> -> memref<5000xi32, #tpu.memory_space<hbm>>
      %dma_wait3A_102 = arith.constant 0 : i32
      %dma_wait3A_103 = tpu.memref_slice %arg17[%dma_wait3A_102] : memref<5056xi32, #tpu.memory_space<vmem>> -> memref<5000xi32, #tpu.memory_space<vmem>>
      %dma_wait3A_104 = tpu.memref_slice %arg4[%mul3A_68] : memref<160000xi32, #tpu.memory_space<hbm>> -> memref<5000xi32, #tpu.memory_space<hbm>>
      tpu.wait_dma2 semaphore(%run_scoped3A : memref<!tpu.dma_semaphore, #tpu.memory_space<semaphore_mem>>) src(%dma_wait3A_104 : memref<5000xi32, #tpu.memory_space<hbm>>) dst(%dma_wait3A_103 : memref<5000xi32, #tpu.memory_space<vmem>>)
      tpu.yield
    }) : () -> ()
    %scan3A_69 = arith.constant 0 : i32
    %scan3A_70 = arith.constant 0 : i32
    %scan3A_71 = arith.constant 316 : i32
    %scan3A_72 = arith.addi %scan3A_70, %scan3A_71 : i32
    %scan3A_73 = arith.constant 1 : i32
    %scan3A_74 = scf.for %scan3A_95 = %scan3A_70 to %scan3A_72 step %scan3A_73 iter_args(%scan3A_96 = %scan3A_69) -> (i32)  : i32 {
      %mul3A_97 = arith.constant 16 : i32
      %mul3A_98 = arith.muli %scan3A_95, %mul3A_97 : i32
      %get3A = arith.index_cast %mul3A_98 : i32 to index
      %get3A_99 = tpu.vector_load %arg17[%get3A] {strides = array<i32>} : memref<5056xi32, #tpu.memory_space<vmem>>, vector<16xi32>,
      %mul3A_100 = arith.constant 8 : i32
      %mul3A_101 = vector.broadcast %mul3A_100 : i32 to vector<16xi32>
      %mul3A_102 = arith.muli %get3A_99, %mul3A_101 : vector<16xi32>
      %get3A_103 = arith.index_cast %mul3A_98 : i32 to index
      %get3A_104 = tpu.vector_load %arg16[%get3A_103] {strides = array<i32>} : memref<5056xi32, #tpu.memory_space<vmem>>, vector<16xi32>,
      %add3A_105 = arith.addi %mul3A_102, %get3A_104 : vector<16xi32>
      %swap3A_106 = arith.index_cast %mul3A_98 : i32 to index
      %swap3A_107 = tpu.vector_load %arg17[%swap3A_106] {strides = array<i32>} : memref<5056xi32, #tpu.memory_space<vmem>>, vector<16xi32>,
      tpu.vector_store %arg17[%swap3A_106], %add3A_105 {strides = array<i32>} : memref<5056xi32, #tpu.memory_space<vmem>>, vector<16xi32>,
      %scan3A_108 = arith.constant 0 : i32
      scf.yield %scan3A_108 : i32
    }
    %scan3A_75 = arith.constant 316 : i32
    %barrier3A = arith.constant 0 : index
    tpu.barrier barrier_id(%barrier3A)
    %scan3A_76 = arith.constant 0 : i32
    %scan3A_77 = arith.constant 0 : i32
    %scan3A_78 = arith.constant 105 : i32
    %scan3A_79 = arith.addi %scan3A_77, %scan3A_78 : i32
    %scan3A_80 = arith.constant 1 : i32
    %scan3A_81 = scf.for %scan3A_95 = %scan3A_77 to %scan3A_79 step %scan3A_80 iter_args(%scan3A_96 = %scan3A_76) -> (i32)  : i32 {
      %mul3A_97 = arith.constant 48 : i32
      %mul3A_98 = arith.muli %scan3A_95, %mul3A_97 : i32
      %add3A_99 = arith.constant 0 : i32
      %add3A_100 = arith.addi %mul3A_98, %add3A_99 : i32
      %get3A = arith.index_cast %add3A_100 : i32 to index
      %get3A_101 = tpu.vector_load %arg15[%get3A] {strides = array<i32>} : memref<5056xi32, #tpu.memory_space<vmem>>, vector<16xi32>,
      %add3A_102 = arith.constant 0 : i32
      %add3A_103 = arith.addi %mul3A_98, %add3A_102 : i32
      %get3A_104 = arith.index_cast %add3A_103 : i32 to index
      %get3A_105 = tpu.vector_load %arg17[%get3A_104] {strides = array<i32>} : memref<5056xi32, #tpu.memory_space<vmem>>, vector<16xi32>,
      %swap3A_106 = arith.constant 0 : index
      %swap3A_107 = tpu.vector_load %arg18[%swap3A_106] {strides = array<i32>} : memref<48xi32, #tpu.memory_space<vmem>>, vector<16xi32>,
      tpu.vector_store %arg18[%swap3A_106], %get3A_105 {strides = array<i32>} : memref<48xi32, #tpu.memory_space<vmem>>, vector<16xi32>,
      %swap3A_108 = arith.constant 0 : index
      %swap3A_109 = tpu.vector_load %arg19[%swap3A_108] {strides = array<i32>} : memref<48xi32, #tpu.memory_space<vmem>>, vector<16xi32>,
      tpu.vector_store %arg19[%swap3A_108], %get3A_101 {strides = array<i32>} : memref<48xi32, #tpu.memory_space<vmem>>, vector<16xi32>,
      %shift_right_logical3A = arith.constant 3 : i32
      %shift_right_logical3A_110 = vector.broadcast %shift_right_logical3A : i32 to vector<16xi32>
      %shift_right_logical3A_111 = arith.shrui %get3A_101, %shift_right_logical3A_110 : vector<16xi32>
      %swap3A_112 = arith.constant 0 : index
      %swap3A_113 = tpu.vector_load %arg20[%swap3A_112] {strides = array<i32>} : memref<48xi32, #tpu.memory_space<vmem>>, vector<16xi32>,
      tpu.vector_store %arg20[%swap3A_112], %shift_right_logical3A_111 {strides = array<i32>} : memref<48xi32, #tpu.memory_space<vmem>>, vector<16xi32>,
      %add3A_114 = arith.constant 16 : i32
      %add3A_115 = arith.addi %mul3A_98, %add3A_114 : i32
      %get3A_116 = arith.index_cast %add3A_115 : i32 to index
      %get3A_117 = tpu.vector_load %arg15[%get3A_116] {strides = array<i32>} : memref<5056xi32, #tpu.memory_space<vmem>>, vector<16xi32>,
      %add3A_118 = arith.constant 16 : i32
      %add3A_119 = arith.addi %mul3A_98, %add3A_118 : i32
      %get3A_120 = arith.index_cast %add3A_119 : i32 to index
      %get3A_121 = tpu.vector_load %arg17[%get3A_120] {strides = array<i32>} : memref<5056xi32, #tpu.memory_space<vmem>>, vector<16xi32>,
      %swap3A_122 = arith.constant 16 : index
      %swap3A_123 = tpu.vector_load %arg18[%swap3A_122] {strides = array<i32>} : memref<48xi32, #tpu.memory_space<vmem>>, vector<16xi32>,
      tpu.vector_store %arg18[%swap3A_122], %get3A_121 {strides = array<i32>} : memref<48xi32, #tpu.memory_space<vmem>>, vector<16xi32>,
      %swap3A_124 = arith.constant 16 : index
      %swap3A_125 = tpu.vector_load %arg19[%swap3A_124] {strides = array<i32>} : memref<48xi32, #tpu.memory_space<vmem>>, vector<16xi32>,
      tpu.vector_store %arg19[%swap3A_124], %get3A_117 {strides = array<i32>} : memref<48xi32, #tpu.memory_space<vmem>>, vector<16xi32>,
      %shift_right_logical3A_126 = arith.constant 3 : i32
      %shift_right_logical3A_127 = vector.broadcast %shift_right_logical3A_126 : i32 to vector<16xi32>
      %shift_right_logical3A_128 = arith.shrui %get3A_117, %shift_right_logical3A_127 : vector<16xi32>
      %swap3A_129 = arith.constant 16 : index
      %swap3A_130 = tpu.vector_load %arg20[%swap3A_129] {strides = array<i32>} : memref<48xi32, #tpu.memory_space<vmem>>, vector<16xi32>,
      tpu.vector_store %arg20[%swap3A_129], %shift_right_logical3A_128 {strides = array<i32>} : memref<48xi32, #tpu.memory_space<vmem>>, vector<16xi32>,
      %add3A_131 = arith.constant 32 : i32
      %add3A_132 = arith.addi %mul3A_98, %add3A_131 : i32
      %get3A_133 = arith.index_cast %add3A_132 : i32 to index
      %get3A_134 = tpu.vector_load %arg15[%get3A_133] {strides = array<i32>} : memref<5056xi32, #tpu.memory_space<vmem>>, vector<16xi32>,
      %add3A_135 = arith.constant 32 : i32
      %add3A_136 = arith.addi %mul3A_98, %add3A_135 : i32
      %get3A_137 = arith.index_cast %add3A_136 : i32 to index
      %get3A_138 = tpu.vector_load %arg17[%get3A_137] {strides = array<i32>} : memref<5056xi32, #tpu.memory_space<vmem>>, vector<16xi32>,
      %swap3A_139 = arith.constant 32 : index
      %swap3A_140 = tpu.vector_load %arg18[%swap3A_139] {strides = array<i32>} : memref<48xi32, #tpu.memory_space<vmem>>, vector<16xi32>,
      tpu.vector_store %arg18[%swap3A_139], %get3A_138 {strides = array<i32>} : memref<48xi32, #tpu.memory_space<vmem>>, vector<16xi32>,
      %swap3A_141 = arith.constant 32 : index
      %swap3A_142 = tpu.vector_load %arg19[%swap3A_141] {strides = array<i32>} : memref<48xi32, #tpu.memory_space<vmem>>, vector<16xi32>,
      tpu.vector_store %arg19[%swap3A_141], %get3A_134 {strides = array<i32>} : memref<48xi32, #tpu.memory_space<vmem>>, vector<16xi32>,
      %shift_right_logical3A_143 = arith.constant 3 : i32
      %shift_right_logical3A_144 = vector.broadcast %shift_right_logical3A_143 : i32 to vector<16xi32>
      %shift_right_logical3A_145 = arith.shrui %get3A_134, %shift_right_logical3A_144 : vector<16xi32>
      %swap3A_146 = arith.constant 32 : index
      %swap3A_147 = tpu.vector_load %arg20[%swap3A_146] {strides = array<i32>} : memref<48xi32, #tpu.memory_space<vmem>>, vector<16xi32>,
      tpu.vector_store %arg20[%swap3A_146], %shift_right_logical3A_145 {strides = array<i32>} : memref<48xi32, #tpu.memory_space<vmem>>, vector<16xi32>,
      %dma_start3A = arith.constant 0 : i32
      %dma_start3A_148 = arith.constant 0 : i32
      %dma_start3A_149 = tpu.memref_slice %arg2[%dma_start3A, %dma_start3A_148] : memref<80000x128xf32, #tpu.memory_space<hbm>> -> memref<80000x128xf32, #tpu.memory_space<hbm>>
      tpu.enqueue_indirect_dma source(%dma_start3A_149 : memref<80000x128xf32, #tpu.memory_space<hbm>>) target(%arg12 : memref<48x128xf32, #tpu.memory_space<vmem>>) offsets(%arg18 : memref<48xi32, #tpu.memory_space<vmem>>) semaphore(%arg22 : memref<!tpu.dma_semaphore, #tpu.memory_space<semaphore_mem>>)
      %dma_start3A_150 = arith.constant 0 : i32
      %dma_start3A_151 = arith.constant 0 : i32
      %dma_start3A_152 = tpu.memref_slice %arg3[%dma_start3A_150, %dma_start3A_151] : memref<10000x128xf32, #tpu.memory_space<hbm>> -> memref<10000x128xf32, #tpu.memory_space<hbm>>
      tpu.enqueue_indirect_dma source(%dma_start3A_152 : memref<10000x128xf32, #tpu.memory_space<hbm>>) target(%arg13 : memref<48x128xf32, #tpu.memory_space<vmem>>) offsets(%arg19 : memref<48xi32, #tpu.memory_space<vmem>>) semaphore(%arg23 : memref<!tpu.dma_semaphore, #tpu.memory_space<semaphore_mem>>)
      %dma_wait3A = arith.constant 0 : i32
      %dma_wait3A_153 = arith.constant 0 : i32
      %dma_wait3A_154 = tpu.memref_slice %arg2[%dma_wait3A, %dma_wait3A_153] : memref<80000x128xf32, #tpu.memory_space<hbm>> -> memref<80000x128xf32, #tpu.memory_space<hbm>>
      tpu.wait_indirect_dma semaphore(%arg22 : memref<!tpu.dma_semaphore, #tpu.memory_space<semaphore_mem>>) src(%dma_wait3A_154 : memref<80000x128xf32, #tpu.memory_space<hbm>>) dst(%arg12 : memref<48x128xf32, #tpu.memory_space<vmem>>)
      %dma_wait3A_155 = arith.constant 0 : i32
      %dma_wait3A_156 = arith.constant 0 : i32
      %dma_wait3A_157 = tpu.memref_slice %arg3[%dma_wait3A_155, %dma_wait3A_156] : memref<10000x128xf32, #tpu.memory_space<hbm>> -> memref<10000x128xf32, #tpu.memory_space<hbm>>
      tpu.wait_indirect_dma semaphore(%arg23 : memref<!tpu.dma_semaphore, #tpu.memory_space<semaphore_mem>>) src(%dma_wait3A_157 : memref<10000x128xf32, #tpu.memory_space<hbm>>) dst(%arg13 : memref<48x128xf32, #tpu.memory_space<vmem>>)
      %scan3A_158 = arith.constant 0 : i32
      %scan3A_159 = arith.constant 0 : i32
      %scan3A_160 = arith.constant 3 : i32
      %scan3A_161 = arith.addi %scan3A_159, %scan3A_160 : i32
      %scan3A_162 = arith.constant 1 : i32
      %scan3A_163 = scf.for %scan3A_178 = %scan3A_159 to %scan3A_161 step %scan3A_162 iter_args(%scan3A_179 = %scan3A_158) -> (i32)  : i32 {
        %mul3A_180 = arith.constant 16 : i32
        %mul3A_181 = arith.muli %scan3A_178, %mul3A_180 : i32
        %add3A_182 = vector.broadcast %mul3A_181 : i32 to vector<16xi32>
        %add3A_183 = arith.addi %add3A_182, %iota3A : vector<16xi32>
        %add3A_184 = arith.addi %mul3A_98, %mul3A_181 : i32
        %add3A_185 = vector.broadcast %add3A_184 : i32 to vector<16xi32>
        %add3A_186 = arith.addi %add3A_185, %iota3A : vector<16xi32>
        %lt3A = arith.constant 5000 : i32
        %lt3A_187 = vector.broadcast %lt3A : i32 to vector<16xi32>
        %lt3A_188 = arith.cmpi slt, %add3A_186, %lt3A_187 : vector<16xi32>
        %add3A_189 = arith.addi %mul3A_98, %mul3A_181 : i32
        %get3A_190 = arith.index_cast %add3A_189 : i32 to index
        %get3A_191 = tpu.vector_load %arg16[%get3A_190] {strides = array<i32>} : memref<5056xi32, #tpu.memory_space<vmem>>, vector<16xi32>,
        %add3A_192 = arith.addi %mul3A_98, %mul3A_181 : i32
        %get3A_193 = arith.index_cast %add3A_192 : i32 to index
        %get3A_194 = tpu.vector_load %arg15[%get3A_193] {strides = array<i32>} : memref<5056xi32, #tpu.memory_space<vmem>>, vector<16xi32>,
        %and3A = arith.constant 7 : i32
        %and3A_195 = vector.broadcast %and3A : i32 to vector<16xi32>
        %and3A_196 = arith.andi %get3A_194, %and3A_195 : vector<16xi32>
        %mul3A_197 = arith.constant 16 : i32
        %mul3A_198 = vector.broadcast %mul3A_197 : i32 to vector<16xi32>
        %mul3A_199 = arith.muli %and3A_196, %mul3A_198 : vector<16xi32>
        %broadcast_in_dim3A_200 = arith.constant 0 : i32
        %broadcast_in_dim3A_201 = vector.broadcast %broadcast_in_dim3A_200 : i32 to vector<16xi32>
        %gather3A = tpu.vector_load_idx %arg12[%add3A_183, %broadcast_in_dim3A_201] : memref<48x128xf32, #tpu.memory_space<vmem>>[vector<16xi32>, vector<16xi32>], vector<16xf32>,
        %gather3A_202 = tpu.vector_load_idx %arg13[%add3A_183, %broadcast_in_dim3A_201] : memref<48x128xf32, #tpu.memory_space<vmem>>[vector<16xi32>, vector<16xi32>], vector<16xf32>,
        %mul3A_203 = arith.mulf %gather3A, %gather3A_202 : vector<16xf32>
        %add3A_204 = arith.addf %broadcast_in_dim3A_1, %mul3A_203 : vector<16xf32>
        %broadcast_in_dim3A_205 = arith.constant 1 : i32
        %broadcast_in_dim3A_206 = vector.broadcast %broadcast_in_dim3A_205 : i32 to vector<16xi32>
        %gather3A_207 = tpu.vector_load_idx %arg12[%add3A_183, %broadcast_in_dim3A_206] : memref<48x128xf32, #tpu.memory_space<vmem>>[vector<16xi32>, vector<16xi32>], vector<16xf32>,
        %gather3A_208 = tpu.vector_load_idx %arg13[%add3A_183, %broadcast_in_dim3A_206] : memref<48x128xf32, #tpu.memory_space<vmem>>[vector<16xi32>, vector<16xi32>], vector<16xf32>,
        %mul3A_209 = arith.mulf %gather3A_207, %gather3A_208 : vector<16xf32>
        %add3A_210 = arith.addf %add3A_204, %mul3A_209 : vector<16xf32>
        %broadcast_in_dim3A_211 = arith.constant 2 : i32
        %broadcast_in_dim3A_212 = vector.broadcast %broadcast_in_dim3A_211 : i32 to vector<16xi32>
        %gather3A_213 = tpu.vector_load_idx %arg12[%add3A_183, %broadcast_in_dim3A_212] : memref<48x128xf32, #tpu.memory_space<vmem>>[vector<16xi32>, vector<16xi32>], vector<16xf32>,
        %gather3A_214 = tpu.vector_load_idx %arg13[%add3A_183, %broadcast_in_dim3A_212] : memref<48x128xf32, #tpu.memory_space<vmem>>[vector<16xi32>, vector<16xi32>], vector<16xf32>,
        %mul3A_215 = arith.mulf %gather3A_213, %gather3A_214 : vector<16xf32>
        %add3A_216 = arith.addf %add3A_210, %mul3A_215 : vector<16xf32>
        %broadcast_in_dim3A_217 = arith.constant 3 : i32
        %broadcast_in_dim3A_218 = vector.broadcast %broadcast_in_dim3A_217 : i32 to vector<16xi32>
        %gather3A_219 = tpu.vector_load_idx %arg12[%add3A_183, %broadcast_in_dim3A_218] : memref<48x128xf32, #tpu.memory_space<vmem>>[vector<16xi32>, vector<16xi32>], vector<16xf32>,
        %gather3A_220 = tpu.vector_load_idx %arg13[%add3A_183, %broadcast_in_dim3A_218] : memref<48x128xf32, #tpu.memory_space<vmem>>[vector<16xi32>, vector<16xi32>], vector<16xf32>,
        %mul3A_221 = arith.mulf %gather3A_219, %gather3A_220 : vector<16xf32>
        %add3A_222 = arith.addf %add3A_216, %mul3A_221 : vector<16xf32>
        %broadcast_in_dim3A_223 = arith.constant 4 : i32
        %broadcast_in_dim3A_224 = vector.broadcast %broadcast_in_dim3A_223 : i32 to vector<16xi32>
        %gather3A_225 = tpu.vector_load_idx %arg12[%add3A_183, %broadcast_in_dim3A_224] : memref<48x128xf32, #tpu.memory_space<vmem>>[vector<16xi32>, vector<16xi32>], vector<16xf32>,
        %gather3A_226 = tpu.vector_load_idx %arg13[%add3A_183, %broadcast_in_dim3A_224] : memref<48x128xf32, #tpu.memory_space<vmem>>[vector<16xi32>, vector<16xi32>], vector<16xf32>,
        %mul3A_227 = arith.mulf %gather3A_225, %gather3A_226 : vector<16xf32>
        %add3A_228 = arith.addf %add3A_222, %mul3A_227 : vector<16xf32>
        %broadcast_in_dim3A_229 = arith.constant 5 : i32
        %broadcast_in_dim3A_230 = vector.broadcast %broadcast_in_dim3A_229 : i32 to vector<16xi32>
        %gather3A_231 = tpu.vector_load_idx %arg12[%add3A_183, %broadcast_in_dim3A_230] : memref<48x128xf32, #tpu.memory_space<vmem>>[vector<16xi32>, vector<16xi32>], vector<16xf32>,
        %gather3A_232 = tpu.vector_load_idx %arg13[%add3A_183, %broadcast_in_dim3A_230] : memref<48x128xf32, #tpu.memory_space<vmem>>[vector<16xi32>, vector<16xi32>], vector<16xf32>,
        %mul3A_233 = arith.mulf %gather3A_231, %gather3A_232 : vector<16xf32>
        %add3A_234 = arith.addf %add3A_228, %mul3A_233 : vector<16xf32>
        %broadcast_in_dim3A_235 = arith.constant 6 : i32
        %broadcast_in_dim3A_236 = vector.broadcast %broadcast_in_dim3A_235 : i32 to vector<16xi32>
        %gather3A_237 = tpu.vector_load_idx %arg12[%add3A_183, %broadcast_in_dim3A_236] : memref<48x128xf32, #tpu.memory_space<vmem>>[vector<16xi32>, vector<16xi32>], vector<16xf32>,
        %gather3A_238 = tpu.vector_load_idx %arg13[%add3A_183, %broadcast_in_dim3A_236] : memref<48x128xf32, #tpu.memory_space<vmem>>[vector<16xi32>, vector<16xi32>], vector<16xf32>,
        %mul3A_239 = arith.mulf %gather3A_237, %gather3A_238 : vector<16xf32>
        %add3A_240 = arith.addf %add3A_234, %mul3A_239 : vector<16xf32>
        %broadcast_in_dim3A_241 = arith.constant 7 : i32
        %broadcast_in_dim3A_242 = vector.broadcast %broadcast_in_dim3A_241 : i32 to vector<16xi32>
        %gather3A_243 = tpu.vector_load_idx %arg12[%add3A_183, %broadcast_in_dim3A_242] : memref<48x128xf32, #tpu.memory_space<vmem>>[vector<16xi32>, vector<16xi32>], vector<16xf32>,
        %gather3A_244 = tpu.vector_load_idx %arg13[%add3A_183, %broadcast_in_dim3A_242] : memref<48x128xf32, #tpu.memory_space<vmem>>[vector<16xi32>, vector<16xi32>], vector<16xf32>,
        %mul3A_245 = arith.mulf %gather3A_243, %gather3A_244 : vector<16xf32>
        %add3A_246 = arith.addf %add3A_240, %mul3A_245 : vector<16xf32>
        %broadcast_in_dim3A_247 = arith.constant 8 : i32
        %broadcast_in_dim3A_248 = vector.broadcast %broadcast_in_dim3A_247 : i32 to vector<16xi32>
        %gather3A_249 = tpu.vector_load_idx %arg12[%add3A_183, %broadcast_in_dim3A_248] : memref<48x128xf32, #tpu.memory_space<vmem>>[vector<16xi32>, vector<16xi32>], vector<16xf32>,
        %gather3A_250 = tpu.vector_load_idx %arg13[%add3A_183, %broadcast_in_dim3A_248] : memref<48x128xf32, #tpu.memory_space<vmem>>[vector<16xi32>, vector<16xi32>], vector<16xf32>,
        %mul3A_251 = arith.mulf %gather3A_249, %gather3A_250 : vector<16xf32>
        %add3A_252 = arith.addf %add3A_246, %mul3A_251 : vector<16xf32>
        %broadcast_in_dim3A_253 = arith.constant 9 : i32
        %broadcast_in_dim3A_254 = vector.broadcast %broadcast_in_dim3A_253 : i32 to vector<16xi32>
        %gather3A_255 = tpu.vector_load_idx %arg12[%add3A_183, %broadcast_in_dim3A_254] : memref<48x128xf32, #tpu.memory_space<vmem>>[vector<16xi32>, vector<16xi32>], vector<16xf32>,
        %gather3A_256 = tpu.vector_load_idx %arg13[%add3A_183, %broadcast_in_dim3A_254] : memref<48x128xf32, #tpu.memory_space<vmem>>[vector<16xi32>, vector<16xi32>], vector<16xf32>,
        %mul3A_257 = arith.mulf %gather3A_255, %gather3A_256 : vector<16xf32>
        %add3A_258 = arith.addf %add3A_252, %mul3A_257 : vector<16xf32>
        %broadcast_in_dim3A_259 = arith.constant 10 : i32
        %broadcast_in_dim3A_260 = vector.broadcast %broadcast_in_dim3A_259 : i32 to vector<16xi32>
        %gather3A_261 = tpu.vector_load_idx %arg12[%add3A_183, %broadcast_in_dim3A_260] : memref<48x128xf32, #tpu.memory_space<vmem>>[vector<16xi32>, vector<16xi32>], vector<16xf32>,
        %gather3A_262 = tpu.vector_load_idx %arg13[%add3A_183, %broadcast_in_dim3A_260] : memref<48x128xf32, #tpu.memory_space<vmem>>[vector<16xi32>, vector<16xi32>], vector<16xf32>,
        %mul3A_263 = arith.mulf %gather3A_261, %gather3A_262 : vector<16xf32>
        %add3A_264 = arith.addf %add3A_258, %mul3A_263 : vector<16xf32>
        %broadcast_in_dim3A_265 = arith.constant 11 : i32
        %broadcast_in_dim3A_266 = vector.broadcast %broadcast_in_dim3A_265 : i32 to vector<16xi32>
        %gather3A_267 = tpu.vector_load_idx %arg12[%add3A_183, %broadcast_in_dim3A_266] : memref<48x128xf32, #tpu.memory_space<vmem>>[vector<16xi32>, vector<16xi32>], vector<16xf32>,
        %gather3A_268 = tpu.vector_load_idx %arg13[%add3A_183, %broadcast_in_dim3A_266] : memref<48x128xf32, #tpu.memory_space<vmem>>[vector<16xi32>, vector<16xi32>], vector<16xf32>,
        %mul3A_269 = arith.mulf %gather3A_267, %gather3A_268 : vector<16xf32>
        %add3A_270 = arith.addf %add3A_264, %mul3A_269 : vector<16xf32>
        %broadcast_in_dim3A_271 = arith.constant 12 : i32
        %broadcast_in_dim3A_272 = vector.broadcast %broadcast_in_dim3A_271 : i32 to vector<16xi32>
        %gather3A_273 = tpu.vector_load_idx %arg12[%add3A_183, %broadcast_in_dim3A_272] : memref<48x128xf32, #tpu.memory_space<vmem>>[vector<16xi32>, vector<16xi32>], vector<16xf32>,
        %gather3A_274 = tpu.vector_load_idx %arg13[%add3A_183, %broadcast_in_dim3A_272] : memref<48x128xf32, #tpu.memory_space<vmem>>[vector<16xi32>, vector<16xi32>], vector<16xf32>,
        %mul3A_275 = arith.mulf %gather3A_273, %gather3A_274 : vector<16xf32>
        %add3A_276 = arith.addf %add3A_270, %mul3A_275 : vector<16xf32>
        %broadcast_in_dim3A_277 = arith.constant 13 : i32
        %broadcast_in_dim3A_278 = vector.broadcast %broadcast_in_dim3A_277 : i32 to vector<16xi32>
        %gather3A_279 = tpu.vector_load_idx %arg12[%add3A_183, %broadcast_in_dim3A_278] : memref<48x128xf32, #tpu.memory_space<vmem>>[vector<16xi32>, vector<16xi32>], vector<16xf32>,
        %gather3A_280 = tpu.vector_load_idx %arg13[%add3A_183, %broadcast_in_dim3A_278] : memref<48x128xf32, #tpu.memory_space<vmem>>[vector<16xi32>, vector<16xi32>], vector<16xf32>,
        %mul3A_281 = arith.mulf %gather3A_279, %gather3A_280 : vector<16xf32>
        %add3A_282 = arith.addf %add3A_276, %mul3A_281 : vector<16xf32>
        %broadcast_in_dim3A_283 = arith.constant 14 : i32
        %broadcast_in_dim3A_284 = vector.broadcast %broadcast_in_dim3A_283 : i32 to vector<16xi32>
        %gather3A_285 = tpu.vector_load_idx %arg12[%add3A_183, %broadcast_in_dim3A_284] : memref<48x128xf32, #tpu.memory_space<vmem>>[vector<16xi32>, vector<16xi32>], vector<16xf32>,
        %gather3A_286 = tpu.vector_load_idx %arg13[%add3A_183, %broadcast_in_dim3A_284] : memref<48x128xf32, #tpu.memory_space<vmem>>[vector<16xi32>, vector<16xi32>], vector<16xf32>,
        %mul3A_287 = arith.mulf %gather3A_285, %gather3A_286 : vector<16xf32>
        %add3A_288 = arith.addf %add3A_282, %mul3A_287 : vector<16xf32>
        %broadcast_in_dim3A_289 = arith.constant 15 : i32
        %broadcast_in_dim3A_290 = vector.broadcast %broadcast_in_dim3A_289 : i32 to vector<16xi32>
        %gather3A_291 = tpu.vector_load_idx %arg12[%add3A_183, %broadcast_in_dim3A_290] : memref<48x128xf32, #tpu.memory_space<vmem>>[vector<16xi32>, vector<16xi32>], vector<16xf32>,
        %gather3A_292 = tpu.vector_load_idx %arg13[%add3A_183, %broadcast_in_dim3A_290] : memref<48x128xf32, #tpu.memory_space<vmem>>[vector<16xi32>, vector<16xi32>], vector<16xf32>,
        %mul3A_293 = arith.mulf %gather3A_291, %gather3A_292 : vector<16xf32>
        %add3A_294 = arith.addf %add3A_288, %mul3A_293 : vector<16xf32>
        %broadcast_in_dim3A_295 = arith.constant 16 : i32
        %broadcast_in_dim3A_296 = vector.broadcast %broadcast_in_dim3A_295 : i32 to vector<16xi32>
        %gather3A_297 = tpu.vector_load_idx %arg12[%add3A_183, %broadcast_in_dim3A_296] : memref<48x128xf32, #tpu.memory_space<vmem>>[vector<16xi32>, vector<16xi32>], vector<16xf32>,
        %gather3A_298 = tpu.vector_load_idx %arg13[%add3A_183, %broadcast_in_dim3A_296] : memref<48x128xf32, #tpu.memory_space<vmem>>[vector<16xi32>, vector<16xi32>], vector<16xf32>,
        %mul3A_299 = arith.mulf %gather3A_297, %gather3A_298 : vector<16xf32>
        %add3A_300 = arith.addf %add3A_294, %mul3A_299 : vector<16xf32>
        %broadcast_in_dim3A_301 = arith.constant 17 : i32
        %broadcast_in_dim3A_302 = vector.broadcast %broadcast_in_dim3A_301 : i32 to vector<16xi32>
        %gather3A_303 = tpu.vector_load_idx %arg12[%add3A_183, %broadcast_in_dim3A_302] : memref<48x128xf32, #tpu.memory_space<vmem>>[vector<16xi32>, vector<16xi32>], vector<16xf32>,
        %gather3A_304 = tpu.vector_load_idx %arg13[%add3A_183, %broadcast_in_dim3A_302] : memref<48x128xf32, #tpu.memory_space<vmem>>[vector<16xi32>, vector<16xi32>], vector<16xf32>,
        %mul3A_305 = arith.mulf %gather3A_303, %gather3A_304 : vector<16xf32>
        %add3A_306 = arith.addf %add3A_300, %mul3A_305 : vector<16xf32>
        %broadcast_in_dim3A_307 = arith.constant 18 : i32
        %broadcast_in_dim3A_308 = vector.broadcast %broadcast_in_dim3A_307 : i32 to vector<16xi32>
        %gather3A_309 = tpu.vector_load_idx %arg12[%add3A_183, %broadcast_in_dim3A_308] : memref<48x128xf32, #tpu.memory_space<vmem>>[vector<16xi32>, vector<16xi32>], vector<16xf32>,
        %gather3A_310 = tpu.vector_load_idx %arg13[%add3A_183, %broadcast_in_dim3A_308] : memref<48x128xf32, #tpu.memory_space<vmem>>[vector<16xi32>, vector<16xi32>], vector<16xf32>,
        %mul3A_311 = arith.mulf %gather3A_309, %gather3A_310 : vector<16xf32>
        %add3A_312 = arith.addf %add3A_306, %mul3A_311 : vector<16xf32>
        %broadcast_in_dim3A_313 = arith.constant 19 : i32
        %broadcast_in_dim3A_314 = vector.broadcast %broadcast_in_dim3A_313 : i32 to vector<16xi32>
        %gather3A_315 = tpu.vector_load_idx %arg12[%add3A_183, %broadcast_in_dim3A_314] : memref<48x128xf32, #tpu.memory_space<vmem>>[vector<16xi32>, vector<16xi32>], vector<16xf32>,
        %gather3A_316 = tpu.vector_load_idx %arg13[%add3A_183, %broadcast_in_dim3A_314] : memref<48x128xf32, #tpu.memory_space<vmem>>[vector<16xi32>, vector<16xi32>], vector<16xf32>,
        %mul3A_317 = arith.mulf %gather3A_315, %gather3A_316 : vector<16xf32>
        %add3A_318 = arith.addf %add3A_312, %mul3A_317 : vector<16xf32>
        %broadcast_in_dim3A_319 = arith.constant 20 : i32
        %broadcast_in_dim3A_320 = vector.broadcast %broadcast_in_dim3A_319 : i32 to vector<16xi32>
        %gather3A_321 = tpu.vector_load_idx %arg12[%add3A_183, %broadcast_in_dim3A_320] : memref<48x128xf32, #tpu.memory_space<vmem>>[vector<16xi32>, vector<16xi32>], vector<16xf32>,
        %gather3A_322 = tpu.vector_load_idx %arg13[%add3A_183, %broadcast_in_dim3A_320] : memref<48x128xf32, #tpu.memory_space<vmem>>[vector<16xi32>, vector<16xi32>], vector<16xf32>,
        %mul3A_323 = arith.mulf %gather3A_321, %gather3A_322 : vector<16xf32>
        %add3A_324 = arith.addf %add3A_318, %mul3A_323 : vector<16xf32>
        %broadcast_in_dim3A_325 = arith.constant 21 : i32
        %broadcast_in_dim3A_326 = vector.broadcast %broadcast_in_dim3A_325 : i32 to vector<16xi32>
        %gather3A_327 = tpu.vector_load_idx %arg12[%add3A_183, %broadcast_in_dim3A_326] : memref<48x128xf32, #tpu.memory_space<vmem>>[vector<16xi32>, vector<16xi32>], vector<16xf32>,
        %gather3A_328 = tpu.vector_load_idx %arg13[%add3A_183, %broadcast_in_dim3A_326] : memref<48x128xf32, #tpu.memory_space<vmem>>[vector<16xi32>, vector<16xi32>], vector<16xf32>,
        %mul3A_329 = arith.mulf %gather3A_327, %gather3A_328 : vector<16xf32>
        %add3A_330 = arith.addf %add3A_324, %mul3A_329 : vector<16xf32>
        %broadcast_in_dim3A_331 = arith.constant 22 : i32
        %broadcast_in_dim3A_332 = vector.broadcast %broadcast_in_dim3A_331 : i32 to vector<16xi32>
        %gather3A_333 = tpu.vector_load_idx %arg12[%add3A_183, %broadcast_in_dim3A_332] : memref<48x128xf32, #tpu.memory_space<vmem>>[vector<16xi32>, vector<16xi32>], vector<16xf32>,
        %gather3A_334 = tpu.vector_load_idx %arg13[%add3A_183, %broadcast_in_dim3A_332] : memref<48x128xf32, #tpu.memory_space<vmem>>[vector<16xi32>, vector<16xi32>], vector<16xf32>,
        %mul3A_335 = arith.mulf %gather3A_333, %gather3A_334 : vector<16xf32>
        %add3A_336 = arith.addf %add3A_330, %mul3A_335 : vector<16xf32>
        %broadcast_in_dim3A_337 = arith.constant 23 : i32
        %broadcast_in_dim3A_338 = vector.broadcast %broadcast_in_dim3A_337 : i32 to vector<16xi32>
        %gather3A_339 = tpu.vector_load_idx %arg12[%add3A_183, %broadcast_in_dim3A_338] : memref<48x128xf32, #tpu.memory_space<vmem>>[vector<16xi32>, vector<16xi32>], vector<16xf32>,
        %gather3A_340 = tpu.vector_load_idx %arg13[%add3A_183, %broadcast_in_dim3A_338] : memref<48x128xf32, #tpu.memory_space<vmem>>[vector<16xi32>, vector<16xi32>], vector<16xf32>,
        %mul3A_341 = arith.mulf %gather3A_339, %gather3A_340 : vector<16xf32>
        %add3A_342 = arith.addf %add3A_336, %mul3A_341 : vector<16xf32>
        %broadcast_in_dim3A_343 = arith.constant 24 : i32
        %broadcast_in_dim3A_344 = vector.broadcast %broadcast_in_dim3A_343 : i32 to vector<16xi32>
        %gather3A_345 = tpu.vector_load_idx %arg12[%add3A_183, %broadcast_in_dim3A_344] : memref<48x128xf32, #tpu.memory_space<vmem>>[vector<16xi32>, vector<16xi32>], vector<16xf32>,
        %gather3A_346 = tpu.vector_load_idx %arg13[%add3A_183, %broadcast_in_dim3A_344] : memref<48x128xf32, #tpu.memory_space<vmem>>[vector<16xi32>, vector<16xi32>], vector<16xf32>,
        %mul3A_347 = arith.mulf %gather3A_345, %gather3A_346 : vector<16xf32>
        %add3A_348 = arith.addf %add3A_342, %mul3A_347 : vector<16xf32>
        %broadcast_in_dim3A_349 = arith.constant 25 : i32
        %broadcast_in_dim3A_350 = vector.broadcast %broadcast_in_dim3A_349 : i32 to vector<16xi32>
        %gather3A_351 = tpu.vector_load_idx %arg12[%add3A_183, %broadcast_in_dim3A_350] : memref<48x128xf32, #tpu.memory_space<vmem>>[vector<16xi32>, vector<16xi32>], vector<16xf32>,
        %gather3A_352 = tpu.vector_load_idx %arg13[%add3A_183, %broadcast_in_dim3A_350] : memref<48x128xf32, #tpu.memory_space<vmem>>[vector<16xi32>, vector<16xi32>], vector<16xf32>,
        %mul3A_353 = arith.mulf %gather3A_351, %gather3A_352 : vector<16xf32>
        %add3A_354 = arith.addf %add3A_348, %mul3A_353 : vector<16xf32>
        %broadcast_in_dim3A_355 = arith.constant 26 : i32
        %broadcast_in_dim3A_356 = vector.broadcast %broadcast_in_dim3A_355 : i32 to vector<16xi32>
        %gather3A_357 = tpu.vector_load_idx %arg12[%add3A_183, %broadcast_in_dim3A_356] : memref<48x128xf32, #tpu.memory_space<vmem>>[vector<16xi32>, vector<16xi32>], vector<16xf32>,
        %gather3A_358 = tpu.vector_load_idx %arg13[%add3A_183, %broadcast_in_dim3A_356] : memref<48x128xf32, #tpu.memory_space<vmem>>[vector<16xi32>, vector<16xi32>], vector<16xf32>,
        %mul3A_359 = arith.mulf %gather3A_357, %gather3A_358 : vector<16xf32>
        %add3A_360 = arith.addf %add3A_354, %mul3A_359 : vector<16xf32>
        %broadcast_in_dim3A_361 = arith.constant 27 : i32
        %broadcast_in_dim3A_362 = vector.broadcast %broadcast_in_dim3A_361 : i32 to vector<16xi32>
        %gather3A_363 = tpu.vector_load_idx %arg12[%add3A_183, %broadcast_in_dim3A_362] : memref<48x128xf32, #tpu.memory_space<vmem>>[vector<16xi32>, vector<16xi32>], vector<16xf32>,
        %gather3A_364 = tpu.vector_load_idx %arg13[%add3A_183, %broadcast_in_dim3A_362] : memref<48x128xf32, #tpu.memory_space<vmem>>[vector<16xi32>, vector<16xi32>], vector<16xf32>,
        %mul3A_365 = arith.mulf %gather3A_363, %gather3A_364 : vector<16xf32>
        %add3A_366 = arith.addf %add3A_360, %mul3A_365 : vector<16xf32>
        %broadcast_in_dim3A_367 = arith.constant 28 : i32
        %broadcast_in_dim3A_368 = vector.broadcast %broadcast_in_dim3A_367 : i32 to vector<16xi32>
        %gather3A_369 = tpu.vector_load_idx %arg12[%add3A_183, %broadcast_in_dim3A_368] : memref<48x128xf32, #tpu.memory_space<vmem>>[vector<16xi32>, vector<16xi32>], vector<16xf32>,
        %gather3A_370 = tpu.vector_load_idx %arg13[%add3A_183, %broadcast_in_dim3A_368] : memref<48x128xf32, #tpu.memory_space<vmem>>[vector<16xi32>, vector<16xi32>], vector<16xf32>,
        %mul3A_371 = arith.mulf %gather3A_369, %gather3A_370 : vector<16xf32>
        %add3A_372 = arith.addf %add3A_366, %mul3A_371 : vector<16xf32>
        %broadcast_in_dim3A_373 = arith.constant 29 : i32
        %broadcast_in_dim3A_374 = vector.broadcast %broadcast_in_dim3A_373 : i32 to vector<16xi32>
        %gather3A_375 = tpu.vector_load_idx %arg12[%add3A_183, %broadcast_in_dim3A_374] : memref<48x128xf32, #tpu.memory_space<vmem>>[vector<16xi32>, vector<16xi32>], vector<16xf32>,
        %gather3A_376 = tpu.vector_load_idx %arg13[%add3A_183, %broadcast_in_dim3A_374] : memref<48x128xf32, #tpu.memory_space<vmem>>[vector<16xi32>, vector<16xi32>], vector<16xf32>,
        %mul3A_377 = arith.mulf %gather3A_375, %gather3A_376 : vector<16xf32>
        %add3A_378 = arith.addf %add3A_372, %mul3A_377 : vector<16xf32>
        %broadcast_in_dim3A_379 = arith.constant 30 : i32
        %broadcast_in_dim3A_380 = vector.broadcast %broadcast_in_dim3A_379 : i32 to vector<16xi32>
        %gather3A_381 = tpu.vector_load_idx %arg12[%add3A_183, %broadcast_in_dim3A_380] : memref<48x128xf32, #tpu.memory_space<vmem>>[vector<16xi32>, vector<16xi32>], vector<16xf32>,
        %gather3A_382 = tpu.vector_load_idx %arg13[%add3A_183, %broadcast_in_dim3A_380] : memref<48x128xf32, #tpu.memory_space<vmem>>[vector<16xi32>, vector<16xi32>], vector<16xf32>,
        %mul3A_383 = arith.mulf %gather3A_381, %gather3A_382 : vector<16xf32>
        %add3A_384 = arith.addf %add3A_378, %mul3A_383 : vector<16xf32>
        %broadcast_in_dim3A_385 = arith.constant 31 : i32
        %broadcast_in_dim3A_386 = vector.broadcast %broadcast_in_dim3A_385 : i32 to vector<16xi32>
        %gather3A_387 = tpu.vector_load_idx %arg12[%add3A_183, %broadcast_in_dim3A_386] : memref<48x128xf32, #tpu.memory_space<vmem>>[vector<16xi32>, vector<16xi32>], vector<16xf32>,
        %gather3A_388 = tpu.vector_load_idx %arg13[%add3A_183, %broadcast_in_dim3A_386] : memref<48x128xf32, #tpu.memory_space<vmem>>[vector<16xi32>, vector<16xi32>], vector<16xf32>,
        %mul3A_389 = arith.mulf %gather3A_387, %gather3A_388 : vector<16xf32>
        %add3A_390 = arith.addf %add3A_384, %mul3A_389 : vector<16xf32>
        %add3A_391 = arith.constant 0 : i32
        %add3A_392 = vector.broadcast %add3A_391 : i32 to vector<16xi32>
        %add3A_393 = arith.addi %get3A_191, %add3A_392 : vector<16xi32>
        %gather3A_394 = tpu.vector_load_idx %arg21[%add3A_393] : memref<48xf32, #tpu.memory_space<vmem>>[vector<16xi32>], vector<16xf32>,
        %mul3A_395 = arith.constant 0.176776692 : f32
        %mul3A_396 = vector.broadcast %mul3A_395 : f32 to vector<16xf32>
        %mul3A_397 = arith.mulf %add3A_390, %mul3A_396 : vector<16xf32>
        %mul3A_398 = arith.mulf %mul3A_397, %gather3A_394 : vector<16xf32>
        %max3A = arith.constant -8.000000e+01 : f32
        %max3A_399 = vector.broadcast %max3A : f32 to vector<16xf32>
        %max3A_400 = arith.maximumf %mul3A_398, %max3A_399 : vector<16xf32>
        %min3A = arith.constant 8.000000e+01 : f32
        %min3A_401 = vector.broadcast %min3A : f32 to vector<16xf32>
        %min3A_402 = arith.minimumf %max3A_400, %min3A_401 : vector<16xf32>
        %exp3A = math.exp %min3A_402 : vector<16xf32>
        %broadcast_in_dim3A_403 = arith.constant 0 : i32
        %broadcast_in_dim3A_404 = vector.broadcast %broadcast_in_dim3A_403 : i32 to vector<16xi32>
        %mul3A_405 = arith.mulf %gather3A, %exp3A : vector<16xf32>
        tpu.vector_store_idx %arg12[%add3A_183, %broadcast_in_dim3A_404], %mul3A_405 : memref<48x128xf32, #tpu.memory_space<vmem>>[vector<16xi32>, vector<16xi32>], vector<16xf32>,
        %broadcast_in_dim3A_406 = arith.constant 1 : i32
        %broadcast_in_dim3A_407 = vector.broadcast %broadcast_in_dim3A_406 : i32 to vector<16xi32>
        %mul3A_408 = arith.mulf %gather3A_207, %exp3A : vector<16xf32>
        tpu.vector_store_idx %arg12[%add3A_183, %broadcast_in_dim3A_407], %mul3A_408 : memref<48x128xf32, #tpu.memory_space<vmem>>[vector<16xi32>, vector<16xi32>], vector<16xf32>,
        %broadcast_in_dim3A_409 = arith.constant 2 : i32
        %broadcast_in_dim3A_410 = vector.broadcast %broadcast_in_dim3A_409 : i32 to vector<16xi32>
        %mul3A_411 = arith.mulf %gather3A_213, %exp3A : vector<16xf32>
        tpu.vector_store_idx %arg12[%add3A_183, %broadcast_in_dim3A_410], %mul3A_411 : memref<48x128xf32, #tpu.memory_space<vmem>>[vector<16xi32>, vector<16xi32>], vector<16xf32>,
        %broadcast_in_dim3A_412 = arith.constant 3 : i32
        %broadcast_in_dim3A_413 = vector.broadcast %broadcast_in_dim3A_412 : i32 to vector<16xi32>
        %mul3A_414 = arith.mulf %gather3A_219, %exp3A : vector<16xf32>
        tpu.vector_store_idx %arg12[%add3A_183, %broadcast_in_dim3A_413], %mul3A_414 : memref<48x128xf32, #tpu.memory_space<vmem>>[vector<16xi32>, vector<16xi32>], vector<16xf32>,
        %broadcast_in_dim3A_415 = arith.constant 4 : i32
        %broadcast_in_dim3A_416 = vector.broadcast %broadcast_in_dim3A_415 : i32 to vector<16xi32>
        %mul3A_417 = arith.mulf %gather3A_225, %exp3A : vector<16xf32>
        tpu.vector_store_idx %arg12[%add3A_183, %broadcast_in_dim3A_416], %mul3A_417 : memref<48x128xf32, #tpu.memory_space<vmem>>[vector<16xi32>, vector<16xi32>], vector<16xf32>,
        %broadcast_in_dim3A_418 = arith.constant 5 : i32
        %broadcast_in_dim3A_419 = vector.broadcast %broadcast_in_dim3A_418 : i32 to vector<16xi32>
        %mul3A_420 = arith.mulf %gather3A_231, %exp3A : vector<16xf32>
        tpu.vector_store_idx %arg12[%add3A_183, %broadcast_in_dim3A_419], %mul3A_420 : memref<48x128xf32, #tpu.memory_space<vmem>>[vector<16xi32>, vector<16xi32>], vector<16xf32>,
        %broadcast_in_dim3A_421 = arith.constant 6 : i32
        %broadcast_in_dim3A_422 = vector.broadcast %broadcast_in_dim3A_421 : i32 to vector<16xi32>
        %mul3A_423 = arith.mulf %gather3A_237, %exp3A : vector<16xf32>
        tpu.vector_store_idx %arg12[%add3A_183, %broadcast_in_dim3A_422], %mul3A_423 : memref<48x128xf32, #tpu.memory_space<vmem>>[vector<16xi32>, vector<16xi32>], vector<16xf32>,
        %broadcast_in_dim3A_424 = arith.constant 7 : i32
        %broadcast_in_dim3A_425 = vector.broadcast %broadcast_in_dim3A_424 : i32 to vector<16xi32>
        %mul3A_426 = arith.mulf %gather3A_243, %exp3A : vector<16xf32>
        tpu.vector_store_idx %arg12[%add3A_183, %broadcast_in_dim3A_425], %mul3A_426 : memref<48x128xf32, #tpu.memory_space<vmem>>[vector<16xi32>, vector<16xi32>], vector<16xf32>,
        %broadcast_in_dim3A_427 = arith.constant 8 : i32
        %broadcast_in_dim3A_428 = vector.broadcast %broadcast_in_dim3A_427 : i32 to vector<16xi32>
        %mul3A_429 = arith.mulf %gather3A_249, %exp3A : vector<16xf32>
        tpu.vector_store_idx %arg12[%add3A_183, %broadcast_in_dim3A_428], %mul3A_429 : memref<48x128xf32, #tpu.memory_space<vmem>>[vector<16xi32>, vector<16xi32>], vector<16xf32>,
        %broadcast_in_dim3A_430 = arith.constant 9 : i32
        %broadcast_in_dim3A_431 = vector.broadcast %broadcast_in_dim3A_430 : i32 to vector<16xi32>
        %mul3A_432 = arith.mulf %gather3A_255, %exp3A : vector<16xf32>
        tpu.vector_store_idx %arg12[%add3A_183, %broadcast_in_dim3A_431], %mul3A_432 : memref<48x128xf32, #tpu.memory_space<vmem>>[vector<16xi32>, vector<16xi32>], vector<16xf32>,
        %broadcast_in_dim3A_433 = arith.constant 10 : i32
        %broadcast_in_dim3A_434 = vector.broadcast %broadcast_in_dim3A_433 : i32 to vector<16xi32>
        %mul3A_435 = arith.mulf %gather3A_261, %exp3A : vector<16xf32>
        tpu.vector_store_idx %arg12[%add3A_183, %broadcast_in_dim3A_434], %mul3A_435 : memref<48x128xf32, #tpu.memory_space<vmem>>[vector<16xi32>, vector<16xi32>], vector<16xf32>,
        %broadcast_in_dim3A_436 = arith.constant 11 : i32
        %broadcast_in_dim3A_437 = vector.broadcast %broadcast_in_dim3A_436 : i32 to vector<16xi32>
        %mul3A_438 = arith.mulf %gather3A_267, %exp3A : vector<16xf32>
        tpu.vector_store_idx %arg12[%add3A_183, %broadcast_in_dim3A_437], %mul3A_438 : memref<48x128xf32, #tpu.memory_space<vmem>>[vector<16xi32>, vector<16xi32>], vector<16xf32>,
        %broadcast_in_dim3A_439 = arith.constant 12 : i32
        %broadcast_in_dim3A_440 = vector.broadcast %broadcast_in_dim3A_439 : i32 to vector<16xi32>
        %mul3A_441 = arith.mulf %gather3A_273, %exp3A : vector<16xf32>
        tpu.vector_store_idx %arg12[%add3A_183, %broadcast_in_dim3A_440], %mul3A_441 : memref<48x128xf32, #tpu.memory_space<vmem>>[vector<16xi32>, vector<16xi32>], vector<16xf32>,
        %broadcast_in_dim3A_442 = arith.constant 13 : i32
        %broadcast_in_dim3A_443 = vector.broadcast %broadcast_in_dim3A_442 : i32 to vector<16xi32>
        %mul3A_444 = arith.mulf %gather3A_279, %exp3A : vector<16xf32>
        tpu.vector_store_idx %arg12[%add3A_183, %broadcast_in_dim3A_443], %mul3A_444 : memref<48x128xf32, #tpu.memory_space<vmem>>[vector<16xi32>, vector<16xi32>], vector<16xf32>,
        %broadcast_in_dim3A_445 = arith.constant 14 : i32
        %broadcast_in_dim3A_446 = vector.broadcast %broadcast_in_dim3A_445 : i32 to vector<16xi32>
        %mul3A_447 = arith.mulf %gather3A_285, %exp3A : vector<16xf32>
        tpu.vector_store_idx %arg12[%add3A_183, %broadcast_in_dim3A_446], %mul3A_447 : memref<48x128xf32, #tpu.memory_space<vmem>>[vector<16xi32>, vector<16xi32>], vector<16xf32>,
        %broadcast_in_dim3A_448 = arith.constant 15 : i32
        %broadcast_in_dim3A_449 = vector.broadcast %broadcast_in_dim3A_448 : i32 to vector<16xi32>
        %mul3A_450 = arith.mulf %gather3A_291, %exp3A : vector<16xf32>
        tpu.vector_store_idx %arg12[%add3A_183, %broadcast_in_dim3A_449], %mul3A_450 : memref<48x128xf32, #tpu.memory_space<vmem>>[vector<16xi32>, vector<16xi32>], vector<16xf32>,
        %broadcast_in_dim3A_451 = arith.constant 16 : i32
        %broadcast_in_dim3A_452 = vector.broadcast %broadcast_in_dim3A_451 : i32 to vector<16xi32>
        %mul3A_453 = arith.mulf %gather3A_297, %exp3A : vector<16xf32>
        tpu.vector_store_idx %arg12[%add3A_183, %broadcast_in_dim3A_452], %mul3A_453 : memref<48x128xf32, #tpu.memory_space<vmem>>[vector<16xi32>, vector<16xi32>], vector<16xf32>,
        %broadcast_in_dim3A_454 = arith.constant 17 : i32
        %broadcast_in_dim3A_455 = vector.broadcast %broadcast_in_dim3A_454 : i32 to vector<16xi32>
        %mul3A_456 = arith.mulf %gather3A_303, %exp3A : vector<16xf32>
        tpu.vector_store_idx %arg12[%add3A_183, %broadcast_in_dim3A_455], %mul3A_456 : memref<48x128xf32, #tpu.memory_space<vmem>>[vector<16xi32>, vector<16xi32>], vector<16xf32>,
        %broadcast_in_dim3A_457 = arith.constant 18 : i32
        %broadcast_in_dim3A_458 = vector.broadcast %broadcast_in_dim3A_457 : i32 to vector<16xi32>
        %mul3A_459 = arith.mulf %gather3A_309, %exp3A : vector<16xf32>
        tpu.vector_store_idx %arg12[%add3A_183, %broadcast_in_dim3A_458], %mul3A_459 : memref<48x128xf32, #tpu.memory_space<vmem>>[vector<16xi32>, vector<16xi32>], vector<16xf32>,
        %broadcast_in_dim3A_460 = arith.constant 19 : i32
        %broadcast_in_dim3A_461 = vector.broadcast %broadcast_in_dim3A_460 : i32 to vector<16xi32>
        %mul3A_462 = arith.mulf %gather3A_315, %exp3A : vector<16xf32>
        tpu.vector_store_idx %arg12[%add3A_183, %broadcast_in_dim3A_461], %mul3A_462 : memref<48x128xf32, #tpu.memory_space<vmem>>[vector<16xi32>, vector<16xi32>], vector<16xf32>,
        %broadcast_in_dim3A_463 = arith.constant 20 : i32
        %broadcast_in_dim3A_464 = vector.broadcast %broadcast_in_dim3A_463 : i32 to vector<16xi32>
        %mul3A_465 = arith.mulf %gather3A_321, %exp3A : vector<16xf32>
        tpu.vector_store_idx %arg12[%add3A_183, %broadcast_in_dim3A_464], %mul3A_465 : memref<48x128xf32, #tpu.memory_space<vmem>>[vector<16xi32>, vector<16xi32>], vector<16xf32>,
        %broadcast_in_dim3A_466 = arith.constant 21 : i32
        %broadcast_in_dim3A_467 = vector.broadcast %broadcast_in_dim3A_466 : i32 to vector<16xi32>
        %mul3A_468 = arith.mulf %gather3A_327, %exp3A : vector<16xf32>
        tpu.vector_store_idx %arg12[%add3A_183, %broadcast_in_dim3A_467], %mul3A_468 : memref<48x128xf32, #tpu.memory_space<vmem>>[vector<16xi32>, vector<16xi32>], vector<16xf32>,
        %broadcast_in_dim3A_469 = arith.constant 22 : i32
        %broadcast_in_dim3A_470 = vector.broadcast %broadcast_in_dim3A_469 : i32 to vector<16xi32>
        %mul3A_471 = arith.mulf %gather3A_333, %exp3A : vector<16xf32>
        tpu.vector_store_idx %arg12[%add3A_183, %broadcast_in_dim3A_470], %mul3A_471 : memref<48x128xf32, #tpu.memory_space<vmem>>[vector<16xi32>, vector<16xi32>], vector<16xf32>,
        %broadcast_in_dim3A_472 = arith.constant 23 : i32
        %broadcast_in_dim3A_473 = vector.broadcast %broadcast_in_dim3A_472 : i32 to vector<16xi32>
        %mul3A_474 = arith.mulf %gather3A_339, %exp3A : vector<16xf32>
        tpu.vector_store_idx %arg12[%add3A_183, %broadcast_in_dim3A_473], %mul3A_474 : memref<48x128xf32, #tpu.memory_space<vmem>>[vector<16xi32>, vector<16xi32>], vector<16xf32>,
        %broadcast_in_dim3A_475 = arith.constant 24 : i32
        %broadcast_in_dim3A_476 = vector.broadcast %broadcast_in_dim3A_475 : i32 to vector<16xi32>
        %mul3A_477 = arith.mulf %gather3A_345, %exp3A : vector<16xf32>
        tpu.vector_store_idx %arg12[%add3A_183, %broadcast_in_dim3A_476], %mul3A_477 : memref<48x128xf32, #tpu.memory_space<vmem>>[vector<16xi32>, vector<16xi32>], vector<16xf32>,
        %broadcast_in_dim3A_478 = arith.constant 25 : i32
        %broadcast_in_dim3A_479 = vector.broadcast %broadcast_in_dim3A_478 : i32 to vector<16xi32>
        %mul3A_480 = arith.mulf %gather3A_351, %exp3A : vector<16xf32>
        tpu.vector_store_idx %arg12[%add3A_183, %broadcast_in_dim3A_479], %mul3A_480 : memref<48x128xf32, #tpu.memory_space<vmem>>[vector<16xi32>, vector<16xi32>], vector<16xf32>,
        %broadcast_in_dim3A_481 = arith.constant 26 : i32
        %broadcast_in_dim3A_482 = vector.broadcast %broadcast_in_dim3A_481 : i32 to vector<16xi32>
        %mul3A_483 = arith.mulf %gather3A_357, %exp3A : vector<16xf32>
        tpu.vector_store_idx %arg12[%add3A_183, %broadcast_in_dim3A_482], %mul3A_483 : memref<48x128xf32, #tpu.memory_space<vmem>>[vector<16xi32>, vector<16xi32>], vector<16xf32>,
        %broadcast_in_dim3A_484 = arith.constant 27 : i32
        %broadcast_in_dim3A_485 = vector.broadcast %broadcast_in_dim3A_484 : i32 to vector<16xi32>
        %mul3A_486 = arith.mulf %gather3A_363, %exp3A : vector<16xf32>
        tpu.vector_store_idx %arg12[%add3A_183, %broadcast_in_dim3A_485], %mul3A_486 : memref<48x128xf32, #tpu.memory_space<vmem>>[vector<16xi32>, vector<16xi32>], vector<16xf32>,
        %broadcast_in_dim3A_487 = arith.constant 28 : i32
        %broadcast_in_dim3A_488 = vector.broadcast %broadcast_in_dim3A_487 : i32 to vector<16xi32>
        %mul3A_489 = arith.mulf %gather3A_369, %exp3A : vector<16xf32>
        tpu.vector_store_idx %arg12[%add3A_183, %broadcast_in_dim3A_488], %mul3A_489 : memref<48x128xf32, #tpu.memory_space<vmem>>[vector<16xi32>, vector<16xi32>], vector<16xf32>,
        %broadcast_in_dim3A_490 = arith.constant 29 : i32
        %broadcast_in_dim3A_491 = vector.broadcast %broadcast_in_dim3A_490 : i32 to vector<16xi32>
        %mul3A_492 = arith.mulf %gather3A_375, %exp3A : vector<16xf32>
        tpu.vector_store_idx %arg12[%add3A_183, %broadcast_in_dim3A_491], %mul3A_492 : memref<48x128xf32, #tpu.memory_space<vmem>>[vector<16xi32>, vector<16xi32>], vector<16xf32>,
        %broadcast_in_dim3A_493 = arith.constant 30 : i32
        %broadcast_in_dim3A_494 = vector.broadcast %broadcast_in_dim3A_493 : i32 to vector<16xi32>
        %mul3A_495 = arith.mulf %gather3A_381, %exp3A : vector<16xf32>
        tpu.vector_store_idx %arg12[%add3A_183, %broadcast_in_dim3A_494], %mul3A_495 : memref<48x128xf32, #tpu.memory_space<vmem>>[vector<16xi32>, vector<16xi32>], vector<16xf32>,
        %broadcast_in_dim3A_496 = arith.constant 31 : i32
        %broadcast_in_dim3A_497 = vector.broadcast %broadcast_in_dim3A_496 : i32 to vector<16xi32>
        %mul3A_498 = arith.mulf %gather3A_387, %exp3A : vector<16xf32>
        tpu.vector_store_idx %arg12[%add3A_183, %broadcast_in_dim3A_497], %mul3A_498 : memref<48x128xf32, #tpu.memory_space<vmem>>[vector<16xi32>, vector<16xi32>], vector<16xf32>,
        %add3A_499 = arith.constant 0 : i32
        %add3A_500 = vector.broadcast %add3A_499 : i32 to vector<16xi32>
        %add3A_501 = arith.addi %mul3A_199, %add3A_500 : vector<16xi32>
        tpu.vector_store_idx %arg14[%add3A_183, %add3A_501], %exp3A masked %lt3A_188 : memref<48x128xf32, #tpu.memory_space<vmem>>[vector<16xi32>, vector<16xi32>], vector<16xf32>, vector<16xi1>
        %broadcast_in_dim3A_502 = arith.constant 32 : i32
        %broadcast_in_dim3A_503 = vector.broadcast %broadcast_in_dim3A_502 : i32 to vector<16xi32>
        %gather3A_504 = tpu.vector_load_idx %arg12[%add3A_183, %broadcast_in_dim3A_503] : memref<48x128xf32, #tpu.memory_space<vmem>>[vector<16xi32>, vector<16xi32>], vector<16xf32>,
        %gather3A_505 = tpu.vector_load_idx %arg13[%add3A_183, %broadcast_in_dim3A_503] : memref<48x128xf32, #tpu.memory_space<vmem>>[vector<16xi32>, vector<16xi32>], vector<16xf32>,
        %mul3A_506 = arith.mulf %gather3A_504, %gather3A_505 : vector<16xf32>
        %add3A_507 = arith.addf %broadcast_in_dim3A_1, %mul3A_506 : vector<16xf32>
        %broadcast_in_dim3A_508 = arith.constant 33 : i32
        %broadcast_in_dim3A_509 = vector.broadcast %broadcast_in_dim3A_508 : i32 to vector<16xi32>
        %gather3A_510 = tpu.vector_load_idx %arg12[%add3A_183, %broadcast_in_dim3A_509] : memref<48x128xf32, #tpu.memory_space<vmem>>[vector<16xi32>, vector<16xi32>], vector<16xf32>,
        %gather3A_511 = tpu.vector_load_idx %arg13[%add3A_183, %broadcast_in_dim3A_509] : memref<48x128xf32, #tpu.memory_space<vmem>>[vector<16xi32>, vector<16xi32>], vector<16xf32>,
        %mul3A_512 = arith.mulf %gather3A_510, %gather3A_511 : vector<16xf32>
        %add3A_513 = arith.addf %add3A_507, %mul3A_512 : vector<16xf32>
        %broadcast_in_dim3A_514 = arith.constant 34 : i32
        %broadcast_in_dim3A_515 = vector.broadcast %broadcast_in_dim3A_514 : i32 to vector<16xi32>
        %gather3A_516 = tpu.vector_load_idx %arg12[%add3A_183, %broadcast_in_dim3A_515] : memref<48x128xf32, #tpu.memory_space<vmem>>[vector<16xi32>, vector<16xi32>], vector<16xf32>,
        %gather3A_517 = tpu.vector_load_idx %arg13[%add3A_183, %broadcast_in_dim3A_515] : memref<48x128xf32, #tpu.memory_space<vmem>>[vector<16xi32>, vector<16xi32>], vector<16xf32>,
        %mul3A_518 = arith.mulf %gather3A_516, %gather3A_517 : vector<16xf32>
        %add3A_519 = arith.addf %add3A_513, %mul3A_518 : vector<16xf32>
        %broadcast_in_dim3A_520 = arith.constant 35 : i32
        %broadcast_in_dim3A_521 = vector.broadcast %broadcast_in_dim3A_520 : i32 to vector<16xi32>
        %gather3A_522 = tpu.vector_load_idx %arg12[%add3A_183, %broadcast_in_dim3A_521] : memref<48x128xf32, #tpu.memory_space<vmem>>[vector<16xi32>, vector<16xi32>], vector<16xf32>,
        %gather3A_523 = tpu.vector_load_idx %arg13[%add3A_183, %broadcast_in_dim3A_521] : memref<48x128xf32, #tpu.memory_space<vmem>>[vector<16xi32>, vector<16xi32>], vector<16xf32>,
        %mul3A_524 = arith.mulf %gather3A_522, %gather3A_523 : vector<16xf32>
        %add3A_525 = arith.addf %add3A_519, %mul3A_524 : vector<16xf32>
        %broadcast_in_dim3A_526 = arith.constant 36 : i32
        %broadcast_in_dim3A_527 = vector.broadcast %broadcast_in_dim3A_526 : i32 to vector<16xi32>
        %gather3A_528 = tpu.vector_load_idx %arg12[%add3A_183, %broadcast_in_dim3A_527] : memref<48x128xf32, #tpu.memory_space<vmem>>[vector<16xi32>, vector<16xi32>], vector<16xf32>,
        %gather3A_529 = tpu.vector_load_idx %arg13[%add3A_183, %broadcast_in_dim3A_527] : memref<48x128xf32, #tpu.memory_space<vmem>>[vector<16xi32>, vector<16xi32>], vector<16xf32>,
        %mul3A_530 = arith.mulf %gather3A_528, %gather3A_529 : vector<16xf32>
        %add3A_531 = arith.addf %add3A_525, %mul3A_530 : vector<16xf32>
        %broadcast_in_dim3A_532 = arith.constant 37 : i32
        %broadcast_in_dim3A_533 = vector.broadcast %broadcast_in_dim3A_532 : i32 to vector<16xi32>
        %gather3A_534 = tpu.vector_load_idx %arg12[%add3A_183, %broadcast_in_dim3A_533] : memref<48x128xf32, #tpu.memory_space<vmem>>[vector<16xi32>, vector<16xi32>], vector<16xf32>,
        %gather3A_535 = tpu.vector_load_idx %arg13[%add3A_183, %broadcast_in_dim3A_533] : memref<48x128xf32, #tpu.memory_space<vmem>>[vector<16xi32>, vector<16xi32>], vector<16xf32>,
        %mul3A_536 = arith.mulf %gather3A_534, %gather3A_535 : vector<16xf32>
        %add3A_537 = arith.addf %add3A_531, %mul3A_536 : vector<16xf32>
        %broadcast_in_dim3A_538 = arith.constant 38 : i32
        %broadcast_in_dim3A_539 = vector.broadcast %broadcast_in_dim3A_538 : i32 to vector<16xi32>
        %gather3A_540 = tpu.vector_load_idx %arg12[%add3A_183, %broadcast_in_dim3A_539] : memref<48x128xf32, #tpu.memory_space<vmem>>[vector<16xi32>, vector<16xi32>], vector<16xf32>,
        %gather3A_541 = tpu.vector_load_idx %arg13[%add3A_183, %broadcast_in_dim3A_539] : memref<48x128xf32, #tpu.memory_space<vmem>>[vector<16xi32>, vector<16xi32>], vector<16xf32>,
        %mul3A_542 = arith.mulf %gather3A_540, %gather3A_541 : vector<16xf32>
        %add3A_543 = arith.addf %add3A_537, %mul3A_542 : vector<16xf32>
        %broadcast_in_dim3A_544 = arith.constant 39 : i32
        %broadcast_in_dim3A_545 = vector.broadcast %broadcast_in_dim3A_544 : i32 to vector<16xi32>
        %gather3A_546 = tpu.vector_load_idx %arg12[%add3A_183, %broadcast_in_dim3A_545] : memref<48x128xf32, #tpu.memory_space<vmem>>[vector<16xi32>, vector<16xi32>], vector<16xf32>,
        %gather3A_547 = tpu.vector_load_idx %arg13[%add3A_183, %broadcast_in_dim3A_545] : memref<48x128xf32, #tpu.memory_space<vmem>>[vector<16xi32>, vector<16xi32>], vector<16xf32>,
        %mul3A_548 = arith.mulf %gather3A_546, %gather3A_547 : vector<16xf32>
        %add3A_549 = arith.addf %add3A_543, %mul3A_548 : vector<16xf32>
        %broadcast_in_dim3A_550 = arith.constant 40 : i32
        %broadcast_in_dim3A_551 = vector.broadcast %broadcast_in_dim3A_550 : i32 to vector<16xi32>
        %gather3A_552 = tpu.vector_load_idx %arg12[%add3A_183, %broadcast_in_dim3A_551] : memref<48x128xf32, #tpu.memory_space<vmem>>[vector<16xi32>, vector<16xi32>], vector<16xf32>,
        %gather3A_553 = tpu.vector_load_idx %arg13[%add3A_183, %broadcast_in_dim3A_551] : memref<48x128xf32, #tpu.memory_space<vmem>>[vector<16xi32>, vector<16xi32>], vector<16xf32>,
        %mul3A_554 = arith.mulf %gather3A_552, %gather3A_553 : vector<16xf32>
        %add3A_555 = arith.addf %add3A_549, %mul3A_554 : vector<16xf32>
        %broadcast_in_dim3A_556 = arith.constant 41 : i32
        %broadcast_in_dim3A_557 = vector.broadcast %broadcast_in_dim3A_556 : i32 to vector<16xi32>
        %gather3A_558 = tpu.vector_load_idx %arg12[%add3A_183, %broadcast_in_dim3A_557] : memref<48x128xf32, #tpu.memory_space<vmem>>[vector<16xi32>, vector<16xi32>], vector<16xf32>,
        %gather3A_559 = tpu.vector_load_idx %arg13[%add3A_183, %broadcast_in_dim3A_557] : memref<48x128xf32, #tpu.memory_space<vmem>>[vector<16xi32>, vector<16xi32>], vector<16xf32>,
        %mul3A_560 = arith.mulf %gather3A_558, %gather3A_559 : vector<16xf32>
        %add3A_561 = arith.addf %add3A_555, %mul3A_560 : vector<16xf32>
        %broadcast_in_dim3A_562 = arith.constant 42 : i32
        %broadcast_in_dim3A_563 = vector.broadcast %broadcast_in_dim3A_562 : i32 to vector<16xi32>
        %gather3A_564 = tpu.vector_load_idx %arg12[%add3A_183, %broadcast_in_dim3A_563] : memref<48x128xf32, #tpu.memory_space<vmem>>[vector<16xi32>, vector<16xi32>], vector<16xf32>,
        %gather3A_565 = tpu.vector_load_idx %arg13[%add3A_183, %broadcast_in_dim3A_563] : memref<48x128xf32, #tpu.memory_space<vmem>>[vector<16xi32>, vector<16xi32>], vector<16xf32>,
        %mul3A_566 = arith.mulf %gather3A_564, %gather3A_565 : vector<16xf32>
        %add3A_567 = arith.addf %add3A_561, %mul3A_566 : vector<16xf32>
        %broadcast_in_dim3A_568 = arith.constant 43 : i32
        %broadcast_in_dim3A_569 = vector.broadcast %broadcast_in_dim3A_568 : i32 to vector<16xi32>
        %gather3A_570 = tpu.vector_load_idx %arg12[%add3A_183, %broadcast_in_dim3A_569] : memref<48x128xf32, #tpu.memory_space<vmem>>[vector<16xi32>, vector<16xi32>], vector<16xf32>,
        %gather3A_571 = tpu.vector_load_idx %arg13[%add3A_183, %broadcast_in_dim3A_569] : memref<48x128xf32, #tpu.memory_space<vmem>>[vector<16xi32>, vector<16xi32>], vector<16xf32>,
        %mul3A_572 = arith.mulf %gather3A_570, %gather3A_571 : vector<16xf32>
        %add3A_573 = arith.addf %add3A_567, %mul3A_572 : vector<16xf32>
        %broadcast_in_dim3A_574 = arith.constant 44 : i32
        %broadcast_in_dim3A_575 = vector.broadcast %broadcast_in_dim3A_574 : i32 to vector<16xi32>
        %gather3A_576 = tpu.vector_load_idx %arg12[%add3A_183, %broadcast_in_dim3A_575] : memref<48x128xf32, #tpu.memory_space<vmem>>[vector<16xi32>, vector<16xi32>], vector<16xf32>,
        %gather3A_577 = tpu.vector_load_idx %arg13[%add3A_183, %broadcast_in_dim3A_575] : memref<48x128xf32, #tpu.memory_space<vmem>>[vector<16xi32>, vector<16xi32>], vector<16xf32>,
        %mul3A_578 = arith.mulf %gather3A_576, %gather3A_577 : vector<16xf32>
        %add3A_579 = arith.addf %add3A_573, %mul3A_578 : vector<16xf32>
        %broadcast_in_dim3A_580 = arith.constant 45 : i32
        %broadcast_in_dim3A_581 = vector.broadcast %broadcast_in_dim3A_580 : i32 to vector<16xi32>
        %gather3A_582 = tpu.vector_load_idx %arg12[%add3A_183, %broadcast_in_dim3A_581] : memref<48x128xf32, #tpu.memory_space<vmem>>[vector<16xi32>, vector<16xi32>], vector<16xf32>,
        %gather3A_583 = tpu.vector_load_idx %arg13[%add3A_183, %broadcast_in_dim3A_581] : memref<48x128xf32, #tpu.memory_space<vmem>>[vector<16xi32>, vector<16xi32>], vector<16xf32>,
        %mul3A_584 = arith.mulf %gather3A_582, %gather3A_583 : vector<16xf32>
        %add3A_585 = arith.addf %add3A_579, %mul3A_584 : vector<16xf32>
        %broadcast_in_dim3A_586 = arith.constant 46 : i32
        %broadcast_in_dim3A_587 = vector.broadcast %broadcast_in_dim3A_586 : i32 to vector<16xi32>
        %gather3A_588 = tpu.vector_load_idx %arg12[%add3A_183, %broadcast_in_dim3A_587] : memref<48x128xf32, #tpu.memory_space<vmem>>[vector<16xi32>, vector<16xi32>], vector<16xf32>,
        %gather3A_589 = tpu.vector_load_idx %arg13[%add3A_183, %broadcast_in_dim3A_587] : memref<48x128xf32, #tpu.memory_space<vmem>>[vector<16xi32>, vector<16xi32>], vector<16xf32>,
        %mul3A_590 = arith.mulf %gather3A_588, %gather3A_589 : vector<16xf32>
        %add3A_591 = arith.addf %add3A_585, %mul3A_590 : vector<16xf32>
        %broadcast_in_dim3A_592 = arith.constant 47 : i32
        %broadcast_in_dim3A_593 = vector.broadcast %broadcast_in_dim3A_592 : i32 to vector<16xi32>
        %gather3A_594 = tpu.vector_load_idx %arg12[%add3A_183, %broadcast_in_dim3A_593] : memref<48x128xf32, #tpu.memory_space<vmem>>[vector<16xi32>, vector<16xi32>], vector<16xf32>,
        %gather3A_595 = tpu.vector_load_idx %arg13[%add3A_183, %broadcast_in_dim3A_593] : memref<48x128xf32, #tpu.memory_space<vmem>>[vector<16xi32>, vector<16xi32>], vector<16xf32>,
        %mul3A_596 = arith.mulf %gather3A_594, %gather3A_595 : vector<16xf32>
        %add3A_597 = arith.addf %add3A_591, %mul3A_596 : vector<16xf32>
        %broadcast_in_dim3A_598 = arith.constant 48 : i32
        %broadcast_in_dim3A_599 = vector.broadcast %broadcast_in_dim3A_598 : i32 to vector<16xi32>
        %gather3A_600 = tpu.vector_load_idx %arg12[%add3A_183, %broadcast_in_dim3A_599] : memref<48x128xf32, #tpu.memory_space<vmem>>[vector<16xi32>, vector<16xi32>], vector<16xf32>,
        %gather3A_601 = tpu.vector_load_idx %arg13[%add3A_183, %broadcast_in_dim3A_599] : memref<48x128xf32, #tpu.memory_space<vmem>>[vector<16xi32>, vector<16xi32>], vector<16xf32>,
        %mul3A_602 = arith.mulf %gather3A_600, %gather3A_601 : vector<16xf32>
        %add3A_603 = arith.addf %add3A_597, %mul3A_602 : vector<16xf32>
        %broadcast_in_dim3A_604 = arith.constant 49 : i32
        %broadcast_in_dim3A_605 = vector.broadcast %broadcast_in_dim3A_604 : i32 to vector<16xi32>
        %gather3A_606 = tpu.vector_load_idx %arg12[%add3A_183, %broadcast_in_dim3A_605] : memref<48x128xf32, #tpu.memory_space<vmem>>[vector<16xi32>, vector<16xi32>], vector<16xf32>,
        %gather3A_607 = tpu.vector_load_idx %arg13[%add3A_183, %broadcast_in_dim3A_605] : memref<48x128xf32, #tpu.memory_space<vmem>>[vector<16xi32>, vector<16xi32>], vector<16xf32>,
        %mul3A_608 = arith.mulf %gather3A_606, %gather3A_607 : vector<16xf32>
        %add3A_609 = arith.addf %add3A_603, %mul3A_608 : vector<16xf32>
        %broadcast_in_dim3A_610 = arith.constant 50 : i32
        %broadcast_in_dim3A_611 = vector.broadcast %broadcast_in_dim3A_610 : i32 to vector<16xi32>
        %gather3A_612 = tpu.vector_load_idx %arg12[%add3A_183, %broadcast_in_dim3A_611] : memref<48x128xf32, #tpu.memory_space<vmem>>[vector<16xi32>, vector<16xi32>], vector<16xf32>,
        %gather3A_613 = tpu.vector_load_idx %arg13[%add3A_183, %broadcast_in_dim3A_611] : memref<48x128xf32, #tpu.memory_space<vmem>>[vector<16xi32>, vector<16xi32>], vector<16xf32>,
        %mul3A_614 = arith.mulf %gather3A_612, %gather3A_613 : vector<16xf32>
        %add3A_615 = arith.addf %add3A_609, %mul3A_614 : vector<16xf32>
        %broadcast_in_dim3A_616 = arith.constant 51 : i32
        %broadcast_in_dim3A_617 = vector.broadcast %broadcast_in_dim3A_616 : i32 to vector<16xi32>
        %gather3A_618 = tpu.vector_load_idx %arg12[%add3A_183, %broadcast_in_dim3A_617] : memref<48x128xf32, #tpu.memory_space<vmem>>[vector<16xi32>, vector<16xi32>], vector<16xf32>,
        %gather3A_619 = tpu.vector_load_idx %arg13[%add3A_183, %broadcast_in_dim3A_617] : memref<48x128xf32, #tpu.memory_space<vmem>>[vector<16xi32>, vector<16xi32>], vector<16xf32>,
        %mul3A_620 = arith.mulf %gather3A_618, %gather3A_619 : vector<16xf32>
        %add3A_621 = arith.addf %add3A_615, %mul3A_620 : vector<16xf32>
        %broadcast_in_dim3A_622 = arith.constant 52 : i32
        %broadcast_in_dim3A_623 = vector.broadcast %broadcast_in_dim3A_622 : i32 to vector<16xi32>
        %gather3A_624 = tpu.vector_load_idx %arg12[%add3A_183, %broadcast_in_dim3A_623] : memref<48x128xf32, #tpu.memory_space<vmem>>[vector<16xi32>, vector<16xi32>], vector<16xf32>,
        %gather3A_625 = tpu.vector_load_idx %arg13[%add3A_183, %broadcast_in_dim3A_623] : memref<48x128xf32, #tpu.memory_space<vmem>>[vector<16xi32>, vector<16xi32>], vector<16xf32>,
        %mul3A_626 = arith.mulf %gather3A_624, %gather3A_625 : vector<16xf32>
        %add3A_627 = arith.addf %add3A_621, %mul3A_626 : vector<16xf32>
        %broadcast_in_dim3A_628 = arith.constant 53 : i32
        %broadcast_in_dim3A_629 = vector.broadcast %broadcast_in_dim3A_628 : i32 to vector<16xi32>
        %gather3A_630 = tpu.vector_load_idx %arg12[%add3A_183, %broadcast_in_dim3A_629] : memref<48x128xf32, #tpu.memory_space<vmem>>[vector<16xi32>, vector<16xi32>], vector<16xf32>,
        %gather3A_631 = tpu.vector_load_idx %arg13[%add3A_183, %broadcast_in_dim3A_629] : memref<48x128xf32, #tpu.memory_space<vmem>>[vector<16xi32>, vector<16xi32>], vector<16xf32>,
        %mul3A_632 = arith.mulf %gather3A_630, %gather3A_631 : vector<16xf32>
        %add3A_633 = arith.addf %add3A_627, %mul3A_632 : vector<16xf32>
        %broadcast_in_dim3A_634 = arith.constant 54 : i32
        %broadcast_in_dim3A_635 = vector.broadcast %broadcast_in_dim3A_634 : i32 to vector<16xi32>
        %gather3A_636 = tpu.vector_load_idx %arg12[%add3A_183, %broadcast_in_dim3A_635] : memref<48x128xf32, #tpu.memory_space<vmem>>[vector<16xi32>, vector<16xi32>], vector<16xf32>,
        %gather3A_637 = tpu.vector_load_idx %arg13[%add3A_183, %broadcast_in_dim3A_635] : memref<48x128xf32, #tpu.memory_space<vmem>>[vector<16xi32>, vector<16xi32>], vector<16xf32>,
        %mul3A_638 = arith.mulf %gather3A_636, %gather3A_637 : vector<16xf32>
        %add3A_639 = arith.addf %add3A_633, %mul3A_638 : vector<16xf32>
        %broadcast_in_dim3A_640 = arith.constant 55 : i32
        %broadcast_in_dim3A_641 = vector.broadcast %broadcast_in_dim3A_640 : i32 to vector<16xi32>
        %gather3A_642 = tpu.vector_load_idx %arg12[%add3A_183, %broadcast_in_dim3A_641] : memref<48x128xf32, #tpu.memory_space<vmem>>[vector<16xi32>, vector<16xi32>], vector<16xf32>,
        %gather3A_643 = tpu.vector_load_idx %arg13[%add3A_183, %broadcast_in_dim3A_641] : memref<48x128xf32, #tpu.memory_space<vmem>>[vector<16xi32>, vector<16xi32>], vector<16xf32>,
        %mul3A_644 = arith.mulf %gather3A_642, %gather3A_643 : vector<16xf32>
        %add3A_645 = arith.addf %add3A_639, %mul3A_644 : vector<16xf32>
        %broadcast_in_dim3A_646 = arith.constant 56 : i32
        %broadcast_in_dim3A_647 = vector.broadcast %broadcast_in_dim3A_646 : i32 to vector<16xi32>
        %gather3A_648 = tpu.vector_load_idx %arg12[%add3A_183, %broadcast_in_dim3A_647] : memref<48x128xf32, #tpu.memory_space<vmem>>[vector<16xi32>, vector<16xi32>], vector<16xf32>,
        %gather3A_649 = tpu.vector_load_idx %arg13[%add3A_183, %broadcast_in_dim3A_647] : memref<48x128xf32, #tpu.memory_space<vmem>>[vector<16xi32>, vector<16xi32>], vector<16xf32>,
        %mul3A_650 = arith.mulf %gather3A_648, %gather3A_649 : vector<16xf32>
        %add3A_651 = arith.addf %add3A_645, %mul3A_650 : vector<16xf32>
        %broadcast_in_dim3A_652 = arith.constant 57 : i32
        %broadcast_in_dim3A_653 = vector.broadcast %broadcast_in_dim3A_652 : i32 to vector<16xi32>
        %gather3A_654 = tpu.vector_load_idx %arg12[%add3A_183, %broadcast_in_dim3A_653] : memref<48x128xf32, #tpu.memory_space<vmem>>[vector<16xi32>, vector<16xi32>], vector<16xf32>,
        %gather3A_655 = tpu.vector_load_idx %arg13[%add3A_183, %broadcast_in_dim3A_653] : memref<48x128xf32, #tpu.memory_space<vmem>>[vector<16xi32>, vector<16xi32>], vector<16xf32>,
        %mul3A_656 = arith.mulf %gather3A_654, %gather3A_655 : vector<16xf32>
        %add3A_657 = arith.addf %add3A_651, %mul3A_656 : vector<16xf32>
        %broadcast_in_dim3A_658 = arith.constant 58 : i32
        %broadcast_in_dim3A_659 = vector.broadcast %broadcast_in_dim3A_658 : i32 to vector<16xi32>
        %gather3A_660 = tpu.vector_load_idx %arg12[%add3A_183, %broadcast_in_dim3A_659] : memref<48x128xf32, #tpu.memory_space<vmem>>[vector<16xi32>, vector<16xi32>], vector<16xf32>,
        %gather3A_661 = tpu.vector_load_idx %arg13[%add3A_183, %broadcast_in_dim3A_659] : memref<48x128xf32, #tpu.memory_space<vmem>>[vector<16xi32>, vector<16xi32>], vector<16xf32>,
        %mul3A_662 = arith.mulf %gather3A_660, %gather3A_661 : vector<16xf32>
        %add3A_663 = arith.addf %add3A_657, %mul3A_662 : vector<16xf32>
        %broadcast_in_dim3A_664 = arith.constant 59 : i32
        %broadcast_in_dim3A_665 = vector.broadcast %broadcast_in_dim3A_664 : i32 to vector<16xi32>
        %gather3A_666 = tpu.vector_load_idx %arg12[%add3A_183, %broadcast_in_dim3A_665] : memref<48x128xf32, #tpu.memory_space<vmem>>[vector<16xi32>, vector<16xi32>], vector<16xf32>,
        %gather3A_667 = tpu.vector_load_idx %arg13[%add3A_183, %broadcast_in_dim3A_665] : memref<48x128xf32, #tpu.memory_space<vmem>>[vector<16xi32>, vector<16xi32>], vector<16xf32>,
        %mul3A_668 = arith.mulf %gather3A_666, %gather3A_667 : vector<16xf32>
        %add3A_669 = arith.addf %add3A_663, %mul3A_668 : vector<16xf32>
        %broadcast_in_dim3A_670 = arith.constant 60 : i32
        %broadcast_in_dim3A_671 = vector.broadcast %broadcast_in_dim3A_670 : i32 to vector<16xi32>
        %gather3A_672 = tpu.vector_load_idx %arg12[%add3A_183, %broadcast_in_dim3A_671] : memref<48x128xf32, #tpu.memory_space<vmem>>[vector<16xi32>, vector<16xi32>], vector<16xf32>,
        %gather3A_673 = tpu.vector_load_idx %arg13[%add3A_183, %broadcast_in_dim3A_671] : memref<48x128xf32, #tpu.memory_space<vmem>>[vector<16xi32>, vector<16xi32>], vector<16xf32>,
        %mul3A_674 = arith.mulf %gather3A_672, %gather3A_673 : vector<16xf32>
        %add3A_675 = arith.addf %add3A_669, %mul3A_674 : vector<16xf32>
        %broadcast_in_dim3A_676 = arith.constant 61 : i32
        %broadcast_in_dim3A_677 = vector.broadcast %broadcast_in_dim3A_676 : i32 to vector<16xi32>
        %gather3A_678 = tpu.vector_load_idx %arg12[%add3A_183, %broadcast_in_dim3A_677] : memref<48x128xf32, #tpu.memory_space<vmem>>[vector<16xi32>, vector<16xi32>], vector<16xf32>,
        %gather3A_679 = tpu.vector_load_idx %arg13[%add3A_183, %broadcast_in_dim3A_677] : memref<48x128xf32, #tpu.memory_space<vmem>>[vector<16xi32>, vector<16xi32>], vector<16xf32>,
        %mul3A_680 = arith.mulf %gather3A_678, %gather3A_679 : vector<16xf32>
        %add3A_681 = arith.addf %add3A_675, %mul3A_680 : vector<16xf32>
        %broadcast_in_dim3A_682 = arith.constant 62 : i32
        %broadcast_in_dim3A_683 = vector.broadcast %broadcast_in_dim3A_682 : i32 to vector<16xi32>
        %gather3A_684 = tpu.vector_load_idx %arg12[%add3A_183, %broadcast_in_dim3A_683] : memref<48x128xf32, #tpu.memory_space<vmem>>[vector<16xi32>, vector<16xi32>], vector<16xf32>,
        %gather3A_685 = tpu.vector_load_idx %arg13[%add3A_183, %broadcast_in_dim3A_683] : memref<48x128xf32, #tpu.memory_space<vmem>>[vector<16xi32>, vector<16xi32>], vector<16xf32>,
        %mul3A_686 = arith.mulf %gather3A_684, %gather3A_685 : vector<16xf32>
        %add3A_687 = arith.addf %add3A_681, %mul3A_686 : vector<16xf32>
        %broadcast_in_dim3A_688 = arith.constant 63 : i32
        %broadcast_in_dim3A_689 = vector.broadcast %broadcast_in_dim3A_688 : i32 to vector<16xi32>
        %gather3A_690 = tpu.vector_load_idx %arg12[%add3A_183, %broadcast_in_dim3A_689] : memref<48x128xf32, #tpu.memory_space<vmem>>[vector<16xi32>, vector<16xi32>], vector<16xf32>,
        %gather3A_691 = tpu.vector_load_idx %arg13[%add3A_183, %broadcast_in_dim3A_689] : memref<48x128xf32, #tpu.memory_space<vmem>>[vector<16xi32>, vector<16xi32>], vector<16xf32>,
        %mul3A_692 = arith.mulf %gather3A_690, %gather3A_691 : vector<16xf32>
        %add3A_693 = arith.addf %add3A_687, %mul3A_692 : vector<16xf32>
        %add3A_694 = arith.constant 8 : i32
        %add3A_695 = vector.broadcast %add3A_694 : i32 to vector<16xi32>
        %add3A_696 = arith.addi %get3A_191, %add3A_695 : vector<16xi32>
        %gather3A_697 = tpu.vector_load_idx %arg21[%add3A_696] : memref<48xf32, #tpu.memory_space<vmem>>[vector<16xi32>], vector<16xf32>,
        %mul3A_698 = arith.constant 0.176776692 : f32
        %mul3A_699 = vector.broadcast %mul3A_698 : f32 to vector<16xf32>
        %mul3A_700 = arith.mulf %add3A_693, %mul3A_699 : vector<16xf32>
        %mul3A_701 = arith.mulf %mul3A_700, %gather3A_697 : vector<16xf32>
        %max3A_702 = arith.constant -8.000000e+01 : f32
        %max3A_703 = vector.broadcast %max3A_702 : f32 to vector<16xf32>
        %max3A_704 = arith.maximumf %mul3A_701, %max3A_703 : vector<16xf32>
        %min3A_705 = arith.constant 8.000000e+01 : f32
        %min3A_706 = vector.broadcast %min3A_705 : f32 to vector<16xf32>
        %min3A_707 = arith.minimumf %max3A_704, %min3A_706 : vector<16xf32>
        %exp3A_708 = math.exp %min3A_707 : vector<16xf32>
        %broadcast_in_dim3A_709 = arith.constant 32 : i32
        %broadcast_in_dim3A_710 = vector.broadcast %broadcast_in_dim3A_709 : i32 to vector<16xi32>
        %mul3A_711 = arith.mulf %gather3A_504, %exp3A_708 : vector<16xf32>
        tpu.vector_store_idx %arg12[%add3A_183, %broadcast_in_dim3A_710], %mul3A_711 : memref<48x128xf32, #tpu.memory_space<vmem>>[vector<16xi32>, vector<16xi32>], vector<16xf32>,
        %broadcast_in_dim3A_712 = arith.constant 33 : i32
        %broadcast_in_dim3A_713 = vector.broadcast %broadcast_in_dim3A_712 : i32 to vector<16xi32>
        %mul3A_714 = arith.mulf %gather3A_510, %exp3A_708 : vector<16xf32>
        tpu.vector_store_idx %arg12[%add3A_183, %broadcast_in_dim3A_713], %mul3A_714 : memref<48x128xf32, #tpu.memory_space<vmem>>[vector<16xi32>, vector<16xi32>], vector<16xf32>,
        %broadcast_in_dim3A_715 = arith.constant 34 : i32
        %broadcast_in_dim3A_716 = vector.broadcast %broadcast_in_dim3A_715 : i32 to vector<16xi32>
        %mul3A_717 = arith.mulf %gather3A_516, %exp3A_708 : vector<16xf32>
        tpu.vector_store_idx %arg12[%add3A_183, %broadcast_in_dim3A_716], %mul3A_717 : memref<48x128xf32, #tpu.memory_space<vmem>>[vector<16xi32>, vector<16xi32>], vector<16xf32>,
        %broadcast_in_dim3A_718 = arith.constant 35 : i32
        %broadcast_in_dim3A_719 = vector.broadcast %broadcast_in_dim3A_718 : i32 to vector<16xi32>
        %mul3A_720 = arith.mulf %gather3A_522, %exp3A_708 : vector<16xf32>
        tpu.vector_store_idx %arg12[%add3A_183, %broadcast_in_dim3A_719], %mul3A_720 : memref<48x128xf32, #tpu.memory_space<vmem>>[vector<16xi32>, vector<16xi32>], vector<16xf32>,
        %broadcast_in_dim3A_721 = arith.constant 36 : i32
        %broadcast_in_dim3A_722 = vector.broadcast %broadcast_in_dim3A_721 : i32 to vector<16xi32>
        %mul3A_723 = arith.mulf %gather3A_528, %exp3A_708 : vector<16xf32>
        tpu.vector_store_idx %arg12[%add3A_183, %broadcast_in_dim3A_722], %mul3A_723 : memref<48x128xf32, #tpu.memory_space<vmem>>[vector<16xi32>, vector<16xi32>], vector<16xf32>,
        %broadcast_in_dim3A_724 = arith.constant 37 : i32
        %broadcast_in_dim3A_725 = vector.broadcast %broadcast_in_dim3A_724 : i32 to vector<16xi32>
        %mul3A_726 = arith.mulf %gather3A_534, %exp3A_708 : vector<16xf32>
        tpu.vector_store_idx %arg12[%add3A_183, %broadcast_in_dim3A_725], %mul3A_726 : memref<48x128xf32, #tpu.memory_space<vmem>>[vector<16xi32>, vector<16xi32>], vector<16xf32>,
        %broadcast_in_dim3A_727 = arith.constant 38 : i32
        %broadcast_in_dim3A_728 = vector.broadcast %broadcast_in_dim3A_727 : i32 to vector<16xi32>
        %mul3A_729 = arith.mulf %gather3A_540, %exp3A_708 : vector<16xf32>
        tpu.vector_store_idx %arg12[%add3A_183, %broadcast_in_dim3A_728], %mul3A_729 : memref<48x128xf32, #tpu.memory_space<vmem>>[vector<16xi32>, vector<16xi32>], vector<16xf32>,
        %broadcast_in_dim3A_730 = arith.constant 39 : i32
        %broadcast_in_dim3A_731 = vector.broadcast %broadcast_in_dim3A_730 : i32 to vector<16xi32>
        %mul3A_732 = arith.mulf %gather3A_546, %exp3A_708 : vector<16xf32>
        tpu.vector_store_idx %arg12[%add3A_183, %broadcast_in_dim3A_731], %mul3A_732 : memref<48x128xf32, #tpu.memory_space<vmem>>[vector<16xi32>, vector<16xi32>], vector<16xf32>,
        %broadcast_in_dim3A_733 = arith.constant 40 : i32
        %broadcast_in_dim3A_734 = vector.broadcast %broadcast_in_dim3A_733 : i32 to vector<16xi32>
        %mul3A_735 = arith.mulf %gather3A_552, %exp3A_708 : vector<16xf32>
        tpu.vector_store_idx %arg12[%add3A_183, %broadcast_in_dim3A_734], %mul3A_735 : memref<48x128xf32, #tpu.memory_space<vmem>>[vector<16xi32>, vector<16xi32>], vector<16xf32>,
        %broadcast_in_dim3A_736 = arith.constant 41 : i32
        %broadcast_in_dim3A_737 = vector.broadcast %broadcast_in_dim3A_736 : i32 to vector<16xi32>
        %mul3A_738 = arith.mulf %gather3A_558, %exp3A_708 : vector<16xf32>
        tpu.vector_store_idx %arg12[%add3A_183, %broadcast_in_dim3A_737], %mul3A_738 : memref<48x128xf32, #tpu.memory_space<vmem>>[vector<16xi32>, vector<16xi32>], vector<16xf32>,
        %broadcast_in_dim3A_739 = arith.constant 42 : i32
        %broadcast_in_dim3A_740 = vector.broadcast %broadcast_in_dim3A_739 : i32 to vector<16xi32>
        %mul3A_741 = arith.mulf %gather3A_564, %exp3A_708 : vector<16xf32>
        tpu.vector_store_idx %arg12[%add3A_183, %broadcast_in_dim3A_740], %mul3A_741 : memref<48x128xf32, #tpu.memory_space<vmem>>[vector<16xi32>, vector<16xi32>], vector<16xf32>,
        %broadcast_in_dim3A_742 = arith.constant 43 : i32
        %broadcast_in_dim3A_743 = vector.broadcast %broadcast_in_dim3A_742 : i32 to vector<16xi32>
        %mul3A_744 = arith.mulf %gather3A_570, %exp3A_708 : vector<16xf32>
        tpu.vector_store_idx %arg12[%add3A_183, %broadcast_in_dim3A_743], %mul3A_744 : memref<48x128xf32, #tpu.memory_space<vmem>>[vector<16xi32>, vector<16xi32>], vector<16xf32>,
        %broadcast_in_dim3A_745 = arith.constant 44 : i32
        %broadcast_in_dim3A_746 = vector.broadcast %broadcast_in_dim3A_745 : i32 to vector<16xi32>
        %mul3A_747 = arith.mulf %gather3A_576, %exp3A_708 : vector<16xf32>
        tpu.vector_store_idx %arg12[%add3A_183, %broadcast_in_dim3A_746], %mul3A_747 : memref<48x128xf32, #tpu.memory_space<vmem>>[vector<16xi32>, vector<16xi32>], vector<16xf32>,
        %broadcast_in_dim3A_748 = arith.constant 45 : i32
        %broadcast_in_dim3A_749 = vector.broadcast %broadcast_in_dim3A_748 : i32 to vector<16xi32>
        %mul3A_750 = arith.mulf %gather3A_582, %exp3A_708 : vector<16xf32>
        tpu.vector_store_idx %arg12[%add3A_183, %broadcast_in_dim3A_749], %mul3A_750 : memref<48x128xf32, #tpu.memory_space<vmem>>[vector<16xi32>, vector<16xi32>], vector<16xf32>,
        %broadcast_in_dim3A_751 = arith.constant 46 : i32
        %broadcast_in_dim3A_752 = vector.broadcast %broadcast_in_dim3A_751 : i32 to vector<16xi32>
        %mul3A_753 = arith.mulf %gather3A_588, %exp3A_708 : vector<16xf32>
        tpu.vector_store_idx %arg12[%add3A_183, %broadcast_in_dim3A_752], %mul3A_753 : memref<48x128xf32, #tpu.memory_space<vmem>>[vector<16xi32>, vector<16xi32>], vector<16xf32>,
        %broadcast_in_dim3A_754 = arith.constant 47 : i32
        %broadcast_in_dim3A_755 = vector.broadcast %broadcast_in_dim3A_754 : i32 to vector<16xi32>
        %mul3A_756 = arith.mulf %gather3A_594, %exp3A_708 : vector<16xf32>
        tpu.vector_store_idx %arg12[%add3A_183, %broadcast_in_dim3A_755], %mul3A_756 : memref<48x128xf32, #tpu.memory_space<vmem>>[vector<16xi32>, vector<16xi32>], vector<16xf32>,
        %broadcast_in_dim3A_757 = arith.constant 48 : i32
        %broadcast_in_dim3A_758 = vector.broadcast %broadcast_in_dim3A_757 : i32 to vector<16xi32>
        %mul3A_759 = arith.mulf %gather3A_600, %exp3A_708 : vector<16xf32>
        tpu.vector_store_idx %arg12[%add3A_183, %broadcast_in_dim3A_758], %mul3A_759 : memref<48x128xf32, #tpu.memory_space<vmem>>[vector<16xi32>, vector<16xi32>], vector<16xf32>,
        %broadcast_in_dim3A_760 = arith.constant 49 : i32
        %broadcast_in_dim3A_761 = vector.broadcast %broadcast_in_dim3A_760 : i32 to vector<16xi32>
        %mul3A_762 = arith.mulf %gather3A_606, %exp3A_708 : vector<16xf32>
        tpu.vector_store_idx %arg12[%add3A_183, %broadcast_in_dim3A_761], %mul3A_762 : memref<48x128xf32, #tpu.memory_space<vmem>>[vector<16xi32>, vector<16xi32>], vector<16xf32>,
        %broadcast_in_dim3A_763 = arith.constant 50 : i32
        %broadcast_in_dim3A_764 = vector.broadcast %broadcast_in_dim3A_763 : i32 to vector<16xi32>
        %mul3A_765 = arith.mulf %gather3A_612, %exp3A_708 : vector<16xf32>
        tpu.vector_store_idx %arg12[%add3A_183, %broadcast_in_dim3A_764], %mul3A_765 : memref<48x128xf32, #tpu.memory_space<vmem>>[vector<16xi32>, vector<16xi32>], vector<16xf32>,
        %broadcast_in_dim3A_766 = arith.constant 51 : i32
        %broadcast_in_dim3A_767 = vector.broadcast %broadcast_in_dim3A_766 : i32 to vector<16xi32>
        %mul3A_768 = arith.mulf %gather3A_618, %exp3A_708 : vector<16xf32>
        tpu.vector_store_idx %arg12[%add3A_183, %broadcast_in_dim3A_767], %mul3A_768 : memref<48x128xf32, #tpu.memory_space<vmem>>[vector<16xi32>, vector<16xi32>], vector<16xf32>,
        %broadcast_in_dim3A_769 = arith.constant 52 : i32
        %broadcast_in_dim3A_770 = vector.broadcast %broadcast_in_dim3A_769 : i32 to vector<16xi32>
        %mul3A_771 = arith.mulf %gather3A_624, %exp3A_708 : vector<16xf32>
        tpu.vector_store_idx %arg12[%add3A_183, %broadcast_in_dim3A_770], %mul3A_771 : memref<48x128xf32, #tpu.memory_space<vmem>>[vector<16xi32>, vector<16xi32>], vector<16xf32>,
        %broadcast_in_dim3A_772 = arith.constant 53 : i32
        %broadcast_in_dim3A_773 = vector.broadcast %broadcast_in_dim3A_772 : i32 to vector<16xi32>
        %mul3A_774 = arith.mulf %gather3A_630, %exp3A_708 : vector<16xf32>
        tpu.vector_store_idx %arg12[%add3A_183, %broadcast_in_dim3A_773], %mul3A_774 : memref<48x128xf32, #tpu.memory_space<vmem>>[vector<16xi32>, vector<16xi32>], vector<16xf32>,
        %broadcast_in_dim3A_775 = arith.constant 54 : i32
        %broadcast_in_dim3A_776 = vector.broadcast %broadcast_in_dim3A_775 : i32 to vector<16xi32>
        %mul3A_777 = arith.mulf %gather3A_636, %exp3A_708 : vector<16xf32>
        tpu.vector_store_idx %arg12[%add3A_183, %broadcast_in_dim3A_776], %mul3A_777 : memref<48x128xf32, #tpu.memory_space<vmem>>[vector<16xi32>, vector<16xi32>], vector<16xf32>,
        %broadcast_in_dim3A_778 = arith.constant 55 : i32
        %broadcast_in_dim3A_779 = vector.broadcast %broadcast_in_dim3A_778 : i32 to vector<16xi32>
        %mul3A_780 = arith.mulf %gather3A_642, %exp3A_708 : vector<16xf32>
        tpu.vector_store_idx %arg12[%add3A_183, %broadcast_in_dim3A_779], %mul3A_780 : memref<48x128xf32, #tpu.memory_space<vmem>>[vector<16xi32>, vector<16xi32>], vector<16xf32>,
        %broadcast_in_dim3A_781 = arith.constant 56 : i32
        %broadcast_in_dim3A_782 = vector.broadcast %broadcast_in_dim3A_781 : i32 to vector<16xi32>
        %mul3A_783 = arith.mulf %gather3A_648, %exp3A_708 : vector<16xf32>
        tpu.vector_store_idx %arg12[%add3A_183, %broadcast_in_dim3A_782], %mul3A_783 : memref<48x128xf32, #tpu.memory_space<vmem>>[vector<16xi32>, vector<16xi32>], vector<16xf32>,
        %broadcast_in_dim3A_784 = arith.constant 57 : i32
        %broadcast_in_dim3A_785 = vector.broadcast %broadcast_in_dim3A_784 : i32 to vector<16xi32>
        %mul3A_786 = arith.mulf %gather3A_654, %exp3A_708 : vector<16xf32>
        tpu.vector_store_idx %arg12[%add3A_183, %broadcast_in_dim3A_785], %mul3A_786 : memref<48x128xf32, #tpu.memory_space<vmem>>[vector<16xi32>, vector<16xi32>], vector<16xf32>,
        %broadcast_in_dim3A_787 = arith.constant 58 : i32
        %broadcast_in_dim3A_788 = vector.broadcast %broadcast_in_dim3A_787 : i32 to vector<16xi32>
        %mul3A_789 = arith.mulf %gather3A_660, %exp3A_708 : vector<16xf32>
        tpu.vector_store_idx %arg12[%add3A_183, %broadcast_in_dim3A_788], %mul3A_789 : memref<48x128xf32, #tpu.memory_space<vmem>>[vector<16xi32>, vector<16xi32>], vector<16xf32>,
        %broadcast_in_dim3A_790 = arith.constant 59 : i32
        %broadcast_in_dim3A_791 = vector.broadcast %broadcast_in_dim3A_790 : i32 to vector<16xi32>
        %mul3A_792 = arith.mulf %gather3A_666, %exp3A_708 : vector<16xf32>
        tpu.vector_store_idx %arg12[%add3A_183, %broadcast_in_dim3A_791], %mul3A_792 : memref<48x128xf32, #tpu.memory_space<vmem>>[vector<16xi32>, vector<16xi32>], vector<16xf32>,
        %broadcast_in_dim3A_793 = arith.constant 60 : i32
        %broadcast_in_dim3A_794 = vector.broadcast %broadcast_in_dim3A_793 : i32 to vector<16xi32>
        %mul3A_795 = arith.mulf %gather3A_672, %exp3A_708 : vector<16xf32>
        tpu.vector_store_idx %arg12[%add3A_183, %broadcast_in_dim3A_794], %mul3A_795 : memref<48x128xf32, #tpu.memory_space<vmem>>[vector<16xi32>, vector<16xi32>], vector<16xf32>,
        %broadcast_in_dim3A_796 = arith.constant 61 : i32
        %broadcast_in_dim3A_797 = vector.broadcast %broadcast_in_dim3A_796 : i32 to vector<16xi32>
        %mul3A_798 = arith.mulf %gather3A_678, %exp3A_708 : vector<16xf32>
        tpu.vector_store_idx %arg12[%add3A_183, %broadcast_in_dim3A_797], %mul3A_798 : memref<48x128xf32, #tpu.memory_space<vmem>>[vector<16xi32>, vector<16xi32>], vector<16xf32>,
        %broadcast_in_dim3A_799 = arith.constant 62 : i32
        %broadcast_in_dim3A_800 = vector.broadcast %broadcast_in_dim3A_799 : i32 to vector<16xi32>
        %mul3A_801 = arith.mulf %gather3A_684, %exp3A_708 : vector<16xf32>
        tpu.vector_store_idx %arg12[%add3A_183, %broadcast_in_dim3A_800], %mul3A_801 : memref<48x128xf32, #tpu.memory_space<vmem>>[vector<16xi32>, vector<16xi32>], vector<16xf32>,
        %broadcast_in_dim3A_802 = arith.constant 63 : i32
        %broadcast_in_dim3A_803 = vector.broadcast %broadcast_in_dim3A_802 : i32 to vector<16xi32>
        %mul3A_804 = arith.mulf %gather3A_690, %exp3A_708 : vector<16xf32>
        tpu.vector_store_idx %arg12[%add3A_183, %broadcast_in_dim3A_803], %mul3A_804 : memref<48x128xf32, #tpu.memory_space<vmem>>[vector<16xi32>, vector<16xi32>], vector<16xf32>,
        %add3A_805 = arith.constant 1 : i32
        %add3A_806 = vector.broadcast %add3A_805 : i32 to vector<16xi32>
        %add3A_807 = arith.addi %mul3A_199, %add3A_806 : vector<16xi32>
        tpu.vector_store_idx %arg14[%add3A_183, %add3A_807], %exp3A_708 masked %lt3A_188 : memref<48x128xf32, #tpu.memory_space<vmem>>[vector<16xi32>, vector<16xi32>], vector<16xf32>, vector<16xi1>
        %broadcast_in_dim3A_808 = arith.constant 64 : i32
        %broadcast_in_dim3A_809 = vector.broadcast %broadcast_in_dim3A_808 : i32 to vector<16xi32>
        %gather3A_810 = tpu.vector_load_idx %arg12[%add3A_183, %broadcast_in_dim3A_809] : memref<48x128xf32, #tpu.memory_space<vmem>>[vector<16xi32>, vector<16xi32>], vector<16xf32>,
        %gather3A_811 = tpu.vector_load_idx %arg13[%add3A_183, %broadcast_in_dim3A_809] : memref<48x128xf32, #tpu.memory_space<vmem>>[vector<16xi32>, vector<16xi32>], vector<16xf32>,
        %mul3A_812 = arith.mulf %gather3A_810, %gather3A_811 : vector<16xf32>
        %add3A_813 = arith.addf %broadcast_in_dim3A_1, %mul3A_812 : vector<16xf32>
        %broadcast_in_dim3A_814 = arith.constant 65 : i32
        %broadcast_in_dim3A_815 = vector.broadcast %broadcast_in_dim3A_814 : i32 to vector<16xi32>
        %gather3A_816 = tpu.vector_load_idx %arg12[%add3A_183, %broadcast_in_dim3A_815] : memref<48x128xf32, #tpu.memory_space<vmem>>[vector<16xi32>, vector<16xi32>], vector<16xf32>,
        %gather3A_817 = tpu.vector_load_idx %arg13[%add3A_183, %broadcast_in_dim3A_815] : memref<48x128xf32, #tpu.memory_space<vmem>>[vector<16xi32>, vector<16xi32>], vector<16xf32>,
        %mul3A_818 = arith.mulf %gather3A_816, %gather3A_817 : vector<16xf32>
        %add3A_819 = arith.addf %add3A_813, %mul3A_818 : vector<16xf32>
        %broadcast_in_dim3A_820 = arith.constant 66 : i32
        %broadcast_in_dim3A_821 = vector.broadcast %broadcast_in_dim3A_820 : i32 to vector<16xi32>
        %gather3A_822 = tpu.vector_load_idx %arg12[%add3A_183, %broadcast_in_dim3A_821] : memref<48x128xf32, #tpu.memory_space<vmem>>[vector<16xi32>, vector<16xi32>], vector<16xf32>,
        %gather3A_823 = tpu.vector_load_idx %arg13[%add3A_183, %broadcast_in_dim3A_821] : memref<48x128xf32, #tpu.memory_space<vmem>>[vector<16xi32>, vector<16xi32>], vector<16xf32>,
        %mul3A_824 = arith.mulf %gather3A_822, %gather3A_823 : vector<16xf32>
        %add3A_825 = arith.addf %add3A_819, %mul3A_824 : vector<16xf32>
        %broadcast_in_dim3A_826 = arith.constant 67 : i32
        %broadcast_in_dim3A_827 = vector.broadcast %broadcast_in_dim3A_826 : i32 to vector<16xi32>
        %gather3A_828 = tpu.vector_load_idx %arg12[%add3A_183, %broadcast_in_dim3A_827] : memref<48x128xf32, #tpu.memory_space<vmem>>[vector<16xi32>, vector<16xi32>], vector<16xf32>,
        %gather3A_829 = tpu.vector_load_idx %arg13[%add3A_183, %broadcast_in_dim3A_827] : memref<48x128xf32, #tpu.memory_space<vmem>>[vector<16xi32>, vector<16xi32>], vector<16xf32>,
        %mul3A_830 = arith.mulf %gather3A_828, %gather3A_829 : vector<16xf32>
        %add3A_831 = arith.addf %add3A_825, %mul3A_830 : vector<16xf32>
        %broadcast_in_dim3A_832 = arith.constant 68 : i32
        %broadcast_in_dim3A_833 = vector.broadcast %broadcast_in_dim3A_832 : i32 to vector<16xi32>
        %gather3A_834 = tpu.vector_load_idx %arg12[%add3A_183, %broadcast_in_dim3A_833] : memref<48x128xf32, #tpu.memory_space<vmem>>[vector<16xi32>, vector<16xi32>], vector<16xf32>,
        %gather3A_835 = tpu.vector_load_idx %arg13[%add3A_183, %broadcast_in_dim3A_833] : memref<48x128xf32, #tpu.memory_space<vmem>>[vector<16xi32>, vector<16xi32>], vector<16xf32>,
        %mul3A_836 = arith.mulf %gather3A_834, %gather3A_835 : vector<16xf32>
        %add3A_837 = arith.addf %add3A_831, %mul3A_836 : vector<16xf32>
        %broadcast_in_dim3A_838 = arith.constant 69 : i32
        %broadcast_in_dim3A_839 = vector.broadcast %broadcast_in_dim3A_838 : i32 to vector<16xi32>
        %gather3A_840 = tpu.vector_load_idx %arg12[%add3A_183, %broadcast_in_dim3A_839] : memref<48x128xf32, #tpu.memory_space<vmem>>[vector<16xi32>, vector<16xi32>], vector<16xf32>,
        %gather3A_841 = tpu.vector_load_idx %arg13[%add3A_183, %broadcast_in_dim3A_839] : memref<48x128xf32, #tpu.memory_space<vmem>>[vector<16xi32>, vector<16xi32>], vector<16xf32>,
        %mul3A_842 = arith.mulf %gather3A_840, %gather3A_841 : vector<16xf32>
        %add3A_843 = arith.addf %add3A_837, %mul3A_842 : vector<16xf32>
        %broadcast_in_dim3A_844 = arith.constant 70 : i32
        %broadcast_in_dim3A_845 = vector.broadcast %broadcast_in_dim3A_844 : i32 to vector<16xi32>
        %gather3A_846 = tpu.vector_load_idx %arg12[%add3A_183, %broadcast_in_dim3A_845] : memref<48x128xf32, #tpu.memory_space<vmem>>[vector<16xi32>, vector<16xi32>], vector<16xf32>,
        %gather3A_847 = tpu.vector_load_idx %arg13[%add3A_183, %broadcast_in_dim3A_845] : memref<48x128xf32, #tpu.memory_space<vmem>>[vector<16xi32>, vector<16xi32>], vector<16xf32>,
        %mul3A_848 = arith.mulf %gather3A_846, %gather3A_847 : vector<16xf32>
        %add3A_849 = arith.addf %add3A_843, %mul3A_848 : vector<16xf32>
        %broadcast_in_dim3A_850 = arith.constant 71 : i32
        %broadcast_in_dim3A_851 = vector.broadcast %broadcast_in_dim3A_850 : i32 to vector<16xi32>
        %gather3A_852 = tpu.vector_load_idx %arg12[%add3A_183, %broadcast_in_dim3A_851] : memref<48x128xf32, #tpu.memory_space<vmem>>[vector<16xi32>, vector<16xi32>], vector<16xf32>,
        %gather3A_853 = tpu.vector_load_idx %arg13[%add3A_183, %broadcast_in_dim3A_851] : memref<48x128xf32, #tpu.memory_space<vmem>>[vector<16xi32>, vector<16xi32>], vector<16xf32>,
        %mul3A_854 = arith.mulf %gather3A_852, %gather3A_853 : vector<16xf32>
        %add3A_855 = arith.addf %add3A_849, %mul3A_854 : vector<16xf32>
        %broadcast_in_dim3A_856 = arith.constant 72 : i32
        %broadcast_in_dim3A_857 = vector.broadcast %broadcast_in_dim3A_856 : i32 to vector<16xi32>
        %gather3A_858 = tpu.vector_load_idx %arg12[%add3A_183, %broadcast_in_dim3A_857] : memref<48x128xf32, #tpu.memory_space<vmem>>[vector<16xi32>, vector<16xi32>], vector<16xf32>,
        %gather3A_859 = tpu.vector_load_idx %arg13[%add3A_183, %broadcast_in_dim3A_857] : memref<48x128xf32, #tpu.memory_space<vmem>>[vector<16xi32>, vector<16xi32>], vector<16xf32>,
        %mul3A_860 = arith.mulf %gather3A_858, %gather3A_859 : vector<16xf32>
        %add3A_861 = arith.addf %add3A_855, %mul3A_860 : vector<16xf32>
        %broadcast_in_dim3A_862 = arith.constant 73 : i32
        %broadcast_in_dim3A_863 = vector.broadcast %broadcast_in_dim3A_862 : i32 to vector<16xi32>
        %gather3A_864 = tpu.vector_load_idx %arg12[%add3A_183, %broadcast_in_dim3A_863] : memref<48x128xf32, #tpu.memory_space<vmem>>[vector<16xi32>, vector<16xi32>], vector<16xf32>,
        %gather3A_865 = tpu.vector_load_idx %arg13[%add3A_183, %broadcast_in_dim3A_863] : memref<48x128xf32, #tpu.memory_space<vmem>>[vector<16xi32>, vector<16xi32>], vector<16xf32>,
        %mul3A_866 = arith.mulf %gather3A_864, %gather3A_865 : vector<16xf32>
        %add3A_867 = arith.addf %add3A_861, %mul3A_866 : vector<16xf32>
        %broadcast_in_dim3A_868 = arith.constant 74 : i32
        %broadcast_in_dim3A_869 = vector.broadcast %broadcast_in_dim3A_868 : i32 to vector<16xi32>
        %gather3A_870 = tpu.vector_load_idx %arg12[%add3A_183, %broadcast_in_dim3A_869] : memref<48x128xf32, #tpu.memory_space<vmem>>[vector<16xi32>, vector<16xi32>], vector<16xf32>,
        %gather3A_871 = tpu.vector_load_idx %arg13[%add3A_183, %broadcast_in_dim3A_869] : memref<48x128xf32, #tpu.memory_space<vmem>>[vector<16xi32>, vector<16xi32>], vector<16xf32>,
        %mul3A_872 = arith.mulf %gather3A_870, %gather3A_871 : vector<16xf32>
        %add3A_873 = arith.addf %add3A_867, %mul3A_872 : vector<16xf32>
        %broadcast_in_dim3A_874 = arith.constant 75 : i32
        %broadcast_in_dim3A_875 = vector.broadcast %broadcast_in_dim3A_874 : i32 to vector<16xi32>
        %gather3A_876 = tpu.vector_load_idx %arg12[%add3A_183, %broadcast_in_dim3A_875] : memref<48x128xf32, #tpu.memory_space<vmem>>[vector<16xi32>, vector<16xi32>], vector<16xf32>,
        %gather3A_877 = tpu.vector_load_idx %arg13[%add3A_183, %broadcast_in_dim3A_875] : memref<48x128xf32, #tpu.memory_space<vmem>>[vector<16xi32>, vector<16xi32>], vector<16xf32>,
        %mul3A_878 = arith.mulf %gather3A_876, %gather3A_877 : vector<16xf32>
        %add3A_879 = arith.addf %add3A_873, %mul3A_878 : vector<16xf32>
        %broadcast_in_dim3A_880 = arith.constant 76 : i32
        %broadcast_in_dim3A_881 = vector.broadcast %broadcast_in_dim3A_880 : i32 to vector<16xi32>
        %gather3A_882 = tpu.vector_load_idx %arg12[%add3A_183, %broadcast_in_dim3A_881] : memref<48x128xf32, #tpu.memory_space<vmem>>[vector<16xi32>, vector<16xi32>], vector<16xf32>,
        %gather3A_883 = tpu.vector_load_idx %arg13[%add3A_183, %broadcast_in_dim3A_881] : memref<48x128xf32, #tpu.memory_space<vmem>>[vector<16xi32>, vector<16xi32>], vector<16xf32>,
        %mul3A_884 = arith.mulf %gather3A_882, %gather3A_883 : vector<16xf32>
        %add3A_885 = arith.addf %add3A_879, %mul3A_884 : vector<16xf32>
        %broadcast_in_dim3A_886 = arith.constant 77 : i32
        %broadcast_in_dim3A_887 = vector.broadcast %broadcast_in_dim3A_886 : i32 to vector<16xi32>
        %gather3A_888 = tpu.vector_load_idx %arg12[%add3A_183, %broadcast_in_dim3A_887] : memref<48x128xf32, #tpu.memory_space<vmem>>[vector<16xi32>, vector<16xi32>], vector<16xf32>,
        %gather3A_889 = tpu.vector_load_idx %arg13[%add3A_183, %broadcast_in_dim3A_887] : memref<48x128xf32, #tpu.memory_space<vmem>>[vector<16xi32>, vector<16xi32>], vector<16xf32>,
        %mul3A_890 = arith.mulf %gather3A_888, %gather3A_889 : vector<16xf32>
        %add3A_891 = arith.addf %add3A_885, %mul3A_890 : vector<16xf32>
        %broadcast_in_dim3A_892 = arith.constant 78 : i32
        %broadcast_in_dim3A_893 = vector.broadcast %broadcast_in_dim3A_892 : i32 to vector<16xi32>
        %gather3A_894 = tpu.vector_load_idx %arg12[%add3A_183, %broadcast_in_dim3A_893] : memref<48x128xf32, #tpu.memory_space<vmem>>[vector<16xi32>, vector<16xi32>], vector<16xf32>,
        %gather3A_895 = tpu.vector_load_idx %arg13[%add3A_183, %broadcast_in_dim3A_893] : memref<48x128xf32, #tpu.memory_space<vmem>>[vector<16xi32>, vector<16xi32>], vector<16xf32>,
        %mul3A_896 = arith.mulf %gather3A_894, %gather3A_895 : vector<16xf32>
        %add3A_897 = arith.addf %add3A_891, %mul3A_896 : vector<16xf32>
        %broadcast_in_dim3A_898 = arith.constant 79 : i32
        %broadcast_in_dim3A_899 = vector.broadcast %broadcast_in_dim3A_898 : i32 to vector<16xi32>
        %gather3A_900 = tpu.vector_load_idx %arg12[%add3A_183, %broadcast_in_dim3A_899] : memref<48x128xf32, #tpu.memory_space<vmem>>[vector<16xi32>, vector<16xi32>], vector<16xf32>,
        %gather3A_901 = tpu.vector_load_idx %arg13[%add3A_183, %broadcast_in_dim3A_899] : memref<48x128xf32, #tpu.memory_space<vmem>>[vector<16xi32>, vector<16xi32>], vector<16xf32>,
        %mul3A_902 = arith.mulf %gather3A_900, %gather3A_901 : vector<16xf32>
        %add3A_903 = arith.addf %add3A_897, %mul3A_902 : vector<16xf32>
        %broadcast_in_dim3A_904 = arith.constant 80 : i32
        %broadcast_in_dim3A_905 = vector.broadcast %broadcast_in_dim3A_904 : i32 to vector<16xi32>
        %gather3A_906 = tpu.vector_load_idx %arg12[%add3A_183, %broadcast_in_dim3A_905] : memref<48x128xf32, #tpu.memory_space<vmem>>[vector<16xi32>, vector<16xi32>], vector<16xf32>,
        %gather3A_907 = tpu.vector_load_idx %arg13[%add3A_183, %broadcast_in_dim3A_905] : memref<48x128xf32, #tpu.memory_space<vmem>>[vector<16xi32>, vector<16xi32>], vector<16xf32>,
        %mul3A_908 = arith.mulf %gather3A_906, %gather3A_907 : vector<16xf32>
        %add3A_909 = arith.addf %add3A_903, %mul3A_908 : vector<16xf32>
        %broadcast_in_dim3A_910 = arith.constant 81 : i32
        %broadcast_in_dim3A_911 = vector.broadcast %broadcast_in_dim3A_910 : i32 to vector<16xi32>
        %gather3A_912 = tpu.vector_load_idx %arg12[%add3A_183, %broadcast_in_dim3A_911] : memref<48x128xf32, #tpu.memory_space<vmem>>[vector<16xi32>, vector<16xi32>], vector<16xf32>,
        %gather3A_913 = tpu.vector_load_idx %arg13[%add3A_183, %broadcast_in_dim3A_911] : memref<48x128xf32, #tpu.memory_space<vmem>>[vector<16xi32>, vector<16xi32>], vector<16xf32>,
        %mul3A_914 = arith.mulf %gather3A_912, %gather3A_913 : vector<16xf32>
        %add3A_915 = arith.addf %add3A_909, %mul3A_914 : vector<16xf32>
        %broadcast_in_dim3A_916 = arith.constant 82 : i32
        %broadcast_in_dim3A_917 = vector.broadcast %broadcast_in_dim3A_916 : i32 to vector<16xi32>
        %gather3A_918 = tpu.vector_load_idx %arg12[%add3A_183, %broadcast_in_dim3A_917] : memref<48x128xf32, #tpu.memory_space<vmem>>[vector<16xi32>, vector<16xi32>], vector<16xf32>,
        %gather3A_919 = tpu.vector_load_idx %arg13[%add3A_183, %broadcast_in_dim3A_917] : memref<48x128xf32, #tpu.memory_space<vmem>>[vector<16xi32>, vector<16xi32>], vector<16xf32>,
        %mul3A_920 = arith.mulf %gather3A_918, %gather3A_919 : vector<16xf32>
        %add3A_921 = arith.addf %add3A_915, %mul3A_920 : vector<16xf32>
        %broadcast_in_dim3A_922 = arith.constant 83 : i32
        %broadcast_in_dim3A_923 = vector.broadcast %broadcast_in_dim3A_922 : i32 to vector<16xi32>
        %gather3A_924 = tpu.vector_load_idx %arg12[%add3A_183, %broadcast_in_dim3A_923] : memref<48x128xf32, #tpu.memory_space<vmem>>[vector<16xi32>, vector<16xi32>], vector<16xf32>,
        %gather3A_925 = tpu.vector_load_idx %arg13[%add3A_183, %broadcast_in_dim3A_923] : memref<48x128xf32, #tpu.memory_space<vmem>>[vector<16xi32>, vector<16xi32>], vector<16xf32>,
        %mul3A_926 = arith.mulf %gather3A_924, %gather3A_925 : vector<16xf32>
        %add3A_927 = arith.addf %add3A_921, %mul3A_926 : vector<16xf32>
        %broadcast_in_dim3A_928 = arith.constant 84 : i32
        %broadcast_in_dim3A_929 = vector.broadcast %broadcast_in_dim3A_928 : i32 to vector<16xi32>
        %gather3A_930 = tpu.vector_load_idx %arg12[%add3A_183, %broadcast_in_dim3A_929] : memref<48x128xf32, #tpu.memory_space<vmem>>[vector<16xi32>, vector<16xi32>], vector<16xf32>,
        %gather3A_931 = tpu.vector_load_idx %arg13[%add3A_183, %broadcast_in_dim3A_929] : memref<48x128xf32, #tpu.memory_space<vmem>>[vector<16xi32>, vector<16xi32>], vector<16xf32>,
        %mul3A_932 = arith.mulf %gather3A_930, %gather3A_931 : vector<16xf32>
        %add3A_933 = arith.addf %add3A_927, %mul3A_932 : vector<16xf32>
        %broadcast_in_dim3A_934 = arith.constant 85 : i32
        %broadcast_in_dim3A_935 = vector.broadcast %broadcast_in_dim3A_934 : i32 to vector<16xi32>
        %gather3A_936 = tpu.vector_load_idx %arg12[%add3A_183, %broadcast_in_dim3A_935] : memref<48x128xf32, #tpu.memory_space<vmem>>[vector<16xi32>, vector<16xi32>], vector<16xf32>,
        %gather3A_937 = tpu.vector_load_idx %arg13[%add3A_183, %broadcast_in_dim3A_935] : memref<48x128xf32, #tpu.memory_space<vmem>>[vector<16xi32>, vector<16xi32>], vector<16xf32>,
        %mul3A_938 = arith.mulf %gather3A_936, %gather3A_937 : vector<16xf32>
        %add3A_939 = arith.addf %add3A_933, %mul3A_938 : vector<16xf32>
        %broadcast_in_dim3A_940 = arith.constant 86 : i32
        %broadcast_in_dim3A_941 = vector.broadcast %broadcast_in_dim3A_940 : i32 to vector<16xi32>
        %gather3A_942 = tpu.vector_load_idx %arg12[%add3A_183, %broadcast_in_dim3A_941] : memref<48x128xf32, #tpu.memory_space<vmem>>[vector<16xi32>, vector<16xi32>], vector<16xf32>,
        %gather3A_943 = tpu.vector_load_idx %arg13[%add3A_183, %broadcast_in_dim3A_941] : memref<48x128xf32, #tpu.memory_space<vmem>>[vector<16xi32>, vector<16xi32>], vector<16xf32>,
        %mul3A_944 = arith.mulf %gather3A_942, %gather3A_943 : vector<16xf32>
        %add3A_945 = arith.addf %add3A_939, %mul3A_944 : vector<16xf32>
        %broadcast_in_dim3A_946 = arith.constant 87 : i32
        %broadcast_in_dim3A_947 = vector.broadcast %broadcast_in_dim3A_946 : i32 to vector<16xi32>
        %gather3A_948 = tpu.vector_load_idx %arg12[%add3A_183, %broadcast_in_dim3A_947] : memref<48x128xf32, #tpu.memory_space<vmem>>[vector<16xi32>, vector<16xi32>], vector<16xf32>,
        %gather3A_949 = tpu.vector_load_idx %arg13[%add3A_183, %broadcast_in_dim3A_947] : memref<48x128xf32, #tpu.memory_space<vmem>>[vector<16xi32>, vector<16xi32>], vector<16xf32>,
        %mul3A_950 = arith.mulf %gather3A_948, %gather3A_949 : vector<16xf32>
        %add3A_951 = arith.addf %add3A_945, %mul3A_950 : vector<16xf32>
        %broadcast_in_dim3A_952 = arith.constant 88 : i32
        %broadcast_in_dim3A_953 = vector.broadcast %broadcast_in_dim3A_952 : i32 to vector<16xi32>
        %gather3A_954 = tpu.vector_load_idx %arg12[%add3A_183, %broadcast_in_dim3A_953] : memref<48x128xf32, #tpu.memory_space<vmem>>[vector<16xi32>, vector<16xi32>], vector<16xf32>,
        %gather3A_955 = tpu.vector_load_idx %arg13[%add3A_183, %broadcast_in_dim3A_953] : memref<48x128xf32, #tpu.memory_space<vmem>>[vector<16xi32>, vector<16xi32>], vector<16xf32>,
        %mul3A_956 = arith.mulf %gather3A_954, %gather3A_955 : vector<16xf32>
        %add3A_957 = arith.addf %add3A_951, %mul3A_956 : vector<16xf32>
        %broadcast_in_dim3A_958 = arith.constant 89 : i32
        %broadcast_in_dim3A_959 = vector.broadcast %broadcast_in_dim3A_958 : i32 to vector<16xi32>
        %gather3A_960 = tpu.vector_load_idx %arg12[%add3A_183, %broadcast_in_dim3A_959] : memref<48x128xf32, #tpu.memory_space<vmem>>[vector<16xi32>, vector<16xi32>], vector<16xf32>,
        %gather3A_961 = tpu.vector_load_idx %arg13[%add3A_183, %broadcast_in_dim3A_959] : memref<48x128xf32, #tpu.memory_space<vmem>>[vector<16xi32>, vector<16xi32>], vector<16xf32>,
        %mul3A_962 = arith.mulf %gather3A_960, %gather3A_961 : vector<16xf32>
        %add3A_963 = arith.addf %add3A_957, %mul3A_962 : vector<16xf32>
        %broadcast_in_dim3A_964 = arith.constant 90 : i32
        %broadcast_in_dim3A_965 = vector.broadcast %broadcast_in_dim3A_964 : i32 to vector<16xi32>
        %gather3A_966 = tpu.vector_load_idx %arg12[%add3A_183, %broadcast_in_dim3A_965] : memref<48x128xf32, #tpu.memory_space<vmem>>[vector<16xi32>, vector<16xi32>], vector<16xf32>,
        %gather3A_967 = tpu.vector_load_idx %arg13[%add3A_183, %broadcast_in_dim3A_965] : memref<48x128xf32, #tpu.memory_space<vmem>>[vector<16xi32>, vector<16xi32>], vector<16xf32>,
        %mul3A_968 = arith.mulf %gather3A_966, %gather3A_967 : vector<16xf32>
        %add3A_969 = arith.addf %add3A_963, %mul3A_968 : vector<16xf32>
        %broadcast_in_dim3A_970 = arith.constant 91 : i32
        %broadcast_in_dim3A_971 = vector.broadcast %broadcast_in_dim3A_970 : i32 to vector<16xi32>
        %gather3A_972 = tpu.vector_load_idx %arg12[%add3A_183, %broadcast_in_dim3A_971] : memref<48x128xf32, #tpu.memory_space<vmem>>[vector<16xi32>, vector<16xi32>], vector<16xf32>,
        %gather3A_973 = tpu.vector_load_idx %arg13[%add3A_183, %broadcast_in_dim3A_971] : memref<48x128xf32, #tpu.memory_space<vmem>>[vector<16xi32>, vector<16xi32>], vector<16xf32>,
        %mul3A_974 = arith.mulf %gather3A_972, %gather3A_973 : vector<16xf32>
        %add3A_975 = arith.addf %add3A_969, %mul3A_974 : vector<16xf32>
        %broadcast_in_dim3A_976 = arith.constant 92 : i32
        %broadcast_in_dim3A_977 = vector.broadcast %broadcast_in_dim3A_976 : i32 to vector<16xi32>
        %gather3A_978 = tpu.vector_load_idx %arg12[%add3A_183, %broadcast_in_dim3A_977] : memref<48x128xf32, #tpu.memory_space<vmem>>[vector<16xi32>, vector<16xi32>], vector<16xf32>,
        %gather3A_979 = tpu.vector_load_idx %arg13[%add3A_183, %broadcast_in_dim3A_977] : memref<48x128xf32, #tpu.memory_space<vmem>>[vector<16xi32>, vector<16xi32>], vector<16xf32>,
        %mul3A_980 = arith.mulf %gather3A_978, %gather3A_979 : vector<16xf32>
        %add3A_981 = arith.addf %add3A_975, %mul3A_980 : vector<16xf32>
        %broadcast_in_dim3A_982 = arith.constant 93 : i32
        %broadcast_in_dim3A_983 = vector.broadcast %broadcast_in_dim3A_982 : i32 to vector<16xi32>
        %gather3A_984 = tpu.vector_load_idx %arg12[%add3A_183, %broadcast_in_dim3A_983] : memref<48x128xf32, #tpu.memory_space<vmem>>[vector<16xi32>, vector<16xi32>], vector<16xf32>,
        %gather3A_985 = tpu.vector_load_idx %arg13[%add3A_183, %broadcast_in_dim3A_983] : memref<48x128xf32, #tpu.memory_space<vmem>>[vector<16xi32>, vector<16xi32>], vector<16xf32>,
        %mul3A_986 = arith.mulf %gather3A_984, %gather3A_985 : vector<16xf32>
        %add3A_987 = arith.addf %add3A_981, %mul3A_986 : vector<16xf32>
        %broadcast_in_dim3A_988 = arith.constant 94 : i32
        %broadcast_in_dim3A_989 = vector.broadcast %broadcast_in_dim3A_988 : i32 to vector<16xi32>
        %gather3A_990 = tpu.vector_load_idx %arg12[%add3A_183, %broadcast_in_dim3A_989] : memref<48x128xf32, #tpu.memory_space<vmem>>[vector<16xi32>, vector<16xi32>], vector<16xf32>,
        %gather3A_991 = tpu.vector_load_idx %arg13[%add3A_183, %broadcast_in_dim3A_989] : memref<48x128xf32, #tpu.memory_space<vmem>>[vector<16xi32>, vector<16xi32>], vector<16xf32>,
        %mul3A_992 = arith.mulf %gather3A_990, %gather3A_991 : vector<16xf32>
        %add3A_993 = arith.addf %add3A_987, %mul3A_992 : vector<16xf32>
        %broadcast_in_dim3A_994 = arith.constant 95 : i32
        %broadcast_in_dim3A_995 = vector.broadcast %broadcast_in_dim3A_994 : i32 to vector<16xi32>
        %gather3A_996 = tpu.vector_load_idx %arg12[%add3A_183, %broadcast_in_dim3A_995] : memref<48x128xf32, #tpu.memory_space<vmem>>[vector<16xi32>, vector<16xi32>], vector<16xf32>,
        %gather3A_997 = tpu.vector_load_idx %arg13[%add3A_183, %broadcast_in_dim3A_995] : memref<48x128xf32, #tpu.memory_space<vmem>>[vector<16xi32>, vector<16xi32>], vector<16xf32>,
        %mul3A_998 = arith.mulf %gather3A_996, %gather3A_997 : vector<16xf32>
        %add3A_999 = arith.addf %add3A_993, %mul3A_998 : vector<16xf32>
        %add3A_1000 = arith.constant 16 : i32
        %add3A_1001 = vector.broadcast %add3A_1000 : i32 to vector<16xi32>
        %add3A_1002 = arith.addi %get3A_191, %add3A_1001 : vector<16xi32>
        %gather3A_1003 = tpu.vector_load_idx %arg21[%add3A_1002] : memref<48xf32, #tpu.memory_space<vmem>>[vector<16xi32>], vector<16xf32>,
        %mul3A_1004 = arith.constant 0.176776692 : f32
        %mul3A_1005 = vector.broadcast %mul3A_1004 : f32 to vector<16xf32>
        %mul3A_1006 = arith.mulf %add3A_999, %mul3A_1005 : vector<16xf32>
        %mul3A_1007 = arith.mulf %mul3A_1006, %gather3A_1003 : vector<16xf32>
        %max3A_1008 = arith.constant -8.000000e+01 : f32
        %max3A_1009 = vector.broadcast %max3A_1008 : f32 to vector<16xf32>
        %max3A_1010 = arith.maximumf %mul3A_1007, %max3A_1009 : vector<16xf32>
        %min3A_1011 = arith.constant 8.000000e+01 : f32
        %min3A_1012 = vector.broadcast %min3A_1011 : f32 to vector<16xf32>
        %min3A_1013 = arith.minimumf %max3A_1010, %min3A_1012 : vector<16xf32>
        %exp3A_1014 = math.exp %min3A_1013 : vector<16xf32>
        %broadcast_in_dim3A_1015 = arith.constant 64 : i32
        %broadcast_in_dim3A_1016 = vector.broadcast %broadcast_in_dim3A_1015 : i32 to vector<16xi32>
        %mul3A_1017 = arith.mulf %gather3A_810, %exp3A_1014 : vector<16xf32>
        tpu.vector_store_idx %arg12[%add3A_183, %broadcast_in_dim3A_1016], %mul3A_1017 : memref<48x128xf32, #tpu.memory_space<vmem>>[vector<16xi32>, vector<16xi32>], vector<16xf32>,
        %broadcast_in_dim3A_1018 = arith.constant 65 : i32
        %broadcast_in_dim3A_1019 = vector.broadcast %broadcast_in_dim3A_1018 : i32 to vector<16xi32>
        %mul3A_1020 = arith.mulf %gather3A_816, %exp3A_1014 : vector<16xf32>
        tpu.vector_store_idx %arg12[%add3A_183, %broadcast_in_dim3A_1019], %mul3A_1020 : memref<48x128xf32, #tpu.memory_space<vmem>>[vector<16xi32>, vector<16xi32>], vector<16xf32>,
        %broadcast_in_dim3A_1021 = arith.constant 66 : i32
        %broadcast_in_dim3A_1022 = vector.broadcast %broadcast_in_dim3A_1021 : i32 to vector<16xi32>
        %mul3A_1023 = arith.mulf %gather3A_822, %exp3A_1014 : vector<16xf32>
        tpu.vector_store_idx %arg12[%add3A_183, %broadcast_in_dim3A_1022], %mul3A_1023 : memref<48x128xf32, #tpu.memory_space<vmem>>[vector<16xi32>, vector<16xi32>], vector<16xf32>,
        %broadcast_in_dim3A_1024 = arith.constant 67 : i32
        %broadcast_in_dim3A_1025 = vector.broadcast %broadcast_in_dim3A_1024 : i32 to vector<16xi32>
        %mul3A_1026 = arith.mulf %gather3A_828, %exp3A_1014 : vector<16xf32>
        tpu.vector_store_idx %arg12[%add3A_183, %broadcast_in_dim3A_1025], %mul3A_1026 : memref<48x128xf32, #tpu.memory_space<vmem>>[vector<16xi32>, vector<16xi32>], vector<16xf32>,
        %broadcast_in_dim3A_1027 = arith.constant 68 : i32
        %broadcast_in_dim3A_1028 = vector.broadcast %broadcast_in_dim3A_1027 : i32 to vector<16xi32>
        %mul3A_1029 = arith.mulf %gather3A_834, %exp3A_1014 : vector<16xf32>
        tpu.vector_store_idx %arg12[%add3A_183, %broadcast_in_dim3A_1028], %mul3A_1029 : memref<48x128xf32, #tpu.memory_space<vmem>>[vector<16xi32>, vector<16xi32>], vector<16xf32>,
        %broadcast_in_dim3A_1030 = arith.constant 69 : i32
        %broadcast_in_dim3A_1031 = vector.broadcast %broadcast_in_dim3A_1030 : i32 to vector<16xi32>
        %mul3A_1032 = arith.mulf %gather3A_840, %exp3A_1014 : vector<16xf32>
        tpu.vector_store_idx %arg12[%add3A_183, %broadcast_in_dim3A_1031], %mul3A_1032 : memref<48x128xf32, #tpu.memory_space<vmem>>[vector<16xi32>, vector<16xi32>], vector<16xf32>,
        %broadcast_in_dim3A_1033 = arith.constant 70 : i32
        %broadcast_in_dim3A_1034 = vector.broadcast %broadcast_in_dim3A_1033 : i32 to vector<16xi32>
        %mul3A_1035 = arith.mulf %gather3A_846, %exp3A_1014 : vector<16xf32>
        tpu.vector_store_idx %arg12[%add3A_183, %broadcast_in_dim3A_1034], %mul3A_1035 : memref<48x128xf32, #tpu.memory_space<vmem>>[vector<16xi32>, vector<16xi32>], vector<16xf32>,
        %broadcast_in_dim3A_1036 = arith.constant 71 : i32
        %broadcast_in_dim3A_1037 = vector.broadcast %broadcast_in_dim3A_1036 : i32 to vector<16xi32>
        %mul3A_1038 = arith.mulf %gather3A_852, %exp3A_1014 : vector<16xf32>
        tpu.vector_store_idx %arg12[%add3A_183, %broadcast_in_dim3A_1037], %mul3A_1038 : memref<48x128xf32, #tpu.memory_space<vmem>>[vector<16xi32>, vector<16xi32>], vector<16xf32>,
        %broadcast_in_dim3A_1039 = arith.constant 72 : i32
        %broadcast_in_dim3A_1040 = vector.broadcast %broadcast_in_dim3A_1039 : i32 to vector<16xi32>
        %mul3A_1041 = arith.mulf %gather3A_858, %exp3A_1014 : vector<16xf32>
        tpu.vector_store_idx %arg12[%add3A_183, %broadcast_in_dim3A_1040], %mul3A_1041 : memref<48x128xf32, #tpu.memory_space<vmem>>[vector<16xi32>, vector<16xi32>], vector<16xf32>,
        %broadcast_in_dim3A_1042 = arith.constant 73 : i32
        %broadcast_in_dim3A_1043 = vector.broadcast %broadcast_in_dim3A_1042 : i32 to vector<16xi32>
        %mul3A_1044 = arith.mulf %gather3A_864, %exp3A_1014 : vector<16xf32>
        tpu.vector_store_idx %arg12[%add3A_183, %broadcast_in_dim3A_1043], %mul3A_1044 : memref<48x128xf32, #tpu.memory_space<vmem>>[vector<16xi32>, vector<16xi32>], vector<16xf32>,
        %broadcast_in_dim3A_1045 = arith.constant 74 : i32
        %broadcast_in_dim3A_1046 = vector.broadcast %broadcast_in_dim3A_1045 : i32 to vector<16xi32>
        %mul3A_1047 = arith.mulf %gather3A_870, %exp3A_1014 : vector<16xf32>
        tpu.vector_store_idx %arg12[%add3A_183, %broadcast_in_dim3A_1046], %mul3A_1047 : memref<48x128xf32, #tpu.memory_space<vmem>>[vector<16xi32>, vector<16xi32>], vector<16xf32>,
        %broadcast_in_dim3A_1048 = arith.constant 75 : i32
        %broadcast_in_dim3A_1049 = vector.broadcast %broadcast_in_dim3A_1048 : i32 to vector<16xi32>
        %mul3A_1050 = arith.mulf %gather3A_876, %exp3A_1014 : vector<16xf32>
        tpu.vector_store_idx %arg12[%add3A_183, %broadcast_in_dim3A_1049], %mul3A_1050 : memref<48x128xf32, #tpu.memory_space<vmem>>[vector<16xi32>, vector<16xi32>], vector<16xf32>,
        %broadcast_in_dim3A_1051 = arith.constant 76 : i32
        %broadcast_in_dim3A_1052 = vector.broadcast %broadcast_in_dim3A_1051 : i32 to vector<16xi32>
        %mul3A_1053 = arith.mulf %gather3A_882, %exp3A_1014 : vector<16xf32>
        tpu.vector_store_idx %arg12[%add3A_183, %broadcast_in_dim3A_1052], %mul3A_1053 : memref<48x128xf32, #tpu.memory_space<vmem>>[vector<16xi32>, vector<16xi32>], vector<16xf32>,
        %broadcast_in_dim3A_1054 = arith.constant 77 : i32
        %broadcast_in_dim3A_1055 = vector.broadcast %broadcast_in_dim3A_1054 : i32 to vector<16xi32>
        %mul3A_1056 = arith.mulf %gather3A_888, %exp3A_1014 : vector<16xf32>
        tpu.vector_store_idx %arg12[%add3A_183, %broadcast_in_dim3A_1055], %mul3A_1056 : memref<48x128xf32, #tpu.memory_space<vmem>>[vector<16xi32>, vector<16xi32>], vector<16xf32>,
        %broadcast_in_dim3A_1057 = arith.constant 78 : i32
        %broadcast_in_dim3A_1058 = vector.broadcast %broadcast_in_dim3A_1057 : i32 to vector<16xi32>
        %mul3A_1059 = arith.mulf %gather3A_894, %exp3A_1014 : vector<16xf32>
        tpu.vector_store_idx %arg12[%add3A_183, %broadcast_in_dim3A_1058], %mul3A_1059 : memref<48x128xf32, #tpu.memory_space<vmem>>[vector<16xi32>, vector<16xi32>], vector<16xf32>,
        %broadcast_in_dim3A_1060 = arith.constant 79 : i32
        %broadcast_in_dim3A_1061 = vector.broadcast %broadcast_in_dim3A_1060 : i32 to vector<16xi32>
        %mul3A_1062 = arith.mulf %gather3A_900, %exp3A_1014 : vector<16xf32>
        tpu.vector_store_idx %arg12[%add3A_183, %broadcast_in_dim3A_1061], %mul3A_1062 : memref<48x128xf32, #tpu.memory_space<vmem>>[vector<16xi32>, vector<16xi32>], vector<16xf32>,
        %broadcast_in_dim3A_1063 = arith.constant 80 : i32
        %broadcast_in_dim3A_1064 = vector.broadcast %broadcast_in_dim3A_1063 : i32 to vector<16xi32>
        %mul3A_1065 = arith.mulf %gather3A_906, %exp3A_1014 : vector<16xf32>
        tpu.vector_store_idx %arg12[%add3A_183, %broadcast_in_dim3A_1064], %mul3A_1065 : memref<48x128xf32, #tpu.memory_space<vmem>>[vector<16xi32>, vector<16xi32>], vector<16xf32>,
        %broadcast_in_dim3A_1066 = arith.constant 81 : i32
        %broadcast_in_dim3A_1067 = vector.broadcast %broadcast_in_dim3A_1066 : i32 to vector<16xi32>
        %mul3A_1068 = arith.mulf %gather3A_912, %exp3A_1014 : vector<16xf32>
        tpu.vector_store_idx %arg12[%add3A_183, %broadcast_in_dim3A_1067], %mul3A_1068 : memref<48x128xf32, #tpu.memory_space<vmem>>[vector<16xi32>, vector<16xi32>], vector<16xf32>,
        %broadcast_in_dim3A_1069 = arith.constant 82 : i32
        %broadcast_in_dim3A_1070 = vector.broadcast %broadcast_in_dim3A_1069 : i32 to vector<16xi32>
        %mul3A_1071 = arith.mulf %gather3A_918, %exp3A_1014 : vector<16xf32>
        tpu.vector_store_idx %arg12[%add3A_183, %broadcast_in_dim3A_1070], %mul3A_1071 : memref<48x128xf32, #tpu.memory_space<vmem>>[vector<16xi32>, vector<16xi32>], vector<16xf32>,
        %broadcast_in_dim3A_1072 = arith.constant 83 : i32
        %broadcast_in_dim3A_1073 = vector.broadcast %broadcast_in_dim3A_1072 : i32 to vector<16xi32>
        %mul3A_1074 = arith.mulf %gather3A_924, %exp3A_1014 : vector<16xf32>
        tpu.vector_store_idx %arg12[%add3A_183, %broadcast_in_dim3A_1073], %mul3A_1074 : memref<48x128xf32, #tpu.memory_space<vmem>>[vector<16xi32>, vector<16xi32>], vector<16xf32>,
        %broadcast_in_dim3A_1075 = arith.constant 84 : i32
        %broadcast_in_dim3A_1076 = vector.broadcast %broadcast_in_dim3A_1075 : i32 to vector<16xi32>
        %mul3A_1077 = arith.mulf %gather3A_930, %exp3A_1014 : vector<16xf32>
        tpu.vector_store_idx %arg12[%add3A_183, %broadcast_in_dim3A_1076], %mul3A_1077 : memref<48x128xf32, #tpu.memory_space<vmem>>[vector<16xi32>, vector<16xi32>], vector<16xf32>,
        %broadcast_in_dim3A_1078 = arith.constant 85 : i32
        %broadcast_in_dim3A_1079 = vector.broadcast %broadcast_in_dim3A_1078 : i32 to vector<16xi32>
        %mul3A_1080 = arith.mulf %gather3A_936, %exp3A_1014 : vector<16xf32>
        tpu.vector_store_idx %arg12[%add3A_183, %broadcast_in_dim3A_1079], %mul3A_1080 : memref<48x128xf32, #tpu.memory_space<vmem>>[vector<16xi32>, vector<16xi32>], vector<16xf32>,
        %broadcast_in_dim3A_1081 = arith.constant 86 : i32
        %broadcast_in_dim3A_1082 = vector.broadcast %broadcast_in_dim3A_1081 : i32 to vector<16xi32>
        %mul3A_1083 = arith.mulf %gather3A_942, %exp3A_1014 : vector<16xf32>
        tpu.vector_store_idx %arg12[%add3A_183, %broadcast_in_dim3A_1082], %mul3A_1083 : memref<48x128xf32, #tpu.memory_space<vmem>>[vector<16xi32>, vector<16xi32>], vector<16xf32>,
        %broadcast_in_dim3A_1084 = arith.constant 87 : i32
        %broadcast_in_dim3A_1085 = vector.broadcast %broadcast_in_dim3A_1084 : i32 to vector<16xi32>
        %mul3A_1086 = arith.mulf %gather3A_948, %exp3A_1014 : vector<16xf32>
        tpu.vector_store_idx %arg12[%add3A_183, %broadcast_in_dim3A_1085], %mul3A_1086 : memref<48x128xf32, #tpu.memory_space<vmem>>[vector<16xi32>, vector<16xi32>], vector<16xf32>,
        %broadcast_in_dim3A_1087 = arith.constant 88 : i32
        %broadcast_in_dim3A_1088 = vector.broadcast %broadcast_in_dim3A_1087 : i32 to vector<16xi32>
        %mul3A_1089 = arith.mulf %gather3A_954, %exp3A_1014 : vector<16xf32>
        tpu.vector_store_idx %arg12[%add3A_183, %broadcast_in_dim3A_1088], %mul3A_1089 : memref<48x128xf32, #tpu.memory_space<vmem>>[vector<16xi32>, vector<16xi32>], vector<16xf32>,
        %broadcast_in_dim3A_1090 = arith.constant 89 : i32
        %broadcast_in_dim3A_1091 = vector.broadcast %broadcast_in_dim3A_1090 : i32 to vector<16xi32>
        %mul3A_1092 = arith.mulf %gather3A_960, %exp3A_1014 : vector<16xf32>
        tpu.vector_store_idx %arg12[%add3A_183, %broadcast_in_dim3A_1091], %mul3A_1092 : memref<48x128xf32, #tpu.memory_space<vmem>>[vector<16xi32>, vector<16xi32>], vector<16xf32>,
        %broadcast_in_dim3A_1093 = arith.constant 90 : i32
        %broadcast_in_dim3A_1094 = vector.broadcast %broadcast_in_dim3A_1093 : i32 to vector<16xi32>
        %mul3A_1095 = arith.mulf %gather3A_966, %exp3A_1014 : vector<16xf32>
        tpu.vector_store_idx %arg12[%add3A_183, %broadcast_in_dim3A_1094], %mul3A_1095 : memref<48x128xf32, #tpu.memory_space<vmem>>[vector<16xi32>, vector<16xi32>], vector<16xf32>,
        %broadcast_in_dim3A_1096 = arith.constant 91 : i32
        %broadcast_in_dim3A_1097 = vector.broadcast %broadcast_in_dim3A_1096 : i32 to vector<16xi32>
        %mul3A_1098 = arith.mulf %gather3A_972, %exp3A_1014 : vector<16xf32>
        tpu.vector_store_idx %arg12[%add3A_183, %broadcast_in_dim3A_1097], %mul3A_1098 : memref<48x128xf32, #tpu.memory_space<vmem>>[vector<16xi32>, vector<16xi32>], vector<16xf32>,
        %broadcast_in_dim3A_1099 = arith.constant 92 : i32
        %broadcast_in_dim3A_1100 = vector.broadcast %broadcast_in_dim3A_1099 : i32 to vector<16xi32>
        %mul3A_1101 = arith.mulf %gather3A_978, %exp3A_1014 : vector<16xf32>
        tpu.vector_store_idx %arg12[%add3A_183, %broadcast_in_dim3A_1100], %mul3A_1101 : memref<48x128xf32, #tpu.memory_space<vmem>>[vector<16xi32>, vector<16xi32>], vector<16xf32>,
        %broadcast_in_dim3A_1102 = arith.constant 93 : i32
        %broadcast_in_dim3A_1103 = vector.broadcast %broadcast_in_dim3A_1102 : i32 to vector<16xi32>
        %mul3A_1104 = arith.mulf %gather3A_984, %exp3A_1014 : vector<16xf32>
        tpu.vector_store_idx %arg12[%add3A_183, %broadcast_in_dim3A_1103], %mul3A_1104 : memref<48x128xf32, #tpu.memory_space<vmem>>[vector<16xi32>, vector<16xi32>], vector<16xf32>,
        %broadcast_in_dim3A_1105 = arith.constant 94 : i32
        %broadcast_in_dim3A_1106 = vector.broadcast %broadcast_in_dim3A_1105 : i32 to vector<16xi32>
        %mul3A_1107 = arith.mulf %gather3A_990, %exp3A_1014 : vector<16xf32>
        tpu.vector_store_idx %arg12[%add3A_183, %broadcast_in_dim3A_1106], %mul3A_1107 : memref<48x128xf32, #tpu.memory_space<vmem>>[vector<16xi32>, vector<16xi32>], vector<16xf32>,
        %broadcast_in_dim3A_1108 = arith.constant 95 : i32
        %broadcast_in_dim3A_1109 = vector.broadcast %broadcast_in_dim3A_1108 : i32 to vector<16xi32>
        %mul3A_1110 = arith.mulf %gather3A_996, %exp3A_1014 : vector<16xf32>
        tpu.vector_store_idx %arg12[%add3A_183, %broadcast_in_dim3A_1109], %mul3A_1110 : memref<48x128xf32, #tpu.memory_space<vmem>>[vector<16xi32>, vector<16xi32>], vector<16xf32>,
        %add3A_1111 = arith.constant 2 : i32
        %add3A_1112 = vector.broadcast %add3A_1111 : i32 to vector<16xi32>
        %add3A_1113 = arith.addi %mul3A_199, %add3A_1112 : vector<16xi32>
        tpu.vector_store_idx %arg14[%add3A_183, %add3A_1113], %exp3A_1014 masked %lt3A_188 : memref<48x128xf32, #tpu.memory_space<vmem>>[vector<16xi32>, vector<16xi32>], vector<16xf32>, vector<16xi1>
        %broadcast_in_dim3A_1114 = arith.constant 96 : i32
        %broadcast_in_dim3A_1115 = vector.broadcast %broadcast_in_dim3A_1114 : i32 to vector<16xi32>
        %gather3A_1116 = tpu.vector_load_idx %arg12[%add3A_183, %broadcast_in_dim3A_1115] : memref<48x128xf32, #tpu.memory_space<vmem>>[vector<16xi32>, vector<16xi32>], vector<16xf32>,
        %gather3A_1117 = tpu.vector_load_idx %arg13[%add3A_183, %broadcast_in_dim3A_1115] : memref<48x128xf32, #tpu.memory_space<vmem>>[vector<16xi32>, vector<16xi32>], vector<16xf32>,
        %mul3A_1118 = arith.mulf %gather3A_1116, %gather3A_1117 : vector<16xf32>
        %add3A_1119 = arith.addf %broadcast_in_dim3A_1, %mul3A_1118 : vector<16xf32>
        %broadcast_in_dim3A_1120 = arith.constant 97 : i32
        %broadcast_in_dim3A_1121 = vector.broadcast %broadcast_in_dim3A_1120 : i32 to vector<16xi32>
        %gather3A_1122 = tpu.vector_load_idx %arg12[%add3A_183, %broadcast_in_dim3A_1121] : memref<48x128xf32, #tpu.memory_space<vmem>>[vector<16xi32>, vector<16xi32>], vector<16xf32>,
        %gather3A_1123 = tpu.vector_load_idx %arg13[%add3A_183, %broadcast_in_dim3A_1121] : memref<48x128xf32, #tpu.memory_space<vmem>>[vector<16xi32>, vector<16xi32>], vector<16xf32>,
        %mul3A_1124 = arith.mulf %gather3A_1122, %gather3A_1123 : vector<16xf32>
        %add3A_1125 = arith.addf %add3A_1119, %mul3A_1124 : vector<16xf32>
        %broadcast_in_dim3A_1126 = arith.constant 98 : i32
        %broadcast_in_dim3A_1127 = vector.broadcast %broadcast_in_dim3A_1126 : i32 to vector<16xi32>
        %gather3A_1128 = tpu.vector_load_idx %arg12[%add3A_183, %broadcast_in_dim3A_1127] : memref<48x128xf32, #tpu.memory_space<vmem>>[vector<16xi32>, vector<16xi32>], vector<16xf32>,
        %gather3A_1129 = tpu.vector_load_idx %arg13[%add3A_183, %broadcast_in_dim3A_1127] : memref<48x128xf32, #tpu.memory_space<vmem>>[vector<16xi32>, vector<16xi32>], vector<16xf32>,
        %mul3A_1130 = arith.mulf %gather3A_1128, %gather3A_1129 : vector<16xf32>
        %add3A_1131 = arith.addf %add3A_1125, %mul3A_1130 : vector<16xf32>
        %broadcast_in_dim3A_1132 = arith.constant 99 : i32
        %broadcast_in_dim3A_1133 = vector.broadcast %broadcast_in_dim3A_1132 : i32 to vector<16xi32>
        %gather3A_1134 = tpu.vector_load_idx %arg12[%add3A_183, %broadcast_in_dim3A_1133] : memref<48x128xf32, #tpu.memory_space<vmem>>[vector<16xi32>, vector<16xi32>], vector<16xf32>,
        %gather3A_1135 = tpu.vector_load_idx %arg13[%add3A_183, %broadcast_in_dim3A_1133] : memref<48x128xf32, #tpu.memory_space<vmem>>[vector<16xi32>, vector<16xi32>], vector<16xf32>,
        %mul3A_1136 = arith.mulf %gather3A_1134, %gather3A_1135 : vector<16xf32>
        %add3A_1137 = arith.addf %add3A_1131, %mul3A_1136 : vector<16xf32>
        %broadcast_in_dim3A_1138 = arith.constant 100 : i32
        %broadcast_in_dim3A_1139 = vector.broadcast %broadcast_in_dim3A_1138 : i32 to vector<16xi32>
        %gather3A_1140 = tpu.vector_load_idx %arg12[%add3A_183, %broadcast_in_dim3A_1139] : memref<48x128xf32, #tpu.memory_space<vmem>>[vector<16xi32>, vector<16xi32>], vector<16xf32>,
        %gather3A_1141 = tpu.vector_load_idx %arg13[%add3A_183, %broadcast_in_dim3A_1139] : memref<48x128xf32, #tpu.memory_space<vmem>>[vector<16xi32>, vector<16xi32>], vector<16xf32>,
        %mul3A_1142 = arith.mulf %gather3A_1140, %gather3A_1141 : vector<16xf32>
        %add3A_1143 = arith.addf %add3A_1137, %mul3A_1142 : vector<16xf32>
        %broadcast_in_dim3A_1144 = arith.constant 101 : i32
        %broadcast_in_dim3A_1145 = vector.broadcast %broadcast_in_dim3A_1144 : i32 to vector<16xi32>
        %gather3A_1146 = tpu.vector_load_idx %arg12[%add3A_183, %broadcast_in_dim3A_1145] : memref<48x128xf32, #tpu.memory_space<vmem>>[vector<16xi32>, vector<16xi32>], vector<16xf32>,
        %gather3A_1147 = tpu.vector_load_idx %arg13[%add3A_183, %broadcast_in_dim3A_1145] : memref<48x128xf32, #tpu.memory_space<vmem>>[vector<16xi32>, vector<16xi32>], vector<16xf32>,
        %mul3A_1148 = arith.mulf %gather3A_1146, %gather3A_1147 : vector<16xf32>
        %add3A_1149 = arith.addf %add3A_1143, %mul3A_1148 : vector<16xf32>
        %broadcast_in_dim3A_1150 = arith.constant 102 : i32
        %broadcast_in_dim3A_1151 = vector.broadcast %broadcast_in_dim3A_1150 : i32 to vector<16xi32>
        %gather3A_1152 = tpu.vector_load_idx %arg12[%add3A_183, %broadcast_in_dim3A_1151] : memref<48x128xf32, #tpu.memory_space<vmem>>[vector<16xi32>, vector<16xi32>], vector<16xf32>,
        %gather3A_1153 = tpu.vector_load_idx %arg13[%add3A_183, %broadcast_in_dim3A_1151] : memref<48x128xf32, #tpu.memory_space<vmem>>[vector<16xi32>, vector<16xi32>], vector<16xf32>,
        %mul3A_1154 = arith.mulf %gather3A_1152, %gather3A_1153 : vector<16xf32>
        %add3A_1155 = arith.addf %add3A_1149, %mul3A_1154 : vector<16xf32>
        %broadcast_in_dim3A_1156 = arith.constant 103 : i32
        %broadcast_in_dim3A_1157 = vector.broadcast %broadcast_in_dim3A_1156 : i32 to vector<16xi32>
        %gather3A_1158 = tpu.vector_load_idx %arg12[%add3A_183, %broadcast_in_dim3A_1157] : memref<48x128xf32, #tpu.memory_space<vmem>>[vector<16xi32>, vector<16xi32>], vector<16xf32>,
        %gather3A_1159 = tpu.vector_load_idx %arg13[%add3A_183, %broadcast_in_dim3A_1157] : memref<48x128xf32, #tpu.memory_space<vmem>>[vector<16xi32>, vector<16xi32>], vector<16xf32>,
        %mul3A_1160 = arith.mulf %gather3A_1158, %gather3A_1159 : vector<16xf32>
        %add3A_1161 = arith.addf %add3A_1155, %mul3A_1160 : vector<16xf32>
        %broadcast_in_dim3A_1162 = arith.constant 104 : i32
        %broadcast_in_dim3A_1163 = vector.broadcast %broadcast_in_dim3A_1162 : i32 to vector<16xi32>
        %gather3A_1164 = tpu.vector_load_idx %arg12[%add3A_183, %broadcast_in_dim3A_1163] : memref<48x128xf32, #tpu.memory_space<vmem>>[vector<16xi32>, vector<16xi32>], vector<16xf32>,
        %gather3A_1165 = tpu.vector_load_idx %arg13[%add3A_183, %broadcast_in_dim3A_1163] : memref<48x128xf32, #tpu.memory_space<vmem>>[vector<16xi32>, vector<16xi32>], vector<16xf32>,
        %mul3A_1166 = arith.mulf %gather3A_1164, %gather3A_1165 : vector<16xf32>
        %add3A_1167 = arith.addf %add3A_1161, %mul3A_1166 : vector<16xf32>
        %broadcast_in_dim3A_1168 = arith.constant 105 : i32
        %broadcast_in_dim3A_1169 = vector.broadcast %broadcast_in_dim3A_1168 : i32 to vector<16xi32>
        %gather3A_1170 = tpu.vector_load_idx %arg12[%add3A_183, %broadcast_in_dim3A_1169] : memref<48x128xf32, #tpu.memory_space<vmem>>[vector<16xi32>, vector<16xi32>], vector<16xf32>,
        %gather3A_1171 = tpu.vector_load_idx %arg13[%add3A_183, %broadcast_in_dim3A_1169] : memref<48x128xf32, #tpu.memory_space<vmem>>[vector<16xi32>, vector<16xi32>], vector<16xf32>,
        %mul3A_1172 = arith.mulf %gather3A_1170, %gather3A_1171 : vector<16xf32>
        %add3A_1173 = arith.addf %add3A_1167, %mul3A_1172 : vector<16xf32>
        %broadcast_in_dim3A_1174 = arith.constant 106 : i32
        %broadcast_in_dim3A_1175 = vector.broadcast %broadcast_in_dim3A_1174 : i32 to vector<16xi32>
        %gather3A_1176 = tpu.vector_load_idx %arg12[%add3A_183, %broadcast_in_dim3A_1175] : memref<48x128xf32, #tpu.memory_space<vmem>>[vector<16xi32>, vector<16xi32>], vector<16xf32>,
        %gather3A_1177 = tpu.vector_load_idx %arg13[%add3A_183, %broadcast_in_dim3A_1175] : memref<48x128xf32, #tpu.memory_space<vmem>>[vector<16xi32>, vector<16xi32>], vector<16xf32>,
        %mul3A_1178 = arith.mulf %gather3A_1176, %gather3A_1177 : vector<16xf32>
        %add3A_1179 = arith.addf %add3A_1173, %mul3A_1178 : vector<16xf32>
        %broadcast_in_dim3A_1180 = arith.constant 107 : i32
        %broadcast_in_dim3A_1181 = vector.broadcast %broadcast_in_dim3A_1180 : i32 to vector<16xi32>
        %gather3A_1182 = tpu.vector_load_idx %arg12[%add3A_183, %broadcast_in_dim3A_1181] : memref<48x128xf32, #tpu.memory_space<vmem>>[vector<16xi32>, vector<16xi32>], vector<16xf32>,
        %gather3A_1183 = tpu.vector_load_idx %arg13[%add3A_183, %broadcast_in_dim3A_1181] : memref<48x128xf32, #tpu.memory_space<vmem>>[vector<16xi32>, vector<16xi32>], vector<16xf32>,
        %mul3A_1184 = arith.mulf %gather3A_1182, %gather3A_1183 : vector<16xf32>
        %add3A_1185 = arith.addf %add3A_1179, %mul3A_1184 : vector<16xf32>
        %broadcast_in_dim3A_1186 = arith.constant 108 : i32
        %broadcast_in_dim3A_1187 = vector.broadcast %broadcast_in_dim3A_1186 : i32 to vector<16xi32>
        %gather3A_1188 = tpu.vector_load_idx %arg12[%add3A_183, %broadcast_in_dim3A_1187] : memref<48x128xf32, #tpu.memory_space<vmem>>[vector<16xi32>, vector<16xi32>], vector<16xf32>,
        %gather3A_1189 = tpu.vector_load_idx %arg13[%add3A_183, %broadcast_in_dim3A_1187] : memref<48x128xf32, #tpu.memory_space<vmem>>[vector<16xi32>, vector<16xi32>], vector<16xf32>,
        %mul3A_1190 = arith.mulf %gather3A_1188, %gather3A_1189 : vector<16xf32>
        %add3A_1191 = arith.addf %add3A_1185, %mul3A_1190 : vector<16xf32>
        %broadcast_in_dim3A_1192 = arith.constant 109 : i32
        %broadcast_in_dim3A_1193 = vector.broadcast %broadcast_in_dim3A_1192 : i32 to vector<16xi32>
        %gather3A_1194 = tpu.vector_load_idx %arg12[%add3A_183, %broadcast_in_dim3A_1193] : memref<48x128xf32, #tpu.memory_space<vmem>>[vector<16xi32>, vector<16xi32>], vector<16xf32>,
        %gather3A_1195 = tpu.vector_load_idx %arg13[%add3A_183, %broadcast_in_dim3A_1193] : memref<48x128xf32, #tpu.memory_space<vmem>>[vector<16xi32>, vector<16xi32>], vector<16xf32>,
        %mul3A_1196 = arith.mulf %gather3A_1194, %gather3A_1195 : vector<16xf32>
        %add3A_1197 = arith.addf %add3A_1191, %mul3A_1196 : vector<16xf32>
        %broadcast_in_dim3A_1198 = arith.constant 110 : i32
        %broadcast_in_dim3A_1199 = vector.broadcast %broadcast_in_dim3A_1198 : i32 to vector<16xi32>
        %gather3A_1200 = tpu.vector_load_idx %arg12[%add3A_183, %broadcast_in_dim3A_1199] : memref<48x128xf32, #tpu.memory_space<vmem>>[vector<16xi32>, vector<16xi32>], vector<16xf32>,
        %gather3A_1201 = tpu.vector_load_idx %arg13[%add3A_183, %broadcast_in_dim3A_1199] : memref<48x128xf32, #tpu.memory_space<vmem>>[vector<16xi32>, vector<16xi32>], vector<16xf32>,
        %mul3A_1202 = arith.mulf %gather3A_1200, %gather3A_1201 : vector<16xf32>
        %add3A_1203 = arith.addf %add3A_1197, %mul3A_1202 : vector<16xf32>
        %broadcast_in_dim3A_1204 = arith.constant 111 : i32
        %broadcast_in_dim3A_1205 = vector.broadcast %broadcast_in_dim3A_1204 : i32 to vector<16xi32>
        %gather3A_1206 = tpu.vector_load_idx %arg12[%add3A_183, %broadcast_in_dim3A_1205] : memref<48x128xf32, #tpu.memory_space<vmem>>[vector<16xi32>, vector<16xi32>], vector<16xf32>,
        %gather3A_1207 = tpu.vector_load_idx %arg13[%add3A_183, %broadcast_in_dim3A_1205] : memref<48x128xf32, #tpu.memory_space<vmem>>[vector<16xi32>, vector<16xi32>], vector<16xf32>,
        %mul3A_1208 = arith.mulf %gather3A_1206, %gather3A_1207 : vector<16xf32>
        %add3A_1209 = arith.addf %add3A_1203, %mul3A_1208 : vector<16xf32>
        %broadcast_in_dim3A_1210 = arith.constant 112 : i32
        %broadcast_in_dim3A_1211 = vector.broadcast %broadcast_in_dim3A_1210 : i32 to vector<16xi32>
        %gather3A_1212 = tpu.vector_load_idx %arg12[%add3A_183, %broadcast_in_dim3A_1211] : memref<48x128xf32, #tpu.memory_space<vmem>>[vector<16xi32>, vector<16xi32>], vector<16xf32>,
        %gather3A_1213 = tpu.vector_load_idx %arg13[%add3A_183, %broadcast_in_dim3A_1211] : memref<48x128xf32, #tpu.memory_space<vmem>>[vector<16xi32>, vector<16xi32>], vector<16xf32>,
        %mul3A_1214 = arith.mulf %gather3A_1212, %gather3A_1213 : vector<16xf32>
        %add3A_1215 = arith.addf %add3A_1209, %mul3A_1214 : vector<16xf32>
        %broadcast_in_dim3A_1216 = arith.constant 113 : i32
        %broadcast_in_dim3A_1217 = vector.broadcast %broadcast_in_dim3A_1216 : i32 to vector<16xi32>
        %gather3A_1218 = tpu.vector_load_idx %arg12[%add3A_183, %broadcast_in_dim3A_1217] : memref<48x128xf32, #tpu.memory_space<vmem>>[vector<16xi32>, vector<16xi32>], vector<16xf32>,
        %gather3A_1219 = tpu.vector_load_idx %arg13[%add3A_183, %broadcast_in_dim3A_1217] : memref<48x128xf32, #tpu.memory_space<vmem>>[vector<16xi32>, vector<16xi32>], vector<16xf32>,
        %mul3A_1220 = arith.mulf %gather3A_1218, %gather3A_1219 : vector<16xf32>
        %add3A_1221 = arith.addf %add3A_1215, %mul3A_1220 : vector<16xf32>
        %broadcast_in_dim3A_1222 = arith.constant 114 : i32
        %broadcast_in_dim3A_1223 = vector.broadcast %broadcast_in_dim3A_1222 : i32 to vector<16xi32>
        %gather3A_1224 = tpu.vector_load_idx %arg12[%add3A_183, %broadcast_in_dim3A_1223] : memref<48x128xf32, #tpu.memory_space<vmem>>[vector<16xi32>, vector<16xi32>], vector<16xf32>,
        %gather3A_1225 = tpu.vector_load_idx %arg13[%add3A_183, %broadcast_in_dim3A_1223] : memref<48x128xf32, #tpu.memory_space<vmem>>[vector<16xi32>, vector<16xi32>], vector<16xf32>,
        %mul3A_1226 = arith.mulf %gather3A_1224, %gather3A_1225 : vector<16xf32>
        %add3A_1227 = arith.addf %add3A_1221, %mul3A_1226 : vector<16xf32>
        %broadcast_in_dim3A_1228 = arith.constant 115 : i32
        %broadcast_in_dim3A_1229 = vector.broadcast %broadcast_in_dim3A_1228 : i32 to vector<16xi32>
        %gather3A_1230 = tpu.vector_load_idx %arg12[%add3A_183, %broadcast_in_dim3A_1229] : memref<48x128xf32, #tpu.memory_space<vmem>>[vector<16xi32>, vector<16xi32>], vector<16xf32>,
        %gather3A_1231 = tpu.vector_load_idx %arg13[%add3A_183, %broadcast_in_dim3A_1229] : memref<48x128xf32, #tpu.memory_space<vmem>>[vector<16xi32>, vector<16xi32>], vector<16xf32>,
        %mul3A_1232 = arith.mulf %gather3A_1230, %gather3A_1231 : vector<16xf32>
        %add3A_1233 = arith.addf %add3A_1227, %mul3A_1232 : vector<16xf32>
        %broadcast_in_dim3A_1234 = arith.constant 116 : i32
        %broadcast_in_dim3A_1235 = vector.broadcast %broadcast_in_dim3A_1234 : i32 to vector<16xi32>
        %gather3A_1236 = tpu.vector_load_idx %arg12[%add3A_183, %broadcast_in_dim3A_1235] : memref<48x128xf32, #tpu.memory_space<vmem>>[vector<16xi32>, vector<16xi32>], vector<16xf32>,
        %gather3A_1237 = tpu.vector_load_idx %arg13[%add3A_183, %broadcast_in_dim3A_1235] : memref<48x128xf32, #tpu.memory_space<vmem>>[vector<16xi32>, vector<16xi32>], vector<16xf32>,
        %mul3A_1238 = arith.mulf %gather3A_1236, %gather3A_1237 : vector<16xf32>
        %add3A_1239 = arith.addf %add3A_1233, %mul3A_1238 : vector<16xf32>
        %broadcast_in_dim3A_1240 = arith.constant 117 : i32
        %broadcast_in_dim3A_1241 = vector.broadcast %broadcast_in_dim3A_1240 : i32 to vector<16xi32>
        %gather3A_1242 = tpu.vector_load_idx %arg12[%add3A_183, %broadcast_in_dim3A_1241] : memref<48x128xf32, #tpu.memory_space<vmem>>[vector<16xi32>, vector<16xi32>], vector<16xf32>,
        %gather3A_1243 = tpu.vector_load_idx %arg13[%add3A_183, %broadcast_in_dim3A_1241] : memref<48x128xf32, #tpu.memory_space<vmem>>[vector<16xi32>, vector<16xi32>], vector<16xf32>,
        %mul3A_1244 = arith.mulf %gather3A_1242, %gather3A_1243 : vector<16xf32>
        %add3A_1245 = arith.addf %add3A_1239, %mul3A_1244 : vector<16xf32>
        %broadcast_in_dim3A_1246 = arith.constant 118 : i32
        %broadcast_in_dim3A_1247 = vector.broadcast %broadcast_in_dim3A_1246 : i32 to vector<16xi32>
        %gather3A_1248 = tpu.vector_load_idx %arg12[%add3A_183, %broadcast_in_dim3A_1247] : memref<48x128xf32, #tpu.memory_space<vmem>>[vector<16xi32>, vector<16xi32>], vector<16xf32>,
        %gather3A_1249 = tpu.vector_load_idx %arg13[%add3A_183, %broadcast_in_dim3A_1247] : memref<48x128xf32, #tpu.memory_space<vmem>>[vector<16xi32>, vector<16xi32>], vector<16xf32>,
        %mul3A_1250 = arith.mulf %gather3A_1248, %gather3A_1249 : vector<16xf32>
        %add3A_1251 = arith.addf %add3A_1245, %mul3A_1250 : vector<16xf32>
        %broadcast_in_dim3A_1252 = arith.constant 119 : i32
        %broadcast_in_dim3A_1253 = vector.broadcast %broadcast_in_dim3A_1252 : i32 to vector<16xi32>
        %gather3A_1254 = tpu.vector_load_idx %arg12[%add3A_183, %broadcast_in_dim3A_1253] : memref<48x128xf32, #tpu.memory_space<vmem>>[vector<16xi32>, vector<16xi32>], vector<16xf32>,
        %gather3A_1255 = tpu.vector_load_idx %arg13[%add3A_183, %broadcast_in_dim3A_1253] : memref<48x128xf32, #tpu.memory_space<vmem>>[vector<16xi32>, vector<16xi32>], vector<16xf32>,
        %mul3A_1256 = arith.mulf %gather3A_1254, %gather3A_1255 : vector<16xf32>
        %add3A_1257 = arith.addf %add3A_1251, %mul3A_1256 : vector<16xf32>
        %broadcast_in_dim3A_1258 = arith.constant 120 : i32
        %broadcast_in_dim3A_1259 = vector.broadcast %broadcast_in_dim3A_1258 : i32 to vector<16xi32>
        %gather3A_1260 = tpu.vector_load_idx %arg12[%add3A_183, %broadcast_in_dim3A_1259] : memref<48x128xf32, #tpu.memory_space<vmem>>[vector<16xi32>, vector<16xi32>], vector<16xf32>,
        %gather3A_1261 = tpu.vector_load_idx %arg13[%add3A_183, %broadcast_in_dim3A_1259] : memref<48x128xf32, #tpu.memory_space<vmem>>[vector<16xi32>, vector<16xi32>], vector<16xf32>,
        %mul3A_1262 = arith.mulf %gather3A_1260, %gather3A_1261 : vector<16xf32>
        %add3A_1263 = arith.addf %add3A_1257, %mul3A_1262 : vector<16xf32>
        %broadcast_in_dim3A_1264 = arith.constant 121 : i32
        %broadcast_in_dim3A_1265 = vector.broadcast %broadcast_in_dim3A_1264 : i32 to vector<16xi32>
        %gather3A_1266 = tpu.vector_load_idx %arg12[%add3A_183, %broadcast_in_dim3A_1265] : memref<48x128xf32, #tpu.memory_space<vmem>>[vector<16xi32>, vector<16xi32>], vector<16xf32>,
        %gather3A_1267 = tpu.vector_load_idx %arg13[%add3A_183, %broadcast_in_dim3A_1265] : memref<48x128xf32, #tpu.memory_space<vmem>>[vector<16xi32>, vector<16xi32>], vector<16xf32>,
        %mul3A_1268 = arith.mulf %gather3A_1266, %gather3A_1267 : vector<16xf32>
        %add3A_1269 = arith.addf %add3A_1263, %mul3A_1268 : vector<16xf32>
        %broadcast_in_dim3A_1270 = arith.constant 122 : i32
        %broadcast_in_dim3A_1271 = vector.broadcast %broadcast_in_dim3A_1270 : i32 to vector<16xi32>
        %gather3A_1272 = tpu.vector_load_idx %arg12[%add3A_183, %broadcast_in_dim3A_1271] : memref<48x128xf32, #tpu.memory_space<vmem>>[vector<16xi32>, vector<16xi32>], vector<16xf32>,
        %gather3A_1273 = tpu.vector_load_idx %arg13[%add3A_183, %broadcast_in_dim3A_1271] : memref<48x128xf32, #tpu.memory_space<vmem>>[vector<16xi32>, vector<16xi32>], vector<16xf32>,
        %mul3A_1274 = arith.mulf %gather3A_1272, %gather3A_1273 : vector<16xf32>
        %add3A_1275 = arith.addf %add3A_1269, %mul3A_1274 : vector<16xf32>
        %broadcast_in_dim3A_1276 = arith.constant 123 : i32
        %broadcast_in_dim3A_1277 = vector.broadcast %broadcast_in_dim3A_1276 : i32 to vector<16xi32>
        %gather3A_1278 = tpu.vector_load_idx %arg12[%add3A_183, %broadcast_in_dim3A_1277] : memref<48x128xf32, #tpu.memory_space<vmem>>[vector<16xi32>, vector<16xi32>], vector<16xf32>,
        %gather3A_1279 = tpu.vector_load_idx %arg13[%add3A_183, %broadcast_in_dim3A_1277] : memref<48x128xf32, #tpu.memory_space<vmem>>[vector<16xi32>, vector<16xi32>], vector<16xf32>,
        %mul3A_1280 = arith.mulf %gather3A_1278, %gather3A_1279 : vector<16xf32>
        %add3A_1281 = arith.addf %add3A_1275, %mul3A_1280 : vector<16xf32>
        %broadcast_in_dim3A_1282 = arith.constant 124 : i32
        %broadcast_in_dim3A_1283 = vector.broadcast %broadcast_in_dim3A_1282 : i32 to vector<16xi32>
        %gather3A_1284 = tpu.vector_load_idx %arg12[%add3A_183, %broadcast_in_dim3A_1283] : memref<48x128xf32, #tpu.memory_space<vmem>>[vector<16xi32>, vector<16xi32>], vector<16xf32>,
        %gather3A_1285 = tpu.vector_load_idx %arg13[%add3A_183, %broadcast_in_dim3A_1283] : memref<48x128xf32, #tpu.memory_space<vmem>>[vector<16xi32>, vector<16xi32>], vector<16xf32>,
        %mul3A_1286 = arith.mulf %gather3A_1284, %gather3A_1285 : vector<16xf32>
        %add3A_1287 = arith.addf %add3A_1281, %mul3A_1286 : vector<16xf32>
        %broadcast_in_dim3A_1288 = arith.constant 125 : i32
        %broadcast_in_dim3A_1289 = vector.broadcast %broadcast_in_dim3A_1288 : i32 to vector<16xi32>
        %gather3A_1290 = tpu.vector_load_idx %arg12[%add3A_183, %broadcast_in_dim3A_1289] : memref<48x128xf32, #tpu.memory_space<vmem>>[vector<16xi32>, vector<16xi32>], vector<16xf32>,
        %gather3A_1291 = tpu.vector_load_idx %arg13[%add3A_183, %broadcast_in_dim3A_1289] : memref<48x128xf32, #tpu.memory_space<vmem>>[vector<16xi32>, vector<16xi32>], vector<16xf32>,
        %mul3A_1292 = arith.mulf %gather3A_1290, %gather3A_1291 : vector<16xf32>
        %add3A_1293 = arith.addf %add3A_1287, %mul3A_1292 : vector<16xf32>
        %broadcast_in_dim3A_1294 = arith.constant 126 : i32
        %broadcast_in_dim3A_1295 = vector.broadcast %broadcast_in_dim3A_1294 : i32 to vector<16xi32>
        %gather3A_1296 = tpu.vector_load_idx %arg12[%add3A_183, %broadcast_in_dim3A_1295] : memref<48x128xf32, #tpu.memory_space<vmem>>[vector<16xi32>, vector<16xi32>], vector<16xf32>,
        %gather3A_1297 = tpu.vector_load_idx %arg13[%add3A_183, %broadcast_in_dim3A_1295] : memref<48x128xf32, #tpu.memory_space<vmem>>[vector<16xi32>, vector<16xi32>], vector<16xf32>,
        %mul3A_1298 = arith.mulf %gather3A_1296, %gather3A_1297 : vector<16xf32>
        %add3A_1299 = arith.addf %add3A_1293, %mul3A_1298 : vector<16xf32>
        %broadcast_in_dim3A_1300 = arith.constant 127 : i32
        %broadcast_in_dim3A_1301 = vector.broadcast %broadcast_in_dim3A_1300 : i32 to vector<16xi32>
        %gather3A_1302 = tpu.vector_load_idx %arg12[%add3A_183, %broadcast_in_dim3A_1301] : memref<48x128xf32, #tpu.memory_space<vmem>>[vector<16xi32>, vector<16xi32>], vector<16xf32>,
        %gather3A_1303 = tpu.vector_load_idx %arg13[%add3A_183, %broadcast_in_dim3A_1301] : memref<48x128xf32, #tpu.memory_space<vmem>>[vector<16xi32>, vector<16xi32>], vector<16xf32>,
        %mul3A_1304 = arith.mulf %gather3A_1302, %gather3A_1303 : vector<16xf32>
        %add3A_1305 = arith.addf %add3A_1299, %mul3A_1304 : vector<16xf32>
        %add3A_1306 = arith.constant 24 : i32
        %add3A_1307 = vector.broadcast %add3A_1306 : i32 to vector<16xi32>
        %add3A_1308 = arith.addi %get3A_191, %add3A_1307 : vector<16xi32>
        %gather3A_1309 = tpu.vector_load_idx %arg21[%add3A_1308] : memref<48xf32, #tpu.memory_space<vmem>>[vector<16xi32>], vector<16xf32>,
        %mul3A_1310 = arith.constant 0.176776692 : f32
        %mul3A_1311 = vector.broadcast %mul3A_1310 : f32 to vector<16xf32>
        %mul3A_1312 = arith.mulf %add3A_1305, %mul3A_1311 : vector<16xf32>
        %mul3A_1313 = arith.mulf %mul3A_1312, %gather3A_1309 : vector<16xf32>
        %max3A_1314 = arith.constant -8.000000e+01 : f32
        %max3A_1315 = vector.broadcast %max3A_1314 : f32 to vector<16xf32>
        %max3A_1316 = arith.maximumf %mul3A_1313, %max3A_1315 : vector<16xf32>
        %min3A_1317 = arith.constant 8.000000e+01 : f32
        %min3A_1318 = vector.broadcast %min3A_1317 : f32 to vector<16xf32>
        %min3A_1319 = arith.minimumf %max3A_1316, %min3A_1318 : vector<16xf32>
        %exp3A_1320 = math.exp %min3A_1319 : vector<16xf32>
        %broadcast_in_dim3A_1321 = arith.constant 96 : i32
        %broadcast_in_dim3A_1322 = vector.broadcast %broadcast_in_dim3A_1321 : i32 to vector<16xi32>
        %mul3A_1323 = arith.mulf %gather3A_1116, %exp3A_1320 : vector<16xf32>
        tpu.vector_store_idx %arg12[%add3A_183, %broadcast_in_dim3A_1322], %mul3A_1323 : memref<48x128xf32, #tpu.memory_space<vmem>>[vector<16xi32>, vector<16xi32>], vector<16xf32>,
        %broadcast_in_dim3A_1324 = arith.constant 97 : i32
        %broadcast_in_dim3A_1325 = vector.broadcast %broadcast_in_dim3A_1324 : i32 to vector<16xi32>
        %mul3A_1326 = arith.mulf %gather3A_1122, %exp3A_1320 : vector<16xf32>
        tpu.vector_store_idx %arg12[%add3A_183, %broadcast_in_dim3A_1325], %mul3A_1326 : memref<48x128xf32, #tpu.memory_space<vmem>>[vector<16xi32>, vector<16xi32>], vector<16xf32>,
        %broadcast_in_dim3A_1327 = arith.constant 98 : i32
        %broadcast_in_dim3A_1328 = vector.broadcast %broadcast_in_dim3A_1327 : i32 to vector<16xi32>
        %mul3A_1329 = arith.mulf %gather3A_1128, %exp3A_1320 : vector<16xf32>
        tpu.vector_store_idx %arg12[%add3A_183, %broadcast_in_dim3A_1328], %mul3A_1329 : memref<48x128xf32, #tpu.memory_space<vmem>>[vector<16xi32>, vector<16xi32>], vector<16xf32>,
        %broadcast_in_dim3A_1330 = arith.constant 99 : i32
        %broadcast_in_dim3A_1331 = vector.broadcast %broadcast_in_dim3A_1330 : i32 to vector<16xi32>
        %mul3A_1332 = arith.mulf %gather3A_1134, %exp3A_1320 : vector<16xf32>
        tpu.vector_store_idx %arg12[%add3A_183, %broadcast_in_dim3A_1331], %mul3A_1332 : memref<48x128xf32, #tpu.memory_space<vmem>>[vector<16xi32>, vector<16xi32>], vector<16xf32>,
        %broadcast_in_dim3A_1333 = arith.constant 100 : i32
        %broadcast_in_dim3A_1334 = vector.broadcast %broadcast_in_dim3A_1333 : i32 to vector<16xi32>
        %mul3A_1335 = arith.mulf %gather3A_1140, %exp3A_1320 : vector<16xf32>
        tpu.vector_store_idx %arg12[%add3A_183, %broadcast_in_dim3A_1334], %mul3A_1335 : memref<48x128xf32, #tpu.memory_space<vmem>>[vector<16xi32>, vector<16xi32>], vector<16xf32>,
        %broadcast_in_dim3A_1336 = arith.constant 101 : i32
        %broadcast_in_dim3A_1337 = vector.broadcast %broadcast_in_dim3A_1336 : i32 to vector<16xi32>
        %mul3A_1338 = arith.mulf %gather3A_1146, %exp3A_1320 : vector<16xf32>
        tpu.vector_store_idx %arg12[%add3A_183, %broadcast_in_dim3A_1337], %mul3A_1338 : memref<48x128xf32, #tpu.memory_space<vmem>>[vector<16xi32>, vector<16xi32>], vector<16xf32>,
        %broadcast_in_dim3A_1339 = arith.constant 102 : i32
        %broadcast_in_dim3A_1340 = vector.broadcast %broadcast_in_dim3A_1339 : i32 to vector<16xi32>
        %mul3A_1341 = arith.mulf %gather3A_1152, %exp3A_1320 : vector<16xf32>
        tpu.vector_store_idx %arg12[%add3A_183, %broadcast_in_dim3A_1340], %mul3A_1341 : memref<48x128xf32, #tpu.memory_space<vmem>>[vector<16xi32>, vector<16xi32>], vector<16xf32>,
        %broadcast_in_dim3A_1342 = arith.constant 103 : i32
        %broadcast_in_dim3A_1343 = vector.broadcast %broadcast_in_dim3A_1342 : i32 to vector<16xi32>
        %mul3A_1344 = arith.mulf %gather3A_1158, %exp3A_1320 : vector<16xf32>
        tpu.vector_store_idx %arg12[%add3A_183, %broadcast_in_dim3A_1343], %mul3A_1344 : memref<48x128xf32, #tpu.memory_space<vmem>>[vector<16xi32>, vector<16xi32>], vector<16xf32>,
        %broadcast_in_dim3A_1345 = arith.constant 104 : i32
        %broadcast_in_dim3A_1346 = vector.broadcast %broadcast_in_dim3A_1345 : i32 to vector<16xi32>
        %mul3A_1347 = arith.mulf %gather3A_1164, %exp3A_1320 : vector<16xf32>
        tpu.vector_store_idx %arg12[%add3A_183, %broadcast_in_dim3A_1346], %mul3A_1347 : memref<48x128xf32, #tpu.memory_space<vmem>>[vector<16xi32>, vector<16xi32>], vector<16xf32>,
        %broadcast_in_dim3A_1348 = arith.constant 105 : i32
        %broadcast_in_dim3A_1349 = vector.broadcast %broadcast_in_dim3A_1348 : i32 to vector<16xi32>
        %mul3A_1350 = arith.mulf %gather3A_1170, %exp3A_1320 : vector<16xf32>
        tpu.vector_store_idx %arg12[%add3A_183, %broadcast_in_dim3A_1349], %mul3A_1350 : memref<48x128xf32, #tpu.memory_space<vmem>>[vector<16xi32>, vector<16xi32>], vector<16xf32>,
        %broadcast_in_dim3A_1351 = arith.constant 106 : i32
        %broadcast_in_dim3A_1352 = vector.broadcast %broadcast_in_dim3A_1351 : i32 to vector<16xi32>
        %mul3A_1353 = arith.mulf %gather3A_1176, %exp3A_1320 : vector<16xf32>
        tpu.vector_store_idx %arg12[%add3A_183, %broadcast_in_dim3A_1352], %mul3A_1353 : memref<48x128xf32, #tpu.memory_space<vmem>>[vector<16xi32>, vector<16xi32>], vector<16xf32>,
        %broadcast_in_dim3A_1354 = arith.constant 107 : i32
        %broadcast_in_dim3A_1355 = vector.broadcast %broadcast_in_dim3A_1354 : i32 to vector<16xi32>
        %mul3A_1356 = arith.mulf %gather3A_1182, %exp3A_1320 : vector<16xf32>
        tpu.vector_store_idx %arg12[%add3A_183, %broadcast_in_dim3A_1355], %mul3A_1356 : memref<48x128xf32, #tpu.memory_space<vmem>>[vector<16xi32>, vector<16xi32>], vector<16xf32>,
        %broadcast_in_dim3A_1357 = arith.constant 108 : i32
        %broadcast_in_dim3A_1358 = vector.broadcast %broadcast_in_dim3A_1357 : i32 to vector<16xi32>
        %mul3A_1359 = arith.mulf %gather3A_1188, %exp3A_1320 : vector<16xf32>
        tpu.vector_store_idx %arg12[%add3A_183, %broadcast_in_dim3A_1358], %mul3A_1359 : memref<48x128xf32, #tpu.memory_space<vmem>>[vector<16xi32>, vector<16xi32>], vector<16xf32>,
        %broadcast_in_dim3A_1360 = arith.constant 109 : i32
        %broadcast_in_dim3A_1361 = vector.broadcast %broadcast_in_dim3A_1360 : i32 to vector<16xi32>
        %mul3A_1362 = arith.mulf %gather3A_1194, %exp3A_1320 : vector<16xf32>
        tpu.vector_store_idx %arg12[%add3A_183, %broadcast_in_dim3A_1361], %mul3A_1362 : memref<48x128xf32, #tpu.memory_space<vmem>>[vector<16xi32>, vector<16xi32>], vector<16xf32>,
        %broadcast_in_dim3A_1363 = arith.constant 110 : i32
        %broadcast_in_dim3A_1364 = vector.broadcast %broadcast_in_dim3A_1363 : i32 to vector<16xi32>
        %mul3A_1365 = arith.mulf %gather3A_1200, %exp3A_1320 : vector<16xf32>
        tpu.vector_store_idx %arg12[%add3A_183, %broadcast_in_dim3A_1364], %mul3A_1365 : memref<48x128xf32, #tpu.memory_space<vmem>>[vector<16xi32>, vector<16xi32>], vector<16xf32>,
        %broadcast_in_dim3A_1366 = arith.constant 111 : i32
        %broadcast_in_dim3A_1367 = vector.broadcast %broadcast_in_dim3A_1366 : i32 to vector<16xi32>
        %mul3A_1368 = arith.mulf %gather3A_1206, %exp3A_1320 : vector<16xf32>
        tpu.vector_store_idx %arg12[%add3A_183, %broadcast_in_dim3A_1367], %mul3A_1368 : memref<48x128xf32, #tpu.memory_space<vmem>>[vector<16xi32>, vector<16xi32>], vector<16xf32>,
        %broadcast_in_dim3A_1369 = arith.constant 112 : i32
        %broadcast_in_dim3A_1370 = vector.broadcast %broadcast_in_dim3A_1369 : i32 to vector<16xi32>
        %mul3A_1371 = arith.mulf %gather3A_1212, %exp3A_1320 : vector<16xf32>
        tpu.vector_store_idx %arg12[%add3A_183, %broadcast_in_dim3A_1370], %mul3A_1371 : memref<48x128xf32, #tpu.memory_space<vmem>>[vector<16xi32>, vector<16xi32>], vector<16xf32>,
        %broadcast_in_dim3A_1372 = arith.constant 113 : i32
        %broadcast_in_dim3A_1373 = vector.broadcast %broadcast_in_dim3A_1372 : i32 to vector<16xi32>
        %mul3A_1374 = arith.mulf %gather3A_1218, %exp3A_1320 : vector<16xf32>
        tpu.vector_store_idx %arg12[%add3A_183, %broadcast_in_dim3A_1373], %mul3A_1374 : memref<48x128xf32, #tpu.memory_space<vmem>>[vector<16xi32>, vector<16xi32>], vector<16xf32>,
        %broadcast_in_dim3A_1375 = arith.constant 114 : i32
        %broadcast_in_dim3A_1376 = vector.broadcast %broadcast_in_dim3A_1375 : i32 to vector<16xi32>
        %mul3A_1377 = arith.mulf %gather3A_1224, %exp3A_1320 : vector<16xf32>
        tpu.vector_store_idx %arg12[%add3A_183, %broadcast_in_dim3A_1376], %mul3A_1377 : memref<48x128xf32, #tpu.memory_space<vmem>>[vector<16xi32>, vector<16xi32>], vector<16xf32>,
        %broadcast_in_dim3A_1378 = arith.constant 115 : i32
        %broadcast_in_dim3A_1379 = vector.broadcast %broadcast_in_dim3A_1378 : i32 to vector<16xi32>
        %mul3A_1380 = arith.mulf %gather3A_1230, %exp3A_1320 : vector<16xf32>
        tpu.vector_store_idx %arg12[%add3A_183, %broadcast_in_dim3A_1379], %mul3A_1380 : memref<48x128xf32, #tpu.memory_space<vmem>>[vector<16xi32>, vector<16xi32>], vector<16xf32>,
        %broadcast_in_dim3A_1381 = arith.constant 116 : i32
        %broadcast_in_dim3A_1382 = vector.broadcast %broadcast_in_dim3A_1381 : i32 to vector<16xi32>
        %mul3A_1383 = arith.mulf %gather3A_1236, %exp3A_1320 : vector<16xf32>
        tpu.vector_store_idx %arg12[%add3A_183, %broadcast_in_dim3A_1382], %mul3A_1383 : memref<48x128xf32, #tpu.memory_space<vmem>>[vector<16xi32>, vector<16xi32>], vector<16xf32>,
        %broadcast_in_dim3A_1384 = arith.constant 117 : i32
        %broadcast_in_dim3A_1385 = vector.broadcast %broadcast_in_dim3A_1384 : i32 to vector<16xi32>
        %mul3A_1386 = arith.mulf %gather3A_1242, %exp3A_1320 : vector<16xf32>
        tpu.vector_store_idx %arg12[%add3A_183, %broadcast_in_dim3A_1385], %mul3A_1386 : memref<48x128xf32, #tpu.memory_space<vmem>>[vector<16xi32>, vector<16xi32>], vector<16xf32>,
        %broadcast_in_dim3A_1387 = arith.constant 118 : i32
        %broadcast_in_dim3A_1388 = vector.broadcast %broadcast_in_dim3A_1387 : i32 to vector<16xi32>
        %mul3A_1389 = arith.mulf %gather3A_1248, %exp3A_1320 : vector<16xf32>
        tpu.vector_store_idx %arg12[%add3A_183, %broadcast_in_dim3A_1388], %mul3A_1389 : memref<48x128xf32, #tpu.memory_space<vmem>>[vector<16xi32>, vector<16xi32>], vector<16xf32>,
        %broadcast_in_dim3A_1390 = arith.constant 119 : i32
        %broadcast_in_dim3A_1391 = vector.broadcast %broadcast_in_dim3A_1390 : i32 to vector<16xi32>
        %mul3A_1392 = arith.mulf %gather3A_1254, %exp3A_1320 : vector<16xf32>
        tpu.vector_store_idx %arg12[%add3A_183, %broadcast_in_dim3A_1391], %mul3A_1392 : memref<48x128xf32, #tpu.memory_space<vmem>>[vector<16xi32>, vector<16xi32>], vector<16xf32>,
        %broadcast_in_dim3A_1393 = arith.constant 120 : i32
        %broadcast_in_dim3A_1394 = vector.broadcast %broadcast_in_dim3A_1393 : i32 to vector<16xi32>
        %mul3A_1395 = arith.mulf %gather3A_1260, %exp3A_1320 : vector<16xf32>
        tpu.vector_store_idx %arg12[%add3A_183, %broadcast_in_dim3A_1394], %mul3A_1395 : memref<48x128xf32, #tpu.memory_space<vmem>>[vector<16xi32>, vector<16xi32>], vector<16xf32>,
        %broadcast_in_dim3A_1396 = arith.constant 121 : i32
        %broadcast_in_dim3A_1397 = vector.broadcast %broadcast_in_dim3A_1396 : i32 to vector<16xi32>
        %mul3A_1398 = arith.mulf %gather3A_1266, %exp3A_1320 : vector<16xf32>
        tpu.vector_store_idx %arg12[%add3A_183, %broadcast_in_dim3A_1397], %mul3A_1398 : memref<48x128xf32, #tpu.memory_space<vmem>>[vector<16xi32>, vector<16xi32>], vector<16xf32>,
        %broadcast_in_dim3A_1399 = arith.constant 122 : i32
        %broadcast_in_dim3A_1400 = vector.broadcast %broadcast_in_dim3A_1399 : i32 to vector<16xi32>
        %mul3A_1401 = arith.mulf %gather3A_1272, %exp3A_1320 : vector<16xf32>
        tpu.vector_store_idx %arg12[%add3A_183, %broadcast_in_dim3A_1400], %mul3A_1401 : memref<48x128xf32, #tpu.memory_space<vmem>>[vector<16xi32>, vector<16xi32>], vector<16xf32>,
        %broadcast_in_dim3A_1402 = arith.constant 123 : i32
        %broadcast_in_dim3A_1403 = vector.broadcast %broadcast_in_dim3A_1402 : i32 to vector<16xi32>
        %mul3A_1404 = arith.mulf %gather3A_1278, %exp3A_1320 : vector<16xf32>
        tpu.vector_store_idx %arg12[%add3A_183, %broadcast_in_dim3A_1403], %mul3A_1404 : memref<48x128xf32, #tpu.memory_space<vmem>>[vector<16xi32>, vector<16xi32>], vector<16xf32>,
        %broadcast_in_dim3A_1405 = arith.constant 124 : i32
        %broadcast_in_dim3A_1406 = vector.broadcast %broadcast_in_dim3A_1405 : i32 to vector<16xi32>
        %mul3A_1407 = arith.mulf %gather3A_1284, %exp3A_1320 : vector<16xf32>
        tpu.vector_store_idx %arg12[%add3A_183, %broadcast_in_dim3A_1406], %mul3A_1407 : memref<48x128xf32, #tpu.memory_space<vmem>>[vector<16xi32>, vector<16xi32>], vector<16xf32>,
        %broadcast_in_dim3A_1408 = arith.constant 125 : i32
        %broadcast_in_dim3A_1409 = vector.broadcast %broadcast_in_dim3A_1408 : i32 to vector<16xi32>
        %mul3A_1410 = arith.mulf %gather3A_1290, %exp3A_1320 : vector<16xf32>
        tpu.vector_store_idx %arg12[%add3A_183, %broadcast_in_dim3A_1409], %mul3A_1410 : memref<48x128xf32, #tpu.memory_space<vmem>>[vector<16xi32>, vector<16xi32>], vector<16xf32>,
        %broadcast_in_dim3A_1411 = arith.constant 126 : i32
        %broadcast_in_dim3A_1412 = vector.broadcast %broadcast_in_dim3A_1411 : i32 to vector<16xi32>
        %mul3A_1413 = arith.mulf %gather3A_1296, %exp3A_1320 : vector<16xf32>
        tpu.vector_store_idx %arg12[%add3A_183, %broadcast_in_dim3A_1412], %mul3A_1413 : memref<48x128xf32, #tpu.memory_space<vmem>>[vector<16xi32>, vector<16xi32>], vector<16xf32>,
        %broadcast_in_dim3A_1414 = arith.constant 127 : i32
        %broadcast_in_dim3A_1415 = vector.broadcast %broadcast_in_dim3A_1414 : i32 to vector<16xi32>
        %mul3A_1416 = arith.mulf %gather3A_1302, %exp3A_1320 : vector<16xf32>
        tpu.vector_store_idx %arg12[%add3A_183, %broadcast_in_dim3A_1415], %mul3A_1416 : memref<48x128xf32, #tpu.memory_space<vmem>>[vector<16xi32>, vector<16xi32>], vector<16xf32>,
        %add3A_1417 = arith.constant 3 : i32
        %add3A_1418 = vector.broadcast %add3A_1417 : i32 to vector<16xi32>
        %add3A_1419 = arith.addi %mul3A_199, %add3A_1418 : vector<16xi32>
        tpu.vector_store_idx %arg14[%add3A_183, %add3A_1419], %exp3A_1320 masked %lt3A_188 : memref<48x128xf32, #tpu.memory_space<vmem>>[vector<16xi32>, vector<16xi32>], vector<16xf32>, vector<16xi1>
        %scan3A_1420 = arith.constant 0 : i32
        scf.yield %scan3A_1420 : i32
      }
      %scan3A_164 = arith.constant 3 : i32
      %eq3A_165 = arith.constant 104 : i32
      %eq3A_166 = arith.cmpi eq, %scan3A_95, %eq3A_165 : i32
      %convert_element_type3A_167 = arith.extui %eq3A_166 : i1 to i32
      %cond3A_168 = arith.constant 0 : i32
      %cond3A_169 = arith.cmpi ne, %convert_element_type3A_167, %cond3A_168 : i32
      scf.if %cond3A_169 {
        %scan3A_178 = arith.constant 0 : i32
        %scan3A_179 = arith.constant 8 : i32
        %scan3A_180 = arith.constant 40 : i32
        %scan3A_181 = arith.addi %scan3A_179, %scan3A_180 : i32
        %scan3A_182 = arith.constant 1 : i32
        %scan3A_183 = scf.for %scan3A_185 = %scan3A_179 to %scan3A_181 step %scan3A_182 iter_args(%scan3A_186 = %scan3A_178) -> (i32)  : i32 {
          %swap3A_187 = arith.index_cast %scan3A_185 : i32 to index
          %swap3A_188 = arith.constant 0 : index
          %swap3A_189 = tpu.vector_load %arg12[%swap3A_187, %swap3A_188] {strides = array<i32>} : memref<48x128xf32, #tpu.memory_space<vmem>>, vector<16xf32>,
          tpu.vector_store %arg12[%swap3A_187, %swap3A_188], %broadcast_in_dim3A_1 {strides = array<i32>} : memref<48x128xf32, #tpu.memory_space<vmem>>, vector<16xf32>,
          %swap3A_190 = arith.index_cast %scan3A_185 : i32 to index
          %swap3A_191 = arith.constant 16 : index
          %swap3A_192 = tpu.vector_load %arg12[%swap3A_190, %swap3A_191] {strides = array<i32>} : memref<48x128xf32, #tpu.memory_space<vmem>>, vector<16xf32>,
          tpu.vector_store %arg12[%swap3A_190, %swap3A_191], %broadcast_in_dim3A_1 {strides = array<i32>} : memref<48x128xf32, #tpu.memory_space<vmem>>, vector<16xf32>,
          %swap3A_193 = arith.index_cast %scan3A_185 : i32 to index
          %swap3A_194 = arith.constant 32 : index
          %swap3A_195 = tpu.vector_load %arg12[%swap3A_193, %swap3A_194] {strides = array<i32>} : memref<48x128xf32, #tpu.memory_space<vmem>>, vector<16xf32>,
          tpu.vector_store %arg12[%swap3A_193, %swap3A_194], %broadcast_in_dim3A_1 {strides = array<i32>} : memref<48x128xf32, #tpu.memory_space<vmem>>, vector<16xf32>,
          %swap3A_196 = arith.index_cast %scan3A_185 : i32 to index
          %swap3A_197 = arith.constant 48 : index
          %swap3A_198 = tpu.vector_load %arg12[%swap3A_196, %swap3A_197] {strides = array<i32>} : memref<48x128xf32, #tpu.memory_space<vmem>>, vector<16xf32>,
          tpu.vector_store %arg12[%swap3A_196, %swap3A_197], %broadcast_in_dim3A_1 {strides = array<i32>} : memref<48x128xf32, #tpu.memory_space<vmem>>, vector<16xf32>,
          %swap3A_199 = arith.index_cast %scan3A_185 : i32 to index
          %swap3A_200 = arith.constant 64 : index
          %swap3A_201 = tpu.vector_load %arg12[%swap3A_199, %swap3A_200] {strides = array<i32>} : memref<48x128xf32, #tpu.memory_space<vmem>>, vector<16xf32>,
          tpu.vector_store %arg12[%swap3A_199, %swap3A_200], %broadcast_in_dim3A_1 {strides = array<i32>} : memref<48x128xf32, #tpu.memory_space<vmem>>, vector<16xf32>,
          %swap3A_202 = arith.index_cast %scan3A_185 : i32 to index
          %swap3A_203 = arith.constant 80 : index
          %swap3A_204 = tpu.vector_load %arg12[%swap3A_202, %swap3A_203] {strides = array<i32>} : memref<48x128xf32, #tpu.memory_space<vmem>>, vector<16xf32>,
          tpu.vector_store %arg12[%swap3A_202, %swap3A_203], %broadcast_in_dim3A_1 {strides = array<i32>} : memref<48x128xf32, #tpu.memory_space<vmem>>, vector<16xf32>,
          %swap3A_205 = arith.index_cast %scan3A_185 : i32 to index
          %swap3A_206 = arith.constant 96 : index
          %swap3A_207 = tpu.vector_load %arg12[%swap3A_205, %swap3A_206] {strides = array<i32>} : memref<48x128xf32, #tpu.memory_space<vmem>>, vector<16xf32>,
          tpu.vector_store %arg12[%swap3A_205, %swap3A_206], %broadcast_in_dim3A_1 {strides = array<i32>} : memref<48x128xf32, #tpu.memory_space<vmem>>, vector<16xf32>,
          %swap3A_208 = arith.index_cast %scan3A_185 : i32 to index
          %swap3A_209 = arith.constant 112 : index
          %swap3A_210 = tpu.vector_load %arg12[%swap3A_208, %swap3A_209] {strides = array<i32>} : memref<48x128xf32, #tpu.memory_space<vmem>>, vector<16xf32>,
          tpu.vector_store %arg12[%swap3A_208, %swap3A_209], %broadcast_in_dim3A_1 {strides = array<i32>} : memref<48x128xf32, #tpu.memory_space<vmem>>, vector<16xf32>,
          %scan3A_211 = arith.constant 0 : i32
          scf.yield %scan3A_211 : i32
        }
        %scan3A_184 = arith.constant 40 : i32
      } else {
      }
      "tpu.region"() ({
        %run_scoped3A = tpu.sem_alloc : memref<!tpu.dma_semaphore, #tpu.memory_space<semaphore_mem>>
        %dma_start3A_178 = arith.constant 0 : i32
        %dma_start3A_179 = arith.constant 0 : i32
        %dma_start3A_180 = tpu.memref_slice %arg10[%dma_start3A_178, %dma_start3A_179] : memref<10000x128xf32, #tpu.memory_space<vmem_shared>> -> memref<10000x128xf32, #tpu.memory_space<vmem_shared>>
        tpu.enqueue_indirect_dma source(%arg12 : memref<48x128xf32, #tpu.memory_space<vmem>>) target(%dma_start3A_180 : memref<10000x128xf32, #tpu.memory_space<vmem_shared>>) offsets(%arg19 : memref<48xi32, #tpu.memory_space<vmem>>) semaphore(%run_scoped3A : memref<!tpu.dma_semaphore, #tpu.memory_space<semaphore_mem>>) {add = true}
        %dma_wait3A_181 = arith.constant 0 : i32
        %dma_wait3A_182 = arith.constant 0 : i32
        %dma_wait3A_183 = tpu.memref_slice %arg10[%dma_wait3A_181, %dma_wait3A_182] : memref<10000x128xf32, #tpu.memory_space<vmem_shared>> -> memref<10000x128xf32, #tpu.memory_space<vmem_shared>>
        tpu.wait_indirect_dma semaphore(%run_scoped3A : memref<!tpu.dma_semaphore, #tpu.memory_space<semaphore_mem>>) src(%arg12 : memref<48x128xf32, #tpu.memory_space<vmem>>) dst(%dma_wait3A_183 : memref<10000x128xf32, #tpu.memory_space<vmem_shared>>)
        tpu.yield
      }) : () -> ()
      "tpu.region"() ({
        %run_scoped3A = tpu.sem_alloc : memref<!tpu.dma_semaphore, #tpu.memory_space<semaphore_mem>>
        %dma_start3A_178 = arith.constant 0 : i32
        %dma_start3A_179 = arith.constant 0 : i32
        %dma_start3A_180 = tpu.memref_slice %arg11[%dma_start3A_178, %dma_start3A_179] : memref<1280x128xf32, #tpu.memory_space<vmem_shared>> -> memref<1280x128xf32, #tpu.memory_space<vmem_shared>>
        tpu.enqueue_indirect_dma source(%arg14 : memref<48x128xf32, #tpu.memory_space<vmem>>) target(%dma_start3A_180 : memref<1280x128xf32, #tpu.memory_space<vmem_shared>>) offsets(%arg20 : memref<48xi32, #tpu.memory_space<vmem>>) semaphore(%run_scoped3A : memref<!tpu.dma_semaphore, #tpu.memory_space<semaphore_mem>>) {add = true}
        %dma_wait3A_181 = arith.constant 0 : i32
        %dma_wait3A_182 = arith.constant 0 : i32
        %dma_wait3A_183 = tpu.memref_slice %arg11[%dma_wait3A_181, %dma_wait3A_182] : memref<1280x128xf32, #tpu.memory_space<vmem_shared>> -> memref<1280x128xf32, #tpu.memory_space<vmem_shared>>
        tpu.wait_indirect_dma semaphore(%run_scoped3A : memref<!tpu.dma_semaphore, #tpu.memory_space<semaphore_mem>>) src(%arg14 : memref<48x128xf32, #tpu.memory_space<vmem>>) dst(%dma_wait3A_183 : memref<1280x128xf32, #tpu.memory_space<vmem_shared>>)
        tpu.yield
      }) : () -> ()
      %scan3A_170 = arith.constant 0 : i32
      %scan3A_171 = arith.constant 0 : i32
      %scan3A_172 = arith.constant 3 : i32
      %scan3A_173 = arith.addi %scan3A_171, %scan3A_172 : i32
      %scan3A_174 = arith.constant 1 : i32
      %scan3A_175 = scf.for %scan3A_178 = %scan3A_171 to %scan3A_173 step %scan3A_174 iter_args(%scan3A_179 = %scan3A_170) -> (i32)  : i32 {
        %mul3A_180 = arith.constant 16 : i32
        %mul3A_181 = arith.muli %scan3A_178, %mul3A_180 : i32
        %add3A_182 = vector.broadcast %mul3A_181 : i32 to vector<16xi32>
        %add3A_183 = arith.addi %add3A_182, %iota3A : vector<16xi32>
        %add3A_184 = arith.addi %mul3A_98, %mul3A_181 : i32
        %get3A_185 = arith.index_cast %add3A_184 : i32 to index
        %get3A_186 = tpu.vector_load %arg15[%get3A_185] {strides = array<i32>} : memref<5056xi32, #tpu.memory_space<vmem>>, vector<16xi32>,
        %and3A = arith.constant 7 : i32
        %and3A_187 = vector.broadcast %and3A : i32 to vector<16xi32>
        %and3A_188 = arith.andi %get3A_186, %and3A_187 : vector<16xi32>
        %mul3A_189 = arith.constant 16 : i32
        %mul3A_190 = vector.broadcast %mul3A_189 : i32 to vector<16xi32>
        %mul3A_191 = arith.muli %and3A_188, %mul3A_190 : vector<16xi32>
        %add3A_192 = arith.constant 0 : i32
        %add3A_193 = vector.broadcast %add3A_192 : i32 to vector<16xi32>
        %add3A_194 = arith.addi %mul3A_191, %add3A_193 : vector<16xi32>
        tpu.vector_store_idx %arg14[%add3A_183, %add3A_194], %broadcast_in_dim3A_1 : memref<48x128xf32, #tpu.memory_space<vmem>>[vector<16xi32>, vector<16xi32>], vector<16xf32>,
        %add3A_195 = arith.constant 1 : i32
        %add3A_196 = vector.broadcast %add3A_195 : i32 to vector<16xi32>
        %add3A_197 = arith.addi %mul3A_191, %add3A_196 : vector<16xi32>
        tpu.vector_store_idx %arg14[%add3A_183, %add3A_197], %broadcast_in_dim3A_1 : memref<48x128xf32, #tpu.memory_space<vmem>>[vector<16xi32>, vector<16xi32>], vector<16xf32>,
        %add3A_198 = arith.constant 2 : i32
        %add3A_199 = vector.broadcast %add3A_198 : i32 to vector<16xi32>
        %add3A_200 = arith.addi %mul3A_191, %add3A_199 : vector<16xi32>
        tpu.vector_store_idx %arg14[%add3A_183, %add3A_200], %broadcast_in_dim3A_1 : memref<48x128xf32, #tpu.memory_space<vmem>>[vector<16xi32>, vector<16xi32>], vector<16xf32>,
        %add3A_201 = arith.constant 3 : i32
        %add3A_202 = vector.broadcast %add3A_201 : i32 to vector<16xi32>
        %add3A_203 = arith.addi %mul3A_191, %add3A_202 : vector<16xi32>
        tpu.vector_store_idx %arg14[%add3A_183, %add3A_203], %broadcast_in_dim3A_1 : memref<48x128xf32, #tpu.memory_space<vmem>>[vector<16xi32>, vector<16xi32>], vector<16xf32>,
        %scan3A_204 = arith.constant 0 : i32
        scf.yield %scan3A_204 : i32
      }
      %scan3A_176 = arith.constant 3 : i32
      %scan3A_177 = arith.constant 0 : i32
      scf.yield %scan3A_177 : i32
    }
    %scan3A_82 = arith.constant 105 : i32
    %barrier3A_83 = arith.constant 0 : index
    tpu.barrier barrier_id(%barrier3A_83)
    %mul3A_84 = arith.constant 10000 : i32
    %mul3A_85 = arith.muli %arg0, %mul3A_84 : i32
    %add3A_86 = arith.addi %mul3A_85, %mul3A_11 : i32
    "tpu.region"() ({
      %run_scoped3A = tpu.sem_alloc : memref<!tpu.dma_semaphore, #tpu.memory_space<semaphore_mem>>
      %dma_start3A = arith.constant 0 : i32
      %dma_start3A_95 = tpu.memref_slice %arg8[%add3A_86, %dma_start3A] : memref<20000x128xf32, #tpu.memory_space<hbm>> -> memref<624x128xf32, #tpu.memory_space<hbm>>
      %dma_start3A_96 = arith.constant 0 : i32
      %dma_start3A_97 = tpu.memref_slice %arg10[%mul3A_11, %dma_start3A_96] : memref<10000x128xf32, #tpu.memory_space<vmem_shared>> -> memref<624x128xf32, #tpu.memory_space<vmem_shared>>
      tpu.enqueue_dma source(%dma_start3A_97 : memref<624x128xf32, #tpu.memory_space<vmem_shared>>) target(%dma_start3A_95 : memref<624x128xf32, #tpu.memory_space<hbm>>) target_semaphore(%run_scoped3A : memref<!tpu.dma_semaphore, #tpu.memory_space<semaphore_mem>>)
      %dma_wait3A = arith.constant 0 : i32
      %dma_wait3A_98 = tpu.memref_slice %arg8[%add3A_86, %dma_wait3A] : memref<20000x128xf32, #tpu.memory_space<hbm>> -> memref<624x128xf32, #tpu.memory_space<hbm>>
      %dma_wait3A_99 = arith.constant 0 : i32
      %dma_wait3A_100 = tpu.memref_slice %arg10[%mul3A_11, %dma_wait3A_99] : memref<10000x128xf32, #tpu.memory_space<vmem_shared>> -> memref<624x128xf32, #tpu.memory_space<vmem_shared>>
      tpu.wait_dma2 semaphore(%run_scoped3A : memref<!tpu.dma_semaphore, #tpu.memory_space<semaphore_mem>>) src(%dma_wait3A_100 : memref<624x128xf32, #tpu.memory_space<vmem_shared>>) dst(%dma_wait3A_98 : memref<624x128xf32, #tpu.memory_space<hbm>>)
      tpu.yield
    }) : () -> ()
    %eq3A_87 = arith.constant 0 : i32
    %eq3A_88 = arith.cmpi eq, %arg1, %eq3A_87 : i32
    %convert_element_type3A_89 = arith.extui %eq3A_88 : i1 to i32
    %cond3A_90 = arith.constant 0 : i32
    %cond3A_91 = arith.cmpi ne, %convert_element_type3A_89, %cond3A_90 : i32
    scf.if %cond3A_91 {
      %mul3A_95 = arith.constant 10000 : i32
      %mul3A_96 = arith.muli %arg0, %mul3A_95 : i32
      %add3A_97 = arith.constant 9984 : i32
      %add3A_98 = arith.addi %mul3A_96, %add3A_97 : i32
      "tpu.region"() ({
        %run_scoped3A = tpu.sem_alloc : memref<!tpu.dma_semaphore, #tpu.memory_space<semaphore_mem>>
        %dma_start3A = arith.constant 0 : i32
        %dma_start3A_99 = tpu.memref_slice %arg8[%add3A_98, %dma_start3A] : memref<20000x128xf32, #tpu.memory_space<hbm>> -> memref<16x128xf32, #tpu.memory_space<hbm>>
        %dma_start3A_100 = arith.constant 9984 : i32
        %dma_start3A_101 = arith.constant 0 : i32
        %dma_start3A_102 = tpu.memref_slice %arg10[%dma_start3A_100, %dma_start3A_101] : memref<10000x128xf32, #tpu.memory_space<vmem_shared>> -> memref<16x128xf32, #tpu.memory_space<vmem_shared>>
        tpu.enqueue_dma source(%dma_start3A_102 : memref<16x128xf32, #tpu.memory_space<vmem_shared>>) target(%dma_start3A_99 : memref<16x128xf32, #tpu.memory_space<hbm>>) target_semaphore(%run_scoped3A : memref<!tpu.dma_semaphore, #tpu.memory_space<semaphore_mem>>)
        %dma_wait3A = arith.constant 0 : i32
        %dma_wait3A_103 = tpu.memref_slice %arg8[%add3A_98, %dma_wait3A] : memref<20000x128xf32, #tpu.memory_space<hbm>> -> memref<16x128xf32, #tpu.memory_space<hbm>>
        %dma_wait3A_104 = arith.constant 9984 : i32
        %dma_wait3A_105 = arith.constant 0 : i32
        %dma_wait3A_106 = tpu.memref_slice %arg10[%dma_wait3A_104, %dma_wait3A_105] : memref<10000x128xf32, #tpu.memory_space<vmem_shared>> -> memref<16x128xf32, #tpu.memory_space<vmem_shared>>
        tpu.wait_dma2 semaphore(%run_scoped3A : memref<!tpu.dma_semaphore, #tpu.memory_space<semaphore_mem>>) src(%dma_wait3A_106 : memref<16x128xf32, #tpu.memory_space<vmem_shared>>) dst(%dma_wait3A_103 : memref<16x128xf32, #tpu.memory_space<hbm>>)
        tpu.yield
      }) : () -> ()
    } else {
    }
    %mul3A_92 = arith.constant 1280 : i32
    %mul3A_93 = arith.muli %arg0, %mul3A_92 : i32
    %add3A_94 = arith.addi %mul3A_93, %mul3A_41 : i32
    "tpu.region"() ({
      %run_scoped3A = tpu.sem_alloc : memref<!tpu.dma_semaphore, #tpu.memory_space<semaphore_mem>>
      %dma_start3A = arith.constant 0 : i32
      %dma_start3A_95 = tpu.memref_slice %arg9[%add3A_94, %dma_start3A] : memref<2560x128xf32, #tpu.memory_space<hbm>> -> memref<80x128xf32, #tpu.memory_space<hbm>>
      %dma_start3A_96 = arith.constant 0 : i32
      %dma_start3A_97 = tpu.memref_slice %arg11[%mul3A_41, %dma_start3A_96] : memref<1280x128xf32, #tpu.memory_space<vmem_shared>> -> memref<80x128xf32, #tpu.memory_space<vmem_shared>>
      tpu.enqueue_dma source(%dma_start3A_97 : memref<80x128xf32, #tpu.memory_space<vmem_shared>>) target(%dma_start3A_95 : memref<80x128xf32, #tpu.memory_space<hbm>>) target_semaphore(%run_scoped3A : memref<!tpu.dma_semaphore, #tpu.memory_space<semaphore_mem>>)
      %dma_wait3A = arith.constant 0 : i32
      %dma_wait3A_98 = tpu.memref_slice %arg9[%add3A_94, %dma_wait3A] : memref<2560x128xf32, #tpu.memory_space<hbm>> -> memref<80x128xf32, #tpu.memory_space<hbm>>
      %dma_wait3A_99 = arith.constant 0 : i32
      %dma_wait3A_100 = tpu.memref_slice %arg11[%mul3A_41, %dma_wait3A_99] : memref<1280x128xf32, #tpu.memory_space<vmem_shared>> -> memref<80x128xf32, #tpu.memory_space<vmem_shared>>
      tpu.wait_dma2 semaphore(%run_scoped3A : memref<!tpu.dma_semaphore, #tpu.memory_space<semaphore_mem>>) src(%dma_wait3A_100 : memref<80x128xf32, #tpu.memory_space<vmem_shared>>) dst(%dma_wait3A_98 : memref<80x128xf32, #tpu.memory_space<hbm>>)
      tpu.yield
    }) : () -> ()
    return
  }
}

module attributes {stable_mosaic.version = 14 : i64} {
  func.func @_tc_kqv_kw_body(%arg0: i32, %arg1: memref<1000x1xi32, #tpu.memory_space<vmem>>, %arg2: memref<1000x128xf32, #tpu.memory_space<vmem>>, %arg3: memref<128x512xf32, #tpu.memory_space<vmem>>, %arg4: memref<128x1024xf32, #tpu.memory_space<vmem>>, %arg5: memref<1000x128xf32, #tpu.memory_space<vmem>>, %arg6: memref<1000x1024xf32, #tpu.memory_space<vmem>>) attributes {dimension_semantics = [#tpu.dimension_semantics<arbitrary>], iteration_bounds = array<i64: 10>, scalar_prefetch = 0 : i64, scratch_operands = 0 : i64, tpu.core_type = #tpu.core_type<tc>, window_params = [{transform_indices = @transform_0, window_bounds = array<i64: 1000, 1>}, {transform_indices = @transform_1, window_bounds = array<i64: 1000, 128>}, {pipeline_mode = #tpu.pipeline_mode<synchronous>, transform_indices = @transform_2, window_bounds = array<i64: 128, 512>}, {pipeline_mode = #tpu.pipeline_mode<synchronous>, transform_indices = @transform_3, window_bounds = array<i64: 128, 1024>}, {transform_indices = @transform_4, window_bounds = array<i64: 1000, 128>}, {transform_indices = @transform_5, window_bounds = array<i64: 1000, 1024>}]} {
    %get3A = arith.constant 0 : index
    %get3A_0 = arith.constant 0 : index
    %get3A_1 = vector.load %arg2[%get3A, %get3A_0] : memref<1000x128xf32, #tpu.memory_space<vmem>>, vector<1000x128xf32>
    %get3A_2 = arith.constant 0 : index
    %get3A_3 = arith.constant 0 : index
    %get3A_4 = vector.load %arg3[%get3A_2, %get3A_3] : memref<128x512xf32, #tpu.memory_space<vmem>>, vector<128x512xf32>
    %dot_general3A = arith.constant dense<0.000000e+00> : vector<1000x512xf32>
    %dot_general3A_5 = tpu.matmul %get3A_1, %get3A_4, %dot_general3A {dimension_numbers = #tpu.dot_dimension_numbers<[1], [0], [0], [1], [0, 0, 1, 1], [], []>, transpose_lhs_hint = false} : vector<1000x128xf32>, vector<128x512xf32>, vector<1000x512xf32> -> vector<1000x512xf32>
    %get3A_6 = arith.constant 0 : index
    %get3A_7 = arith.constant 0 : index
    %get3A_8 = vector.load %arg1[%get3A_6, %get3A_7] : memref<1000x1xi32, #tpu.memory_space<vmem>>, vector<1000x1xi32>
    %slice3A = vector.extract_strided_slice %dot_general3A_5 {offsets = [0, 0], sizes = [1000, 128], strides = [1, 1]} : vector<1000x512xf32> to vector<1000x128xf32>
    %eq3A = arith.constant 1 : i32
    %eq3A_9 = vector.broadcast %eq3A : i32 to vector<1000x1xi32>
    %eq3A_10 = arith.cmpi eq, %get3A_8, %eq3A_9 : vector<1000x1xi32>
    %slice3A_11 = vector.extract_strided_slice %dot_general3A_5 {offsets = [0, 128], sizes = [1000, 128], strides = [1, 1]} : vector<1000x512xf32> to vector<1000x128xf32>
    %broadcast_in_dim3A = vector.shape_cast %eq3A_10 : vector<1000x1xi1> to vector<1000x1xi1>
    %broadcast_in_dim3A_12 = vector.broadcast %broadcast_in_dim3A : vector<1000x1xi1> to vector<1000x128xi1>
    %select_n3A = arith.select %broadcast_in_dim3A_12, %slice3A_11, %slice3A : vector<1000x128xi1>, vector<1000x128xf32>
    %eq3A_13 = arith.constant 2 : i32
    %eq3A_14 = vector.broadcast %eq3A_13 : i32 to vector<1000x1xi32>
    %eq3A_15 = arith.cmpi eq, %get3A_8, %eq3A_14 : vector<1000x1xi32>
    %slice3A_16 = vector.extract_strided_slice %dot_general3A_5 {offsets = [0, 256], sizes = [1000, 128], strides = [1, 1]} : vector<1000x512xf32> to vector<1000x128xf32>
    %broadcast_in_dim3A_17 = vector.shape_cast %eq3A_15 : vector<1000x1xi1> to vector<1000x1xi1>
    %broadcast_in_dim3A_18 = vector.broadcast %broadcast_in_dim3A_17 : vector<1000x1xi1> to vector<1000x128xi1>
    %select_n3A_19 = arith.select %broadcast_in_dim3A_18, %slice3A_16, %select_n3A : vector<1000x128xi1>, vector<1000x128xf32>
    %eq3A_20 = arith.constant 3 : i32
    %eq3A_21 = vector.broadcast %eq3A_20 : i32 to vector<1000x1xi32>
    %eq3A_22 = arith.cmpi eq, %get3A_8, %eq3A_21 : vector<1000x1xi32>
    %slice3A_23 = vector.extract_strided_slice %dot_general3A_5 {offsets = [0, 384], sizes = [1000, 128], strides = [1, 1]} : vector<1000x512xf32> to vector<1000x128xf32>
    %broadcast_in_dim3A_24 = vector.shape_cast %eq3A_22 : vector<1000x1xi1> to vector<1000x1xi1>
    %broadcast_in_dim3A_25 = vector.broadcast %broadcast_in_dim3A_24 : vector<1000x1xi1> to vector<1000x128xi1>
    %select_n3A_26 = arith.select %broadcast_in_dim3A_25, %slice3A_23, %select_n3A_19 : vector<1000x128xi1>, vector<1000x128xf32>
    %swap3A = arith.constant 0 : index
    %swap3A_27 = arith.constant 0 : index
    %swap3A_28 = vector.load %arg5[%swap3A, %swap3A_27] : memref<1000x128xf32, #tpu.memory_space<vmem>>, vector<1000x128xf32>
    tpu.vector_store %arg5[%swap3A, %swap3A_27], %select_n3A_26 {strides = array<i32>} : memref<1000x128xf32, #tpu.memory_space<vmem>>, vector<1000x128xf32>,
    %get3A_29 = arith.constant 0 : index
    %get3A_30 = arith.constant 0 : index
    %get3A_31 = vector.load %arg4[%get3A_29, %get3A_30] : memref<128x1024xf32, #tpu.memory_space<vmem>>, vector<128x1024xf32>
    %dot_general3A_32 = arith.constant dense<0.000000e+00> : vector<1000x1024xf32>
    %dot_general3A_33 = tpu.matmul %select_n3A_26, %get3A_31, %dot_general3A_32 {dimension_numbers = #tpu.dot_dimension_numbers<[1], [0], [0], [1], [0, 0, 1, 1], [], []>, transpose_lhs_hint = false} : vector<1000x128xf32>, vector<128x1024xf32>, vector<1000x1024xf32> -> vector<1000x1024xf32>
    %swap3A_34 = arith.constant 0 : index
    %swap3A_35 = arith.constant 0 : index
    %swap3A_36 = vector.load %arg6[%swap3A_34, %swap3A_35] : memref<1000x1024xf32, #tpu.memory_space<vmem>>, vector<1000x1024xf32>
    tpu.vector_store %arg6[%swap3A_34, %swap3A_35], %dot_general3A_33 {strides = array<i32>} : memref<1000x1024xf32, #tpu.memory_space<vmem>>, vector<1000x1024xf32>,
    return
  }
  func.func @transform_0(%arg0: i32) -> (i32, i32) {
    %c0_i32 = arith.constant 0 : i32
    %c0_i32_0 = arith.constant 0 : i32
    return %arg0, %c0_i32 : i32, i32
  }
  func.func @transform_1(%arg0: i32) -> (i32, i32) {
    %c0_i32 = arith.constant 0 : i32
    %c0_i32_0 = arith.constant 0 : i32
    return %arg0, %c0_i32 : i32, i32
  }
  func.func @transform_2(%arg0: i32) -> (i32, i32) {
    %c0_i32 = arith.constant 0 : i32
    %c0_i32_0 = arith.constant 0 : i32
    %c0_i32_1 = arith.constant 0 : i32
    return %c0_i32, %c0_i32_0 : i32, i32
  }
  func.func @transform_3(%arg0: i32) -> (i32, i32) {
    %c0_i32 = arith.constant 0 : i32
    %c0_i32_0 = arith.constant 0 : i32
    %c0_i32_1 = arith.constant 0 : i32
    return %c0_i32, %c0_i32_0 : i32, i32
  }
  func.func @transform_4(%arg0: i32) -> (i32, i32) {
    %c0_i32 = arith.constant 0 : i32
    %c0_i32_0 = arith.constant 0 : i32
    return %arg0, %c0_i32 : i32, i32
  }
  func.func @transform_5(%arg0: i32) -> (i32, i32) {
    %c0_i32 = arith.constant 0 : i32
    %c0_i32_0 = arith.constant 0 : i32
    return %arg0, %c0_i32 : i32, i32
  }
}

module attributes {stable_mosaic.version = 14 : i64} {
  func.func @_tc_out_body(%arg0: i32, %arg1: memref<1000x1xi32, #tpu.memory_space<vmem>>, %arg2: memref<1000x128xf32, #tpu.memory_space<vmem>>, %arg3: memref<1000x128xf32, #tpu.memory_space<vmem>>, %arg4: memref<2x1000x4xf32, #tpu.memory_space<vmem>>, %arg5: memref<128x512xf32, #tpu.memory_space<vmem>>, %arg6: memref<1000x128xf32, #tpu.memory_space<vmem>>) attributes {dimension_semantics = [#tpu.dimension_semantics<arbitrary>], iteration_bounds = array<i64: 10>, scalar_prefetch = 0 : i64, scratch_operands = 0 : i64, tpu.core_type = #tpu.core_type<tc>, window_params = [{transform_indices = @transform_0, window_bounds = array<i64: 1000, 1>}, {transform_indices = @transform_1, window_bounds = array<i64: 1000, 128>}, {transform_indices = @transform_2, window_bounds = array<i64: 1000, 128>}, {transform_indices = @transform_3, window_bounds = array<i64: 2, 1000, 4>}, {pipeline_mode = #tpu.pipeline_mode<synchronous>, transform_indices = @transform_4, window_bounds = array<i64: 128, 512>}, {transform_indices = @transform_5, window_bounds = array<i64: 1000, 128>}]} {
    %get3A = arith.constant 0 : index
    %get3A_0 = arith.constant 0 : index
    %get3A_1 = vector.load %arg2[%get3A, %get3A_0] : memref<1000x128xf32, #tpu.memory_space<vmem>>, vector<1000x128xf32>
    %get3A_2 = arith.constant 0 : index
    %get3A_3 = arith.constant 0 : index
    %get3A_4 = vector.load %arg3[%get3A_2, %get3A_3] : memref<1000x128xf32, #tpu.memory_space<vmem>>, vector<1000x128xf32>
    %add3A = arith.addf %get3A_1, %get3A_4 : vector<1000x128xf32>
    %get3A_5 = arith.constant 0 : index
    %get3A_6 = arith.constant 0 : index
    %get3A_7 = arith.constant 0 : index
    %get3A_8 = vector.load %arg4[%get3A_5, %get3A_6, %get3A_7] : memref<2x1000x4xf32, #tpu.memory_space<vmem>>, vector<2x1000x4xf32>
    %slice3A = vector.extract_strided_slice %get3A_8 {offsets = [0, 0, 0], sizes = [1, 1000, 4], strides = [1, 1, 1]} : vector<2x1000x4xf32> to vector<1x1000x4xf32>
    %squeeze3A = vector.shape_cast %slice3A : vector<1x1000x4xf32> to vector<1000x4xf32>
    %slice3A_9 = vector.extract_strided_slice %get3A_8 {offsets = [1, 0, 0], sizes = [1, 1000, 4], strides = [1, 1, 1]} : vector<2x1000x4xf32> to vector<1x1000x4xf32>
    %squeeze3A_10 = vector.shape_cast %slice3A_9 : vector<1x1000x4xf32> to vector<1000x4xf32>
    %add3A_11 = arith.addf %squeeze3A, %squeeze3A_10 : vector<1000x4xf32>
    %ne3A = arith.constant 0.000000e+00 : f32
    %ne3A_12 = vector.broadcast %ne3A : f32 to vector<1000x4xf32>
    %ne3A_13 = arith.cmpf one, %add3A_11, %ne3A_12 : vector<1000x4xf32>
    %div3A = arith.constant 1.000000e+00 : f32
    %div3A_14 = vector.broadcast %div3A : f32 to vector<1000x4xf32>
    %div3A_15 = arith.divf %div3A_14, %add3A_11 : vector<1000x4xf32>
    %jit3A = arith.constant 0.000000e+00 : f32
    %broadcast_in_dim3A = vector.broadcast %jit3A : f32 to vector<1000x4xf32>
    %select_n3A = arith.select %ne3A_13, %div3A_15, %broadcast_in_dim3A : vector<1000x4xi1>, vector<1000x4xf32>
    %slice3A_16 = vector.extract_strided_slice %add3A {offsets = [0, 0], sizes = [1000, 32], strides = [1, 1]} : vector<1000x128xf32> to vector<1000x32xf32>
    %slice3A_17 = vector.extract_strided_slice %select_n3A {offsets = [0, 0], sizes = [1000, 1], strides = [1, 1]} : vector<1000x4xf32> to vector<1000x1xf32>
    %mul3A = vector.broadcast %slice3A_17 : vector<1000x1xf32> to vector<1000x32xf32>
    %mul3A_18 = arith.mulf %slice3A_16, %mul3A : vector<1000x32xf32>
    %slice3A_19 = vector.extract_strided_slice %add3A {offsets = [0, 32], sizes = [1000, 32], strides = [1, 1]} : vector<1000x128xf32> to vector<1000x32xf32>
    %slice3A_20 = vector.extract_strided_slice %select_n3A {offsets = [0, 1], sizes = [1000, 1], strides = [1, 1]} : vector<1000x4xf32> to vector<1000x1xf32>
    %mul3A_21 = vector.broadcast %slice3A_20 : vector<1000x1xf32> to vector<1000x32xf32>
    %mul3A_22 = arith.mulf %slice3A_19, %mul3A_21 : vector<1000x32xf32>
    %slice3A_23 = vector.extract_strided_slice %add3A {offsets = [0, 64], sizes = [1000, 32], strides = [1, 1]} : vector<1000x128xf32> to vector<1000x32xf32>
    %slice3A_24 = vector.extract_strided_slice %select_n3A {offsets = [0, 2], sizes = [1000, 1], strides = [1, 1]} : vector<1000x4xf32> to vector<1000x1xf32>
    %mul3A_25 = vector.broadcast %slice3A_24 : vector<1000x1xf32> to vector<1000x32xf32>
    %mul3A_26 = arith.mulf %slice3A_23, %mul3A_25 : vector<1000x32xf32>
    %slice3A_27 = vector.extract_strided_slice %add3A {offsets = [0, 96], sizes = [1000, 32], strides = [1, 1]} : vector<1000x128xf32> to vector<1000x32xf32>
    %slice3A_28 = vector.extract_strided_slice %select_n3A {offsets = [0, 3], sizes = [1000, 1], strides = [1, 1]} : vector<1000x4xf32> to vector<1000x1xf32>
    %mul3A_29 = vector.broadcast %slice3A_28 : vector<1000x1xf32> to vector<1000x32xf32>
    %mul3A_30 = arith.mulf %slice3A_27, %mul3A_29 : vector<1000x32xf32>
    %concatenate3A = tpu.concatenate %mul3A_18, %mul3A_22, %mul3A_26, %mul3A_30 in 1 : vector<1000x32xf32>, vector<1000x32xf32>, vector<1000x32xf32>, vector<1000x32xf32> -> vector<1000x128xf32>
    %get3A_31 = arith.constant 0 : index
    %get3A_32 = arith.constant 0 : index
    %get3A_33 = vector.load %arg5[%get3A_31, %get3A_32] : memref<128x512xf32, #tpu.memory_space<vmem>>, vector<128x512xf32>
    %dot_general3A = arith.constant dense<0.000000e+00> : vector<1000x512xf32>
    %dot_general3A_34 = tpu.matmul %concatenate3A, %get3A_33, %dot_general3A {dimension_numbers = #tpu.dot_dimension_numbers<[1], [0], [0], [1], [0, 0, 1, 1], [], []>, transpose_lhs_hint = false} : vector<1000x128xf32>, vector<128x512xf32>, vector<1000x512xf32> -> vector<1000x512xf32>
    %get3A_35 = arith.constant 0 : index
    %get3A_36 = arith.constant 0 : index
    %get3A_37 = vector.load %arg1[%get3A_35, %get3A_36] : memref<1000x1xi32, #tpu.memory_space<vmem>>, vector<1000x1xi32>
    %slice3A_38 = vector.extract_strided_slice %dot_general3A_34 {offsets = [0, 0], sizes = [1000, 128], strides = [1, 1]} : vector<1000x512xf32> to vector<1000x128xf32>
    %eq3A = arith.constant 1 : i32
    %eq3A_39 = vector.broadcast %eq3A : i32 to vector<1000x1xi32>
    %eq3A_40 = arith.cmpi eq, %get3A_37, %eq3A_39 : vector<1000x1xi32>
    %slice3A_41 = vector.extract_strided_slice %dot_general3A_34 {offsets = [0, 128], sizes = [1000, 128], strides = [1, 1]} : vector<1000x512xf32> to vector<1000x128xf32>
    %broadcast_in_dim3A_42 = vector.shape_cast %eq3A_40 : vector<1000x1xi1> to vector<1000x1xi1>
    %broadcast_in_dim3A_43 = vector.broadcast %broadcast_in_dim3A_42 : vector<1000x1xi1> to vector<1000x128xi1>
    %select_n3A_44 = arith.select %broadcast_in_dim3A_43, %slice3A_41, %slice3A_38 : vector<1000x128xi1>, vector<1000x128xf32>
    %eq3A_45 = arith.constant 2 : i32
    %eq3A_46 = vector.broadcast %eq3A_45 : i32 to vector<1000x1xi32>
    %eq3A_47 = arith.cmpi eq, %get3A_37, %eq3A_46 : vector<1000x1xi32>
    %slice3A_48 = vector.extract_strided_slice %dot_general3A_34 {offsets = [0, 256], sizes = [1000, 128], strides = [1, 1]} : vector<1000x512xf32> to vector<1000x128xf32>
    %broadcast_in_dim3A_49 = vector.shape_cast %eq3A_47 : vector<1000x1xi1> to vector<1000x1xi1>
    %broadcast_in_dim3A_50 = vector.broadcast %broadcast_in_dim3A_49 : vector<1000x1xi1> to vector<1000x128xi1>
    %select_n3A_51 = arith.select %broadcast_in_dim3A_50, %slice3A_48, %select_n3A_44 : vector<1000x128xi1>, vector<1000x128xf32>
    %eq3A_52 = arith.constant 3 : i32
    %eq3A_53 = vector.broadcast %eq3A_52 : i32 to vector<1000x1xi32>
    %eq3A_54 = arith.cmpi eq, %get3A_37, %eq3A_53 : vector<1000x1xi32>
    %slice3A_55 = vector.extract_strided_slice %dot_general3A_34 {offsets = [0, 384], sizes = [1000, 128], strides = [1, 1]} : vector<1000x512xf32> to vector<1000x128xf32>
    %broadcast_in_dim3A_56 = vector.shape_cast %eq3A_54 : vector<1000x1xi1> to vector<1000x1xi1>
    %broadcast_in_dim3A_57 = vector.broadcast %broadcast_in_dim3A_56 : vector<1000x1xi1> to vector<1000x128xi1>
    %select_n3A_58 = arith.select %broadcast_in_dim3A_57, %slice3A_55, %select_n3A_51 : vector<1000x128xi1>, vector<1000x128xf32>
    %max3A = arith.constant 0.000000e+00 : f32
    %max3A_59 = vector.broadcast %max3A : f32 to vector<1000x128xf32>
    %max3A_60 = arith.maximumf %select_n3A_58, %max3A_59 : vector<1000x128xf32>
    %swap3A = arith.constant 0 : index
    %swap3A_61 = arith.constant 0 : index
    %swap3A_62 = vector.load %arg6[%swap3A, %swap3A_61] : memref<1000x128xf32, #tpu.memory_space<vmem>>, vector<1000x128xf32>
    tpu.vector_store %arg6[%swap3A, %swap3A_61], %max3A_60 {strides = array<i32>} : memref<1000x128xf32, #tpu.memory_space<vmem>>, vector<1000x128xf32>,
    return
  }
  func.func @transform_0(%arg0: i32) -> (i32, i32) {
    %c0_i32 = arith.constant 0 : i32
    %c0_i32_0 = arith.constant 0 : i32
    return %arg0, %c0_i32 : i32, i32
  }
  func.func @transform_1(%arg0: i32) -> (i32, i32) {
    %c0_i32 = arith.constant 0 : i32
    %c0_i32_0 = arith.constant 0 : i32
    return %arg0, %c0_i32 : i32, i32
  }
  func.func @transform_2(%arg0: i32) -> (i32, i32) {
    %add3A = arith.constant 10 : i32
    %add3A_0 = arith.addi %arg0, %add3A : i32
    %c0_i32 = arith.constant 0 : i32
    %c0_i32_1 = arith.constant 0 : i32
    return %add3A_0, %c0_i32 : i32, i32
  }
  func.func @transform_3(%arg0: i32) -> (i32, i32, i32) {
    %c0_i32 = arith.constant 0 : i32
    %c0_i32_0 = arith.constant 0 : i32
    %c0_i32_1 = arith.constant 0 : i32
    return %c0_i32, %arg0, %c0_i32_0 : i32, i32, i32
  }
  func.func @transform_4(%arg0: i32) -> (i32, i32) {
    %c0_i32 = arith.constant 0 : i32
    %c0_i32_0 = arith.constant 0 : i32
    %c0_i32_1 = arith.constant 0 : i32
    return %c0_i32, %c0_i32_0 : i32, i32
  }
  func.func @transform_5(%arg0: i32) -> (i32, i32) {
    %c0_i32 = arith.constant 0 : i32
    %c0_i32_0 = arith.constant 0 : i32
    return %arg0, %c0_i32 : i32, i32
  }
}

</mosaic_0001>

<sc_bundles>
// kernel: kernel.5.cloned.1.call-start
scs
__scs_entry_jumppad:
0x0: {  	(pc) =	sbr.rel $0x88, $3  }
0x1: {  	(tag) =	ssettag $0x0;
	lr =	simm.s32 $0x1  }
0x2: {  	[smem:$0x3F99] =	sst lr;
	_ =	strace $0xD0000000  }
0x3: {  	_ = 	snop  }
0x4: {  	_ = 	snop  }
0x5: {  	_ = 	snop  }
0x6: {  	_ = 	snop  }
0x7: {  	_ = 	snop  }
__scs_overlays_trampoline_lowered:
0x8: {  	[smem:$0x3FA8] =	sst s0  }
0x9: {  	[smem:$0x3FA9] =	sst s1  }
0xa: {  	[smem:$0x3FAA] =	sst s2  }
0xb: {  	[smem:$0x3FAB] =	sst s3  }
0xc: {  	[smem:$0x3FAC] =	sst s4  }
0xd: {  	[smem:$0x3FAD] =	sst s5  }
0xe: {  	[smem:$0x3FAE] =	sst s6  }
0xf: {  	[smem:$0x3FAF] =	sst s7  }
0x10: {  	[smem:$0x3FB0] =	sst s8  }
0x11: {  	[smem:$0x3FB1] =	sst s9;
	s0 =	simm.s32 @!p0 $0x0  }
0x12: {  	s1 =	sld [smem:$0x3F97];
	s0 =	simm.s32 @p0 $0x1  }
0x13: {  	[smem:$0x3FB2] =	sst s0;
	s0 =	simm.s32 @!p1 $0x0  }
0x14: {  	s2 =	sld [smem:$0x3F96];
	s0 =	simm.s32 @p1 $0x1  }
0x15: {  	[smem:$0x3FB3] =	sst s0;
	s0 =	simm.s32 @!p2 $0x0  }
0x16: {  	s3 =	sld [smem:$0x3FDB];
	s0 =	simm.s32 @p2 $0x1  }
0x17: {  	s4 =	simm.s32 $0x1BF5;
	[smem:$0x3FB5] =	sst s0  }
0x18: {  	s0 =	sld [smem:$0x3F98];
	_ =	swait.ge [sflag:s4], $0x0  }
0x19: {  	s7 =	sld [smem:$0x3F99]  }
0x1a: {  	s8 =	sadd.s32 $0xFFFFE003, lr  }
0x1b: {  	s9 =	sadd.s32 $0xFFFFFEF7, lr;
	s5 =	simm.s32 $0xFFFFFFFF;
	p2 =	slt.u32 s8, $0xFFFFF086  }
0x1c: {  	p1 =	slt.u32 s9, $0xF7A;
	s5 =	simm.s32 @!p2 $0x0  }
0x1d: {  	s5 =	simm.s32 @p1 $0x1;
	p0 =	seq.s32 s7, s2  }
0x1e: {  	s7 =	smul.u32 @!p0 $0xF7A, s2;
	p2 =	seq.s32 @!p0 s5, $0x0  }
0x1f: {  	s9 =	smul.u32 $0xF7A, s1;
	s8 =	simm.s32 @!p0 $0x1BF5;
	p2 =	por !p2, p0  }
0x20: {  	[sflag:s8] =	ssyncset.s32 @!p0 $0xFFFFF086;
	s6 =	sadd.s32 @!p0 s3, s7;
	s7 =	simm.s32 @!p0 $0x108  }
0x21: {  	s3 =	sadd.s32 s3, s9;
	s6 =	sadd.s32 @!p0 $0x88, s6;
	s7 =	simm.s32 @p2 $0x1082  }
0x22: {  	[simem:s7], [sflag:s8] =	dma.local @!p0 [hbm:s6], $0xF7A  }
0x23: {  	s9 =	sor.u32 $0xD0000000, s2;
	s6 =	simm.s32 $0x108;
	_ =	swait.ge @!p0 [sflag:s8], $0x0  }
0x24: {  	s3 =	sadd.s32 $0x88, s3;
	s6 =	simm.s32 @!p1 $0x1082;
	[sflag:s4] =	ssyncset.s32 $0xFFFFF086  }
0x25: {  	[simem:s6], [sflag:s4] =	dma.local [hbm:s3], $0xF7A  }
0x26: {  	[smem:$0x3F99] =	sst s1;
	(tag) =	ssettag s2;
	_ =	strace s9  }
0x27: {  	s1 =	sld [smem:$0x3FA9]  }
0x28: {  	s2 =	sld [smem:$0x3FAA]  }
0x29: {  	s4 =	sld [smem:$0x3FAC]  }
0x2a: {  	p0 =	seq.s32 s5, $0x0;
	s5 =	sld [smem:$0x3FAD]  }
0x2b: {  	s6 =	sld [smem:$0x3FAE]  }
0x2c: {  	s7 =	sld [smem:$0x3FAF]  }
0x2d: {  	s3 =	simm.s32 $0x108;
	s8 =	sld [smem:$0x3FB0]  }
0x2e: {  	s3 =	simm.s32 @!p0 $0x1082;
	s9 =	sld [smem:$0x3FB1]  }
0x2f: {  	lr =	sadd.s32 s0, s3;
	s0 =	sld [smem:$0x3FA8]  }
0x30: {  	s3 =	sld [smem:$0x3FAB]  }
0x31: {  	[smem:$0x3FB4] =	sst s10  }
0x32: {  	s10 =	sld [smem:$0x3FB2];
	_ =	sdelay $0x3  }
0x33: {  	p0 =	seq.s32 s10, $0x1;
	s10 =	sld [smem:$0x3FB4];
	_ =	sdelay $0x3  }
0x34: {  	[smem:$0x3FB4] =	sst s10  }
0x35: {  	s10 =	sld [smem:$0x3FB3];
	_ =	sdelay $0x3  }
0x36: {  	p1 =	seq.s32 s10, $0x1;
	s10 =	sld [smem:$0x3FB4];
	_ =	sdelay $0x3  }
0x37: {  	[smem:$0x3FB4] =	sst s10  }
0x38: {  	s10 =	sld [smem:$0x3FB5]  }
0x39: {  	_ = 	snop;
	(pc) =	sbr.ind lr, $3  }
0x3a: {  	_ = 	snop  }
0x3b: {  	_ = 	snop  }
0x3c: {  	p2 =	seq.s32 s10, $0x1;
	s10 =	sld [smem:$0x3FB4]  }
0x3d: {  	_ =	shalt  }
0x3e: {  	_ =	shalt  }
0x3f: {  	_ =	shalt  }
0x40: {  	_ =	shalt  }
0x41: {  	_ =	shalt  }
0x42: {  	_ =	shalt  }
0x43: {  	_ =	shalt  }
0x44: {  	_ =	shalt  }
0x45: {  	_ =	shalt  }
0x46: {  	_ =	shalt  }
0x47: {  	_ =	shalt  }
0x48: {  	_ =	shalt  }
0x49: {  	_ =	shalt  }
0x4a: {  	_ =	shalt  }
0x4b: {  	_ =	shalt  }
0x4c: {  	_ =	shalt  }
0x4d: {  	_ =	shalt  }
0x4e: {  	_ =	shalt  }
0x4f: {  	_ =	shalt  }
0x50: {  	_ =	shalt  }
0x51: {  	_ =	shalt  }
0x52: {  	_ =	shalt  }
0x53: {  	_ =	shalt  }
0x54: {  	_ =	shalt  }
0x55: {  	_ =	shalt  }
0x56: {  	_ =	shalt  }
0x57: {  	_ =	shalt  }
0x58: {  	_ =	shalt  }
0x59: {  	_ =	shalt  }
0x5a: {  	_ =	shalt  }
0x5b: {  	_ =	shalt  }
0x5c: {  	_ =	shalt  }
0x5d: {  	_ =	shalt  }
0x5e: {  	_ =	shalt  }
0x5f: {  	_ =	shalt  }
0x60: {  	_ =	shalt  }
0x61: {  	_ =	shalt  }
0x62: {  	_ =	shalt  }
0x63: {  	_ =	shalt  }
0x64: {  	_ =	shalt  }
0x65: {  	_ =	shalt  }
0x66: {  	_ =	shalt  }
0x67: {  	_ =	shalt  }
0x68: {  	_ =	shalt  }
0x69: {  	_ =	shalt  }
0x6a: {  	_ =	shalt  }
0x6b: {  	_ =	shalt  }
0x6c: {  	_ =	shalt  }
0x6d: {  	_ =	shalt  }
0x6e: {  	_ =	shalt  }
0x6f: {  	_ =	shalt  }
0x70: {  	_ =	shalt  }
0x71: {  	_ =	shalt  }
0x72: {  	_ =	shalt  }
0x73: {  	_ =	shalt  }
0x74: {  	_ =	shalt  }
0x75: {  	_ =	shalt  }
0x76: {  	_ =	shalt  }
0x77: {  	_ =	shalt  }
0x78: {  	_ =	shalt  }
0x79: {  	_ =	shalt  }
0x7a: {  	_ =	shalt  }
0x7b: {  	_ =	shalt  }
0x7c: {  	_ =	shalt  }
0x7d: {  	_ =	shalt  }
0x7e: {  	_ =	shalt  }
0x7f: {  	_ =	shalt  }
0x80: {  	_ =	shalt  }
0x81: {  	_ =	shalt  }
0x82: {  	_ =	shalt  }
0x83: {  	_ =	shalt  }
0x84: {  	_ =	shalt  }
0x85: {  	_ =	shalt  }
0x86: {  	_ =	shalt  }
0x87: {  	_ =	shalt  }
.Lfunc_end0:
.L_simem_size_0:
called_computation_lowered:
.L_overlay_start_0:
0x88: {  	s2 =	sld [smem:$0x3FD9]  }
0x89: {  	s3 =	sld [smem:$0x3FFE];
	_ =	sdelay $0x1  }
0x8a: {  	s1 =	srdreg.scid  }
0x8b: {  	s0 =	sand.u32 $0x1, s1  }
0x8c: {  	s17 =	sshll.u32 s0, $0xA;
	s2 =	sadd.s32 s3, s2  }
0x8d: {  	s2 =	sadd.s32 s2, s17  }
0x8e: {  	[smem:$0x3FC0] =	sst s2  }
0x8f: {  	_ = 	snop  }
0x90: {  	s2 =	sld [smem:$0x3FC6]  }
0x91: {  	s18 =	sld [smem:$0x3FD0];
	(tm) =	ssettm $0x1  }
0x92: {  	s4 =	sld [smem:$0x3FFB];
	_ =	sdelay $0x3  }
0x93: {  	_ =	strace s4  }
0x94: {  	s4 =	sld [smem:$0x3FFC];
	_ =	sdelay $0x3  }
0x95: {  	_ =	strace s4  }
0x96: {  	s4 =	sld [smem:$0x3FFD];
	_ =	sdelay $0x3  }
0x97: {  	_ =	strace s4  }
0x98: {  	_ =	strace $0x8FFFFFFF  }
0x99: {  	s19 =	sld [smem:$0x3FDB];
	_ =	sdelay $0x1  }
0x9a: {  	s5 =	simm.s32 $_scs_section_size  }
0x9b: {  	s6 =	simm.s32 $_size__tile_overlayer_lowered;
	s7 =	simm.s32 $_tile_overlayer_lowered  }
0x9c: {  	s22 =	simm.s32 $0x1BFF;
	s21 =	sshll.u32 s7, $0x1;
	s4 =	sadd.s32 s5, s19  }
0x9d: {  	s8 =	simm.s32 $0x0;
	s20 =	sshll.u32 s6, $0x1;
	s6 =	sadd.s32 s21, s4  }
0x9e: {  	[timem:s8], [sflag:s22] =	dma.local [hbm:s6], s20  }
0x9f: {  	_ =	swait.ge [sflag:s22], s20  }
0xa0: {  	s5 =	ssub.s32 $0x0, s20;
	[sflag:s22] =	ssyncset.done $0x0  }
0xa1: {  	[sflag:s22] =	ssyncadd.s32 s5;
	_ =	sdelay $0x1  }
0xa2: {  	s23 =	simm.s32 $0x1B8B  }
0xa3: {  	_ =	swait.ge [sflag:s23], $0x1  }
0xa4: {  	[sflag:s23] =	ssyncset.done $0x0  }
0xa5: {  	s25 =	simm.s32 $0x1B8E;
	s24 =	sld [smem:$0x3FFE];
	[sflag:s23] =	ssyncadd.s32 $0xFFFFFFFF  }
0xa6: {  	s26 =	simm.s32 $execute0_lowered;
	[smem:$0x3FD2] =	sst s25  }
0xa7: {  	s6 =	sshll.u32 s26, $0x1;
	_ =	strace $0x80000046;
	[dreg:$0x1] =	wrdreg $0xFFFFFFFF  }
0xa8: {  	s28 =	simm.s32 $_size_execute0_lowered;
	s4 =	sadd.s32 s4, s6;
	[dreg:$0x0] =	wrdreg $0x0  }
0xa9: {  	s6 =	sshll.u32 s28, $0x1;
	[dreg:$0x2] =	wrdreg s4  }
0xaa: {  	[dreg:$0x3] =	wrdreg s6  }
0xab: {  	[dreg:$0x4] =	wrdreg $0xC0  }
0xac: {  	_ =	task [dreg:s8], $0x5FFFF  }
0xad: {  	[dreg:$0x1] =	wrdreg $0xFFFFFFFF  }
0xae: {  	[dreg:$0x0] =	wrdreg $0x60  }
0xaf: {  	[dreg:$0x2] =	wrdreg s24  }
0xb0: {  	[dreg:$0x3] =	wrdreg s18  }
0xb1: {  	[dreg:$0x4] =	wrdreg s2  }
0xb2: {  	[dreg:$0x5] =	wrdreg $0x0  }
0xb3: {  	[dreg:$0x6] =	wrdreg $0x138800  }
0xb4: {  	[dreg:$0x7] =	wrdreg $0x9  }
0xb5: {  	_ =	task.clear_ibuf [dreg:s8], $0x8FFFF;
	_ =	strace $0x90000046  }
0xb6: {  	s29 =	simm.s32 $0x9;
	_ =	strace $0x80000048  }
0xb7: {  	_ =	swait.ge [sflag:s29], $0x1  }
0xb8: {  	[sflag:s29] =	ssyncadd.s32 $0xFFFFFFFF  }
0xb9: {  	_ =	strace $0x90000048  }
0xba: {  	_ =	sfence  }
0xbb: {  	s30 =	sld [smem:$0x0];
	_ =	sdelay $0x2  }
0xbc: {  	s31 =	sshll.u32 s1, $0xD;
	s1 =	sshrl.u32 s1, $0x2  }
0xbd: {  	s3 =	sand.u32 $0x4000, s31;
	s1 =	sadd.s32 s1, s30  }
0xbe: {  	s0 =	sor.u32 s3, s0;
	s1 =	sshll.u32 s1, $0x11  }
0xbf: {  	s0 =	sor.u32 s1, s0  }
0xc0: {  	s0 =	sadd.s32 $0x8F2B, s0  }
0xc1: {  	[sflag:s0] =	ssyncadd.remote.s32 $0x1  }
0xc2: {  	_ =	sfence.sel $0xFFFF  }
0xc3: {  	[dreg:$0x0] =	wrdreg $0xFFFFFFFF;
	(pc) =	sbr.abs _section_cstart, $3  }
0xc4: {  	[dreg:$0x1] =	wrdreg $0xFFFFFFFF  }
0xc5: {  	_ =	task.clear_ibuf [dreg:s8], $0x2FFFF;
	_ =	strace $0x9FFFFFFF  }
0xc6: {  	(tm) =	ssettm $0x7FFFFFFF  }
0xc7: {  	_ =	shalt  }
tec
execute0_lowered:
.L_overlay_start_1:
0x0: {  	(tag) =	ssettag $0x1  }
0x1: {  	s2 =	rddreg [dreg:$0x0]  }
0x2: {  	s0 =	rddreg [dreg:$0x1]  }
0x3: {  	s3 =	rddreg [dreg:$0x2]  }
0x4: {  	s1 =	rddreg [dreg:$0x3]  }
0x5: {  	s5 =	srdreg.scid;
	s15 =	stileid.u32  }
0x6: {  	s4 =	rddreg [dreg:$0x4];
	s7 =	simm.s32 $0x0;
	s8 =	smul.u32 $0x500, s15  }
0x7: {  	s5 =	sand.u32 $0x1, s5;
	s6 =	sshll.u32 s15, $0x1;
	s18 =	smul.u32 $0x4E000, s15  }
0x8: {  	[smem:$0x7FF] =	sst s7;
	s11 =	sadd.s32 $0xBE00, s2;
	s13 =	smul.u32 $0x2700, s15  }
0x9: {  	s12 =	sadd.s32 $0x16000, s2;
	s25 =	smul.u32 $0xA000, s15;
	p0 =	sne.s32 s15, $0x0  }
0xa: {  	s30 =	sadd.s32 $0x138000, s1;
	s6 =	sor.u32 s5, s6;
	s9 =	smul.u32 $0x5000, s5  }
0xb: {  	_ =	strace $0x80000047;
	[dreg:$0x6] =	wrdreg s11;
	s16 =	smul.u32 $0x27100, s5  }
0xc: {  	s19 =	ssub.s32 $0x2, s5;
	s17 =	smul.u32 $0x271, s6;
	s6 =	sadd.s32 $0x13A600, s2  }
0xd: {  	s20 =	sshrl.u32 s19, $0x1;
	s11 =	sshrl.u32 s18, $0x2;
	s18 =	smul.u32 $0x138800, s5  }
0xe: {  	s8 =	sadd.s32 s8, s9;
	s9 =	ssub.s32 s19, s20;
	s20 =	sadd.s32 s13, s16  }
0xf: {  	s10 =	sadd.s32 s17, s2;
	s2 =	sadd.s32 s8, s2;
	s3 =	sadd.s32 s3, s17  }
0x10: {  	s8 =	sadd.s32 s11, s1;
	s5 =	sadd.s32 s12, s20;
	[dreg:$0xe] =	wrdreg s3  }
0x11: {  	s7 =	simm.s32 $0x30;
	s11 =	sadd.s32 $0x1800, s8;
	[dreg:$0x11] =	wrdreg s5  }
0x12: {  	s15 =	simm.s32 $0x1E580;
	s21 =	sadd.s32 $0x3000, s8;
	[dreg:$0x7] =	wrdreg s11  }
0x13: {  	s13 =	simm.s32 $0x2;
	s22 =	sadd.s32 $0x4800, s8;
	[dreg:$0x8] =	wrdreg s21  }
0x14: {  	s16 =	simm.s32 $0x0;
	s23 =	sadd.s32 $0x6000, s8;
	[dreg:$0x9] =	wrdreg s22  }
0x15: {  	s24 =	sadd.s32 $0x7800, s8;
	s14 =	sadd.s32 $0x9000, s8;
	[dreg:$0xa] =	wrdreg s23  }
0x16: {  	s26 =	sadd.s32 $0xA800, s8;
	s17 =	sadd.s32 $0xC000, s8;
	[dreg:$0xb] =	wrdreg s24  }
0x17: {  	s3 =	sshrl.u32 s18, $0x3;
	s2 =	sadd.s32 $0xC000, s2;
	[dreg:$0xc] =	wrdreg s14  }
0x18: {  	s28 =	sadd.s32 $0x10800, s8;
	s29 =	sadd.s32 $0x12000, s8;
	[dreg:$0xd] =	wrdreg s26  }
0x19: {  	s5 =	simm.s32 $0x3;
	[dreg:$0xf] =	wrdreg s17;
	s21 =	sadd.s32 $0xD800, s8  }
0x1a: {  	s22 =	sshrl.u32 s25, $0x2;
	s3 =	sadd.s32 s12, s3;
	s23 =	sadd.s32 $0x1E00, s10  }
0x1b: {  	s24 =	sadd.s32 $0x6E00, s10;
	[dreg:$0x15] =	wrdreg s2;
	s25 =	smax.u32 s9, $0x1  }
0x1c: {  	s26 =	sadd.s32 $0xF000, s8;
	s2 =	simm.s32 $0x1E600;
	[dreg:$0x10] =	wrdreg s21  }
.Ltmp0:
0x1d: {  	v3 =	vlaneseq.u32;
	s9 =	simm.s32 $0x1E480;
	[dreg:$0x12] =	wrdreg s23;
	(pc) =	sbr.rel .LBB2_1-.Ltmp0, $4  }
0x1e: {  	v2 =	vmul.u32 $0xFFFFFFFF, v3;
	v6 =	vmul.u32 $0x80, v3;
	s10 =	simm.s32 $0x1E500;
	s11 =	simm.s32 $0x17880;
	[dreg:$0x13] =	wrdreg s24  }
0x1f: {  	s12 =	simm.s32 $0x1;
	s14 =	simm.s32 $0x19080;
	[dreg:$0x16] =	wrdreg s25  }
0x20: {  	v0 =	vadd.s32 $0x1388, v2;
	[tilespmem:$0x1FFF0] =	vst v6;
	s19 =	sadd.s32 s22, s4;
	s3 =	sadd.s32 $0x27000, s3;
	[dreg:$0x17] =	wrdreg s26  }
0x21: {  	v47 =	vimm.f32 $0.0e+00;
	[tilespmem:$0x1FFE0] =	vst v0;
	[dreg:$0x14] =	wrdreg s3;
	s31 =	sadd.s32 $0x1800, s19;
	s3 =	simm.s32 $0x16080  }
.LBB2_13:
0x22: {  	s17 =	stileid.u32  }
0x23: {  	[bflag:$0x0] =	sbarrier.arrive $0xFFFF;
	s17 =	sshll.u32 s17, $0x6  }
0x24: {  	s18 =	sshrl.u32 s8, $0x3;
	s20 =	rddreg [dreg:$0x11];
	s17 =	sor.u32 $0x1C03, s17  }
0x25: {  	[hbm:s20], [sflag:s17] =	dma.local [spmem:s18], $0x2700  }
0x26: {  	_ =	swait.ge [sflag:s5], $0x2700  }
0x27: {  	[sflag:s5] =	ssyncset.done $0x0  }
0x28: {  	s18 =	sshrl.u32 @!p0 s30, $0x3;
	s20 =	rddreg [dreg:$0x14];
	[sflag:s5] =	ssyncadd.s32 $0xFFFFD900  }
0x29: {  	[hbm:s20], [sflag:s17] =	dma.local @!p0 [spmem:s18], $0x100  }
0x2a: {  	s18 =	simm.s32 @!p0 $0x3  }
0x2b: {  	_ =	swait.ge @!p0 [sflag:s18], $0x100  }
0x2c: {  	[sflag:s18] =	ssyncset.done @!p0 $0x0  }
0x2d: {  	s24 =	sshrl.u32 s19, $0x3;
	s25 =	rddreg [dreg:$0x15];
	[sflag:s18] =	ssyncadd.s32 @!p0 $0xFFFFFF00  }
0x2e: {  	[hbm:s25], [sflag:s17] =	dma.local [spmem:s24], $0x500  }
0x2f: {  	_ =	swait.ge [sflag:s5], $0x500  }
0x30: {  	s16 =	sadd.s32 $0x1, s16;
	s26 =	rddreg [dreg:$0x16]  }
0x31: {  	p1 =	sne.s32 s16, s26  }
.Ltmp1:
0x32: {  	_ = 	snop;
	(pc) =	sbr.rel @!p1 .LBB2_14-.Ltmp1, $3  }
0x33: {  	_ =	sdelay $0x1  }
0x34: {  	[sflag:s5] =	ssyncset.done $0x0  }
0x35: {  	[sflag:s5] =	ssyncadd.s32 $0xFFFFFB00  }
.LBB2_1:
0x36: {  	s17 =	simm.s32 $0x0;
	s18 =	rddreg [dreg:$0x6]  }
0x37: {  	[tilespmem:s2], [sflag:$0x3] =	stream.linear.gather [hbm4b:s18+s17], $0x20, $0x38;
	[tilespmem:$0x1E680] =	vst v63  }
0x38: {  	_ =	swait.ge [sflag:s5], $0x20  }
0x39: {  	[sflag:s5] =	ssyncset.done $0x0  }
0x3a: {  	s17 =	simm.s32 $0x0;
	s18 =	simm.s32 $0x200;
	[sflag:s5] =	ssyncadd.s32 $0xFFFFFFE0  }
.LBB2_2:
0x3b: {  	p1 =	sne.s32 s18, $0x5E00;
	[tilespmem:s17+$0x190F0] =	vst v47  }
0x3c: {  	[tilespmem:s17+$0x16080] =	vst v47  }
0x3d: {  	[tilespmem:s17+$0x19080] =	vst v47  }
0x3e: {  	[tilespmem:s17+$0x16090] =	vst v47  }
0x3f: {  	[tilespmem:s17+$0x19090] =	vst v47  }
0x40: {  	[tilespmem:s17+$0x160A0] =	vst v47  }
0x41: {  	[tilespmem:s17+$0x190A0] =	vst v47  }
0x42: {  	[tilespmem:s17+$0x160B0] =	vst v47  }
0x43: {  	[tilespmem:s17+$0x190B0] =	vst v47  }
0x44: {  	[tilespmem:s17+$0x160C0] =	vst v47  }
0x45: {  	[tilespmem:s17+$0x190C0] =	vst v47  }
.Ltmp2:
0x46: {  	[tilespmem:s17+$0x160D0] =	vst v47;
	(pc) =	sbr.rel @p1 .LBB2_2-.Ltmp2, $4  }
0x47: {  	[tilespmem:s17+$0x190D0] =	vst v47  }
0x48: {  	[tilespmem:s17+$0x160E0] =	vst v47  }
0x49: {  	[tilespmem:s17+$0x190E0] =	vst v47  }
0x4a: {  	[tilespmem:s17+$0x160F0] =	vst v47;
	s17 =	sshra.s32 s18, $0x2;
	s18 =	sadd.s32 $0x200, s18  }
0x4b: {  	[tilespmem:s17+$0x190F0] =	vst v47  }
0x4c: {  	[tilespmem:s17+$0x16080] =	vst v47  }
0x4d: {  	[tilespmem:s17+$0x19080] =	vst v47  }
0x4e: {  	[tilespmem:s17+$0x16090] =	vst v47  }
0x4f: {  	[tilespmem:s17+$0x19090] =	vst v47  }
0x50: {  	[tilespmem:s17+$0x160A0] =	vst v47  }
0x51: {  	[tilespmem:s17+$0x190A0] =	vst v47  }
0x52: {  	[tilespmem:s17+$0x160B0] =	vst v47  }
0x53: {  	[tilespmem:s17+$0x190B0] =	vst v47  }
0x54: {  	[tilespmem:s17+$0x160C0] =	vst v47  }
0x55: {  	[tilespmem:s17+$0x190C0] =	vst v47  }
0x56: {  	[tilespmem:s17+$0x160D0] =	vst v47  }
0x57: {  	[tilespmem:s17+$0x190D0] =	vst v47  }
0x58: {  	[tilespmem:s17+$0x160E0] =	vst v47  }
0x59: {  	[tilespmem:s17+$0x190E0] =	vst v47  }
0x5a: {  	[tilespmem:s17+$0x160F0] =	vst v47  }
0x5b: {  	[spmem:s8] =	stream.linear.scatter [tilespmem:s3], [sflag:$0x3], $0x1800, $0x38;
	[tilespmem:$0x1E680] =	vst v63  }
0x5c: {  	_ =	swait.ge [sflag:s5], $0x1800  }
0x5d: {  	[sflag:s5] =	ssyncset.done $0x0  }
0x5e: {  	s20 =	rddreg [dreg:$0x7];
	[sflag:s5] =	ssyncadd.s32 $0xFFFFE800  }
0x5f: {  	[spmem:s20] =	stream.linear.scatter [tilespmem:s3], [sflag:$0x3], $0x1800, $0x38;
	[tilespmem:$0x1E680] =	vst v63  }
0x60: {  	_ =	swait.ge [sflag:s5], $0x1800  }
0x61: {  	[sflag:s5] =	ssyncset.done $0x0  }
0x62: {  	s21 =	rddreg [dreg:$0x8];
	[sflag:s5] =	ssyncadd.s32 $0xFFFFE800  }
0x63: {  	[spmem:s21] =	stream.linear.scatter [tilespmem:s3], [sflag:$0x3], $0x1800, $0x38;
	[tilespmem:$0x1E680] =	vst v63  }
0x64: {  	_ =	swait.ge [sflag:s5], $0x1800  }
0x65: {  	[sflag:s5] =	ssyncset.done $0x0  }
0x66: {  	s22 =	rddreg [dreg:$0x9];
	[sflag:s5] =	ssyncadd.s32 $0xFFFFE800  }
0x67: {  	[spmem:s22] =	stream.linear.scatter [tilespmem:s3], [sflag:$0x3], $0x1800, $0x38;
	[tilespmem:$0x1E680] =	vst v63  }
0x68: {  	_ =	swait.ge [sflag:s5], $0x1800  }
0x69: {  	[sflag:s5] =	ssyncset.done $0x0  }
0x6a: {  	s23 =	rddreg [dreg:$0xa];
	[sflag:s5] =	ssyncadd.s32 $0xFFFFE800  }
0x6b: {  	[spmem:s23] =	stream.linear.scatter [tilespmem:s3], [sflag:$0x3], $0x1800, $0x38;
	[tilespmem:$0x1E680] =	vst v63  }
0x6c: {  	_ =	swait.ge [sflag:s5], $0x1800  }
0x6d: {  	[sflag:s5] =	ssyncset.done $0x0  }
0x6e: {  	s24 =	rddreg [dreg:$0xb];
	[sflag:s5] =	ssyncadd.s32 $0xFFFFE800  }
0x6f: {  	[spmem:s24] =	stream.linear.scatter [tilespmem:s3], [sflag:$0x3], $0x1800, $0x38;
	[tilespmem:$0x1E680] =	vst v63  }
0x70: {  	_ =	swait.ge [sflag:s5], $0x1800  }
0x71: {  	[sflag:s5] =	ssyncset.done $0x0  }
0x72: {  	s25 =	rddreg [dreg:$0xc];
	[sflag:s5] =	ssyncadd.s32 $0xFFFFE800  }
0x73: {  	[spmem:s25] =	stream.linear.scatter [tilespmem:s3], [sflag:$0x3], $0x1800, $0x38;
	[tilespmem:$0x1E680] =	vst v63  }
0x74: {  	_ =	swait.ge [sflag:s5], $0x1800  }
0x75: {  	[sflag:s5] =	ssyncset.done $0x0  }
0x76: {  	s26 =	rddreg [dreg:$0xd];
	[sflag:s5] =	ssyncadd.s32 $0xFFFFE800  }
0x77: {  	[spmem:s26] =	stream.linear.scatter [tilespmem:s3], [sflag:$0x3], $0x1800, $0x38;
	[tilespmem:$0x1E680] =	vst v63  }
0x78: {  	_ =	swait.ge [sflag:s5], $0x1800  }
0x79: {  	[sflag:s5] =	ssyncset.done $0x0  }
0x7a: {  	s18 =	rddreg [dreg:$0xf];
	[sflag:s5] =	ssyncadd.s32 $0xFFFFE800  }
0x7b: {  	[spmem:s18] =	stream.linear.scatter [tilespmem:s3], [sflag:$0x3], $0x1800, $0x38;
	[tilespmem:$0x1E680] =	vst v63  }
0x7c: {  	_ =	swait.ge [sflag:s5], $0x1800  }
0x7d: {  	[sflag:s5] =	ssyncset.done $0x0  }
0x7e: {  	s20 =	rddreg [dreg:$0x10];
	[sflag:s5] =	ssyncadd.s32 $0xFFFFE800  }
0x7f: {  	[spmem:s20] =	stream.linear.scatter [tilespmem:s3], [sflag:$0x3], $0x1800, $0x38;
	[tilespmem:$0x1E680] =	vst v63  }
0x80: {  	_ =	swait.ge [sflag:s5], $0x1800  }
0x81: {  	[sflag:s5] =	ssyncset.done $0x0  }
0x82: {  	s21 =	rddreg [dreg:$0x17];
	[sflag:s5] =	ssyncadd.s32 $0xFFFFE800  }
0x83: {  	[spmem:s21] =	stream.linear.scatter [tilespmem:s3], [sflag:$0x3], $0x1800, $0x38;
	[tilespmem:$0x1E680] =	vst v63  }
0x84: {  	_ =	swait.ge [sflag:s5], $0x1800  }
0x85: {  	[sflag:s5] =	ssyncset.done $0x0  }
0x86: {  	[sflag:s5] =	ssyncadd.s32 $0xFFFFE800  }
0x87: {  	[spmem:s28] =	stream.linear.scatter [tilespmem:s3], [sflag:$0x3], $0x1800, $0x38;
	[tilespmem:$0x1E680] =	vst v63  }
0x88: {  	_ =	swait.ge [sflag:s5], $0x1800  }
0x89: {  	[sflag:s5] =	ssyncset.done $0x0  }
0x8a: {  	[sflag:s5] =	ssyncadd.s32 $0xFFFFE800  }
0x8b: {  	[spmem:s29] =	stream.linear.scatter [tilespmem:s3], [sflag:$0x3], $0x1800, $0x38;
	[tilespmem:$0x1E680] =	vst v63  }
0x8c: {  	_ =	swait.ge [sflag:s5], $0x1800  }
0x8d: {  	[sflag:s5] =	ssyncset.done $0x0  }
0x8e: {  	s17 =	simm.s32 @!p0 $0x16080;
	[sflag:s5] =	ssyncadd.s32 $0xFFFFE800  }
0x8f: {  	[spmem:s30] =	stream.linear.scatter @!p0 [tilespmem:s17], [sflag:$0x3], $0x800, $0x38;
	[tilespmem:$0x1E680] =	vst v63  }
0x90: {  	s17 =	simm.s32 @!p0 $0x3  }
0x91: {  	_ =	swait.ge @!p0 [sflag:s17], $0x800  }
0x92: {  	[sflag:s17] =	ssyncset.done @!p0 $0x0  }
0x93: {  	[sflag:s17] =	ssyncadd.s32 @!p0 $0xFFFFF800  }
0x94: {  	[spmem:s19] =	stream.linear.scatter [tilespmem:s3], [sflag:$0x3], $0x1800, $0x38;
	[tilespmem:$0x1E680] =	vst v63  }
0x95: {  	_ =	swait.ge [sflag:s5], $0x1800  }
0x96: {  	[sflag:s5] =	ssyncset.done $0x0  }
0x97: {  	[sflag:s5] =	ssyncadd.s32 $0xFFFFE800  }
0x98: {  	[spmem:s31] =	stream.linear.scatter [tilespmem:s3], [sflag:$0x3], $0x1000, $0x38;
	[tilespmem:$0x1E680] =	vst v63  }
0x99: {  	_ =	swait.ge [sflag:s5], $0x1000  }
0x9a: {  	[sflag:s5] =	ssyncset.done $0x0  }
0x9b: {  	v0 =	vimm.s32 $0x0;
	[sflag:s5] =	ssyncadd.s32 $0xFFFFF000  }
0x9c: {  	[tilespmem:$0x1BC00] =	vst v0  }
0x9d: {  	[tilespmem:$0x1D000] =	vst v0  }
0x9e: {  	[tilespmem:$0x1E400] =	vst v0  }
0x9f: {  	[tilespmem:$0x1BC10] =	vst v0  }
0xa0: {  	[tilespmem:$0x1D010] =	vst v0  }
0xa1: {  	[tilespmem:$0x1E410] =	vst v0  }
0xa2: {  	[tilespmem:$0x1BC20] =	vst v0  }
0xa3: {  	[tilespmem:$0x1D020] =	vst v0  }
0xa4: {  	[tilespmem:$0x1E420] =	vst v0  }
0xa5: {  	[tilespmem:$0x1BC30] =	vst v0  }
0xa6: {  	[tilespmem:$0x1D030] =	vst v0  }
0xa7: {  	s22 =	simm.s32 $0x0;
	s20 =	simm.s32 $0x1A880;
	s18 =	rddreg [dreg:$0x12];
	[tilespmem:$0x1E430] =	vst v0  }
0xa8: {  	[tilespmem:s20], [sflag:$0x3] =	stream.linear.gather [hbm4b:s18+s22], $0x1388, $0x38;
	[tilespmem:$0x1E680] =	vst v63  }
0xa9: {  	_ =	swait.ge [sflag:s5], $0x1388  }
0xaa: {  	[sflag:s5] =	ssyncset.done $0x0  }
0xab: {  	s24 =	simm.s32 $0x1BC80;
	s23 =	rddreg [dreg:$0xe];
	[sflag:s5] =	ssyncadd.s32 $0xFFFFEC78  }
0xac: {  	[tilespmem:s24], [sflag:$0x3] =	stream.linear.gather [hbm4b:s23+s22], $0x1388, $0x38;
	[tilespmem:$0x1E680] =	vst v63  }
0xad: {  	_ =	swait.ge [sflag:s5], $0x1388  }
0xae: {  	[sflag:s5] =	ssyncset.done $0x0  }
0xaf: {  	s26 =	simm.s32 $0x1D080;
	s25 =	rddreg [dreg:$0x13];
	[sflag:s5] =	ssyncadd.s32 $0xFFFFEC78  }
0xb0: {  	[tilespmem:s26], [sflag:$0x3] =	stream.linear.gather [hbm4b:s25+s22], $0x1388, $0x38;
	[tilespmem:$0x1E680] =	vst v63  }
0xb1: {  	_ =	swait.ge [sflag:s5], $0x1388  }
0xb2: {  	[sflag:s5] =	ssyncset.done $0x0  }
0xb3: {  	s17 =	simm.s32 $0x0;
	s18 =	simm.s32 $0x40;
	[sflag:s5] =	ssyncadd.s32 $0xFFFFEC78  }
.LBB2_4:
0xb4: {  	p1 =	sne.s32 s18, $0x4EC0;
	v4 =	vld [tilespmem:s17+$0x1D080]  }
0xb5: {  	v5 =	vld [tilespmem:s17+$0x1BC80];
	_ =	sdelay $0x1  }
.Ltmp3:
0xb6: {  	(pc) =	sbr.rel @p1 .LBB2_4-.Ltmp3, $4  }
0xb7: {  	_ = 	snop  }
0xb8: {  	v4 =	vshll.u32 v4, $0x3  }
0xb9: {  	v4 =	vadd.s32 v5, v4  }
0xba: {  	[tilespmem:s17+$0x1D080] =	vst v4;
	s17 =	sshra.s32 s18, $0x2;
	s18 =	sadd.s32 $0x40, s18  }
0xbb: {  	v4 =	vld [tilespmem:s17+$0x1D080]  }
0xbc: {  	v5 =	vld [tilespmem:s17+$0x1BC80];
	_ =	sdelay $0x3  }
.Ltmp4:
0xbd: {  	v4 =	vshll.u32 v4, $0x3;
	(pc) =	sbr.rel .LBB2_6-.Ltmp4, $4  }
0xbe: {  	v4 =	vadd.s32 v5, v4  }
0xbf: {  	[tilespmem:s17+$0x1D080] =	vst v4  }
0xc0: {  	s24 =	simm.s32 $0x1BC80;
	[bflag:$0x0] =	sbarrier.arrive $0xFFFF  }
0xc1: {  	s23 =	simm.s32 $0x1A880;
	s20 =	simm.s32 $0x0;
	s21 =	simm.s32 $0x0  }
.LBB2_12:
0xc2: {  	[spmem:s1] =	stream.indirect.scatter.add.f32 [tilespmem:s3], [sflag:$0x3], $0x80, s10, s7, $0xb8;
	[tilespmem:$0x1E680] =	vst v63  }
0xc3: {  	_ =	swait.ge [sflag:s5], $0x1800  }
0xc4: {  	[sflag:s5] =	ssyncset.done $0x0  }
0xc5: {  	[sflag:s5] =	ssyncadd.s32 $0xFFFFE800  }
0xc6: {  	[spmem:s4] =	stream.indirect.scatter.add.f32 [tilespmem:s14], [sflag:$0x3], $0x80, s15, s7, $0xb8;
	[tilespmem:$0x1E680] =	vst v63  }
0xc7: {  	_ =	swait.ge [sflag:s5], $0x1800  }
0xc8: {  	[sflag:s5] =	ssyncset.done $0x0  }
0xc9: {  	[sflag:s5] =	ssyncadd.s32 $0xFFFFE800  }
0xca: {  	v0 =	vld [tilespmem:s22+$0x1A880];
	_ =	sdelay $0x4  }
0xcb: {  	v0 =	vshll.u32 v0, $0x4  }
0xcc: {  	v0 =	vand.u32 $0x70, v0  }
0xcd: {  	v2 =	vor.u32 $0x1, v6;
	v1 =	vor.u32 v6, v0  }
0xce: {  	v3 =	vor.u32 $0x2, v6;
	v2 =	vor.u32 v2, v0  }
0xcf: {  	v4 =	vor.u32 $0x3, v6;
	v3 =	vor.u32 v3, v0  }
0xd0: {  	v0 =	vor.u32 v4, v0;
	_ =	sdelay $0x1  }
0xd1: {  	[tilespmem:v1+s14+$0x0] =	vst.idx.msk $0xffff, v47  }
0xd2: {  	[tilespmem:v2+s14+$0x0] =	vst.idx.msk $0xffff, v47  }
0xd3: {  	[tilespmem:v3+s14+$0x0] =	vst.idx.msk $0xffff, v47  }
0xd4: {  	[tilespmem:v0+s14+$0x0] =	vst.idx.msk $0xffff, v47  }
0xd5: {  	v0 =	vld [tilespmem:s22+$0x1A890];
	_ =	sdelay $0x4  }
0xd6: {  	v0 =	vshll.u32 v0, $0x4  }
0xd7: {  	v58 =	vor.u32 $0x800, v6;
	v0 =	vand.u32 $0x70, v0  }
0xd8: {  	v59 =	vor.u32 $0x801, v6;
	v1 =	vor.u32 v58, v0  }
0xd9: {  	v60 =	vor.u32 $0x802, v6;
	v2 =	vor.u32 v59, v0  }
0xda: {  	v4 =	vor.u32 $0x803, v6;
	v3 =	vor.u32 v60, v0  }
0xdb: {  	v0 =	vor.u32 v4, v0;
	_ =	sdelay $0x1  }
0xdc: {  	[tilespmem:v1+s14+$0x0] =	vst.idx.msk $0xffff, v47  }
0xdd: {  	[tilespmem:v2+s14+$0x0] =	vst.idx.msk $0xffff, v47  }
0xde: {  	[tilespmem:v3+s14+$0x0] =	vst.idx.msk $0xffff, v47  }
0xdf: {  	[tilespmem:v0+s14+$0x0] =	vst.idx.msk $0xffff, v47  }
0xe0: {  	v0 =	vld [tilespmem:s22+$0x1A8A0];
	_ =	sdelay $0x4  }
0xe1: {  	v0 =	vshll.u32 v0, $0x4  }
0xe2: {  	v61 =	vor.u32 $0x1000, v6;
	v0 =	vand.u32 $0x70, v0  }
0xe3: {  	v62 =	vor.u32 $0x1001, v6;
	v1 =	vor.u32 v61, v0  }
0xe4: {  	v63 =	vor.u32 $0x1002, v6;
	v2 =	vor.u32 v62, v0  }
0xe5: {  	s21 =	sadd.s32 $0x1, s21;
	v4 =	vor.u32 $0x1003, v6;
	v3 =	vor.u32 v63, v0  }
0xe6: {  	p1 =	sne.s32 s21, $0x69;
	v0 =	vor.u32 v4, v0  }
.Ltmp5:
0xe7: {  	_ = 	snop;
	(pc) =	sbr.rel @!p1 .LBB2_13-.Ltmp5, $4  }
0xe8: {  	[tilespmem:v1+s14+$0x0] =	vst.idx.msk $0xffff, v47  }
0xe9: {  	[tilespmem:v2+s14+$0x0] =	vst.idx.msk $0xffff, v47  }
0xea: {  	[tilespmem:v3+s14+$0x0] =	vst.idx.msk $0xffff, v47  }
0xeb: {  	s24 =	sadd.s32 $0x30, s24;
	s23 =	sadd.s32 $0x30, s23;
	s20 =	sadd.s32 $0x30, s20;
	[tilespmem:v0+s14+$0x0] =	vst.idx.msk $0xffff, v47  }
.LBB2_6:
0xec: {  	s22 =	smul.u32 $0x30, s21;
	_ =	sdelay $0x1  }
0xed: {  	v4 =	vld [tilespmem:s22+$0x1D080]  }
0xee: {  	v5 =	vld [tilespmem:s22+$0x1A880];
	_ =	sdelay $0x3  }
0xef: {  	[tilespmem:$0x1E480] =	vst v4  }
0xf0: {  	[tilespmem:$0x1E500] =	vst v5;
	v4 =	vshrl.u32 v5, $0x3  }
0xf1: {  	[tilespmem:$0x1E580] =	vst v4  }
0xf2: {  	v4 =	vld [tilespmem:s22+$0x1D090]  }
0xf3: {  	v5 =	vld [tilespmem:s22+$0x1A890];
	_ =	sdelay $0x3  }
0xf4: {  	[tilespmem:$0x1E490] =	vst v4  }
0xf5: {  	[tilespmem:$0x1E510] =	vst v5;
	v4 =	vshrl.u32 v5, $0x3  }
0xf6: {  	[tilespmem:$0x1E590] =	vst v4  }
0xf7: {  	v4 =	vld [tilespmem:s22+$0x1D0A0]  }
0xf8: {  	v5 =	vld [tilespmem:s22+$0x1A8A0];
	_ =	sdelay $0x3  }
0xf9: {  	[tilespmem:$0x1E4A0] =	vst v4  }
0xfa: {  	[tilespmem:$0x1E520] =	vst v5;
	v4 =	vshrl.u32 v5, $0x3  }
0xfb: {  	[tilespmem:$0x1E5A0] =	vst v4  }
0xfc: {  	[tilespmem:s3], [sflag:$0x1] =	stream.indirect.gather [hbm4b:s6+s7], $0x80, s9, s7, $0xb8;
	[tilespmem:$0x1E680] =	vst v63  }
0xfd: {  	_ = 	snop  }
0xfe: {  	[tilespmem:s11], [sflag:$0x2] =	stream.indirect.gather [hbm4b:s0+s7], $0x80, s10, s7, $0xb8;
	[tilespmem:$0x1E680] =	vst v63  }
0xff: {  	_ =	swait.ge [sflag:s12], $0x1800  }
0x100: {  	[sflag:s12] =	ssyncset.done $0x0  }
0x101: {  	[sflag:s12] =	ssyncadd.s32 $0xFFFFE800  }
0x102: {  	_ =	swait.ge [sflag:s13], $0x1800  }
0x103: {  	s18 =	smov.u32 s23;
	[sflag:s13] =	ssyncset.done $0x0  }
0x104: {  	s17 =	smov.u32 s24;
	s25 =	simm.s32 $0x0;
	[sflag:s13] =	ssyncadd.s32 $0xFFFFE800  }
.LBB2_7:
0x105: {  	_ =	sdelay $0x1  }
0x106: {  	v4 =	vmov s25  }
0x107: {  	v4 =	vshll.u32 v4, $0x7  }
0x108: {  	v5 =	vor.u32 v6, v4;
	_ =	sdelay $0x1  }
0x109: {  	v10 =	vor.u32 $0x1, v5;
	_ =	sdelay $0x1  }
0x10a: {  	v0 =	vld [tilespmem:s17+$0x0];
	v12 =	vor.u32 $0x2, v5  }
0x10b: {  	v51 =	vld.idx.msk [tilespmem:v5+s3+$0x0], $0xffff  }
0x10c: {  	v8 =	vor.u32 $0x3, v5;
	v11 =	vld.idx.msk [tilespmem:v5+s11+$0x0], $0xffff  }
0x10d: {  	v1 =	vld.idx.msk [tilespmem:v10+s3+$0x0], $0xffff  }
0x10e: {  	v9 =	vor.u32 $0x4, v5;
	v13 =	vld.idx.msk [tilespmem:v10+s11+$0x0], $0xffff  }
0x10f: {  	v2 =	vld.idx.msk [tilespmem:v12+s3+$0x0], $0xffff  }
0x110: {  	v41 =	vor.u32 $0x5, v5;
	v16 =	vld.idx.msk [tilespmem:v12+s11+$0x0], $0xffff  }
0x111: {  	v52 =	vld.idx.msk [tilespmem:v8+s3+$0x0], $0xffff;
	v18 =	vmul.f32 v11, v51  }
0x112: {  	v20 =	vld.idx.msk [tilespmem:v8+s11+$0x0], $0xffff;
	v11 =	vor.u32 $0x6, v5  }
0x113: {  	v53 =	vld.idx.msk [tilespmem:v9+s3+$0x0], $0xffff;
	v21 =	vmul.f32 v13, v1;
	v18 =	vadd.f32 $0.0e+00, v18  }
0x114: {  	v22 =	vld.idx.msk [tilespmem:v9+s11+$0x0], $0xffff;
	v13 =	vor.u32 $0x7, v5  }
0x115: {  	v54 =	vld.idx.msk [tilespmem:v41+s3+$0x0], $0xffff;
	v23 =	vmul.f32 v16, v2;
	v18 =	vadd.f32 v21, v18  }
0x116: {  	v24 =	vld.idx.msk [tilespmem:v41+s11+$0x0], $0xffff;
	v16 =	vor.u32 $0x8, v5  }
0x117: {  	v20 =	vmul.f32 v20, v52;
	v26 =	vld.idx.msk [tilespmem:v11+s11+$0x0], $0xffff;
	v25 =	vadd.f32 v23, v18  }
0x118: {  	v23 =	vld.idx.msk [tilespmem:v11+s3+$0x0], $0xffff;
	v18 =	vor.u32 $0x9, v5  }
0x119: {  	v22 =	vmul.f32 v22, v53;
	v28 =	vld.idx.msk [tilespmem:v13+s11+$0x0], $0xffff;
	v27 =	vadd.f32 v20, v25  }
0x11a: {  	v25 =	vld.idx.msk [tilespmem:v13+s3+$0x0], $0xffff;
	v20 =	vor.u32 $0xA, v5  }
0x11b: {  	v24 =	vmul.f32 v24, v54;
	v30 =	vld.idx.msk [tilespmem:v16+s11+$0x0], $0xffff;
	v29 =	vadd.f32 v22, v27  }
0x11c: {  	v27 =	vld.idx.msk [tilespmem:v16+s3+$0x0], $0xffff;
	v22 =	vor.u32 $0xB, v5  }
0x11d: {  	v26 =	vmul.f32 v26, v23;
	v32 =	vld.idx.msk [tilespmem:v18+s11+$0x0], $0xffff;
	v31 =	vadd.f32 v24, v29  }
0x11e: {  	v29 =	vld.idx.msk [tilespmem:v18+s3+$0x0], $0xffff;
	v24 =	vor.u32 $0xC, v5  }
0x11f: {  	v28 =	vmul.f32 v28, v25;
	v34 =	vld.idx.msk [tilespmem:v20+s11+$0x0], $0xffff;
	v33 =	vadd.f32 v26, v31  }
0x120: {  	v31 =	vld.idx.msk [tilespmem:v20+s3+$0x0], $0xffff;
	v26 =	vor.u32 $0xD, v5  }
0x121: {  	v30 =	vmul.f32 v30, v27;
	v36 =	vld.idx.msk [tilespmem:v22+s11+$0x0], $0xffff;
	v35 =	vadd.f32 v28, v33  }
0x122: {  	v33 =	vld.idx.msk [tilespmem:v22+s3+$0x0], $0xffff;
	v28 =	vor.u32 $0xE, v5  }
0x123: {  	v32 =	vmul.f32 v32, v29;
	v38 =	vld.idx.msk [tilespmem:v24+s11+$0x0], $0xffff;
	v37 =	vadd.f32 v30, v35  }
0x124: {  	v35 =	vld.idx.msk [tilespmem:v24+s3+$0x0], $0xffff;
	v30 =	vor.u32 $0xF, v5  }
0x125: {  	v34 =	vmul.f32 v34, v31;
	v40 =	vld.idx.msk [tilespmem:v26+s11+$0x0], $0xffff;
	v39 =	vadd.f32 v32, v37  }
0x126: {  	v37 =	vld.idx.msk [tilespmem:v26+s3+$0x0], $0xffff;
	v32 =	vor.u32 $0x10, v5  }
0x127: {  	v36 =	vmul.f32 v36, v33;
	v21 =	vld.idx.msk [tilespmem:v28+s3+$0x0], $0xffff;
	v39 =	vadd.f32 v34, v39  }
0x128: {  	v55 =	vld.idx.msk [tilespmem:v28+s11+$0x0], $0xffff;
	v34 =	vor.u32 $0x11, v5  }
0x129: {  	v38 =	vmul.f32 v38, v35;
	v42 =	vld.idx.msk [tilespmem:v30+s3+$0x0], $0xffff;
	v39 =	vadd.f32 v36, v39  }
0x12a: {  	v56 =	vld.idx.msk [tilespmem:v30+s11+$0x0], $0xffff;
	v36 =	vor.u32 $0x12, v5  }
0x12b: {  	v40 =	vmul.f32 v40, v37;
	v44 =	vld.idx.msk [tilespmem:v32+s3+$0x0], $0xffff;
	v39 =	vadd.f32 v38, v39  }
0x12c: {  	v57 =	vld.idx.msk [tilespmem:v32+s11+$0x0], $0xffff;
	v38 =	vor.u32 $0x13, v5  }
0x12d: {  	v58 =	vmul.f32 v55, v21;
	v15 =	vld.idx.msk [tilespmem:v34+s3+$0x0], $0xffff;
	v39 =	vadd.f32 v40, v39  }
0x12e: {  	v48 =	vor.u32 $0x14, v5;
	v59 =	vld.idx.msk [tilespmem:v34+s11+$0x0], $0xffff  }
0x12f: {  	v60 =	vmul.f32 v56, v42;
	v43 =	vld.idx.msk [tilespmem:v36+s3+$0x0], $0xffff;
	v39 =	vadd.f32 v58, v39  }
0x130: {  	v50 =	vor.u32 $0x15, v5;
	v49 =	vld.idx.msk [tilespmem:v36+s11+$0x0], $0xffff  }
0x131: {  	[tilespmem:$0x1FE20] =	vst v51;
	v61 =	vmul.f32 v57, v44;
	v45 =	vld.idx.msk [tilespmem:v38+s3+$0x0], $0xffff;
	v39 =	vadd.f32 v60, v39  }
0x132: {  	[tilespmem:$0x1FE50] =	vst v52;
	v52 =	vor.u32 $0x16, v5;
	v51 =	vld.idx.msk [tilespmem:v38+s11+$0x0], $0xffff  }
0x133: {  	v46 =	vld.idx.msk [tilespmem:v48+s3+$0x0], $0xffff;
	[tilespmem:$0x1FE60] =	vst v53;
	v62 =	vmul.f32 v59, v15;
	v39 =	vadd.f32 v61, v39  }
0x134: {  	[tilespmem:$0x1FE70] =	vst v54;
	v53 =	vld.idx.msk [tilespmem:v48+s11+$0x0], $0xffff;
	v54 =	vor.u32 $0x17, v5  }
0x135: {  	v55 =	vld.idx.msk [tilespmem:v50+s11+$0x0], $0xffff;
	v63 =	vmul.f32 v49, v43;
	v39 =	vadd.f32 v62, v39  }
0x136: {  	v56 =	vor.u32 $0x18, v5;
	v49 =	vld.idx.msk [tilespmem:v50+s3+$0x0], $0xffff  }
0x137: {  	[tilespmem:$0x1FF60] =	vst v0;
	v57 =	vld.idx.msk [tilespmem:v52+s11+$0x0], $0xffff;
	v0 =	vmul.f32 v51, v45;
	v39 =	vadd.f32 v63, v39  }
0x138: {  	v58 =	vor.u32 $0x19, v5;
	v51 =	vld.idx.msk [tilespmem:v52+s3+$0x0], $0xffff  }
0x139: {  	[tilespmem:$0x1FE30] =	vst v1;
	v1 =	vmul.f32 v53, v46;
	v53 =	vld.idx.msk [tilespmem:v54+s3+$0x0], $0xffff;
	v39 =	vadd.f32 v0, v39  }
0x13a: {  	v59 =	vld.idx.msk [tilespmem:v54+s11+$0x0], $0xffff;
	v60 =	vor.u32 $0x1A, v5  }
0x13b: {  	[tilespmem:$0x1FE40] =	vst v2;
	v61 =	vld.idx.msk [tilespmem:v56+s11+$0x0], $0xffff;
	v2 =	vmul.f32 v55, v49;
	v39 =	vadd.f32 v1, v39  }
0x13c: {  	v62 =	vor.u32 $0x1B, v5;
	v55 =	vld.idx.msk [tilespmem:v56+s3+$0x0], $0xffff  }
0x13d: {  	v63 =	vld.idx.msk [tilespmem:v58+s11+$0x0], $0xffff;
	v3 =	vmul.f32 v57, v51;
	v39 =	vadd.f32 v2, v39  }
0x13e: {  	v7 =	vor.u32 $0x1C, v5;
	v57 =	vld.idx.msk [tilespmem:v58+s3+$0x0], $0xffff  }
0x13f: {  	v14 =	vmul.f32 v59, v53;
	v59 =	vld.idx.msk [tilespmem:v60+s3+$0x0], $0xffff;
	v39 =	vadd.f32 v3, v39  }
0x140: {  	v6 =	vor.u32 $0x1D, v5;
	v2 =	vld.idx.msk [tilespmem:v60+s11+$0x0], $0xffff  }
0x141: {  	v0 =	vld.idx.msk [tilespmem:v62+s11+$0x0], $0xffff;
	v17 =	vmul.f32 v61, v55;
	v39 =	vadd.f32 v14, v39  }
0x142: {  	v61 =	vld.idx.msk [tilespmem:v62+s3+$0x0], $0xffff  }
0x143: {  	v19 =	vmul.f32 v63, v57;
	v63 =	vld.idx.msk [tilespmem:v7+s3+$0x0], $0xffff;
	v39 =	vadd.f32 v17, v39  }
0x144: {  	v14 =	vld.idx.msk [tilespmem:v7+s11+$0x0], $0xffff  }
0x145: {  	v40 =	vld.idx.msk [tilespmem:v6+s3+$0x0], $0xffff;
	v2 =	vmul.f32 v2, v59;
	v39 =	vadd.f32 v19, v39  }
0x146: {  	v4 =	vor.u32 $0x1E, v5;
	v17 =	vld.idx.msk [tilespmem:v6+s11+$0x0], $0xffff  }
0x147: {  	v0 =	vmul.f32 v0, v61;
	v2 =	vadd.f32 v2, v39;
	_ =	sdelay $0x1  }
0x148: {  	v3 =	vor.u32 $0x1F, v5;
	v0 =	vadd.f32 v0, v2;
	v2 =	vmul.f32 v14, v63;
	_ =	sdelay $0x1  }
0x149: {  	v1 =	vld.idx.msk [tilespmem:v4+s11+$0x0], $0xffff;
	v17 =	vmul.f32 v17, v40;
	v0 =	vadd.f32 v2, v0  }
0x14a: {  	v39 =	vld.idx.msk [tilespmem:v4+s3+$0x0], $0xffff  }
0x14b: {  	v0 =	vadd.f32 v17, v0;
	v17 =	vld [tilespmem:$0x1FF60]  }
0x14c: {  	v19 =	vld.idx.msk [tilespmem:v3+s11+$0x0], $0xffff  }
0x14d: {  	v14 =	vld.idx.msk [tilespmem:v3+s3+$0x0], $0xffff;
	_ =	sdelay $0x2  }
0x14e: {  	v1 =	vmul.f32 v1, v39;
	_ =	sdelay $0x1  }
0x14f: {  	v19 =	vmul.f32 v19, v14;
	v0 =	vadd.f32 v1, v0  }
0x150: {  	v2 =	vld.idx.msk [tilespmem:v17+s2+$0x0], $0xffff  }
0x151: {  	v0 =	vadd.f32 v19, v0;
	_ =	sdelay $0x1  }
0x152: {  	v0 =	vmul.f32 $1.767766920e-01, v0;
	_ =	sdelay $0x1  }
0x153: {  	v0 =	vmul.f32 v0, v2;
	_ =	sdelay $0x1  }
0x154: {  	v0 =	vmax.f32 v0, $-8.000000000e+01  }
0x155: {  	v0 =	vmin.f32 v0, $8.000000000e+01  }
0x156: {  	v0 =	vmul.f32 $1.442695020e+00, v0;
	_ =	sdelay $0x1  }
0x157: {  	(erf) = vpow2.f32 v0;
	_ =	sdelay $0x4  }
0x158: {  	v19 =	vld [tilespmem:$0x1FE20];
	_ =	sdelay $0x3  }
0x159: {  	v17 =	vld [tilespmem:$0x1FE30];
	v0 =	vpop (erf)  }
0x15a: {  	v1 =	vmul.f32 v0, v19;
	v19 =	vld [tilespmem:$0x1FE40];
	_ =	sdelay $0x3  }
0x15b: {  	v2 =	vmul.f32 v0, v17  }
0x15c: {  	v17 =	vld [tilespmem:s18+$0x0];
	[tilespmem:v5+s3+$0x0] =	vst.idx.msk $0xffff, v1;
	v1 =	vmul.f32 v0, v19  }
0x15d: {  	[tilespmem:v10+s3+$0x0] =	vst.idx.msk $0xffff, v2;
	v10 =	vld [tilespmem:$0x1FE50]  }
0x15e: {  	[tilespmem:v12+s3+$0x0] =	vst.idx.msk $0xffff, v1;
	v12 =	vld [tilespmem:$0x1FE60]  }
0x15f: {  	v19 =	vld [tilespmem:$0x1FE70];
	_ =	sdelay $0x2  }
0x160: {  	v2 =	vmul.f32 v0, v10  }
0x161: {  	v1 =	vmul.f32 v0, v12  }
0x162: {  	[tilespmem:v8+s3+$0x0] =	vst.idx.msk $0xffff, v2;
	v2 =	vmul.f32 v0, v19  }
0x163: {  	[tilespmem:v9+s3+$0x0] =	vst.idx.msk $0xffff, v1;
	v9 =	vmul.f32 v0, v23  }
0x164: {  	v10 =	vmul.f32 v0, v25;
	[tilespmem:v41+s3+$0x0] =	vst.idx.msk $0xffff, v2  }
0x165: {  	[tilespmem:v11+s3+$0x0] =	vst.idx.msk $0xffff, v9;
	v11 =	vmul.f32 v0, v27  }
0x166: {  	v12 =	vmul.f32 v0, v29;
	[tilespmem:v13+s3+$0x0] =	vst.idx.msk $0xffff, v10  }
0x167: {  	v13 =	vmul.f32 v0, v31;
	[tilespmem:v16+s3+$0x0] =	vst.idx.msk $0xffff, v11  }
0x168: {  	v16 =	vmul.f32 v0, v33;
	[tilespmem:v18+s3+$0x0] =	vst.idx.msk $0xffff, v12  }
0x169: {  	v18 =	vmul.f32 v0, v35;
	[tilespmem:v20+s3+$0x0] =	vst.idx.msk $0xffff, v13  }
0x16a: {  	v19 =	vmul.f32 v0, v37;
	[tilespmem:v22+s3+$0x0] =	vst.idx.msk $0xffff, v16  }
0x16b: {  	v20 =	vmul.f32 v0, v21;
	[tilespmem:v24+s3+$0x0] =	vst.idx.msk $0xffff, v18  }
0x16c: {  	v21 =	vmul.f32 v0, v42;
	[tilespmem:v26+s3+$0x0] =	vst.idx.msk $0xffff, v19  }
0x16d: {  	v22 =	vmul.f32 v0, v44;
	[tilespmem:v28+s3+$0x0] =	vst.idx.msk $0xffff, v20  }
0x16e: {  	v23 =	vmul.f32 v0, v15;
	[tilespmem:v30+s3+$0x0] =	vst.idx.msk $0xffff, v21  }
0x16f: {  	v24 =	vmul.f32 v0, v43;
	[tilespmem:v32+s3+$0x0] =	vst.idx.msk $0xffff, v22  }
0x170: {  	v25 =	vmul.f32 v0, v45;
	[tilespmem:v34+s3+$0x0] =	vst.idx.msk $0xffff, v23  }
0x171: {  	v26 =	vmul.f32 v0, v46;
	[tilespmem:v36+s3+$0x0] =	vst.idx.msk $0xffff, v24  }
0x172: {  	v27 =	vmul.f32 v0, v49;
	[tilespmem:v38+s3+$0x0] =	vst.idx.msk $0xffff, v25  }
0x173: {  	v28 =	vmul.f32 v0, v51;
	[tilespmem:v48+s3+$0x0] =	vst.idx.msk $0xffff, v26  }
0x174: {  	v29 =	vmul.f32 v0, v53;
	v35 =	vld [tilespmem:$0x1FFE0];
	[tilespmem:v50+s3+$0x0] =	vst.idx.msk $0xffff, v27  }
0x175: {  	v30 =	vmul.f32 v0, v55;
	[tilespmem:v52+s3+$0x0] =	vst.idx.msk $0xffff, v28  }
0x176: {  	v31 =	vmul.f32 v0, v57;
	[tilespmem:v54+s3+$0x0] =	vst.idx.msk $0xffff, v29  }
0x177: {  	s26 =	sadd.s32 s25, s20;
	v32 =	vmul.f32 v0, v59;
	[tilespmem:v56+s3+$0x0] =	vst.idx.msk $0xffff, v30  }
0x178: {  	v8 =	vmov s26;
	v33 =	vshll.u32 v17, $0x4;
	v34 =	vmul.f32 v0, v61;
	[tilespmem:v58+s3+$0x0] =	vst.idx.msk $0xffff, v31  }
0x179: {  	vm0 =	vlt.u32 v8, v35;
	v8 =	vand.u32 $0x70, v33;
	v36 =	vmul.f32 v0, v63;
	[tilespmem:v60+s3+$0x0] =	vst.idx.msk $0xffff, v32  }
0x17a: {  	v37 =	vmul.f32 v0, v40;
	v38 =	vor.u32 v5, v8;
	[tilespmem:v62+s3+$0x0] =	vst.idx.msk $0xffff, v34  }
0x17b: {  	v40 =	vmul.f32 v0, v39;
	v25 =	vor.u32 $0x20, v5;
	[tilespmem:v7+s3+$0x0] =	vst.idx.msk $0xffff, v36  }
0x17c: {  	[tilespmem:v6+s3+$0x0] =	vst.idx.msk $0xffff, v37;
	v6 =	vmul.f32 v0, v14  }
0x17d: {  	v23 =	vor.u32 $0x21, v5;
	[tilespmem:v4+s3+$0x0] =	vst.idx.msk $0xffff, v40  }
0x17e: {  	[tilespmem:v3+s3+$0x0] =	vst.idx.msk $0xffff, v6  }
0x17f: {  	v21 =	vor.u32 $0x22, v5;
	[tilespmem:v38+s14+$0x0] =	vst.idx.msk vm0, v0  }
0x180: {  	v0 =	vld.idx.msk [tilespmem:v25+s3+$0x0], $0xffff  }
0x181: {  	v16 =	vor.u32 $0x23, v5;
	v3 =	vld.idx.msk [tilespmem:v25+s11+$0x0], $0xffff  }
0x182: {  	v1 =	vld.idx.msk [tilespmem:v23+s3+$0x0], $0xffff  }
0x183: {  	v11 =	vor.u32 $0x24, v5;
	v4 =	vld.idx.msk [tilespmem:v23+s11+$0x0], $0xffff  }
0x184: {  	v2 =	vld.idx.msk [tilespmem:v21+s3+$0x0], $0xffff  }
0x185: {  	v9 =	vor.u32 $0x25, v5;
	v6 =	vld.idx.msk [tilespmem:v21+s11+$0x0], $0xffff  }
0x186: {  	v42 =	vld.idx.msk [tilespmem:v16+s3+$0x0], $0xffff;
	v41 =	vmul.f32 v3, v0  }
0x187: {  	v13 =	vor.u32 $0x26, v5;
	v43 =	vld.idx.msk [tilespmem:v16+s11+$0x0], $0xffff  }
0x188: {  	v44 =	vld.idx.msk [tilespmem:v11+s3+$0x0], $0xffff;
	v4 =	vmul.f32 v4, v1;
	v14 =	vadd.f32 $0.0e+00, v41  }
0x189: {  	v8 =	vor.u32 $0x27, v5;
	v45 =	vld.idx.msk [tilespmem:v11+s11+$0x0], $0xffff  }
0x18a: {  	v46 =	vld.idx.msk [tilespmem:v9+s3+$0x0], $0xffff;
	v6 =	vmul.f32 v6, v2;
	v4 =	vadd.f32 v4, v14  }
0x18b: {  	v18 =	vor.u32 $0x28, v5;
	v48 =	vld.idx.msk [tilespmem:v9+s11+$0x0], $0xffff  }
0x18c: {  	v49 =	vld.idx.msk [tilespmem:v13+s3+$0x0], $0xffff;
	v4 =	vadd.f32 v6, v4;
	v6 =	vmul.f32 v43, v42  }
0x18d: {  	v20 =	vor.u32 $0x29, v5;
	v50 =	vld.idx.msk [tilespmem:v13+s11+$0x0], $0xffff  }
0x18e: {  	v27 =	vld.idx.msk [tilespmem:v8+s3+$0x0], $0xffff;
	v4 =	vadd.f32 v6, v4;
	v6 =	vmul.f32 v45, v44  }
0x18f: {  	v22 =	vor.u32 $0x2A, v5;
	v51 =	vld.idx.msk [tilespmem:v8+s11+$0x0], $0xffff  }
0x190: {  	v29 =	vld.idx.msk [tilespmem:v18+s3+$0x0], $0xffff;
	v4 =	vadd.f32 v6, v4;
	v6 =	vmul.f32 v48, v46  }
0x191: {  	v24 =	vor.u32 $0x2B, v5;
	v52 =	vld.idx.msk [tilespmem:v18+s11+$0x0], $0xffff  }
0x192: {  	v31 =	vld.idx.msk [tilespmem:v20+s3+$0x0], $0xffff;
	v4 =	vadd.f32 v6, v4;
	v6 =	vmul.f32 v50, v49  }
0x193: {  	v26 =	vor.u32 $0x2C, v5;
	v53 =	vld.idx.msk [tilespmem:v20+s11+$0x0], $0xffff  }
0x194: {  	v33 =	vld.idx.msk [tilespmem:v22+s3+$0x0], $0xffff;
	v4 =	vadd.f32 v6, v4;
	v6 =	vmul.f32 v51, v27  }
0x195: {  	v28 =	vor.u32 $0x2D, v5;
	v54 =	vld.idx.msk [tilespmem:v22+s11+$0x0], $0xffff  }
0x196: {  	v35 =	vld.idx.msk [tilespmem:v24+s3+$0x0], $0xffff;
	v4 =	vadd.f32 v6, v4;
	v6 =	vmul.f32 v52, v29  }
0x197: {  	v30 =	vor.u32 $0x2E, v5;
	v55 =	vld.idx.msk [tilespmem:v24+s11+$0x0], $0xffff  }
0x198: {  	v37 =	vld.idx.msk [tilespmem:v26+s3+$0x0], $0xffff;
	v4 =	vadd.f32 v6, v4;
	v6 =	vmul.f32 v53, v31  }
0x199: {  	v32 =	vor.u32 $0x2F, v5;
	v56 =	vld.idx.msk [tilespmem:v26+s11+$0x0], $0xffff  }
0x19a: {  	v39 =	vld.idx.msk [tilespmem:v28+s3+$0x0], $0xffff;
	v4 =	vadd.f32 v6, v4;
	v6 =	vmul.f32 v54, v33  }
0x19b: {  	v34 =	vor.u32 $0x30, v5;
	v57 =	vld.idx.msk [tilespmem:v28+s11+$0x0], $0xffff  }
0x19c: {  	v58 =	vld.idx.msk [tilespmem:v30+s11+$0x0], $0xffff;
	v4 =	vadd.f32 v6, v4;
	v6 =	vmul.f32 v55, v35  }
0x19d: {  	v36 =	vor.u32 $0x31, v5;
	v14 =	vld.idx.msk [tilespmem:v30+s3+$0x0], $0xffff  }
0x19e: {  	v17 =	vld.idx.msk [tilespmem:v32+s3+$0x0], $0xffff;
	v4 =	vadd.f32 v6, v4;
	v6 =	vmul.f32 v56, v37  }
0x19f: {  	[tilespmem:$0x1FFD0] =	vst v38;
	v38 =	vor.u32 $0x32, v5;
	v59 =	vld.idx.msk [tilespmem:v32+s11+$0x0], $0xffff  }
0x1a0: {  	v19 =	vld.idx.msk [tilespmem:v34+s3+$0x0], $0xffff;
	v4 =	vadd.f32 v6, v4;
	v6 =	vmul.f32 v57, v39  }
0x1a1: {  	v40 =	vor.u32 $0x33, v5;
	v60 =	vld.idx.msk [tilespmem:v34+s11+$0x0], $0xffff  }
0x1a2: {  	v15 =	vld.idx.msk [tilespmem:v36+s3+$0x0], $0xffff;
	v4 =	vadd.f32 v6, v4;
	v6 =	vmul.f32 v58, v14  }
0x1a3: {  	v61 =	vld.idx.msk [tilespmem:v36+s11+$0x0], $0xffff;
	v45 =	vor.u32 $0x34, v5  }
0x1a4: {  	v62 =	vld.idx.msk [tilespmem:v38+s11+$0x0], $0xffff;
	v4 =	vadd.f32 v6, v4;
	v6 =	vmul.f32 v59, v17  }
0x1a5: {  	[tilespmem:$0x1FEB0] =	vst v42;
	v42 =	vld.idx.msk [tilespmem:v38+s3+$0x0], $0xffff;
	v48 =	vor.u32 $0x35, v5  }
0x1a6: {  	v63 =	vld.idx.msk [tilespmem:v40+s11+$0x0], $0xffff;
	v4 =	vadd.f32 v6, v4;
	v6 =	vmul.f32 v60, v19  }
0x1a7: {  	v43 =	vld.idx.msk [tilespmem:v40+s3+$0x0], $0xffff;
	v50 =	vor.u32 $0x36, v5  }
0x1a8: {  	[tilespmem:$0x1FEC0] =	vst v44;
	v44 =	vld.idx.msk [tilespmem:v45+s3+$0x0], $0xffff;
	v4 =	vadd.f32 v6, v4;
	v6 =	vmul.f32 v61, v15  }
0x1a9: {  	[tilespmem:$0x1FE80] =	vst v0;
	v0 =	vld.idx.msk [tilespmem:v45+s11+$0x0], $0xffff;
	v52 =	vor.u32 $0x37, v5  }
0x1aa: {  	[tilespmem:$0x1FED0] =	vst v46;
	v46 =	vld.idx.msk [tilespmem:v48+s3+$0x0], $0xffff;
	v4 =	vadd.f32 v6, v4;
	v6 =	vmul.f32 v62, v42  }
0x1ab: {  	[tilespmem:$0x1FE90] =	vst v1;
	v1 =	vld.idx.msk [tilespmem:v48+s11+$0x0], $0xffff;
	v54 =	vor.u32 $0x38, v5  }
0x1ac: {  	[tilespmem:$0x1FEE0] =	vst v49;
	v49 =	vld.idx.msk [tilespmem:v50+s3+$0x0], $0xffff;
	v4 =	vadd.f32 v6, v4;
	v6 =	vmul.f32 v63, v43  }
0x1ad: {  	[tilespmem:$0x1FEA0] =	vst v2;
	v2 =	vld.idx.msk [tilespmem:v50+s11+$0x0], $0xffff;
	v56 =	vor.u32 $0x39, v5  }
0x1ae: {  	v51 =	vld.idx.msk [tilespmem:v52+s3+$0x0], $0xffff;
	v4 =	vadd.f32 v6, v4;
	v6 =	vmul.f32 v0, v44  }
0x1af: {  	v10 =	vld.idx.msk [tilespmem:v52+s11+$0x0], $0xffff;
	v58 =	vor.u32 $0x3A, v5  }
0x1b0: {  	v53 =	vld.idx.msk [tilespmem:v54+s3+$0x0], $0xffff;
	v4 =	vadd.f32 v6, v4;
	v6 =	vmul.f32 v1, v46  }
0x1b1: {  	v12 =	vld.idx.msk [tilespmem:v54+s11+$0x0], $0xffff;
	v60 =	vor.u32 $0x3B, v5  }
0x1b2: {  	v55 =	vld.idx.msk [tilespmem:v56+s3+$0x0], $0xffff;
	v4 =	vadd.f32 v6, v4;
	v6 =	vmul.f32 v2, v49  }
0x1b3: {  	v41 =	vld.idx.msk [tilespmem:v56+s11+$0x0], $0xffff;
	v62 =	vor.u32 $0x3C, v5  }
0x1b4: {  	v57 =	vld.idx.msk [tilespmem:v58+s3+$0x0], $0xffff;
	v4 =	vadd.f32 v6, v4;
	v6 =	vmul.f32 v10, v51  }
0x1b5: {  	v7 =	vor.u32 $0x3D, v5;
	v10 =	vld.idx.msk [tilespmem:v58+s11+$0x0], $0xffff  }
0x1b6: {  	v59 =	vld.idx.msk [tilespmem:v60+s3+$0x0], $0xffff;
	v4 =	vadd.f32 v6, v4;
	v6 =	vmul.f32 v12, v53  }
0x1b7: {  	v12 =	vld.idx.msk [tilespmem:v60+s11+$0x0], $0xffff  }
0x1b8: {  	v61 =	vld.idx.msk [tilespmem:v62+s3+$0x0], $0xffff;
	v4 =	vadd.f32 v6, v4;
	v6 =	vmul.f32 v41, v55  }
0x1b9: {  	v41 =	vld.idx.msk [tilespmem:v62+s11+$0x0], $0xffff  }
0x1ba: {  	v63 =	vld.idx.msk [tilespmem:v7+s3+$0x0], $0xffff;
	v4 =	vadd.f32 v6, v4;
	v6 =	vmul.f32 v10, v57  }
0x1bb: {  	v10 =	vld.idx.msk [tilespmem:v7+s11+$0x0], $0xffff  }
0x1bc: {  	v3 =	vor.u32 $0x3E, v5;
	v0 =	vmul.f32 v12, v59;
	v4 =	vadd.f32 v6, v4;
	_ =	sdelay $0x1  }
0x1bd: {  	v2 =	vor.u32 $0x3F, v5;
	v0 =	vadd.f32 v0, v4;
	v4 =	vmul.f32 v41, v61;
	_ =	sdelay $0x1  }
0x1be: {  	v0 =	vadd.f32 v4, v0;
	v4 =	vmul.f32 v10, v63;
	v10 =	vld [tilespmem:$0x1FF60]  }
0x1bf: {  	v1 =	vld.idx.msk [tilespmem:v3+s11+$0x0], $0xffff  }
0x1c0: {  	v6 =	vld.idx.msk [tilespmem:v3+s3+$0x0], $0xffff  }
0x1c1: {  	v12 =	vld.idx.msk [tilespmem:v2+s11+$0x0], $0xffff  }
0x1c2: {  	v41 =	vld.idx.msk [tilespmem:v2+s3+$0x0], $0xffff  }
0x1c3: {  	v10 =	vadd.s32 $0x8, v10;
	_ =	sdelay $0x1  }
0x1c4: {  	v1 =	vmul.f32 v1, v6;
	v0 =	vadd.f32 v4, v0;
	_ =	sdelay $0x1  }
0x1c5: {  	v12 =	vmul.f32 v12, v41;
	v0 =	vadd.f32 v1, v0  }
0x1c6: {  	v4 =	vld.idx.msk [tilespmem:v10+s2+$0x0], $0xffff  }
0x1c7: {  	v0 =	vadd.f32 v12, v0;
	_ =	sdelay $0x1  }
0x1c8: {  	v0 =	vmul.f32 $1.767766920e-01, v0;
	_ =	sdelay $0x1  }
0x1c9: {  	v0 =	vmul.f32 v0, v4;
	_ =	sdelay $0x1  }
0x1ca: {  	v0 =	vmax.f32 v0, $-8.000000000e+01  }
0x1cb: {  	v0 =	vmin.f32 v0, $8.000000000e+01  }
0x1cc: {  	v0 =	vmul.f32 $1.442695020e+00, v0;
	_ =	sdelay $0x1  }
0x1cd: {  	(erf) = vpow2.f32 v0;
	_ =	sdelay $0x4  }
0x1ce: {  	v10 =	vld [tilespmem:$0x1FE80]  }
0x1cf: {  	v4 =	vld [tilespmem:$0x1FE90];
	_ =	sdelay $0x2  }
0x1d0: {  	v0 =	vpop (erf)  }
0x1d1: {  	v1 =	vmul.f32 v0, v10  }
0x1d2: {  	v4 =	vmul.f32 v0, v4  }
0x1d3: {  	v12 =	vld [tilespmem:$0x1FEA0];
	[tilespmem:v25+s3+$0x0] =	vst.idx.msk $0xffff, v1  }
0x1d4: {  	[tilespmem:v23+s3+$0x0] =	vst.idx.msk $0xffff, v4;
	v4 =	vld [tilespmem:$0x1FEB0];
	_ =	sdelay $0x3  }
0x1d5: {  	v1 =	vmul.f32 v0, v12  }
0x1d6: {  	v4 =	vmul.f32 v0, v4  }
0x1d7: {  	v23 =	vld [tilespmem:$0x1FEC0];
	[tilespmem:v21+s3+$0x0] =	vst.idx.msk $0xffff, v1  }
0x1d8: {  	[tilespmem:v16+s3+$0x0] =	vst.idx.msk $0xffff, v4;
	v4 =	vld [tilespmem:$0x1FED0]  }
0x1d9: {  	v25 =	vld [tilespmem:$0x1FEE0];
	_ =	sdelay $0x2  }
0x1da: {  	v1 =	vmul.f32 v0, v23  }
0x1db: {  	v4 =	vmul.f32 v0, v4  }
0x1dc: {  	[tilespmem:v11+s3+$0x0] =	vst.idx.msk $0xffff, v1;
	v1 =	vmul.f32 v0, v25  }
0x1dd: {  	[tilespmem:v9+s3+$0x0] =	vst.idx.msk $0xffff, v4;
	v4 =	vmul.f32 v0, v27  }
0x1de: {  	v29 =	vmul.f32 v0, v29;
	[tilespmem:v13+s3+$0x0] =	vst.idx.msk $0xffff, v1  }
0x1df: {  	[tilespmem:v8+s3+$0x0] =	vst.idx.msk $0xffff, v4;
	v4 =	vmul.f32 v0, v31  }
0x1e0: {  	v33 =	vmul.f32 v0, v33;
	[tilespmem:v18+s3+$0x0] =	vst.idx.msk $0xffff, v29  }
0x1e1: {  	[tilespmem:v20+s3+$0x0] =	vst.idx.msk $0xffff, v4;
	v4 =	vmul.f32 v0, v35  }
0x1e2: {  	v35 =	vmul.f32 v0, v37;
	[tilespmem:v22+s3+$0x0] =	vst.idx.msk $0xffff, v33  }
0x1e3: {  	[tilespmem:v24+s3+$0x0] =	vst.idx.msk $0xffff, v4;
	v4 =	vmul.f32 v0, v39  }
0x1e4: {  	v37 =	vmul.f32 v0, v14;
	[tilespmem:v26+s3+$0x0] =	vst.idx.msk $0xffff, v35  }
0x1e5: {  	[tilespmem:v28+s3+$0x0] =	vst.idx.msk $0xffff, v4;
	v4 =	vmul.f32 v0, v17  }
0x1e6: {  	v39 =	vmul.f32 v0, v19;
	[tilespmem:v30+s3+$0x0] =	vst.idx.msk $0xffff, v37  }
0x1e7: {  	[tilespmem:v32+s3+$0x0] =	vst.idx.msk $0xffff, v4;
	v4 =	vmul.f32 v0, v15  }
0x1e8: {  	v42 =	vmul.f32 v0, v42;
	[tilespmem:v34+s3+$0x0] =	vst.idx.msk $0xffff, v39  }
0x1e9: {  	[tilespmem:v36+s3+$0x0] =	vst.idx.msk $0xffff, v4;
	v4 =	vmul.f32 v0, v43  }
0x1ea: {  	v44 =	vmul.f32 v0, v44;
	[tilespmem:v38+s3+$0x0] =	vst.idx.msk $0xffff, v42  }
0x1eb: {  	[tilespmem:v40+s3+$0x0] =	vst.idx.msk $0xffff, v4;
	v4 =	vmul.f32 v0, v46  }
0x1ec: {  	v49 =	vmul.f32 v0, v49;
	[tilespmem:v45+s3+$0x0] =	vst.idx.msk $0xffff, v44  }
0x1ed: {  	[tilespmem:v48+s3+$0x0] =	vst.idx.msk $0xffff, v4;
	v4 =	vmul.f32 v0, v51  }
0x1ee: {  	v53 =	vmul.f32 v0, v53;
	v8 =	vld [tilespmem:$0x1FFD0];
	[tilespmem:v50+s3+$0x0] =	vst.idx.msk $0xffff, v49  }
0x1ef: {  	[tilespmem:v52+s3+$0x0] =	vst.idx.msk $0xffff, v4;
	v4 =	vmul.f32 v0, v55  }
0x1f0: {  	v57 =	vmul.f32 v0, v57;
	[tilespmem:v54+s3+$0x0] =	vst.idx.msk $0xffff, v53  }
0x1f1: {  	[tilespmem:v56+s3+$0x0] =	vst.idx.msk $0xffff, v4;
	v4 =	vmul.f32 v0, v59  }
0x1f2: {  	v59 =	vmul.f32 v0, v61;
	[tilespmem:v58+s3+$0x0] =	vst.idx.msk $0xffff, v57  }
0x1f3: {  	v61 =	vor.u32 $0x1, v8;
	[tilespmem:v60+s3+$0x0] =	vst.idx.msk $0xffff, v4;
	v4 =	vmul.f32 v0, v63  }
0x1f4: {  	v25 =	vor.u32 $0x40, v5;
	[tilespmem:v62+s3+$0x0] =	vst.idx.msk $0xffff, v59;
	v62 =	vmul.f32 v0, v6  }
0x1f5: {  	[tilespmem:v7+s3+$0x0] =	vst.idx.msk $0xffff, v4;
	v4 =	vmul.f32 v0, v41  }
0x1f6: {  	v23 =	vor.u32 $0x41, v5;
	[tilespmem:v3+s3+$0x0] =	vst.idx.msk $0xffff, v62  }
0x1f7: {  	[tilespmem:v2+s3+$0x0] =	vst.idx.msk $0xffff, v4  }
0x1f8: {  	v21 =	vor.u32 $0x42, v5;
	[tilespmem:v61+s14+$0x0] =	vst.idx.msk vm0, v0  }
0x1f9: {  	v0 =	vld.idx.msk [tilespmem:v25+s3+$0x0], $0xffff  }
0x1fa: {  	v16 =	vor.u32 $0x43, v5;
	v3 =	vld.idx.msk [tilespmem:v25+s11+$0x0], $0xffff  }
0x1fb: {  	v1 =	vld.idx.msk [tilespmem:v23+s3+$0x0], $0xffff  }
0x1fc: {  	v11 =	vor.u32 $0x44, v5;
	v7 =	vld.idx.msk [tilespmem:v23+s11+$0x0], $0xffff  }
0x1fd: {  	v2 =	vld.idx.msk [tilespmem:v21+s3+$0x0], $0xffff  }
0x1fe: {  	v9 =	vor.u32 $0x45, v5;
	v63 =	vld.idx.msk [tilespmem:v21+s11+$0x0], $0xffff  }
0x1ff: {  	v24 =	vld.idx.msk [tilespmem:v16+s3+$0x0], $0xffff;
	v22 =	vmul.f32 v3, v0  }
0x200: {  	v13 =	vor.u32 $0x46, v5;
	v26 =	vld.idx.msk [tilespmem:v16+s11+$0x0], $0xffff  }
0x201: {  	v28 =	vld.idx.msk [tilespmem:v11+s3+$0x0], $0xffff;
	v27 =	vmul.f32 v7, v1;
	v12 =	vadd.f32 $0.0e+00, v22  }
0x202: {  	v8 =	vor.u32 $0x47, v5;
	v29 =	vld.idx.msk [tilespmem:v11+s11+$0x0], $0xffff  }
0x203: {  	v30 =	vld.idx.msk [tilespmem:v9+s3+$0x0], $0xffff;
	v10 =	vmul.f32 v63, v2;
	v12 =	vadd.f32 v27, v12  }
0x204: {  	v18 =	vor.u32 $0x48, v5;
	v31 =	vld.idx.msk [tilespmem:v9+s11+$0x0], $0xffff  }
0x205: {  	v33 =	vld.idx.msk [tilespmem:v13+s3+$0x0], $0xffff;
	v32 =	vmul.f32 v26, v24;
	v10 =	vadd.f32 v10, v12  }
0x206: {  	v20 =	vor.u32 $0x49, v5;
	v34 =	vld.idx.msk [tilespmem:v13+s11+$0x0], $0xffff  }
0x207: {  	v36 =	vld.idx.msk [tilespmem:v8+s11+$0x0], $0xffff;
	v35 =	vmul.f32 v29, v28;
	v10 =	vadd.f32 v32, v10  }
0x208: {  	v22 =	vor.u32 $0x4A, v5;
	v27 =	vld.idx.msk [tilespmem:v8+s3+$0x0], $0xffff  }
0x209: {  	v38 =	vld.idx.msk [tilespmem:v18+s11+$0x0], $0xffff;
	v37 =	vmul.f32 v31, v30;
	v10 =	vadd.f32 v35, v10  }
0x20a: {  	[tilespmem:$0x1FF20] =	vst v24;
	v29 =	vld.idx.msk [tilespmem:v18+s3+$0x0], $0xffff;
	v24 =	vor.u32 $0x4B, v5  }
0x20b: {  	v40 =	vld.idx.msk [tilespmem:v20+s11+$0x0], $0xffff;
	v39 =	vmul.f32 v34, v33;
	v10 =	vadd.f32 v37, v10  }
0x20c: {  	v31 =	vld.idx.msk [tilespmem:v20+s3+$0x0], $0xffff;
	v26 =	vor.u32 $0x4C, v5  }
0x20d: {  	[tilespmem:$0x1FF50] =	vst v33;
	v33 =	vld.idx.msk [tilespmem:v22+s3+$0x0], $0xffff;
	v41 =	vmul.f32 v36, v27;
	v10 =	vadd.f32 v39, v10  }
0x20e: {  	[tilespmem:$0x1FF30] =	vst v28;
	v28 =	vor.u32 $0x4D, v5;
	v42 =	vld.idx.msk [tilespmem:v22+s11+$0x0], $0xffff  }
0x20f: {  	v43 =	vmul.f32 v38, v29;
	v44 =	vld.idx.msk [tilespmem:v24+s11+$0x0], $0xffff;
	v10 =	vadd.f32 v41, v10  }
0x210: {  	[tilespmem:$0x1FF40] =	vst v30;
	v30 =	vor.u32 $0x4E, v5;
	v35 =	vld.idx.msk [tilespmem:v24+s3+$0x0], $0xffff  }
0x211: {  	v45 =	vmul.f32 v40, v31;
	v46 =	vld.idx.msk [tilespmem:v26+s11+$0x0], $0xffff;
	v10 =	vadd.f32 v43, v10  }
0x212: {  	v32 =	vor.u32 $0x4F, v5;
	v37 =	vld.idx.msk [tilespmem:v26+s3+$0x0], $0xffff  }
0x213: {  	v49 =	vld.idx.msk [tilespmem:v28+s11+$0x0], $0xffff;
	v48 =	vmul.f32 v42, v33;
	v10 =	vadd.f32 v45, v10  }
0x214: {  	v34 =	vor.u32 $0x50, v5;
	v39 =	vld.idx.msk [tilespmem:v28+s3+$0x0], $0xffff  }
0x215: {  	v17 =	vld.idx.msk [tilespmem:v30+s3+$0x0], $0xffff;
	v50 =	vmul.f32 v44, v35;
	v10 =	vadd.f32 v48, v10  }
0x216: {  	v51 =	vld.idx.msk [tilespmem:v30+s11+$0x0], $0xffff;
	v36 =	vor.u32 $0x51, v5  }
0x217: {  	v14 =	vld.idx.msk [tilespmem:v32+s3+$0x0], $0xffff;
	v52 =	vmul.f32 v46, v37;
	v10 =	vadd.f32 v50, v10  }
0x218: {  	v38 =	vor.u32 $0x52, v5;
	v53 =	vld.idx.msk [tilespmem:v32+s11+$0x0], $0xffff  }
0x219: {  	v19 =	vld.idx.msk [tilespmem:v34+s3+$0x0], $0xffff;
	v54 =	vmul.f32 v49, v39;
	v10 =	vadd.f32 v52, v10  }
0x21a: {  	v55 =	vld.idx.msk [tilespmem:v34+s11+$0x0], $0xffff;
	v40 =	vor.u32 $0x53, v5  }
0x21b: {  	v56 =	vmul.f32 v51, v17;
	v57 =	vld.idx.msk [tilespmem:v36+s11+$0x0], $0xffff;
	v10 =	vadd.f32 v54, v10  }
0x21c: {  	v44 =	vor.u32 $0x54, v5;
	v41 =	vld.idx.msk [tilespmem:v36+s3+$0x0], $0xffff  }
0x21d: {  	v7 =	vld.idx.msk [tilespmem:v38+s3+$0x0], $0xffff;
	v58 =	vmul.f32 v53, v14;
	v10 =	vadd.f32 v56, v10  }
0x21e: {  	v59 =	vld.idx.msk [tilespmem:v38+s11+$0x0], $0xffff;
	v46 =	vor.u32 $0x55, v5  }
0x21f: {  	v60 =	vmul.f32 v55, v19;
	v6 =	vld.idx.msk [tilespmem:v40+s3+$0x0], $0xffff;
	v10 =	vadd.f32 v58, v10  }
0x220: {  	v49 =	vor.u32 $0x56, v5;
	v48 =	vld.idx.msk [tilespmem:v40+s11+$0x0], $0xffff  }
0x221: {  	v4 =	vld.idx.msk [tilespmem:v44+s3+$0x0], $0xffff;
	v61 =	vmul.f32 v57, v41;
	v10 =	vadd.f32 v60, v10  }
0x222: {  	v51 =	vor.u32 $0x57, v5;
	v50 =	vld.idx.msk [tilespmem:v44+s11+$0x0], $0xffff  }
0x223: {  	v62 =	vmul.f32 v59, v7;
	v45 =	vld.idx.msk [tilespmem:v46+s3+$0x0], $0xffff;
	v10 =	vadd.f32 v61, v10  }
0x224: {  	v53 =	vor.u32 $0x58, v5;
	v52 =	vld.idx.msk [tilespmem:v46+s11+$0x0], $0xffff  }
0x225: {  	v63 =	vmul.f32 v48, v6;
	v48 =	vld.idx.msk [tilespmem:v49+s3+$0x0], $0xffff;
	v10 =	vadd.f32 v62, v10  }
0x226: {  	v55 =	vor.u32 $0x59, v5;
	v54 =	vld.idx.msk [tilespmem:v49+s11+$0x0], $0xffff  }
0x227: {  	[tilespmem:$0x1FEF0] =	vst v0;
	v0 =	vmul.f32 v50, v4;
	v50 =	vld.idx.msk [tilespmem:v51+s3+$0x0], $0xffff;
	v10 =	vadd.f32 v63, v10  }
0x228: {  	v57 =	vor.u32 $0x5A, v5;
	v56 =	vld.idx.msk [tilespmem:v51+s11+$0x0], $0xffff  }
0x229: {  	[tilespmem:$0x1FF00] =	vst v1;
	v1 =	vmul.f32 v52, v45;
	v52 =	vld.idx.msk [tilespmem:v53+s3+$0x0], $0xffff;
	v10 =	vadd.f32 v0, v10  }
0x22a: {  	v59 =	vor.u32 $0x5B, v5;
	v58 =	vld.idx.msk [tilespmem:v53+s11+$0x0], $0xffff  }
0x22b: {  	[tilespmem:$0x1FF10] =	vst v2;
	v2 =	vmul.f32 v54, v48;
	v54 =	vld.idx.msk [tilespmem:v55+s3+$0x0], $0xffff;
	v10 =	vadd.f32 v1, v10  }
0x22c: {  	v60 =	vld.idx.msk [tilespmem:v55+s11+$0x0], $0xffff;
	v61 =	vor.u32 $0x5C, v5  }
0x22d: {  	v3 =	vmul.f32 v56, v50;
	v56 =	vld.idx.msk [tilespmem:v57+s3+$0x0], $0xffff;
	v10 =	vadd.f32 v2, v10  }
0x22e: {  	v62 =	vld.idx.msk [tilespmem:v57+s11+$0x0], $0xffff;
	v63 =	vor.u32 $0x5D, v5  }
0x22f: {  	v42 =	vmul.f32 v58, v52;
	v58 =	vld.idx.msk [tilespmem:v59+s3+$0x0], $0xffff;
	v10 =	vadd.f32 v3, v10  }
0x230: {  	v0 =	vld.idx.msk [tilespmem:v59+s11+$0x0], $0xffff  }
0x231: {  	v43 =	vmul.f32 v60, v54;
	v60 =	vld.idx.msk [tilespmem:v61+s3+$0x0], $0xffff;
	v10 =	vadd.f32 v42, v10  }
0x232: {  	v15 =	vld.idx.msk [tilespmem:v61+s11+$0x0], $0xffff  }
0x233: {  	v1 =	vmul.f32 v62, v56;
	v62 =	vld.idx.msk [tilespmem:v63+s3+$0x0], $0xffff;
	v10 =	vadd.f32 v43, v10  }
0x234: {  	v42 =	vld.idx.msk [tilespmem:v63+s11+$0x0], $0xffff  }
0x235: {  	v0 =	vmul.f32 v0, v58;
	v3 =	vor.u32 $0x5E, v5;
	v10 =	vadd.f32 v1, v10;
	_ =	sdelay $0x1  }
0x236: {  	v2 =	vor.u32 $0x5F, v5;
	v0 =	vadd.f32 v0, v10;
	v10 =	vmul.f32 v15, v60;
	_ =	sdelay $0x1  }
0x237: {  	v0 =	vadd.f32 v10, v0;
	v10 =	vmul.f32 v42, v62;
	v42 =	vld [tilespmem:$0x1FF60]  }
0x238: {  	v12 =	vld.idx.msk [tilespmem:v3+s3+$0x0], $0xffff  }
0x239: {  	v1 =	vld.idx.msk [tilespmem:v3+s11+$0x0], $0xffff  }
0x23a: {  	v43 =	vld.idx.msk [tilespmem:v2+s11+$0x0], $0xffff  }
0x23b: {  	v15 =	vld.idx.msk [tilespmem:v2+s3+$0x0], $0xffff  }
0x23c: {  	v42 =	vadd.s32 $0x10, v42;
	_ =	sdelay $0x1  }
0x23d: {  	v1 =	vmul.f32 v1, v12;
	v0 =	vadd.f32 v10, v0;
	_ =	sdelay $0x1  }
0x23e: {  	v0 =	vadd.f32 v1, v0;
	v1 =	vmul.f32 v43, v15  }
0x23f: {  	v43 =	vld.idx.msk [tilespmem:v42+s2+$0x0], $0xffff  }
0x240: {  	v0 =	vadd.f32 v1, v0;
	_ =	sdelay $0x1  }
0x241: {  	v0 =	vmul.f32 $1.767766920e-01, v0;
	_ =	sdelay $0x1  }
0x242: {  	v0 =	vmul.f32 v0, v43;
	_ =	sdelay $0x1  }
0x243: {  	v0 =	vmax.f32 v0, $-8.000000000e+01  }
0x244: {  	v0 =	vmin.f32 v0, $8.000000000e+01  }
0x245: {  	v0 =	vmul.f32 $1.442695020e+00, v0;
	_ =	sdelay $0x1  }
0x246: {  	(erf) = vpow2.f32 v0;
	_ =	sdelay $0x4  }
0x247: {  	v42 =	vld [tilespmem:$0x1FEF0];
	_ =	sdelay $0x3  }
0x248: {  	v43 =	vld [tilespmem:$0x1FF00];
	v0 =	vpop (erf)  }
0x249: {  	v1 =	vmul.f32 v0, v42;
	v42 =	vld [tilespmem:$0x1FF10];
	_ =	sdelay $0x3  }
0x24a: {  	v10 =	vmul.f32 v0, v43  }
0x24b: {  	[tilespmem:v25+s3+$0x0] =	vst.idx.msk $0xffff, v1;
	v1 =	vmul.f32 v0, v42  }
0x24c: {  	v43 =	vld [tilespmem:$0x1FF20];
	[tilespmem:v23+s3+$0x0] =	vst.idx.msk $0xffff, v10  }
0x24d: {  	[tilespmem:v21+s3+$0x0] =	vst.idx.msk $0xffff, v1;
	v21 =	vld [tilespmem:$0x1FF30]  }
0x24e: {  	v23 =	vld [tilespmem:$0x1FF40]  }
0x24f: {  	v25 =	vld [tilespmem:$0x1FF50];
	_ =	sdelay $0x1  }
0x250: {  	v10 =	vmul.f32 v0, v43  }
0x251: {  	v1 =	vmul.f32 v0, v21  }
0x252: {  	[tilespmem:v16+s3+$0x0] =	vst.idx.msk $0xffff, v10;
	v10 =	vmul.f32 v0, v23  }
0x253: {  	[tilespmem:v11+s3+$0x0] =	vst.idx.msk $0xffff, v1;
	v1 =	vmul.f32 v0, v25  }
0x254: {  	v27 =	vmul.f32 v0, v27;
	[tilespmem:v9+s3+$0x0] =	vst.idx.msk $0xffff, v10  }
0x255: {  	v42 =	vmul.f32 v0, v29;
	[tilespmem:v13+s3+$0x0] =	vst.idx.msk $0xffff, v1  }
0x256: {  	[tilespmem:v8+s3+$0x0] =	vst.idx.msk $0xffff, v27;
	v8 =	vmul.f32 v0, v31  }
0x257: {  	v43 =	vmul.f32 v0, v33;
	[tilespmem:v18+s3+$0x0] =	vst.idx.msk $0xffff, v42  }
0x258: {  	[tilespmem:v20+s3+$0x0] =	vst.idx.msk $0xffff, v8;
	v8 =	vmul.f32 v0, v35  }
0x259: {  	v13 =	vmul.f32 v0, v37;
	[tilespmem:v22+s3+$0x0] =	vst.idx.msk $0xffff, v43  }
0x25a: {  	[tilespmem:v24+s3+$0x0] =	vst.idx.msk $0xffff, v8;
	v8 =	vmul.f32 v0, v39  }
0x25b: {  	v16 =	vmul.f32 v0, v17;
	[tilespmem:v26+s3+$0x0] =	vst.idx.msk $0xffff, v13  }
0x25c: {  	[tilespmem:v28+s3+$0x0] =	vst.idx.msk $0xffff, v8;
	v8 =	vmul.f32 v0, v14  }
0x25d: {  	v17 =	vmul.f32 v0, v19;
	[tilespmem:v30+s3+$0x0] =	vst.idx.msk $0xffff, v16  }
0x25e: {  	[tilespmem:v32+s3+$0x0] =	vst.idx.msk $0xffff, v8;
	v8 =	vmul.f32 v0, v41  }
0x25f: {  	v18 =	vmul.f32 v0, v7;
	[tilespmem:v34+s3+$0x0] =	vst.idx.msk $0xffff, v17  }
0x260: {  	v6 =	vmul.f32 v0, v6;
	[tilespmem:v36+s3+$0x0] =	vst.idx.msk $0xffff, v8  }
0x261: {  	v19 =	vmul.f32 v0, v4;
	[tilespmem:v38+s3+$0x0] =	vst.idx.msk $0xffff, v18  }
0x262: {  	v4 =	vmul.f32 v0, v45;
	[tilespmem:v40+s3+$0x0] =	vst.idx.msk $0xffff, v6  }
0x263: {  	v20 =	vmul.f32 v0, v48;
	[tilespmem:v44+s3+$0x0] =	vst.idx.msk $0xffff, v19  }
0x264: {  	[tilespmem:v46+s3+$0x0] =	vst.idx.msk $0xffff, v4;
	v4 =	vmul.f32 v0, v50  }
0x265: {  	v21 =	vmul.f32 v0, v52;
	v6 =	vld [tilespmem:$0x1FFD0];
	[tilespmem:v49+s3+$0x0] =	vst.idx.msk $0xffff, v20  }
0x266: {  	[tilespmem:v51+s3+$0x0] =	vst.idx.msk $0xffff, v4;
	v4 =	vmul.f32 v0, v54  }
0x267: {  	v22 =	vmul.f32 v0, v56;
	[tilespmem:v53+s3+$0x0] =	vst.idx.msk $0xffff, v21  }
0x268: {  	[tilespmem:v55+s3+$0x0] =	vst.idx.msk $0xffff, v4;
	v4 =	vmul.f32 v0, v58  }
0x269: {  	v23 =	vmul.f32 v0, v60;
	[tilespmem:v57+s3+$0x0] =	vst.idx.msk $0xffff, v22  }
0x26a: {  	v6 =	vor.u32 $0x2, v6;
	[tilespmem:v59+s3+$0x0] =	vst.idx.msk $0xffff, v4;
	v4 =	vmul.f32 v0, v62  }
0x26b: {  	v24 =	vmul.f32 v0, v12;
	[tilespmem:v61+s3+$0x0] =	vst.idx.msk $0xffff, v23;
	v23 =	vor.u32 $0x60, v5  }
0x26c: {  	[tilespmem:v63+s3+$0x0] =	vst.idx.msk $0xffff, v4;
	v4 =	vmul.f32 v0, v15  }
0x26d: {  	v21 =	vor.u32 $0x61, v5;
	[tilespmem:v3+s3+$0x0] =	vst.idx.msk $0xffff, v24  }
0x26e: {  	[tilespmem:v2+s3+$0x0] =	vst.idx.msk $0xffff, v4  }
0x26f: {  	v16 =	vor.u32 $0x62, v5;
	[tilespmem:v6+s14+$0x0] =	vst.idx.msk vm0, v0  }
0x270: {  	v0 =	vld.idx.msk [tilespmem:v23+s3+$0x0], $0xffff  }
0x271: {  	v9 =	vor.u32 $0x63, v5;
	v3 =	vld.idx.msk [tilespmem:v23+s11+$0x0], $0xffff  }
0x272: {  	v1 =	vld.idx.msk [tilespmem:v21+s3+$0x0], $0xffff  }
0x273: {  	v11 =	vor.u32 $0x64, v5;
	v6 =	vld.idx.msk [tilespmem:v21+s11+$0x0], $0xffff  }
0x274: {  	v2 =	vld.idx.msk [tilespmem:v16+s3+$0x0], $0xffff  }
0x275: {  	v8 =	vor.u32 $0x65, v5;
	v10 =	vld.idx.msk [tilespmem:v16+s11+$0x0], $0xffff  }
0x276: {  	v26 =	vld.idx.msk [tilespmem:v9+s3+$0x0], $0xffff;
	v25 =	vmul.f32 v3, v0  }
0x277: {  	v13 =	vor.u32 $0x66, v5;
	v27 =	vld.idx.msk [tilespmem:v9+s11+$0x0], $0xffff  }
0x278: {  	v29 =	vld.idx.msk [tilespmem:v11+s3+$0x0], $0xffff;
	v28 =	vmul.f32 v6, v1;
	v12 =	vadd.f32 $0.0e+00, v25  }
0x279: {  	v7 =	vor.u32 $0x67, v5;
	v30 =	vld.idx.msk [tilespmem:v11+s11+$0x0], $0xffff  }
0x27a: {  	v31 =	vld.idx.msk [tilespmem:v8+s3+$0x0], $0xffff;
	v10 =	vmul.f32 v10, v2;
	v12 =	vadd.f32 v28, v12  }
0x27b: {  	v18 =	vor.u32 $0x68, v5;
	v32 =	vld.idx.msk [tilespmem:v8+s11+$0x0], $0xffff  }
0x27c: {  	v34 =	vld.idx.msk [tilespmem:v13+s11+$0x0], $0xffff;
	v33 =	vmul.f32 v27, v26;
	v10 =	vadd.f32 v10, v12  }
0x27d: {  	v20 =	vor.u32 $0x69, v5;
	v25 =	vld.idx.msk [tilespmem:v13+s3+$0x0], $0xffff  }
0x27e: {  	v36 =	vld.idx.msk [tilespmem:v7+s11+$0x0], $0xffff;
	v35 =	vmul.f32 v30, v29;
	v10 =	vadd.f32 v33, v10  }
0x27f: {  	v22 =	vor.u32 $0x6A, v5;
	v27 =	vld.idx.msk [tilespmem:v7+s3+$0x0], $0xffff  }
0x280: {  	v38 =	vld.idx.msk [tilespmem:v18+s11+$0x0], $0xffff;
	v37 =	vmul.f32 v32, v31;
	v10 =	vadd.f32 v35, v10  }
0x281: {  	v24 =	vor.u32 $0x6B, v5;
	[tilespmem:$0x1FFB0] =	vst v29;
	v29 =	vld.idx.msk [tilespmem:v18+s3+$0x0], $0xffff  }
0x282: {  	v40 =	vld.idx.msk [tilespmem:v20+s11+$0x0], $0xffff;
	[tilespmem:$0x1FFA0] =	vst v26;
	v39 =	vmul.f32 v34, v25;
	v10 =	vadd.f32 v37, v10  }
0x283: {  	[tilespmem:$0x1FFC0] =	vst v31;
	v31 =	vld.idx.msk [tilespmem:v20+s3+$0x0], $0xffff;
	v26 =	vor.u32 $0x6C, v5  }
0x284: {  	v42 =	vld.idx.msk [tilespmem:v22+s11+$0x0], $0xffff;
	v41 =	vmul.f32 v36, v27;
	v10 =	vadd.f32 v39, v10  }
0x285: {  	v28 =	vor.u32 $0x6D, v5;
	v33 =	vld.idx.msk [tilespmem:v22+s3+$0x0], $0xffff  }
0x286: {  	v44 =	vld.idx.msk [tilespmem:v24+s11+$0x0], $0xffff;
	v43 =	vmul.f32 v38, v29;
	v10 =	vadd.f32 v41, v10  }
0x287: {  	v30 =	vor.u32 $0x6E, v5;
	v35 =	vld.idx.msk [tilespmem:v24+s3+$0x0], $0xffff  }
0x288: {  	v45 =	vmul.f32 v40, v31;
	v46 =	vld.idx.msk [tilespmem:v26+s11+$0x0], $0xffff;
	v10 =	vadd.f32 v43, v10  }
0x289: {  	v32 =	vor.u32 $0x6F, v5;
	v37 =	vld.idx.msk [tilespmem:v26+s3+$0x0], $0xffff  }
0x28a: {  	v49 =	vld.idx.msk [tilespmem:v28+s11+$0x0], $0xffff;
	v48 =	vmul.f32 v42, v33;
	v10 =	vadd.f32 v45, v10  }
0x28b: {  	v34 =	vor.u32 $0x70, v5;
	v39 =	vld.idx.msk [tilespmem:v28+s3+$0x0], $0xffff  }
0x28c: {  	v15 =	vld.idx.msk [tilespmem:v30+s3+$0x0], $0xffff;
	v50 =	vmul.f32 v44, v35;
	v10 =	vadd.f32 v48, v10  }
0x28d: {  	v51 =	vld.idx.msk [tilespmem:v30+s11+$0x0], $0xffff;
	v36 =	vor.u32 $0x71, v5  }
0x28e: {  	v14 =	vld.idx.msk [tilespmem:v32+s3+$0x0], $0xffff;
	v52 =	vmul.f32 v46, v37;
	v10 =	vadd.f32 v50, v10  }
0x28f: {  	v53 =	vld.idx.msk [tilespmem:v32+s11+$0x0], $0xffff;
	v38 =	vor.u32 $0x72, v5  }
0x290: {  	v17 =	vld.idx.msk [tilespmem:v34+s3+$0x0], $0xffff;
	v54 =	vmul.f32 v49, v39;
	v10 =	vadd.f32 v52, v10  }
0x291: {  	v40 =	vor.u32 $0x73, v5;
	v55 =	vld.idx.msk [tilespmem:v34+s11+$0x0], $0xffff  }
0x292: {  	v56 =	vmul.f32 v51, v15;
	v19 =	vld.idx.msk [tilespmem:v36+s3+$0x0], $0xffff;
	v10 =	vadd.f32 v54, v10  }
0x293: {  	v4 =	vor.u32 $0x74, v5;
	v57 =	vld.idx.msk [tilespmem:v36+s11+$0x0], $0xffff  }
0x294: {  	v58 =	vmul.f32 v53, v14;
	v59 =	vld.idx.msk [tilespmem:v38+s11+$0x0], $0xffff;
	v10 =	vadd.f32 v56, v10  }
0x295: {  	v3 =	vor.u32 $0x75, v5;
	v41 =	vld.idx.msk [tilespmem:v38+s3+$0x0], $0xffff  }
0x296: {  	v61 =	vld.idx.msk [tilespmem:v40+s11+$0x0], $0xffff;
	v60 =	vmul.f32 v55, v17;
	v10 =	vadd.f32 v58, v10  }
0x297: {  	v42 =	vld.idx.msk [tilespmem:v40+s3+$0x0], $0xffff;
	v49 =	vor.u32 $0x76, v5  }
0x298: {  	v63 =	vld.idx.msk [tilespmem:v4+s11+$0x0], $0xffff;
	v62 =	vmul.f32 v57, v19;
	v10 =	vadd.f32 v60, v10  }
0x299: {  	v51 =	vor.u32 $0x77, v5;
	v43 =	vld.idx.msk [tilespmem:v4+s3+$0x0], $0xffff  }
0x29a: {  	[tilespmem:$0x1FF70] =	vst v0;
	v6 =	vld.idx.msk [tilespmem:v3+s3+$0x0], $0xffff;
	v0 =	vmul.f32 v59, v41;
	v10 =	vadd.f32 v62, v10  }
0x29b: {  	[tilespmem:$0x1FF80] =	vst v1;
	v1 =	vld.idx.msk [tilespmem:v3+s11+$0x0], $0xffff;
	v53 =	vor.u32 $0x78, v5  }
0x29c: {  	[tilespmem:$0x1FF90] =	vst v2;
	v2 =	vmul.f32 v61, v42;
	v48 =	vld.idx.msk [tilespmem:v49+s3+$0x0], $0xffff;
	v10 =	vadd.f32 v0, v10  }
0x29d: {  	v55 =	vor.u32 $0x79, v5;
	v44 =	vld.idx.msk [tilespmem:v49+s11+$0x0], $0xffff  }
0x29e: {  	v46 =	vld.idx.msk [tilespmem:v51+s11+$0x0], $0xffff;
	v45 =	vmul.f32 v63, v43;
	v10 =	vadd.f32 v2, v10  }
0x29f: {  	v57 =	vor.u32 $0x7A, v5;
	v50 =	vld.idx.msk [tilespmem:v51+s3+$0x0], $0xffff  }
0x2a0: {  	v52 =	vld.idx.msk [tilespmem:v53+s3+$0x0], $0xffff;
	v0 =	vmul.f32 v1, v6;
	v10 =	vadd.f32 v45, v10  }
0x2a1: {  	v59 =	vor.u32 $0x7B, v5;
	v1 =	vld.idx.msk [tilespmem:v53+s11+$0x0], $0xffff  }
0x2a2: {  	v54 =	vld.idx.msk [tilespmem:v55+s3+$0x0], $0xffff;
	v2 =	vmul.f32 v44, v48;
	v10 =	vadd.f32 v0, v10  }
0x2a3: {  	v61 =	vor.u32 $0x7C, v5;
	v44 =	vld.idx.msk [tilespmem:v55+s11+$0x0], $0xffff  }
0x2a4: {  	v56 =	vld.idx.msk [tilespmem:v57+s3+$0x0], $0xffff;
	v45 =	vmul.f32 v46, v50;
	v10 =	vadd.f32 v2, v10  }
0x2a5: {  	v63 =	vor.u32 $0x7D, v5;
	v62 =	vld.idx.msk [tilespmem:v57+s11+$0x0], $0xffff  }
0x2a6: {  	v58 =	vld.idx.msk [tilespmem:v59+s3+$0x0], $0xffff;
	v46 =	vmul.f32 v1, v52;
	v10 =	vadd.f32 v45, v10  }
0x2a7: {  	v0 =	vld.idx.msk [tilespmem:v59+s11+$0x0], $0xffff  }
0x2a8: {  	v60 =	vld.idx.msk [tilespmem:v61+s3+$0x0], $0xffff;
	v1 =	vmul.f32 v44, v54;
	v10 =	vadd.f32 v46, v10  }
0x2a9: {  	v44 =	vld.idx.msk [tilespmem:v61+s11+$0x0], $0xffff  }
0x2aa: {  	v45 =	vld.idx.msk [tilespmem:v63+s11+$0x0], $0xffff;
	v10 =	vadd.f32 v1, v10;
	v1 =	vmul.f32 v62, v56  }
0x2ab: {  	v62 =	vld.idx.msk [tilespmem:v63+s3+$0x0], $0xffff  }
0x2ac: {  	v2 =	vor.u32 $0x7E, v5;
	v0 =	vmul.f32 v0, v58;
	v10 =	vadd.f32 v1, v10;
	_ =	sdelay $0x1  }
0x2ad: {  	v5 =	vor.u32 $0x7F, v5;
	v0 =	vadd.f32 v0, v10;
	v10 =	vmul.f32 v44, v60;
	_ =	sdelay $0x1  }
0x2ae: {  	v0 =	vadd.f32 v10, v0;
	v10 =	vmul.f32 v45, v62;
	v45 =	vld [tilespmem:$0x1FF60]  }
0x2af: {  	v12 =	vld.idx.msk [tilespmem:v2+s3+$0x0], $0xffff  }
0x2b0: {  	v1 =	vld.idx.msk [tilespmem:v2+s11+$0x0], $0xffff  }
0x2b1: {  	v46 =	vld.idx.msk [tilespmem:v5+s11+$0x0], $0xffff  }
0x2b2: {  	v44 =	vld.idx.msk [tilespmem:v5+s3+$0x0], $0xffff  }
0x2b3: {  	v45 =	vadd.s32 $0x18, v45;
	_ =	sdelay $0x1  }
0x2b4: {  	v1 =	vmul.f32 v1, v12;
	v0 =	vadd.f32 v10, v0;
	_ =	sdelay $0x1  }
0x2b5: {  	v0 =	vadd.f32 v1, v0;
	v1 =	vmul.f32 v46, v44  }
0x2b6: {  	v46 =	vld.idx.msk [tilespmem:v45+s2+$0x0], $0xffff  }
0x2b7: {  	v0 =	vadd.f32 v1, v0;
	_ =	sdelay $0x1  }
0x2b8: {  	v0 =	vmul.f32 $1.767766920e-01, v0;
	_ =	sdelay $0x1  }
0x2b9: {  	v0 =	vmul.f32 v0, v46;
	_ =	sdelay $0x1  }
0x2ba: {  	v0 =	vmax.f32 v0, $-8.000000000e+01  }
0x2bb: {  	v0 =	vmin.f32 v0, $8.000000000e+01  }
0x2bc: {  	v0 =	vmul.f32 $1.442695020e+00, v0;
	_ =	sdelay $0x1  }
0x2bd: {  	(erf) = vpow2.f32 v0;
	_ =	sdelay $0x4  }
0x2be: {  	v45 =	vld [tilespmem:$0x1FF70]  }
0x2bf: {  	v46 =	vld [tilespmem:$0x1FF80];
	_ =	sdelay $0x2  }
0x2c0: {  	v0 =	vpop (erf)  }
0x2c1: {  	v1 =	vmul.f32 v0, v45  }
0x2c2: {  	v10 =	vmul.f32 v0, v46;
	v45 =	vld [tilespmem:$0x1FF90]  }
0x2c3: {  	v46 =	vld [tilespmem:$0x1FFA0];
	[tilespmem:v23+s3+$0x0] =	vst.idx.msk $0xffff, v1  }
0x2c4: {  	[tilespmem:v21+s3+$0x0] =	vst.idx.msk $0xffff, v10;
	v21 =	vld [tilespmem:$0x1FFB0]  }
0x2c5: {  	v23 =	vld [tilespmem:$0x1FFC0];
	_ =	sdelay $0x1  }
0x2c6: {  	v1 =	vmul.f32 v0, v45  }
0x2c7: {  	v10 =	vmul.f32 v0, v46  }
0x2c8: {  	[tilespmem:v16+s3+$0x0] =	vst.idx.msk $0xffff, v1;
	v1 =	vmul.f32 v0, v21  }
0x2c9: {  	[tilespmem:v9+s3+$0x0] =	vst.idx.msk $0xffff, v10;
	v9 =	vmul.f32 v0, v23  }
0x2ca: {  	v25 =	vmul.f32 v0, v25;
	[tilespmem:v11+s3+$0x0] =	vst.idx.msk $0xffff, v1  }
0x2cb: {  	[tilespmem:v8+s3+$0x0] =	vst.idx.msk $0xffff, v9;
	v8 =	vmul.f32 v0, v27  }
0x2cc: {  	v29 =	vmul.f32 v0, v29;
	[tilespmem:v13+s3+$0x0] =	vst.idx.msk $0xffff, v25  }
0x2cd: {  	[tilespmem:v7+s3+$0x0] =	vst.idx.msk $0xffff, v8;
	v7 =	vmul.f32 v0, v31  }
0x2ce: {  	v33 =	vmul.f32 v0, v33;
	[tilespmem:v18+s3+$0x0] =	vst.idx.msk $0xffff, v29  }
0x2cf: {  	[tilespmem:v20+s3+$0x0] =	vst.idx.msk $0xffff, v7;
	v7 =	vmul.f32 v0, v35  }
0x2d0: {  	v35 =	vmul.f32 v0, v37;
	[tilespmem:v22+s3+$0x0] =	vst.idx.msk $0xffff, v33  }
0x2d1: {  	[tilespmem:v24+s3+$0x0] =	vst.idx.msk $0xffff, v7;
	v7 =	vmul.f32 v0, v39  }
0x2d2: {  	v37 =	vmul.f32 v0, v15;
	[tilespmem:v26+s3+$0x0] =	vst.idx.msk $0xffff, v35  }
0x2d3: {  	[tilespmem:v28+s3+$0x0] =	vst.idx.msk $0xffff, v7;
	v7 =	vmul.f32 v0, v14  }
0x2d4: {  	v39 =	vmul.f32 v0, v17;
	[tilespmem:v30+s3+$0x0] =	vst.idx.msk $0xffff, v37  }
0x2d5: {  	[tilespmem:v32+s3+$0x0] =	vst.idx.msk $0xffff, v7;
	v7 =	vmul.f32 v0, v19  }
0x2d6: {  	v41 =	vmul.f32 v0, v41;
	[tilespmem:v34+s3+$0x0] =	vst.idx.msk $0xffff, v39  }
0x2d7: {  	[tilespmem:v36+s3+$0x0] =	vst.idx.msk $0xffff, v7;
	v7 =	vmul.f32 v0, v42  }
0x2d8: {  	v45 =	vmul.f32 v0, v43;
	[tilespmem:v38+s3+$0x0] =	vst.idx.msk $0xffff, v41  }
0x2d9: {  	v6 =	vmul.f32 v0, v6;
	[tilespmem:v40+s3+$0x0] =	vst.idx.msk $0xffff, v7  }
0x2da: {  	v46 =	vmul.f32 v0, v48;
	[tilespmem:v4+s3+$0x0] =	vst.idx.msk $0xffff, v45  }
0x2db: {  	v48 =	vmul.f32 v0, v50;
	[tilespmem:v3+s3+$0x0] =	vst.idx.msk $0xffff, v6  }
0x2dc: {  	v50 =	vmul.f32 v0, v52;
	v4 =	vld [tilespmem:$0x1FFD0];
	[tilespmem:v49+s3+$0x0] =	vst.idx.msk $0xffff, v46  }
0x2dd: {  	v52 =	vmul.f32 v0, v54;
	[tilespmem:v51+s3+$0x0] =	vst.idx.msk $0xffff, v48  }
0x2de: {  	v54 =	vmul.f32 v0, v56;
	[tilespmem:v53+s3+$0x0] =	vst.idx.msk $0xffff, v50  }
0x2df: {  	v56 =	vmul.f32 v0, v58;
	[tilespmem:v55+s3+$0x0] =	vst.idx.msk $0xffff, v52  }
0x2e0: {  	v58 =	vmul.f32 v0, v60;
	[tilespmem:v57+s3+$0x0] =	vst.idx.msk $0xffff, v54  }
0x2e1: {  	p1 =	sne.s32 s25, $0x20;
	v60 =	vmul.f32 v0, v62;
	v4 =	vor.u32 $0x3, v4;
	[tilespmem:v59+s3+$0x0] =	vst.idx.msk $0xffff, v56  }
.Ltmp6:
0x2e2: {  	v62 =	vmul.f32 v0, v12;
	[tilespmem:v61+s3+$0x0] =	vst.idx.msk $0xffff, v58;
	(pc) =	sbr.rel @p1 .LBB2_7-.Ltmp6, $4  }
0x2e3: {  	[tilespmem:v63+s3+$0x0] =	vst.idx.msk $0xffff, v60;
	v63 =	vmul.f32 v0, v44  }
0x2e4: {  	[tilespmem:v2+s3+$0x0] =	vst.idx.msk $0xffff, v62  }
0x2e5: {  	[tilespmem:v5+s3+$0x0] =	vst.idx.msk $0xffff, v63  }
0x2e6: {  	s17 =	sadd.s32 $0x10, s17;
	s25 =	sadd.s32 $0x10, s25;
	s18 =	sadd.s32 $0x10, s18;
	v6 =	vld [tilespmem:$0x1FFF0];
	[tilespmem:v4+s14+$0x0] =	vst.idx.msk vm0, v0  }
0x2e7: {  	p1 =	sne.s32 s21, $0x68  }
.Ltmp7:
0x2e8: {  	_ = 	snop;
	(pc) =	sbr.rel @p1 .LBB2_12-.Ltmp7, $2  }
0x2e9: {  	_ =	sdelay $0x2  }
0x2ea: {  	s18 =	simm.s32 $0x11C0  }
0x2eb: {  	s17 =	sshra.s32 s18, $0x2;
	s18 =	sadd.s32 $0x200, s18  }
.LBB2_10:
0x2ec: {  	p1 =	sne.s32 s18, $0x5FC0;
	[tilespmem:s17+$0x16080] =	vst v47  }
0x2ed: {  	[tilespmem:s17+$0x16010] =	vst v47  }
0x2ee: {  	[tilespmem:s17+$0x16020] =	vst v47  }
.Ltmp8:
0x2ef: {  	[tilespmem:s17+$0x16030] =	vst v47;
	(pc) =	sbr.rel @p1 .LBB2_10-.Ltmp8, $4  }
0x2f0: {  	[tilespmem:s17+$0x16040] =	vst v47  }
0x2f1: {  	[tilespmem:s17+$0x16050] =	vst v47  }
0x2f2: {  	[tilespmem:s17+$0x16060] =	vst v47  }
0x2f3: {  	[tilespmem:s17+$0x16070] =	vst v47;
	s17 =	sshra.s32 s18, $0x2;
	s18 =	sadd.s32 $0x200, s18  }
0x2f4: {  	[tilespmem:s17+$0x16080] =	vst v47  }
0x2f5: {  	[tilespmem:s17+$0x16010] =	vst v47  }
0x2f6: {  	[tilespmem:s17+$0x16020] =	vst v47  }
.Ltmp9:
0x2f7: {  	[tilespmem:s17+$0x16030] =	vst v47;
	(pc) =	sbr.rel .LBB2_12-.Ltmp9, $4  }
0x2f8: {  	[tilespmem:s17+$0x16040] =	vst v47  }
0x2f9: {  	[tilespmem:s17+$0x16050] =	vst v47  }
0x2fa: {  	[tilespmem:s17+$0x16060] =	vst v47  }
0x2fb: {  	[tilespmem:s17+$0x16070] =	vst v47  }
.LBB2_14:
0x2fc: {  	_ =	sfence.sel $0x180000  }
0x2fd: {  	[bflag:$0x0] =	sbarrier.arrive $0xFFFF  }
0x2fe: {  	_ =	strace $0x90000047  }
0x2ff: {  	[bflag:$0x2] =	sbarrier.arrive $0xFFFF  }
0x300: {  	s0 =	rddreg [dreg:$0x5]  }
0x301: {  	s0 =	sadd.s32 @!p0 $0x100000, s0  }
0x302: {  	[sflag:s0] =	ssyncadd.tile.s32 @!p0 $0x1;
	_ =	shalt  }
.Lfunc_end2:
_tile_overlayer_lowered:
.L_overlay_start_2:
0x303: {  	(tag) =	ssettag $0x2  }
0x304: {  	s0 =	rddreg [dreg:$0x0];
	s2 =	stileid.u32  }
0x305: {  	s1 =	rddreg [dreg:$0x1];
	p0 =	sne.s32 s2, $0x0  }
0x306: {  	s3 =	rddreg [dreg:$0x2];
	[bflag:$0x3] =	sbarrier.arrive $0xFFFF;
	s2 =	simm.s32 @!p0 $0x1C03  }
0x307: {  	[timem:s3], [sflag:s2] =	dma.local @!p0 [hbm:s0], s1  }
0x308: {  	s0 =	simm.s32 @!p0 $0x3  }
0x309: {  	_ =	swait.ge @!p0 [sflag:s0], s1  }
0x30a: {  	s1 =	ssub.s32 @!p0 $0x0, s1;
	[sflag:s0] =	ssyncset.done @!p0 $0x0  }
0x30b: {  	[sflag:s0] =	ssyncadd.s32 @!p0 s1  }
0x30c: {  	[bflag:$0x3] =	sbarrier.arrive $0xFFFF  }
0x30d: {  	_ =	shalt  }

</sc_bundles>
